<compile_context>
chip_gen: v7x
topology: tpu7x:2x2x1
jax: 0.10.2.dev20260603
libtpu: 0.0.44.dev20260713+nightly
codegen_flags: <defaults>
</compile_context>

<pallas_src>
import functools

import jax
import jax.numpy as jnp
from jax import lax
from jax.experimental import pallas as pl
from jax.experimental.pallas import tpu as pltpu
from jax.experimental.pallas import tpu_sc as plsc

NPIN = 3200000
NNET = 100000
NSUB = 32
NPN = 3200
NPAD = NSUB * NPN
CHUNK = 4096
PAD = 3 * CHUNK
MASK19 = (1 << 19) - 1
SENT = 1 << 20
FLO = -3.4e38
FHI = 3.4e38


def _vshift(v, idx):
    return lax.gather(
        v, idx[:, None],
        lax.GatherDimensionNumbers(offset_dims=(), collapsed_slice_dims=(0,),
                                   start_index_map=(0,)),
        (1,), mode=lax.GatherScatterMode.PROMISE_IN_BOUNDS)


_mesh = plsc.VectorSubcoreMesh(core_axis_name="c", subcore_axis_name="s")


@functools.partial(
    pl.kernel,
    out_type=jax.ShapeDtypeStruct((16 * NPAD,), jnp.float32),
    mesh=_mesh,
    compiler_params=pltpu.CompilerParams(needs_layout_passes=False),
    scratch_types=[
        pltpu.VMEM((CHUNK,), jnp.float32),
        pltpu.VMEM((CHUNK,), jnp.float32),
        pltpu.VMEM((CHUNK,), jnp.float32),
        pltpu.VMEM((CHUNK,), jnp.float32),
        pltpu.VMEM((CHUNK,), jnp.int32),
        pltpu.VMEM((CHUNK,), jnp.int32),
        pltpu.SemaphoreType.DMA,
        pltpu.SemaphoreType.DMA,
        pltpu.VMEM((48,), jnp.int32),
        pltpu.VMEM((16,), jnp.float32),
        pltpu.VMEM((NPN,), jnp.float32),
        pltpu.VMEM((NPN,), jnp.float32),
        pltpu.VMEM((NPN,), jnp.float32),
        pltpu.VMEM((NPN,), jnp.float32),
        pltpu.VMEM((NPN,), jnp.float32),
        pltpu.VMEM((NPN,), jnp.float32),
        pltpu.VMEM((NPN,), jnp.float32),
        pltpu.VMEM((NPN,), jnp.float32),
        pltpu.VMEM((NPN,), jnp.float32),
        pltpu.VMEM((NPN,), jnp.float32),
        pltpu.VMEM((NPN,), jnp.float32),
        pltpu.VMEM((NPN,), jnp.float32),
        pltpu.VMEM((NPN,), jnp.float32),
        pltpu.VMEM((NPN,), jnp.float32),
        pltpu.VMEM((NPN,), jnp.float32),
        pltpu.VMEM((NPN,), jnp.float32),
    ])
def _sc_tables(x_hbm, y_hbm, id_hbm, st_hbm, par_hbm, out_hbm,
               xb0, xb1, yb0, yb1, ib0, ib1, sem0, sem1, svec, pvec,
               ra0, ra1, ra2, ra3, rb0, rb1, rb2, rb3,
               sa0, sa1, sa2, sa3, sb0, sb1, sb2, sb3):
    c = lax.axis_index("c")
    s = lax.axis_index("s")
    wid = s * 2 + c

    pltpu.sync_copy(st_hbm, svec)
    pltpu.sync_copy(par_hbm, pvec)
    invg = pvec[...]

    iota = lax.iota(jnp.int32, 16)
    ip = jnp.maximum(iota - 1, 0)
    inx = jnp.minimum(iota + 1, 15)
    rev = 15 - iota

    v0 = svec[pl.ds(0, 16)]
    v1 = svec[pl.ds(16, 16)]
    v2 = svec[pl.ds(32, 16)]

    def pick(w):
        z = (jnp.where(iota == w, v0, 0) + jnp.where(iota == w - 16, v1, 0)
             + jnp.where(iota == w - 32, v2, 0))
        return jnp.sum(z.astype(jnp.float32)).astype(jnp.int32)

    p_lo = pick(wid)
    p_hi = pick(wid + 1)
    net_lo = wid * NPN
    p0 = p_lo & jnp.int32(-8)
    nch = (p_hi - p0 + (CHUNK - 1)) // CHUNK

    zf = jnp.zeros((16,), jnp.float32)
    lo = jnp.full((16,), FLO, jnp.float32)
    hi16 = jnp.full((16,), FHI, jnp.float32)

    def zbody(i, carry):
        sl = pl.ds(i * 16, 16)
        for t in (ra0, ra2, rb0, rb2):
            t[sl] = lo
        for t in (ra1, ra3, rb1, rb3):
            t[sl] = hi16
        for t in (sa0, sa1, sa2, sa3, sb0, sb1, sb2, sb3):
            t[sl] = zf
        return carry
    lax.fori_loop(0, NPN // 16, zbody, 0)

    slots = ((xb0, yb0, ib0, sem0), (xb1, yb1, ib1, sem1))

    def off_of(k):
        return pl.multiple_of(p0 + k * CHUNK, 8)

    def start(slot, off):
        xb, yb, ib, sem = slots[slot]
        pltpu.async_copy(x_hbm.at[pl.ds(off, CHUNK)], xb, sem)
        pltpu.async_copy(y_hbm.at[pl.ds(off, CHUNK)], yb, sem)
        pltpu.async_copy(id_hbm.at[pl.ds(off, CHUNK)], ib, sem)

    def wait(slot):
        xb, yb, ib, sem = slots[slot]
        pltpu.make_async_copy(x_hbm.at[pl.ds(0, CHUNK)], xb, sem).wait()
        pltpu.make_async_copy(y_hbm.at[pl.ds(0, CHUNK)], yb, sem).wait()
        pltpu.make_async_copy(id_hbm.at[pl.ds(0, CHUNK)], ib, sem).wait()

    rsets = ((ra0, ra1, ra2, ra3), (rb0, rb1, rb2, rb3))
    ssets = ((sa0, sa1, sa2, sa3), (sb0, sb1, sb2, sb3))

    def vreg_f(xbuf, ybuf, idbuf, j, tset):
        sl = pl.ds(j * 16, 16)
        ids = idbuf[sl]
        xv = xbuf[sl]
        yv = ybuf[sl]
        relu = plsc.bitcast(ids - net_lo, jnp.uint32)
        inb = relu < NPN
        idx = plsc.bitcast(jnp.minimum(relu, NPN - 1), jnp.int32)
        tail = (iota == 15) | (ids != _vshift(ids, inx))
        head = ids != _vshift(ids, ip)
        tmask = tail & inb
        h = plsc.cummax(jnp.where(head, iota, 0))
        hm1 = jnp.maximum(h - 1, 0)
        hz = h == 0
        tl = jnp.where(tail, 1, 0)
        g = plsc.cummax(jnp.where(_vshift(tl, rev) != 0, iota, 0))
        nt = _vshift(15 - g, rev)
        hi = jnp.left_shift(relu, 19)
        bx = jnp.right_shift(plsc.bitcast(xv, jnp.uint32), 12)
        by = jnp.right_shift(plsc.bitcast(yv, jnp.uint32), 12)
        xg = xv * invg
        yg = yv * invg
        rs = rsets[tset]
        ss = ssets[tset]
        for rt, st, b, neg, vg in ((rs[0], ss[0], bx, False, xg),
                                   (rs[1], ss[1], MASK19 - bx, True, xg),
                                   (rs[2], ss[2], by, False, yg),
                                   (rs[3], ss[3], MASK19 - by, True, yg)):
            comb = jnp.where(inb, hi | b, jnp.uint32(0))
            cm = plsc.bitcast(plsc.cummax(comb), jnp.int32)
            q = _vshift(cm, nt) & MASK19
            b2 = (MASK19 - q) if neg else q
            rrun = plsc.bitcast(jnp.left_shift(b2, 12), jnp.float32) * invg
            rold = plsc.load_gather(rt, [idx])
            rnew = jnp.minimum(rold, rrun) if neg else jnp.maximum(rold, rrun)
            arg = (rnew - vg) if neg else (vg - rnew)
            e = jnp.where(inb, jnp.exp(arg), 0.0)
            cs = jnp.cumsum(e)
            pfx = jnp.where(hz, 0.0, _vshift(cs, hm1))
            sold = plsc.load_gather(st, [idx])
            dl = (rnew - rold) if neg else (rold - rnew)
            snew = sold * jnp.exp(dl) + (cs - pfx)
            plsc.store_scatter(st, [idx], snew, mask=tmask)
            plsc.store_scatter(rt, [idx], rnew, mask=tmask)

    start(0, off_of(0))

    def pair_body(p, carry):
        k0 = 2 * p
        start(1, off_of(k0 + 1))
        wait(0)

        def vb0(j, cc):
            vreg_f(slots[0][0], slots[0][1], slots[0][2], 2 * j, 0)
            vreg_f(slots[0][0], slots[0][1], slots[0][2], 2 * j + 1, 1)
            return cc
        lax.fori_loop(0, CHUNK // 32, vb0, 0)
        start(0, off_of(k0 + 2))
        wait(1)

        def vb1(j, cc):
            vreg_f(slots[1][0], slots[1][1], slots[1][2], 2 * j, 0)
            vreg_f(slots[1][0], slots[1][1], slots[1][2], 2 * j + 1, 1)
            return cc
        lax.fori_loop(0, CHUNK // 32, vb1, 0)
        return carry
    lax.fori_loop(0, (nch + 1) // 2, pair_body, 0)
    wait(0)

    base = wid * NPN
    for row, t in enumerate((sa0, sa1, sa2, sa3, sb0, sb1, sb2, sb3,
                             ra0, ra1, ra2, ra3, rb0, rb1, rb2, rb3)):
        pltpu.sync_copy(
            t, out_hbm.at[pl.ds(pl.multiple_of(row * NPAD + base, 8), NPN)])


def _tc_final(tab_ref, mask_ref, g_ref, out_ref):
    g = g_ref[0, 0]
    m = mask_ref[...]
    one = jnp.float32(1.0)

    def merge(sa, sb, ra, rb, neg):
        r = jnp.minimum(ra, rb) if neg else jnp.maximum(ra, rb)
        da = (r - ra) if neg else (ra - r)
        db = (r - rb) if neg else (rb - r)
        s = sa * jnp.exp(da) + sb * jnp.exp(db)
        return r, s

    rp_x, sp_x = merge(tab_ref[0], tab_ref[4], tab_ref[8], tab_ref[12], False)
    rm_x, sm_x = merge(tab_ref[1], tab_ref[5], tab_ref[9], tab_ref[13], True)
    rp_y, sp_y = merge(tab_ref[2], tab_ref[6], tab_ref[10], tab_ref[14], False)
    rm_y, sm_y = merge(tab_ref[3], tab_ref[7], tab_ref[11], tab_ref[15], True)

    valid = (sp_x > 0.0) & (m > 0.0)

    def lg(sv):
        return jnp.log(jnp.where(valid, sv, one))

    tot = jnp.where(
        valid,
        (rp_x - rm_x) + (rp_y - rm_y)
        + lg(sp_x) + lg(sm_x) + lg(sp_y) + lg(sm_y),
        0.0)
    out_ref[0, 0] = g * jnp.sum(tot)


def kernel(pos, pin2net_map, net_mask, gamma):
    x = pos[:NPIN]
    y = pos[NPIN:]
    bounds = jnp.arange(0, (NSUB + 1) * NPN, NPN, dtype=jnp.int32)
    starts = jnp.searchsorted(pin2net_map, bounds).astype(jnp.int32)
    st = jnp.zeros((48,), jnp.int32).at[:33].set(starts)
    xp = jnp.concatenate([x, jnp.zeros((PAD,), jnp.float32)])
    yp = jnp.concatenate([y, jnp.zeros((PAD,), jnp.float32)])
    idp = jnp.concatenate([pin2net_map,
                           jnp.full((PAD,), SENT, jnp.int32)])
    g = jnp.asarray(gamma, jnp.float32)
    par = jnp.full((16,), 1.0, jnp.float32) / g

    tabs = _sc_tables(xp, yp, idp, st, par)

    mask = jnp.concatenate([net_mask.astype(jnp.float32),
                            jnp.zeros((NPAD - NNET,), jnp.float32)])
    res = pl.pallas_call(
        _tc_final,
        out_shape=jax.ShapeDtypeStruct((1, 1), jnp.float32),
        in_specs=[
            pl.BlockSpec(memory_space=pltpu.VMEM),
            pl.BlockSpec(memory_space=pltpu.VMEM),
            pl.BlockSpec(memory_space=pltpu.SMEM),
        ],
        out_specs=pl.BlockSpec(memory_space=pltpu.SMEM),
    )(tabs.reshape(16, 800, 128), mask.reshape(800, 128), g.reshape(1, 1))
    return res[0, 0]

# --- scband reference (transcript-rebuilt; emitter-appended) ---
"""Pipeline reference for scband-log-sum-exp-wirelength-atomic-33767032881792 (READ-ONLY COPY).

The authoritative reference and input builder live on the scoring server;
editing this copy changes nothing except your own understanding.
"""

import jax, jax.numpy as jnp
import numpy as np

NUM_PINS = 3200000
NUM_NETS = 100000


def _wl_one_dim(c, pin2net_map, net_mask, gamma, num_nets):
    ones = jnp.ones_like(c)
    cnt = jax.ops.segment_sum(ones, pin2net_map, num_segments=num_nets)
    has_pins = cnt > 0
    valid = jnp.logical_and(has_pins, net_mask)
    xmax = jax.ops.segment_max(c, pin2net_map, num_segments=num_nets)
    xmin = jax.ops.segment_min(c, pin2net_map, num_segments=num_nets)
    xmax_s = jnp.where(has_pins, xmax, 0.0)
    xmin_s = jnp.where(has_pins, xmin, 0.0)
    exp_x = jnp.exp((c - xmax_s[pin2net_map]) / gamma)
    exp_nx = jnp.exp((xmin_s[pin2net_map] - c) / gamma)
    sum_exp = jax.ops.segment_sum(exp_x, pin2net_map, num_segments=num_nets)
    sum_nexp = jax.ops.segment_sum(exp_nx, pin2net_map, num_segments=num_nets)
    sum_exp = jnp.where(has_pins, sum_exp, 1.0)
    sum_nexp = jnp.where(has_pins, sum_nexp, 1.0)
    wl_net = (xmax_s - xmin_s) + gamma * (jnp.log(sum_exp) + jnp.log(sum_nexp))
    return jnp.sum(jnp.where(valid, wl_net, 0.0))


def total_wirelength(pos, pin2net_map, net_mask, gamma, num_nets):
    num_pins = pin2net_map.shape[0]
    x = pos[:num_pins]
    y = pos[num_pins:]
    return _wl_one_dim(x, pin2net_map, net_mask, gamma, num_nets) + _wl_one_dim(y, pin2net_map, net_mask, gamma, num_nets)


def setup_inputs(seed: int = 0) -> dict:
    key = jax.random.key(seed)
    k1, k2 = jax.random.split(key)
    pos = jax.random.uniform(k1, (2 * NUM_PINS,), dtype=jnp.float32) * 1000.0
    pin2net_map = jnp.sort(jax.random.randint(k2, (NUM_PINS,), 0, NUM_NETS, dtype=jnp.int32))
    net_mask = jnp.ones((NUM_NETS,), dtype=bool)
    gamma = 5.0
    return {"pos": pos, "pin2net_map": pin2net_map, "net_mask": net_mask, "gamma": gamma}


def reference(pos, pin2net_map, net_mask, gamma):
    num_nets = net_mask.shape[0]
    return total_wirelength(pos, pin2net_map, net_mask, gamma, num_nets)

if __name__ == "__main__":
    import jax
    _d = setup_inputs()
    print(jax.jit(kernel)(*tuple(_d.values())))

</pallas_src>

<mosaic_0001>
#map = affine_map<(d0, d1) -> (0)>
module attributes {stable_mosaic.version = 14 : i64} {
  func.func @_sc_tables(%arg0: i32, %arg1: i32, %arg2: memref<3212288xf32, #tpu.memory_space<hbm>>, %arg3: memref<3212288xf32, #tpu.memory_space<hbm>>, %arg4: memref<3212288xi32, #tpu.memory_space<hbm>>, %arg5: memref<48xi32, #tpu.memory_space<hbm>>, %arg6: memref<16xf32, #tpu.memory_space<hbm>>, %arg7: memref<1638400xf32, #tpu.memory_space<hbm>>, %arg8: memref<4096xf32, #tpu.memory_space<vmem>>, %arg9: memref<4096xf32, #tpu.memory_space<vmem>>, %arg10: memref<4096xf32, #tpu.memory_space<vmem>>, %arg11: memref<4096xf32, #tpu.memory_space<vmem>>, %arg12: memref<4096xi32, #tpu.memory_space<vmem>>, %arg13: memref<4096xi32, #tpu.memory_space<vmem>>, %arg14: memref<!tpu.dma_semaphore, #tpu.memory_space<semaphore_mem>>, %arg15: memref<!tpu.dma_semaphore, #tpu.memory_space<semaphore_mem>>, %arg16: memref<48xi32, #tpu.memory_space<vmem>>, %arg17: memref<16xf32, #tpu.memory_space<vmem>>, %arg18: memref<3200xf32, #tpu.memory_space<vmem>>, %arg19: memref<3200xf32, #tpu.memory_space<vmem>>, %arg20: memref<3200xf32, #tpu.memory_space<vmem>>, %arg21: memref<3200xf32, #tpu.memory_space<vmem>>, %arg22: memref<3200xf32, #tpu.memory_space<vmem>>, %arg23: memref<3200xf32, #tpu.memory_space<vmem>>, %arg24: memref<3200xf32, #tpu.memory_space<vmem>>, %arg25: memref<3200xf32, #tpu.memory_space<vmem>>, %arg26: memref<3200xf32, #tpu.memory_space<vmem>>, %arg27: memref<3200xf32, #tpu.memory_space<vmem>>, %arg28: memref<3200xf32, #tpu.memory_space<vmem>>, %arg29: memref<3200xf32, #tpu.memory_space<vmem>>, %arg30: memref<3200xf32, #tpu.memory_space<vmem>>, %arg31: memref<3200xf32, #tpu.memory_space<vmem>>, %arg32: memref<3200xf32, #tpu.memory_space<vmem>>, %arg33: memref<3200xf32, #tpu.memory_space<vmem>>) attributes {dimension_semantics = [#tpu.dimension_semantics<core_parallel>, #tpu.dimension_semantics<subcore_parallel>], iteration_bounds = array<i64: 2, 16>, scalar_prefetch = 0 : i64, scratch_operands = 26 : i64, tpu.core_type = #tpu.core_type<sc_vector_subcore>, window_params = [{transform_indices = #map}, {transform_indices = #map}, {transform_indices = #map}, {transform_indices = #map}, {transform_indices = #map}, {transform_indices = #map}]} {
    %mul3A = arith.constant 2 : i32
    %mul3A_0 = arith.muli %arg1, %mul3A : i32
    %add3A = arith.addi %mul3A_0, %arg0 : i32
    "tpu.region"() ({
      %run_scoped3A = tpu.sem_alloc : memref<!tpu.dma_semaphore, #tpu.memory_space<semaphore_mem>>
      tpu.enqueue_dma source(%arg5 : memref<48xi32, #tpu.memory_space<hbm>>) target(%arg16 : memref<48xi32, #tpu.memory_space<vmem>>) target_semaphore(%run_scoped3A : memref<!tpu.dma_semaphore, #tpu.memory_space<semaphore_mem>>)
      tpu.wait_dma2 semaphore(%run_scoped3A : memref<!tpu.dma_semaphore, #tpu.memory_space<semaphore_mem>>) src(%arg5 : memref<48xi32, #tpu.memory_space<hbm>>) dst(%arg16 : memref<48xi32, #tpu.memory_space<vmem>>)
      tpu.yield
    }) : () -> ()
    "tpu.region"() ({
      %run_scoped3A = tpu.sem_alloc : memref<!tpu.dma_semaphore, #tpu.memory_space<semaphore_mem>>
      tpu.enqueue_dma source(%arg6 : memref<16xf32, #tpu.memory_space<hbm>>) target(%arg17 : memref<16xf32, #tpu.memory_space<vmem>>) target_semaphore(%run_scoped3A : memref<!tpu.dma_semaphore, #tpu.memory_space<semaphore_mem>>)
      tpu.wait_dma2 semaphore(%run_scoped3A : memref<!tpu.dma_semaphore, #tpu.memory_space<semaphore_mem>>) src(%arg6 : memref<16xf32, #tpu.memory_space<hbm>>) dst(%arg17 : memref<16xf32, #tpu.memory_space<vmem>>)
      tpu.yield
    }) : () -> ()
    %get3A = arith.constant 0 : index
    %get3A_1 = tpu.vector_load %arg17[%get3A] {strides = array<i32>} : memref<16xf32, #tpu.memory_space<vmem>>, vector<16xf32>,
    %iota3A = tpu.iota {dimensions = array<i32: 0>} : vector<16xi32>
    %sub3A = arith.constant 1 : i32
    %sub3A_2 = vector.broadcast %sub3A : i32 to vector<16xi32>
    %sub3A_3 = arith.subi %iota3A, %sub3A_2 : vector<16xi32>
    %max3A = arith.constant 0 : i32
    %max3A_4 = vector.broadcast %max3A : i32 to vector<16xi32>
    %max3A_5 = arith.maxsi %sub3A_3, %max3A_4 : vector<16xi32>
    %add3A_6 = arith.constant 1 : i32
    %add3A_7 = vector.broadcast %add3A_6 : i32 to vector<16xi32>
    %add3A_8 = arith.addi %iota3A, %add3A_7 : vector<16xi32>
    %min3A = arith.constant 15 : i32
    %min3A_9 = vector.broadcast %min3A : i32 to vector<16xi32>
    %min3A_10 = arith.minsi %add3A_8, %min3A_9 : vector<16xi32>
    %sub3A_11 = arith.constant 15 : i32
    %sub3A_12 = vector.broadcast %sub3A_11 : i32 to vector<16xi32>
    %sub3A_13 = arith.subi %sub3A_12, %iota3A : vector<16xi32>
    %get3A_14 = arith.constant 0 : index
    %get3A_15 = tpu.vector_load %arg16[%get3A_14] {strides = array<i32>} : memref<48xi32, #tpu.memory_space<vmem>>, vector<16xi32>,
    %get3A_16 = arith.constant 16 : index
    %get3A_17 = tpu.vector_load %arg16[%get3A_16] {strides = array<i32>} : memref<48xi32, #tpu.memory_space<vmem>>, vector<16xi32>,
    %get3A_18 = arith.constant 32 : index
    %get3A_19 = tpu.vector_load %arg16[%get3A_18] {strides = array<i32>} : memref<48xi32, #tpu.memory_space<vmem>>, vector<16xi32>,
    %eq3A = vector.broadcast %add3A : i32 to vector<16xi32>
    %eq3A_20 = arith.cmpi eq, %iota3A, %eq3A : vector<16xi32>
    %jit3A = arith.constant 0 : i32
    %broadcast_in_dim3A = vector.broadcast %jit3A : i32 to vector<16xi32>
    %select_n3A = arith.select %eq3A_20, %get3A_15, %broadcast_in_dim3A : vector<16xi1>, vector<16xi32>
    %sub3A_21 = arith.constant 16 : i32
    %sub3A_22 = arith.subi %add3A, %sub3A_21 : i32
    %eq3A_23 = vector.broadcast %sub3A_22 : i32 to vector<16xi32>
    %eq3A_24 = arith.cmpi eq, %iota3A, %eq3A_23 : vector<16xi32>
    %jit3A_25 = arith.constant 0 : i32
    %broadcast_in_dim3A_26 = vector.broadcast %jit3A_25 : i32 to vector<16xi32>
    %select_n3A_27 = arith.select %eq3A_24, %get3A_17, %broadcast_in_dim3A_26 : vector<16xi1>, vector<16xi32>
    %add3A_28 = arith.addi %select_n3A, %select_n3A_27 : vector<16xi32>
    %sub3A_29 = arith.constant 32 : i32
    %sub3A_30 = arith.subi %add3A, %sub3A_29 : i32
    %eq3A_31 = vector.broadcast %sub3A_30 : i32 to vector<16xi32>
    %eq3A_32 = arith.cmpi eq, %iota3A, %eq3A_31 : vector<16xi32>
    %jit3A_33 = arith.constant 0 : i32
    %broadcast_in_dim3A_34 = vector.broadcast %jit3A_33 : i32 to vector<16xi32>
    %select_n3A_35 = arith.select %eq3A_32, %get3A_19, %broadcast_in_dim3A_34 : vector<16xi1>, vector<16xi32>
    %add3A_36 = arith.addi %add3A_28, %select_n3A_35 : vector<16xi32>
    %convert_element_type3A = arith.sitofp %add3A_36 : vector<16xi32> to vector<16xf32>
    %reduce_sum3A = arith.constant true
    %reduce_sum3A_37 = vector.broadcast %reduce_sum3A : i1 to vector<16xi1>
    %reduce_sum3A_38 = tpu.scan <sum>, %convert_element_type3A masked %reduce_sum3A_37 : vector<16xf32>, vector<16xi1> -> vector<16xf32>
    %reduce_sum3A_39 = vector.extract %reduce_sum3A_38[15] : f32 from vector<16xf32>
    %convert_element_type3A_40 = arith.fptosi %reduce_sum3A_39 : f32 to i32
    %add3A_41 = arith.constant 1 : i32
    %add3A_42 = arith.addi %add3A, %add3A_41 : i32
    %eq3A_43 = vector.broadcast %add3A_42 : i32 to vector<16xi32>
    %eq3A_44 = arith.cmpi eq, %iota3A, %eq3A_43 : vector<16xi32>
    %jit3A_45 = arith.constant 0 : i32
    %broadcast_in_dim3A_46 = vector.broadcast %jit3A_45 : i32 to vector<16xi32>
    %select_n3A_47 = arith.select %eq3A_44, %get3A_15, %broadcast_in_dim3A_46 : vector<16xi1>, vector<16xi32>
    %sub3A_48 = arith.constant 16 : i32
    %sub3A_49 = arith.subi %add3A_42, %sub3A_48 : i32
    %eq3A_50 = vector.broadcast %sub3A_49 : i32 to vector<16xi32>
    %eq3A_51 = arith.cmpi eq, %iota3A, %eq3A_50 : vector<16xi32>
    %jit3A_52 = arith.constant 0 : i32
    %broadcast_in_dim3A_53 = vector.broadcast %jit3A_52 : i32 to vector<16xi32>
    %select_n3A_54 = arith.select %eq3A_51, %get3A_17, %broadcast_in_dim3A_53 : vector<16xi1>, vector<16xi32>
    %add3A_55 = arith.addi %select_n3A_47, %select_n3A_54 : vector<16xi32>
    %sub3A_56 = arith.constant 32 : i32
    %sub3A_57 = arith.subi %add3A_42, %sub3A_56 : i32
    %eq3A_58 = vector.broadcast %sub3A_57 : i32 to vector<16xi32>
    %eq3A_59 = arith.cmpi eq, %iota3A, %eq3A_58 : vector<16xi32>
    %jit3A_60 = arith.constant 0 : i32
    %broadcast_in_dim3A_61 = vector.broadcast %jit3A_60 : i32 to vector<16xi32>
    %select_n3A_62 = arith.select %eq3A_59, %get3A_19, %broadcast_in_dim3A_61 : vector<16xi1>, vector<16xi32>
    %add3A_63 = arith.addi %add3A_55, %select_n3A_62 : vector<16xi32>
    %convert_element_type3A_64 = arith.sitofp %add3A_63 : vector<16xi32> to vector<16xf32>
    %reduce_sum3A_65 = arith.constant true
    %reduce_sum3A_66 = vector.broadcast %reduce_sum3A_65 : i1 to vector<16xi1>
    %reduce_sum3A_67 = tpu.scan <sum>, %convert_element_type3A_64 masked %reduce_sum3A_66 : vector<16xf32>, vector<16xi1> -> vector<16xf32>
    %reduce_sum3A_68 = vector.extract %reduce_sum3A_67[15] : f32 from vector<16xf32>
    %convert_element_type3A_69 = arith.fptosi %reduce_sum3A_68 : f32 to i32
    %mul3A_70 = arith.constant 3200 : i32
    %mul3A_71 = arith.muli %add3A, %mul3A_70 : i32
    %and3A = arith.constant -8 : i32
    %and3A_72 = arith.andi %convert_element_type3A_40, %and3A : i32
    %sub3A_73 = arith.subi %convert_element_type3A_69, %and3A_72 : i32
    %add3A_74 = arith.constant 4095 : i32
    %add3A_75 = arith.addi %sub3A_73, %add3A_74 : i32
    %jit3A_76 = arith.constant 4096 : i32
    %div3A = arith.divsi %add3A_75, %jit3A_76 : i32
    %sign3A = arith.constant 0 : i32
    %sign3A_77 = arith.cmpi sgt, %add3A_75, %sign3A : i32
    %sign3A_78 = arith.extui %sign3A_77 : i1 to i32
    %sign3A_79 = arith.constant 0 : i32
    %sign3A_80 = arith.cmpi slt, %add3A_75, %sign3A_79 : i32
    %sign3A_81 = arith.extui %sign3A_80 : i1 to i32
    %sign3A_82 = arith.subi %sign3A_78, %sign3A_81 : i32
    %sign3A_83 = arith.constant 0 : i32
    %sign3A_84 = arith.cmpi sgt, %jit3A_76, %sign3A_83 : i32
    %sign3A_85 = arith.extui %sign3A_84 : i1 to i32
    %sign3A_86 = arith.constant 0 : i32
    %sign3A_87 = arith.cmpi slt, %jit3A_76, %sign3A_86 : i32
    %sign3A_88 = arith.extui %sign3A_87 : i1 to i32
    %sign3A_89 = arith.subi %sign3A_85, %sign3A_88 : i32
    %ne3A = arith.cmpi ne, %sign3A_82, %sign3A_89 : i32
    %rem3A = arith.remsi %add3A_75, %jit3A_76 : i32
    %ne3A_90 = arith.constant 0 : i32
    %ne3A_91 = arith.cmpi ne, %rem3A, %ne3A_90 : i32
    %and3A_92 = arith.andi %ne3A, %ne3A_91 : i1
    %sub3A_93 = arith.constant 1 : i32
    %sub3A_94 = arith.subi %div3A, %sub3A_93 : i32
    %select_n3A_95 = arith.select %and3A_92, %sub3A_94, %div3A : i32
    %broadcast_in_dim3A_96 = arith.constant 0.000000e+00 : f32
    %broadcast_in_dim3A_97 = vector.broadcast %broadcast_in_dim3A_96 : f32 to vector<16xf32>
    %broadcast_in_dim3A_98 = arith.constant -3.400000e+38 : f32
    %broadcast_in_dim3A_99 = vector.broadcast %broadcast_in_dim3A_98 : f32 to vector<16xf32>
    %broadcast_in_dim3A_100 = arith.constant 3.400000e+38 : f32
    %broadcast_in_dim3A_101 = vector.broadcast %broadcast_in_dim3A_100 : f32 to vector<16xf32>
    %scan3A = arith.constant 0 : i32
    %scan3A_102 = arith.constant 0 : i32
    %scan3A_103 = arith.constant 200 : i32
    %scan3A_104 = arith.addi %scan3A_102, %scan3A_103 : i32
    %scan3A_105 = arith.constant 1 : i32
    scf.for %scan3A_210 = %scan3A_102 to %scan3A_104 step %scan3A_105  : i32 {
      %mul3A_211 = arith.constant 16 : i32
      %mul3A_212 = arith.muli %scan3A_210, %mul3A_211 : i32
      %swap3A = arith.index_cast %mul3A_212 : i32 to index
      %swap3A_213 = tpu.vector_load %arg18[%swap3A] {strides = array<i32>} : memref<3200xf32, #tpu.memory_space<vmem>>, vector<16xf32>,
      tpu.vector_store %arg18[%swap3A], %broadcast_in_dim3A_99 {strides = array<i32>} : memref<3200xf32, #tpu.memory_space<vmem>>, vector<16xf32>,
      %swap3A_214 = arith.index_cast %mul3A_212 : i32 to index
      %swap3A_215 = tpu.vector_load %arg20[%swap3A_214] {strides = array<i32>} : memref<3200xf32, #tpu.memory_space<vmem>>, vector<16xf32>,
      tpu.vector_store %arg20[%swap3A_214], %broadcast_in_dim3A_99 {strides = array<i32>} : memref<3200xf32, #tpu.memory_space<vmem>>, vector<16xf32>,
      %swap3A_216 = arith.index_cast %mul3A_212 : i32 to index
      %swap3A_217 = tpu.vector_load %arg22[%swap3A_216] {strides = array<i32>} : memref<3200xf32, #tpu.memory_space<vmem>>, vector<16xf32>,
      tpu.vector_store %arg22[%swap3A_216], %broadcast_in_dim3A_99 {strides = array<i32>} : memref<3200xf32, #tpu.memory_space<vmem>>, vector<16xf32>,
      %swap3A_218 = arith.index_cast %mul3A_212 : i32 to index
      %swap3A_219 = tpu.vector_load %arg24[%swap3A_218] {strides = array<i32>} : memref<3200xf32, #tpu.memory_space<vmem>>, vector<16xf32>,
      tpu.vector_store %arg24[%swap3A_218], %broadcast_in_dim3A_99 {strides = array<i32>} : memref<3200xf32, #tpu.memory_space<vmem>>, vector<16xf32>,
      %swap3A_220 = arith.index_cast %mul3A_212 : i32 to index
      %swap3A_221 = tpu.vector_load %arg19[%swap3A_220] {strides = array<i32>} : memref<3200xf32, #tpu.memory_space<vmem>>, vector<16xf32>,
      tpu.vector_store %arg19[%swap3A_220], %broadcast_in_dim3A_101 {strides = array<i32>} : memref<3200xf32, #tpu.memory_space<vmem>>, vector<16xf32>,
      %swap3A_222 = arith.index_cast %mul3A_212 : i32 to index
      %swap3A_223 = tpu.vector_load %arg21[%swap3A_222] {strides = array<i32>} : memref<3200xf32, #tpu.memory_space<vmem>>, vector<16xf32>,
      tpu.vector_store %arg21[%swap3A_222], %broadcast_in_dim3A_101 {strides = array<i32>} : memref<3200xf32, #tpu.memory_space<vmem>>, vector<16xf32>,
      %swap3A_224 = arith.index_cast %mul3A_212 : i32 to index
      %swap3A_225 = tpu.vector_load %arg23[%swap3A_224] {strides = array<i32>} : memref<3200xf32, #tpu.memory_space<vmem>>, vector<16xf32>,
      tpu.vector_store %arg23[%swap3A_224], %broadcast_in_dim3A_101 {strides = array<i32>} : memref<3200xf32, #tpu.memory_space<vmem>>, vector<16xf32>,
      %swap3A_226 = arith.index_cast %mul3A_212 : i32 to index
      %swap3A_227 = tpu.vector_load %arg25[%swap3A_226] {strides = array<i32>} : memref<3200xf32, #tpu.memory_space<vmem>>, vector<16xf32>,
      tpu.vector_store %arg25[%swap3A_226], %broadcast_in_dim3A_101 {strides = array<i32>} : memref<3200xf32, #tpu.memory_space<vmem>>, vector<16xf32>,
      %swap3A_228 = arith.index_cast %mul3A_212 : i32 to index
      %swap3A_229 = tpu.vector_load %arg26[%swap3A_228] {strides = array<i32>} : memref<3200xf32, #tpu.memory_space<vmem>>, vector<16xf32>,
      tpu.vector_store %arg26[%swap3A_228], %broadcast_in_dim3A_97 {strides = array<i32>} : memref<3200xf32, #tpu.memory_space<vmem>>, vector<16xf32>,
      %swap3A_230 = arith.index_cast %mul3A_212 : i32 to index
      %swap3A_231 = tpu.vector_load %arg27[%swap3A_230] {strides = array<i32>} : memref<3200xf32, #tpu.memory_space<vmem>>, vector<16xf32>,
      tpu.vector_store %arg27[%swap3A_230], %broadcast_in_dim3A_97 {strides = array<i32>} : memref<3200xf32, #tpu.memory_space<vmem>>, vector<16xf32>,
      %swap3A_232 = arith.index_cast %mul3A_212 : i32 to index
      %swap3A_233 = tpu.vector_load %arg28[%swap3A_232] {strides = array<i32>} : memref<3200xf32, #tpu.memory_space<vmem>>, vector<16xf32>,
      tpu.vector_store %arg28[%swap3A_232], %broadcast_in_dim3A_97 {strides = array<i32>} : memref<3200xf32, #tpu.memory_space<vmem>>, vector<16xf32>,
      %swap3A_234 = arith.index_cast %mul3A_212 : i32 to index
      %swap3A_235 = tpu.vector_load %arg29[%swap3A_234] {strides = array<i32>} : memref<3200xf32, #tpu.memory_space<vmem>>, vector<16xf32>,
      tpu.vector_store %arg29[%swap3A_234], %broadcast_in_dim3A_97 {strides = array<i32>} : memref<3200xf32, #tpu.memory_space<vmem>>, vector<16xf32>,
      %swap3A_236 = arith.index_cast %mul3A_212 : i32 to index
      %swap3A_237 = tpu.vector_load %arg30[%swap3A_236] {strides = array<i32>} : memref<3200xf32, #tpu.memory_space<vmem>>, vector<16xf32>,
      tpu.vector_store %arg30[%swap3A_236], %broadcast_in_dim3A_97 {strides = array<i32>} : memref<3200xf32, #tpu.memory_space<vmem>>, vector<16xf32>,
      %swap3A_238 = arith.index_cast %mul3A_212 : i32 to index
      %swap3A_239 = tpu.vector_load %arg31[%swap3A_238] {strides = array<i32>} : memref<3200xf32, #tpu.memory_space<vmem>>, vector<16xf32>,
      tpu.vector_store %arg31[%swap3A_238], %broadcast_in_dim3A_97 {strides = array<i32>} : memref<3200xf32, #tpu.memory_space<vmem>>, vector<16xf32>,
      %swap3A_240 = arith.index_cast %mul3A_212 : i32 to index
      %swap3A_241 = tpu.vector_load %arg32[%swap3A_240] {strides = array<i32>} : memref<3200xf32, #tpu.memory_space<vmem>>, vector<16xf32>,
      tpu.vector_store %arg32[%swap3A_240], %broadcast_in_dim3A_97 {strides = array<i32>} : memref<3200xf32, #tpu.memory_space<vmem>>, vector<16xf32>,
      %swap3A_242 = arith.index_cast %mul3A_212 : i32 to index
      %swap3A_243 = tpu.vector_load %arg33[%swap3A_242] {strides = array<i32>} : memref<3200xf32, #tpu.memory_space<vmem>>, vector<16xf32>,
      tpu.vector_store %arg33[%swap3A_242], %broadcast_in_dim3A_97 {strides = array<i32>} : memref<3200xf32, #tpu.memory_space<vmem>>, vector<16xf32>,
    }
    %scan3A_106 = arith.constant 200 : i32
    %add3A_107 = arith.constant 0 : i32
    %add3A_108 = arith.addi %and3A_72, %add3A_107 : i32
    %multiple_of3A = tpu.assume_multiple %add3A_108, 8 : i32
    %dma_start3A = tpu.memref_slice %arg2[%multiple_of3A] : memref<3212288xf32, #tpu.memory_space<hbm>> -> memref<4096xf32, #tpu.memory_space<hbm>>
    %dma_start3A_109 = tpu.memref_slice %arg2[%multiple_of3A] : memref<3212288xf32, #tpu.memory_space<hbm>> -> memref<4096xf32, #tpu.memory_space<hbm>>
    tpu.enqueue_dma source(%dma_start3A_109 : memref<4096xf32, #tpu.memory_space<hbm>>) target(%arg8 : memref<4096xf32, #tpu.memory_space<vmem>>) target_semaphore(%arg14 : memref<!tpu.dma_semaphore, #tpu.memory_space<semaphore_mem>>)
    %dma_start3A_110 = tpu.memref_slice %arg3[%multiple_of3A] : memref<3212288xf32, #tpu.memory_space<hbm>> -> memref<4096xf32, #tpu.memory_space<hbm>>
    %dma_start3A_111 = tpu.memref_slice %arg3[%multiple_of3A] : memref<3212288xf32, #tpu.memory_space<hbm>> -> memref<4096xf32, #tpu.memory_space<hbm>>
    tpu.enqueue_dma source(%dma_start3A_111 : memref<4096xf32, #tpu.memory_space<hbm>>) target(%arg10 : memref<4096xf32, #tpu.memory_space<vmem>>) target_semaphore(%arg14 : memref<!tpu.dma_semaphore, #tpu.memory_space<semaphore_mem>>)
    %dma_start3A_112 = tpu.memref_slice %arg4[%multiple_of3A] : memref<3212288xi32, #tpu.memory_space<hbm>> -> memref<4096xi32, #tpu.memory_space<hbm>>
    %dma_start3A_113 = tpu.memref_slice %arg4[%multiple_of3A] : memref<3212288xi32, #tpu.memory_space<hbm>> -> memref<4096xi32, #tpu.memory_space<hbm>>
    tpu.enqueue_dma source(%dma_start3A_113 : memref<4096xi32, #tpu.memory_space<hbm>>) target(%arg12 : memref<4096xi32, #tpu.memory_space<vmem>>) target_semaphore(%arg14 : memref<!tpu.dma_semaphore, #tpu.memory_space<semaphore_mem>>)
    %add3A_114 = arith.constant 1 : i32
    %add3A_115 = arith.addi %select_n3A_95, %add3A_114 : i32
    %jit3A_116 = arith.constant 2 : i32
    %div3A_117 = arith.divsi %add3A_115, %jit3A_116 : i32
    %sign3A_118 = arith.constant 0 : i32
    %sign3A_119 = arith.cmpi sgt, %add3A_115, %sign3A_118 : i32
    %sign3A_120 = arith.extui %sign3A_119 : i1 to i32
    %sign3A_121 = arith.constant 0 : i32
    %sign3A_122 = arith.cmpi slt, %add3A_115, %sign3A_121 : i32
    %sign3A_123 = arith.extui %sign3A_122 : i1 to i32
    %sign3A_124 = arith.subi %sign3A_120, %sign3A_123 : i32
    %sign3A_125 = arith.constant 0 : i32
    %sign3A_126 = arith.cmpi sgt, %jit3A_116, %sign3A_125 : i32
    %sign3A_127 = arith.extui %sign3A_126 : i1 to i32
    %sign3A_128 = arith.constant 0 : i32
    %sign3A_129 = arith.cmpi slt, %jit3A_116, %sign3A_128 : i32
    %sign3A_130 = arith.extui %sign3A_129 : i1 to i32
    %sign3A_131 = arith.subi %sign3A_127, %sign3A_130 : i32
    %ne3A_132 = arith.cmpi ne, %sign3A_124, %sign3A_131 : i32
    %rem3A_133 = arith.remsi %add3A_115, %jit3A_116 : i32
    %ne3A_134 = arith.constant 0 : i32
    %ne3A_135 = arith.cmpi ne, %rem3A_133, %ne3A_134 : i32
    %and3A_136 = arith.andi %ne3A_132, %ne3A_135 : i1
    %sub3A_137 = arith.constant 1 : i32
    %sub3A_138 = arith.subi %div3A_117, %sub3A_137 : i32
    %select_n3A_139 = arith.select %and3A_136, %sub3A_138, %div3A_117 : i32
    %while3A = arith.constant 0 : i32
    %while3A_140 = arith.constant 0 : i32
    %while3A_141 = arith.subi %select_n3A_139, %while3A_140 : i32
    %while3A_142 = arith.addi %while3A_140, %while3A_141 : i32
    %while3A_143 = arith.constant 1 : i32
    %while3A_144 = arith.divsi %while3A_141, %while3A_143 : i32
    %while3A_145 = arith.muli %while3A_144, %while3A_143 : i32
    %while3A_146 = arith.addi %while3A_140, %while3A_145 : i32
    %while3A_147 = arith.constant 1 : i32
    scf.for %while3A_210 = %while3A_140 to %while3A_146 step %while3A_147  : i32 {
      %mul3A_211 = arith.constant 2 : i32
      %mul3A_212 = arith.muli %mul3A_211, %while3A_210 : i32
      %add3A_213 = arith.constant 1 : i32
      %add3A_214 = arith.addi %mul3A_212, %add3A_213 : i32
      %mul3A_215 = arith.constant 4096 : i32
      %mul3A_216 = arith.muli %add3A_214, %mul3A_215 : i32
      %add3A_217 = arith.addi %and3A_72, %mul3A_216 : i32
      %multiple_of3A_218 = tpu.assume_multiple %add3A_217, 8 : i32
      %dma_start3A_219 = tpu.memref_slice %arg2[%multiple_of3A_218] : memref<3212288xf32, #tpu.memory_space<hbm>> -> memref<4096xf32, #tpu.memory_space<hbm>>
      %dma_start3A_220 = tpu.memref_slice %arg2[%multiple_of3A_218] : memref<3212288xf32, #tpu.memory_space<hbm>> -> memref<4096xf32, #tpu.memory_space<hbm>>
      tpu.enqueue_dma source(%dma_start3A_220 : memref<4096xf32, #tpu.memory_space<hbm>>) target(%arg9 : memref<4096xf32, #tpu.memory_space<vmem>>) target_semaphore(%arg15 : memref<!tpu.dma_semaphore, #tpu.memory_space<semaphore_mem>>)
      %dma_start3A_221 = tpu.memref_slice %arg3[%multiple_of3A_218] : memref<3212288xf32, #tpu.memory_space<hbm>> -> memref<4096xf32, #tpu.memory_space<hbm>>
      %dma_start3A_222 = tpu.memref_slice %arg3[%multiple_of3A_218] : memref<3212288xf32, #tpu.memory_space<hbm>> -> memref<4096xf32, #tpu.memory_space<hbm>>
      tpu.enqueue_dma source(%dma_start3A_222 : memref<4096xf32, #tpu.memory_space<hbm>>) target(%arg11 : memref<4096xf32, #tpu.memory_space<vmem>>) target_semaphore(%arg15 : memref<!tpu.dma_semaphore, #tpu.memory_space<semaphore_mem>>)
      %dma_start3A_223 = tpu.memref_slice %arg4[%multiple_of3A_218] : memref<3212288xi32, #tpu.memory_space<hbm>> -> memref<4096xi32, #tpu.memory_space<hbm>>
      %dma_start3A_224 = tpu.memref_slice %arg4[%multiple_of3A_218] : memref<3212288xi32, #tpu.memory_space<hbm>> -> memref<4096xi32, #tpu.memory_space<hbm>>
      tpu.enqueue_dma source(%dma_start3A_224 : memref<4096xi32, #tpu.memory_space<hbm>>) target(%arg13 : memref<4096xi32, #tpu.memory_space<vmem>>) target_semaphore(%arg15 : memref<!tpu.dma_semaphore, #tpu.memory_space<semaphore_mem>>)
      %dma_wait3A_225 = arith.constant 0 : i32
      %dma_wait3A_226 = tpu.memref_slice %arg2[%dma_wait3A_225] : memref<3212288xf32, #tpu.memory_space<hbm>> -> memref<4096xf32, #tpu.memory_space<hbm>>
      %dma_wait3A_227 = arith.constant 0 : i32
      %dma_wait3A_228 = tpu.memref_slice %arg2[%dma_wait3A_227] : memref<3212288xf32, #tpu.memory_space<hbm>> -> memref<4096xf32, #tpu.memory_space<hbm>>
      tpu.wait_dma2 semaphore(%arg14 : memref<!tpu.dma_semaphore, #tpu.memory_space<semaphore_mem>>) src(%dma_wait3A_228 : memref<4096xf32, #tpu.memory_space<hbm>>) dst(%arg8 : memref<4096xf32, #tpu.memory_space<vmem>>)
      %dma_wait3A_229 = arith.constant 0 : i32
      %dma_wait3A_230 = tpu.memref_slice %arg3[%dma_wait3A_229] : memref<3212288xf32, #tpu.memory_space<hbm>> -> memref<4096xf32, #tpu.memory_space<hbm>>
      %dma_wait3A_231 = arith.constant 0 : i32
      %dma_wait3A_232 = tpu.memref_slice %arg3[%dma_wait3A_231] : memref<3212288xf32, #tpu.memory_space<hbm>> -> memref<4096xf32, #tpu.memory_space<hbm>>
      tpu.wait_dma2 semaphore(%arg14 : memref<!tpu.dma_semaphore, #tpu.memory_space<semaphore_mem>>) src(%dma_wait3A_232 : memref<4096xf32, #tpu.memory_space<hbm>>) dst(%arg10 : memref<4096xf32, #tpu.memory_space<vmem>>)
      %dma_wait3A_233 = arith.constant 0 : i32
      %dma_wait3A_234 = tpu.memref_slice %arg4[%dma_wait3A_233] : memref<3212288xi32, #tpu.memory_space<hbm>> -> memref<4096xi32, #tpu.memory_space<hbm>>
      %dma_wait3A_235 = arith.constant 0 : i32
      %dma_wait3A_236 = tpu.memref_slice %arg4[%dma_wait3A_235] : memref<3212288xi32, #tpu.memory_space<hbm>> -> memref<4096xi32, #tpu.memory_space<hbm>>
      tpu.wait_dma2 semaphore(%arg14 : memref<!tpu.dma_semaphore, #tpu.memory_space<semaphore_mem>>) src(%dma_wait3A_236 : memref<4096xi32, #tpu.memory_space<hbm>>) dst(%arg12 : memref<4096xi32, #tpu.memory_space<vmem>>)
      %scan3A_237 = arith.constant 0 : i32
      %scan3A_238 = arith.constant 0 : i32
      %scan3A_239 = arith.constant 128 : i32
      %scan3A_240 = arith.addi %scan3A_238, %scan3A_239 : i32
      %scan3A_241 = arith.constant 1 : i32
      scf.for %scan3A_273 = %scan3A_238 to %scan3A_240 step %scan3A_241  : i32 {
        %mul3A_274 = arith.constant 2 : i32
        %mul3A_275 = arith.muli %mul3A_274, %scan3A_273 : i32
        %mul3A_276 = arith.constant 16 : i32
        %mul3A_277 = arith.muli %mul3A_275, %mul3A_276 : i32
        %get3A_278 = arith.index_cast %mul3A_277 : i32 to index
        %get3A_279 = tpu.vector_load %arg12[%get3A_278] {strides = array<i32>} : memref<4096xi32, #tpu.memory_space<vmem>>, vector<16xi32>,
        %get3A_280 = arith.index_cast %mul3A_277 : i32 to index
        %get3A_281 = tpu.vector_load %arg8[%get3A_280] {strides = array<i32>} : memref<4096xf32, #tpu.memory_space<vmem>>, vector<16xf32>,
        %get3A_282 = arith.index_cast %mul3A_277 : i32 to index
        %get3A_283 = tpu.vector_load %arg10[%get3A_282] {strides = array<i32>} : memref<4096xf32, #tpu.memory_space<vmem>>, vector<16xf32>,
        %sub3A_284 = vector.broadcast %mul3A_71 : i32 to vector<16xi32>
        %sub3A_285 = arith.subi %get3A_279, %sub3A_284 : vector<16xi32>
        %bitcast3A = vector.bitcast %sub3A_285 : vector<16xi32> to vector<16xi32>
        %lt3A = arith.constant 3200 : i32
        %lt3A_286 = vector.broadcast %lt3A : i32 to vector<16xi32>
        %lt3A_287 = arith.cmpi ult, %bitcast3A, %lt3A_286 : vector<16xi32>
        %min3A_288 = arith.constant 3199 : i32
        %min3A_289 = vector.broadcast %min3A_288 : i32 to vector<16xi32>
        %min3A_290 = arith.minui %bitcast3A, %min3A_289 : vector<16xi32>
        %bitcast3A_291 = vector.bitcast %min3A_290 : vector<16xi32> to vector<16xi32>
        %eq3A_292 = arith.constant 15 : i32
        %eq3A_293 = vector.broadcast %eq3A_292 : i32 to vector<16xi32>
        %eq3A_294 = arith.cmpi eq, %iota3A, %eq3A_293 : vector<16xi32>
        %broadcast_in_dim3A_295 = vector.shape_cast %min3A_10 : vector<16xi32> to vector<16x1xi32>
        %gather3A = vector.shape_cast %broadcast_in_dim3A_295 : vector<16x1xi32> to vector<16xi32>
        %gather3A_296 = tpu.dynamic_gather %get3A_279[%gather3A] in [0] : vector<16xi32>, vector<16xi32> -> vector<16xi32>
        %ne3A_297 = arith.cmpi ne, %get3A_279, %gather3A_296 : vector<16xi32>
        %or3A = arith.ori %eq3A_294, %ne3A_297 : vector<16xi1>
        %broadcast_in_dim3A_298 = vector.shape_cast %max3A_5 : vector<16xi32> to vector<16x1xi32>
        %gather3A_299 = vector.shape_cast %broadcast_in_dim3A_298 : vector<16x1xi32> to vector<16xi32>
        %gather3A_300 = tpu.dynamic_gather %get3A_279[%gather3A_299] in [0] : vector<16xi32>, vector<16xi32> -> vector<16xi32>
        %ne3A_301 = arith.cmpi ne, %get3A_279, %gather3A_300 : vector<16xi32>
        %and3A_302 = arith.andi %or3A, %lt3A_287 : vector<16xi1>
        %jit3A_303 = arith.constant 0 : i32
        %broadcast_in_dim3A_304 = vector.broadcast %jit3A_303 : i32 to vector<16xi32>
        %select_n3A_305 = arith.select %ne3A_301, %iota3A, %broadcast_in_dim3A_304 : vector<16xi1>, vector<16xi32>
        %broadcast_in_dim3A_306 = arith.constant true
        %broadcast_in_dim3A_307 = vector.broadcast %broadcast_in_dim3A_306 : i1 to vector<16xi1>
        %masked_cummax3A = arith.constant -2147483648 : i32
        %masked_cummax3A_308 = vector.broadcast %masked_cummax3A : i32 to vector<16xi32>
        %masked_cummax3A_309 = arith.xori %select_n3A_305, %masked_cummax3A_308 : vector<16xi32>
        %masked_cummax3A_310 = tpu.scan <max>, %masked_cummax3A_309 masked %broadcast_in_dim3A_307 : vector<16xi32>, vector<16xi1> -> vector<16xi32>
        %masked_cummax3A_311 = arith.xori %masked_cummax3A_310, %masked_cummax3A_308 : vector<16xi32>
        %sub3A_312 = arith.constant 1 : i32
        %sub3A_313 = vector.broadcast %sub3A_312 : i32 to vector<16xi32>
        %sub3A_314 = arith.subi %masked_cummax3A_311, %sub3A_313 : vector<16xi32>
        %max3A_315 = arith.constant 0 : i32
        %max3A_316 = vector.broadcast %max3A_315 : i32 to vector<16xi32>
        %max3A_317 = arith.maxsi %sub3A_314, %max3A_316 : vector<16xi32>
        %eq3A_318 = arith.constant 0 : i32
        %eq3A_319 = vector.broadcast %eq3A_318 : i32 to vector<16xi32>
        %eq3A_320 = arith.cmpi eq, %masked_cummax3A_311, %eq3A_319 : vector<16xi32>
        %jit3A_321 = arith.constant 1 : i32
        %jit3A_322 = arith.constant 0 : i32
        %broadcast_in_dim3A_323 = vector.broadcast %jit3A_321 : i32 to vector<16xi32>
        %broadcast_in_dim3A_324 = vector.broadcast %jit3A_322 : i32 to vector<16xi32>
        %select_n3A_325 = arith.select %or3A, %broadcast_in_dim3A_323, %broadcast_in_dim3A_324 : vector<16xi1>, vector<16xi32>
        %broadcast_in_dim3A_326 = vector.shape_cast %sub3A_13 : vector<16xi32> to vector<16x1xi32>
        %gather3A_327 = vector.shape_cast %broadcast_in_dim3A_326 : vector<16x1xi32> to vector<16xi32>
        %gather3A_328 = tpu.dynamic_gather %select_n3A_325[%gather3A_327] in [0] : vector<16xi32>, vector<16xi32> -> vector<16xi32>
        %ne3A_329 = arith.constant 0 : i32
        %ne3A_330 = vector.broadcast %ne3A_329 : i32 to vector<16xi32>
        %ne3A_331 = arith.cmpi ne, %gather3A_328, %ne3A_330 : vector<16xi32>
        %jit3A_332 = arith.constant 0 : i32
        %broadcast_in_dim3A_333 = vector.broadcast %jit3A_332 : i32 to vector<16xi32>
        %select_n3A_334 = arith.select %ne3A_331, %iota3A, %broadcast_in_dim3A_333 : vector<16xi1>, vector<16xi32>
        %broadcast_in_dim3A_335 = arith.constant true
        %broadcast_in_dim3A_336 = vector.broadcast %broadcast_in_dim3A_335 : i1 to vector<16xi1>
        %masked_cummax3A_337 = arith.constant -2147483648 : i32
        %masked_cummax3A_338 = vector.broadcast %masked_cummax3A_337 : i32 to vector<16xi32>
        %masked_cummax3A_339 = arith.xori %select_n3A_334, %masked_cummax3A_338 : vector<16xi32>
        %masked_cummax3A_340 = tpu.scan <max>, %masked_cummax3A_339 masked %broadcast_in_dim3A_336 : vector<16xi32>, vector<16xi1> -> vector<16xi32>
        %masked_cummax3A_341 = arith.xori %masked_cummax3A_340, %masked_cummax3A_338 : vector<16xi32>
        %sub3A_342 = arith.constant 15 : i32
        %sub3A_343 = vector.broadcast %sub3A_342 : i32 to vector<16xi32>
        %sub3A_344 = arith.subi %sub3A_343, %masked_cummax3A_341 : vector<16xi32>
        %broadcast_in_dim3A_345 = vector.shape_cast %sub3A_13 : vector<16xi32> to vector<16x1xi32>
        %gather3A_346 = vector.shape_cast %broadcast_in_dim3A_345 : vector<16x1xi32> to vector<16xi32>
        %gather3A_347 = tpu.dynamic_gather %sub3A_344[%gather3A_346] in [0] : vector<16xi32>, vector<16xi32> -> vector<16xi32>
        %shift_left3A = arith.constant 19 : i32
        %shift_left3A_348 = vector.broadcast %shift_left3A : i32 to vector<16xi32>
        %shift_left3A_349 = arith.shli %bitcast3A, %shift_left3A_348 : vector<16xi32>
        %bitcast3A_350 = vector.bitcast %get3A_281 : vector<16xf32> to vector<16xi32>
        %shift_right_logical3A = arith.constant 12 : i32
        %shift_right_logical3A_351 = vector.broadcast %shift_right_logical3A : i32 to vector<16xi32>
        %shift_right_logical3A_352 = arith.shrui %bitcast3A_350, %shift_right_logical3A_351 : vector<16xi32>
        %bitcast3A_353 = vector.bitcast %get3A_283 : vector<16xf32> to vector<16xi32>
        %shift_right_logical3A_354 = arith.constant 12 : i32
        %shift_right_logical3A_355 = vector.broadcast %shift_right_logical3A_354 : i32 to vector<16xi32>
        %shift_right_logical3A_356 = arith.shrui %bitcast3A_353, %shift_right_logical3A_355 : vector<16xi32>
        %mul3A_357 = arith.mulf %get3A_281, %get3A_1 : vector<16xf32>
        %mul3A_358 = arith.mulf %get3A_283, %get3A_1 : vector<16xf32>
        %sub3A_359 = arith.constant 524287 : i32
        %sub3A_360 = vector.broadcast %sub3A_359 : i32 to vector<16xi32>
        %sub3A_361 = arith.subi %sub3A_360, %shift_right_logical3A_352 : vector<16xi32>
        %sub3A_362 = arith.constant 524287 : i32
        %sub3A_363 = vector.broadcast %sub3A_362 : i32 to vector<16xi32>
        %sub3A_364 = arith.subi %sub3A_363, %shift_right_logical3A_356 : vector<16xi32>
        %or3A_365 = arith.ori %shift_left3A_349, %shift_right_logical3A_352 : vector<16xi32>
        %jit3A_366 = arith.constant 0 : i32
        %broadcast_in_dim3A_367 = vector.broadcast %jit3A_366 : i32 to vector<16xi32>
        %select_n3A_368 = arith.select %lt3A_287, %or3A_365, %broadcast_in_dim3A_367 : vector<16xi1>, vector<16xi32>
        %broadcast_in_dim3A_369 = arith.constant true
        %broadcast_in_dim3A_370 = vector.broadcast %broadcast_in_dim3A_369 : i1 to vector<16xi1>
        %masked_cummax3A_371 = tpu.scan <max>, %select_n3A_368 masked %broadcast_in_dim3A_370 : vector<16xi32>, vector<16xi1> -> vector<16xi32>
        %bitcast3A_372 = vector.bitcast %masked_cummax3A_371 : vector<16xi32> to vector<16xi32>
        %broadcast_in_dim3A_373 = vector.shape_cast %gather3A_347 : vector<16xi32> to vector<16x1xi32>
        %gather3A_374 = vector.shape_cast %broadcast_in_dim3A_373 : vector<16x1xi32> to vector<16xi32>
        %gather3A_375 = tpu.dynamic_gather %bitcast3A_372[%gather3A_374] in [0] : vector<16xi32>, vector<16xi32> -> vector<16xi32>
        %and3A_376 = arith.constant 524287 : i32
        %and3A_377 = vector.broadcast %and3A_376 : i32 to vector<16xi32>
        %and3A_378 = arith.andi %gather3A_375, %and3A_377 : vector<16xi32>
        %shift_left3A_379 = arith.constant 12 : i32
        %shift_left3A_380 = vector.broadcast %shift_left3A_379 : i32 to vector<16xi32>
        %shift_left3A_381 = arith.shli %and3A_378, %shift_left3A_380 : vector<16xi32>
        %bitcast3A_382 = vector.bitcast %shift_left3A_381 : vector<16xi32> to vector<16xf32>
        %mul3A_383 = arith.mulf %bitcast3A_382, %get3A_1 : vector<16xf32>
        %gather3A_384 = tpu.vector_load_idx %arg18[%bitcast3A_291] : memref<3200xf32, #tpu.memory_space<vmem>>[vector<16xi32>], vector<16xf32>,
        %max3A_385 = arith.maximumf %gather3A_384, %mul3A_383 : vector<16xf32>
        %sub3A_386 = arith.subf %mul3A_357, %max3A_385 : vector<16xf32>
        %exp3A = math.exp %sub3A_386 : vector<16xf32>
        %jit3A_387 = arith.constant 0.000000e+00 : f32
        %broadcast_in_dim3A_388 = vector.broadcast %jit3A_387 : f32 to vector<16xf32>
        %select_n3A_389 = arith.select %lt3A_287, %exp3A, %broadcast_in_dim3A_388 : vector<16xi1>, vector<16xf32>
        %cumsum3A = arith.constant true
        %cumsum3A_390 = vector.broadcast %cumsum3A : i1 to vector<16xi1>
        %cumsum3A_391 = tpu.scan <sum>, %select_n3A_389 masked %cumsum3A_390 : vector<16xf32>, vector<16xi1> -> vector<16xf32>
        %broadcast_in_dim3A_392 = vector.shape_cast %max3A_317 : vector<16xi32> to vector<16x1xi32>
        %gather3A_393 = vector.shape_cast %broadcast_in_dim3A_392 : vector<16x1xi32> to vector<16xi32>
        %gather3A_394 = tpu.dynamic_gather %cumsum3A_391[%gather3A_393] in [0] : vector<16xf32>, vector<16xi32> -> vector<16xf32>
        %jit3A_395 = arith.constant 0.000000e+00 : f32
        %broadcast_in_dim3A_396 = vector.broadcast %jit3A_395 : f32 to vector<16xf32>
        %select_n3A_397 = arith.select %eq3A_320, %broadcast_in_dim3A_396, %gather3A_394 : vector<16xi1>, vector<16xf32>
        %gather3A_398 = tpu.vector_load_idx %arg26[%bitcast3A_291] : memref<3200xf32, #tpu.memory_space<vmem>>[vector<16xi32>], vector<16xf32>,
        %sub3A_399 = arith.subf %gather3A_384, %max3A_385 : vector<16xf32>
        %exp3A_400 = math.exp %sub3A_399 : vector<16xf32>
        %mul3A_401 = arith.mulf %gather3A_398, %exp3A_400 : vector<16xf32>
        %sub3A_402 = arith.subf %cumsum3A_391, %select_n3A_397 : vector<16xf32>
        %add3A_403 = arith.addf %mul3A_401, %sub3A_402 : vector<16xf32>
        tpu.vector_store_idx %arg26[%bitcast3A_291], %add3A_403 masked %and3A_302 : memref<3200xf32, #tpu.memory_space<vmem>>[vector<16xi32>], vector<16xf32>, vector<16xi1>
        tpu.vector_store_idx %arg18[%bitcast3A_291], %max3A_385 masked %and3A_302 : memref<3200xf32, #tpu.memory_space<vmem>>[vector<16xi32>], vector<16xf32>, vector<16xi1>
        %or3A_404 = arith.ori %shift_left3A_349, %sub3A_361 : vector<16xi32>
        %jit3A_405 = arith.constant 0 : i32
        %broadcast_in_dim3A_406 = vector.broadcast %jit3A_405 : i32 to vector<16xi32>
        %select_n3A_407 = arith.select %lt3A_287, %or3A_404, %broadcast_in_dim3A_406 : vector<16xi1>, vector<16xi32>
        %broadcast_in_dim3A_408 = arith.constant true
        %broadcast_in_dim3A_409 = vector.broadcast %broadcast_in_dim3A_408 : i1 to vector<16xi1>
        %masked_cummax3A_410 = tpu.scan <max>, %select_n3A_407 masked %broadcast_in_dim3A_409 : vector<16xi32>, vector<16xi1> -> vector<16xi32>
        %bitcast3A_411 = vector.bitcast %masked_cummax3A_410 : vector<16xi32> to vector<16xi32>
        %broadcast_in_dim3A_412 = vector.shape_cast %gather3A_347 : vector<16xi32> to vector<16x1xi32>
        %gather3A_413 = vector.shape_cast %broadcast_in_dim3A_412 : vector<16x1xi32> to vector<16xi32>
        %gather3A_414 = tpu.dynamic_gather %bitcast3A_411[%gather3A_413] in [0] : vector<16xi32>, vector<16xi32> -> vector<16xi32>
        %and3A_415 = arith.constant 524287 : i32
        %and3A_416 = vector.broadcast %and3A_415 : i32 to vector<16xi32>
        %and3A_417 = arith.andi %gather3A_414, %and3A_416 : vector<16xi32>
        %sub3A_418 = arith.constant 524287 : i32
        %sub3A_419 = vector.broadcast %sub3A_418 : i32 to vector<16xi32>
        %sub3A_420 = arith.subi %sub3A_419, %and3A_417 : vector<16xi32>
        %shift_left3A_421 = arith.constant 12 : i32
        %shift_left3A_422 = vector.broadcast %shift_left3A_421 : i32 to vector<16xi32>
        %shift_left3A_423 = arith.shli %sub3A_420, %shift_left3A_422 : vector<16xi32>
        %bitcast3A_424 = vector.bitcast %shift_left3A_423 : vector<16xi32> to vector<16xf32>
        %mul3A_425 = arith.mulf %bitcast3A_424, %get3A_1 : vector<16xf32>
        %gather3A_426 = tpu.vector_load_idx %arg19[%bitcast3A_291] : memref<3200xf32, #tpu.memory_space<vmem>>[vector<16xi32>], vector<16xf32>,
        %min3A_427 = arith.minimumf %gather3A_426, %mul3A_425 : vector<16xf32>
        %sub3A_428 = arith.subf %min3A_427, %mul3A_357 : vector<16xf32>
        %exp3A_429 = math.exp %sub3A_428 : vector<16xf32>
        %jit3A_430 = arith.constant 0.000000e+00 : f32
        %broadcast_in_dim3A_431 = vector.broadcast %jit3A_430 : f32 to vector<16xf32>
        %select_n3A_432 = arith.select %lt3A_287, %exp3A_429, %broadcast_in_dim3A_431 : vector<16xi1>, vector<16xf32>
        %cumsum3A_433 = arith.constant true
        %cumsum3A_434 = vector.broadcast %cumsum3A_433 : i1 to vector<16xi1>
        %cumsum3A_435 = tpu.scan <sum>, %select_n3A_432 masked %cumsum3A_434 : vector<16xf32>, vector<16xi1> -> vector<16xf32>
        %broadcast_in_dim3A_436 = vector.shape_cast %max3A_317 : vector<16xi32> to vector<16x1xi32>
        %gather3A_437 = vector.shape_cast %broadcast_in_dim3A_436 : vector<16x1xi32> to vector<16xi32>
        %gather3A_438 = tpu.dynamic_gather %cumsum3A_435[%gather3A_437] in [0] : vector<16xf32>, vector<16xi32> -> vector<16xf32>
        %jit3A_439 = arith.constant 0.000000e+00 : f32
        %broadcast_in_dim3A_440 = vector.broadcast %jit3A_439 : f32 to vector<16xf32>
        %select_n3A_441 = arith.select %eq3A_320, %broadcast_in_dim3A_440, %gather3A_438 : vector<16xi1>, vector<16xf32>
        %gather3A_442 = tpu.vector_load_idx %arg27[%bitcast3A_291] : memref<3200xf32, #tpu.memory_space<vmem>>[vector<16xi32>], vector<16xf32>,
        %sub3A_443 = arith.subf %min3A_427, %gather3A_426 : vector<16xf32>
        %exp3A_444 = math.exp %sub3A_443 : vector<16xf32>
        %mul3A_445 = arith.mulf %gather3A_442, %exp3A_444 : vector<16xf32>
        %sub3A_446 = arith.subf %cumsum3A_435, %select_n3A_441 : vector<16xf32>
        %add3A_447 = arith.addf %mul3A_445, %sub3A_446 : vector<16xf32>
        tpu.vector_store_idx %arg27[%bitcast3A_291], %add3A_447 masked %and3A_302 : memref<3200xf32, #tpu.memory_space<vmem>>[vector<16xi32>], vector<16xf32>, vector<16xi1>
        tpu.vector_store_idx %arg19[%bitcast3A_291], %min3A_427 masked %and3A_302 : memref<3200xf32, #tpu.memory_space<vmem>>[vector<16xi32>], vector<16xf32>, vector<16xi1>
        %or3A_448 = arith.ori %shift_left3A_349, %shift_right_logical3A_356 : vector<16xi32>
        %jit3A_449 = arith.constant 0 : i32
        %broadcast_in_dim3A_450 = vector.broadcast %jit3A_449 : i32 to vector<16xi32>
        %select_n3A_451 = arith.select %lt3A_287, %or3A_448, %broadcast_in_dim3A_450 : vector<16xi1>, vector<16xi32>
        %broadcast_in_dim3A_452 = arith.constant true
        %broadcast_in_dim3A_453 = vector.broadcast %broadcast_in_dim3A_452 : i1 to vector<16xi1>
        %masked_cummax3A_454 = tpu.scan <max>, %select_n3A_451 masked %broadcast_in_dim3A_453 : vector<16xi32>, vector<16xi1> -> vector<16xi32>
        %bitcast3A_455 = vector.bitcast %masked_cummax3A_454 : vector<16xi32> to vector<16xi32>
        %broadcast_in_dim3A_456 = vector.shape_cast %gather3A_347 : vector<16xi32> to vector<16x1xi32>
        %gather3A_457 = vector.shape_cast %broadcast_in_dim3A_456 : vector<16x1xi32> to vector<16xi32>
        %gather3A_458 = tpu.dynamic_gather %bitcast3A_455[%gather3A_457] in [0] : vector<16xi32>, vector<16xi32> -> vector<16xi32>
        %and3A_459 = arith.constant 524287 : i32
        %and3A_460 = vector.broadcast %and3A_459 : i32 to vector<16xi32>
        %and3A_461 = arith.andi %gather3A_458, %and3A_460 : vector<16xi32>
        %shift_left3A_462 = arith.constant 12 : i32
        %shift_left3A_463 = vector.broadcast %shift_left3A_462 : i32 to vector<16xi32>
        %shift_left3A_464 = arith.shli %and3A_461, %shift_left3A_463 : vector<16xi32>
        %bitcast3A_465 = vector.bitcast %shift_left3A_464 : vector<16xi32> to vector<16xf32>
        %mul3A_466 = arith.mulf %bitcast3A_465, %get3A_1 : vector<16xf32>
        %gather3A_467 = tpu.vector_load_idx %arg20[%bitcast3A_291] : memref<3200xf32, #tpu.memory_space<vmem>>[vector<16xi32>], vector<16xf32>,
        %max3A_468 = arith.maximumf %gather3A_467, %mul3A_466 : vector<16xf32>
        %sub3A_469 = arith.subf %mul3A_358, %max3A_468 : vector<16xf32>
        %exp3A_470 = math.exp %sub3A_469 : vector<16xf32>
        %jit3A_471 = arith.constant 0.000000e+00 : f32
        %broadcast_in_dim3A_472 = vector.broadcast %jit3A_471 : f32 to vector<16xf32>
        %select_n3A_473 = arith.select %lt3A_287, %exp3A_470, %broadcast_in_dim3A_472 : vector<16xi1>, vector<16xf32>
        %cumsum3A_474 = arith.constant true
        %cumsum3A_475 = vector.broadcast %cumsum3A_474 : i1 to vector<16xi1>
        %cumsum3A_476 = tpu.scan <sum>, %select_n3A_473 masked %cumsum3A_475 : vector<16xf32>, vector<16xi1> -> vector<16xf32>
        %broadcast_in_dim3A_477 = vector.shape_cast %max3A_317 : vector<16xi32> to vector<16x1xi32>
        %gather3A_478 = vector.shape_cast %broadcast_in_dim3A_477 : vector<16x1xi32> to vector<16xi32>
        %gather3A_479 = tpu.dynamic_gather %cumsum3A_476[%gather3A_478] in [0] : vector<16xf32>, vector<16xi32> -> vector<16xf32>
        %jit3A_480 = arith.constant 0.000000e+00 : f32
        %broadcast_in_dim3A_481 = vector.broadcast %jit3A_480 : f32 to vector<16xf32>
        %select_n3A_482 = arith.select %eq3A_320, %broadcast_in_dim3A_481, %gather3A_479 : vector<16xi1>, vector<16xf32>
        %gather3A_483 = tpu.vector_load_idx %arg28[%bitcast3A_291] : memref<3200xf32, #tpu.memory_space<vmem>>[vector<16xi32>], vector<16xf32>,
        %sub3A_484 = arith.subf %gather3A_467, %max3A_468 : vector<16xf32>
        %exp3A_485 = math.exp %sub3A_484 : vector<16xf32>
        %mul3A_486 = arith.mulf %gather3A_483, %exp3A_485 : vector<16xf32>
        %sub3A_487 = arith.subf %cumsum3A_476, %select_n3A_482 : vector<16xf32>
        %add3A_488 = arith.addf %mul3A_486, %sub3A_487 : vector<16xf32>
        tpu.vector_store_idx %arg28[%bitcast3A_291], %add3A_488 masked %and3A_302 : memref<3200xf32, #tpu.memory_space<vmem>>[vector<16xi32>], vector<16xf32>, vector<16xi1>
        tpu.vector_store_idx %arg20[%bitcast3A_291], %max3A_468 masked %and3A_302 : memref<3200xf32, #tpu.memory_space<vmem>>[vector<16xi32>], vector<16xf32>, vector<16xi1>
        %or3A_489 = arith.ori %shift_left3A_349, %sub3A_364 : vector<16xi32>
        %jit3A_490 = arith.constant 0 : i32
        %broadcast_in_dim3A_491 = vector.broadcast %jit3A_490 : i32 to vector<16xi32>
        %select_n3A_492 = arith.select %lt3A_287, %or3A_489, %broadcast_in_dim3A_491 : vector<16xi1>, vector<16xi32>
        %broadcast_in_dim3A_493 = arith.constant true
        %broadcast_in_dim3A_494 = vector.broadcast %broadcast_in_dim3A_493 : i1 to vector<16xi1>
        %masked_cummax3A_495 = tpu.scan <max>, %select_n3A_492 masked %broadcast_in_dim3A_494 : vector<16xi32>, vector<16xi1> -> vector<16xi32>
        %bitcast3A_496 = vector.bitcast %masked_cummax3A_495 : vector<16xi32> to vector<16xi32>
        %broadcast_in_dim3A_497 = vector.shape_cast %gather3A_347 : vector<16xi32> to vector<16x1xi32>
        %gather3A_498 = vector.shape_cast %broadcast_in_dim3A_497 : vector<16x1xi32> to vector<16xi32>
        %gather3A_499 = tpu.dynamic_gather %bitcast3A_496[%gather3A_498] in [0] : vector<16xi32>, vector<16xi32> -> vector<16xi32>
        %and3A_500 = arith.constant 524287 : i32
        %and3A_501 = vector.broadcast %and3A_500 : i32 to vector<16xi32>
        %and3A_502 = arith.andi %gather3A_499, %and3A_501 : vector<16xi32>
        %sub3A_503 = arith.constant 524287 : i32
        %sub3A_504 = vector.broadcast %sub3A_503 : i32 to vector<16xi32>
        %sub3A_505 = arith.subi %sub3A_504, %and3A_502 : vector<16xi32>
        %shift_left3A_506 = arith.constant 12 : i32
        %shift_left3A_507 = vector.broadcast %shift_left3A_506 : i32 to vector<16xi32>
        %shift_left3A_508 = arith.shli %sub3A_505, %shift_left3A_507 : vector<16xi32>
        %bitcast3A_509 = vector.bitcast %shift_left3A_508 : vector<16xi32> to vector<16xf32>
        %mul3A_510 = arith.mulf %bitcast3A_509, %get3A_1 : vector<16xf32>
        %gather3A_511 = tpu.vector_load_idx %arg21[%bitcast3A_291] : memref<3200xf32, #tpu.memory_space<vmem>>[vector<16xi32>], vector<16xf32>,
        %min3A_512 = arith.minimumf %gather3A_511, %mul3A_510 : vector<16xf32>
        %sub3A_513 = arith.subf %min3A_512, %mul3A_358 : vector<16xf32>
        %exp3A_514 = math.exp %sub3A_513 : vector<16xf32>
        %jit3A_515 = arith.constant 0.000000e+00 : f32
        %broadcast_in_dim3A_516 = vector.broadcast %jit3A_515 : f32 to vector<16xf32>
        %select_n3A_517 = arith.select %lt3A_287, %exp3A_514, %broadcast_in_dim3A_516 : vector<16xi1>, vector<16xf32>
        %cumsum3A_518 = arith.constant true
        %cumsum3A_519 = vector.broadcast %cumsum3A_518 : i1 to vector<16xi1>
        %cumsum3A_520 = tpu.scan <sum>, %select_n3A_517 masked %cumsum3A_519 : vector<16xf32>, vector<16xi1> -> vector<16xf32>
        %broadcast_in_dim3A_521 = vector.shape_cast %max3A_317 : vector<16xi32> to vector<16x1xi32>
        %gather3A_522 = vector.shape_cast %broadcast_in_dim3A_521 : vector<16x1xi32> to vector<16xi32>
        %gather3A_523 = tpu.dynamic_gather %cumsum3A_520[%gather3A_522] in [0] : vector<16xf32>, vector<16xi32> -> vector<16xf32>
        %jit3A_524 = arith.constant 0.000000e+00 : f32
        %broadcast_in_dim3A_525 = vector.broadcast %jit3A_524 : f32 to vector<16xf32>
        %select_n3A_526 = arith.select %eq3A_320, %broadcast_in_dim3A_525, %gather3A_523 : vector<16xi1>, vector<16xf32>
        %gather3A_527 = tpu.vector_load_idx %arg29[%bitcast3A_291] : memref<3200xf32, #tpu.memory_space<vmem>>[vector<16xi32>], vector<16xf32>,
        %sub3A_528 = arith.subf %min3A_512, %gather3A_511 : vector<16xf32>
        %exp3A_529 = math.exp %sub3A_528 : vector<16xf32>
        %mul3A_530 = arith.mulf %gather3A_527, %exp3A_529 : vector<16xf32>
        %sub3A_531 = arith.subf %cumsum3A_520, %select_n3A_526 : vector<16xf32>
        %add3A_532 = arith.addf %mul3A_530, %sub3A_531 : vector<16xf32>
        tpu.vector_store_idx %arg29[%bitcast3A_291], %add3A_532 masked %and3A_302 : memref<3200xf32, #tpu.memory_space<vmem>>[vector<16xi32>], vector<16xf32>, vector<16xi1>
        tpu.vector_store_idx %arg21[%bitcast3A_291], %min3A_512 masked %and3A_302 : memref<3200xf32, #tpu.memory_space<vmem>>[vector<16xi32>], vector<16xf32>, vector<16xi1>
        %mul3A_533 = arith.constant 2 : i32
        %mul3A_534 = arith.muli %mul3A_533, %scan3A_273 : i32
        %add3A_535 = arith.constant 1 : i32
        %add3A_536 = arith.addi %mul3A_534, %add3A_535 : i32
        %mul3A_537 = arith.constant 16 : i32
        %mul3A_538 = arith.muli %add3A_536, %mul3A_537 : i32
        %get3A_539 = arith.index_cast %mul3A_538 : i32 to index
        %get3A_540 = tpu.vector_load %arg12[%get3A_539] {strides = array<i32>} : memref<4096xi32, #tpu.memory_space<vmem>>, vector<16xi32>,
        %get3A_541 = arith.index_cast %mul3A_538 : i32 to index
        %get3A_542 = tpu.vector_load %arg8[%get3A_541] {strides = array<i32>} : memref<4096xf32, #tpu.memory_space<vmem>>, vector<16xf32>,
        %get3A_543 = arith.index_cast %mul3A_538 : i32 to index
        %get3A_544 = tpu.vector_load %arg10[%get3A_543] {strides = array<i32>} : memref<4096xf32, #tpu.memory_space<vmem>>, vector<16xf32>,
        %sub3A_545 = vector.broadcast %mul3A_71 : i32 to vector<16xi32>
        %sub3A_546 = arith.subi %get3A_540, %sub3A_545 : vector<16xi32>
        %bitcast3A_547 = vector.bitcast %sub3A_546 : vector<16xi32> to vector<16xi32>
        %lt3A_548 = arith.constant 3200 : i32
        %lt3A_549 = vector.broadcast %lt3A_548 : i32 to vector<16xi32>
        %lt3A_550 = arith.cmpi ult, %bitcast3A_547, %lt3A_549 : vector<16xi32>
        %min3A_551 = arith.constant 3199 : i32
        %min3A_552 = vector.broadcast %min3A_551 : i32 to vector<16xi32>
        %min3A_553 = arith.minui %bitcast3A_547, %min3A_552 : vector<16xi32>
        %bitcast3A_554 = vector.bitcast %min3A_553 : vector<16xi32> to vector<16xi32>
        %eq3A_555 = arith.constant 15 : i32
        %eq3A_556 = vector.broadcast %eq3A_555 : i32 to vector<16xi32>
        %eq3A_557 = arith.cmpi eq, %iota3A, %eq3A_556 : vector<16xi32>
        %broadcast_in_dim3A_558 = vector.shape_cast %min3A_10 : vector<16xi32> to vector<16x1xi32>
        %gather3A_559 = vector.shape_cast %broadcast_in_dim3A_558 : vector<16x1xi32> to vector<16xi32>
        %gather3A_560 = tpu.dynamic_gather %get3A_540[%gather3A_559] in [0] : vector<16xi32>, vector<16xi32> -> vector<16xi32>
        %ne3A_561 = arith.cmpi ne, %get3A_540, %gather3A_560 : vector<16xi32>
        %or3A_562 = arith.ori %eq3A_557, %ne3A_561 : vector<16xi1>
        %broadcast_in_dim3A_563 = vector.shape_cast %max3A_5 : vector<16xi32> to vector<16x1xi32>
        %gather3A_564 = vector.shape_cast %broadcast_in_dim3A_563 : vector<16x1xi32> to vector<16xi32>
        %gather3A_565 = tpu.dynamic_gather %get3A_540[%gather3A_564] in [0] : vector<16xi32>, vector<16xi32> -> vector<16xi32>
        %ne3A_566 = arith.cmpi ne, %get3A_540, %gather3A_565 : vector<16xi32>
        %and3A_567 = arith.andi %or3A_562, %lt3A_550 : vector<16xi1>
        %jit3A_568 = arith.constant 0 : i32
        %broadcast_in_dim3A_569 = vector.broadcast %jit3A_568 : i32 to vector<16xi32>
        %select_n3A_570 = arith.select %ne3A_566, %iota3A, %broadcast_in_dim3A_569 : vector<16xi1>, vector<16xi32>
        %broadcast_in_dim3A_571 = arith.constant true
        %broadcast_in_dim3A_572 = vector.broadcast %broadcast_in_dim3A_571 : i1 to vector<16xi1>
        %masked_cummax3A_573 = arith.constant -2147483648 : i32
        %masked_cummax3A_574 = vector.broadcast %masked_cummax3A_573 : i32 to vector<16xi32>
        %masked_cummax3A_575 = arith.xori %select_n3A_570, %masked_cummax3A_574 : vector<16xi32>
        %masked_cummax3A_576 = tpu.scan <max>, %masked_cummax3A_575 masked %broadcast_in_dim3A_572 : vector<16xi32>, vector<16xi1> -> vector<16xi32>
        %masked_cummax3A_577 = arith.xori %masked_cummax3A_576, %masked_cummax3A_574 : vector<16xi32>
        %sub3A_578 = arith.constant 1 : i32
        %sub3A_579 = vector.broadcast %sub3A_578 : i32 to vector<16xi32>
        %sub3A_580 = arith.subi %masked_cummax3A_577, %sub3A_579 : vector<16xi32>
        %max3A_581 = arith.constant 0 : i32
        %max3A_582 = vector.broadcast %max3A_581 : i32 to vector<16xi32>
        %max3A_583 = arith.maxsi %sub3A_580, %max3A_582 : vector<16xi32>
        %eq3A_584 = arith.constant 0 : i32
        %eq3A_585 = vector.broadcast %eq3A_584 : i32 to vector<16xi32>
        %eq3A_586 = arith.cmpi eq, %masked_cummax3A_577, %eq3A_585 : vector<16xi32>
        %jit3A_587 = arith.constant 1 : i32
        %jit3A_588 = arith.constant 0 : i32
        %broadcast_in_dim3A_589 = vector.broadcast %jit3A_587 : i32 to vector<16xi32>
        %broadcast_in_dim3A_590 = vector.broadcast %jit3A_588 : i32 to vector<16xi32>
        %select_n3A_591 = arith.select %or3A_562, %broadcast_in_dim3A_589, %broadcast_in_dim3A_590 : vector<16xi1>, vector<16xi32>
        %broadcast_in_dim3A_592 = vector.shape_cast %sub3A_13 : vector<16xi32> to vector<16x1xi32>
        %gather3A_593 = vector.shape_cast %broadcast_in_dim3A_592 : vector<16x1xi32> to vector<16xi32>
        %gather3A_594 = tpu.dynamic_gather %select_n3A_591[%gather3A_593] in [0] : vector<16xi32>, vector<16xi32> -> vector<16xi32>
        %ne3A_595 = arith.constant 0 : i32
        %ne3A_596 = vector.broadcast %ne3A_595 : i32 to vector<16xi32>
        %ne3A_597 = arith.cmpi ne, %gather3A_594, %ne3A_596 : vector<16xi32>
        %jit3A_598 = arith.constant 0 : i32
        %broadcast_in_dim3A_599 = vector.broadcast %jit3A_598 : i32 to vector<16xi32>
        %select_n3A_600 = arith.select %ne3A_597, %iota3A, %broadcast_in_dim3A_599 : vector<16xi1>, vector<16xi32>
        %broadcast_in_dim3A_601 = arith.constant true
        %broadcast_in_dim3A_602 = vector.broadcast %broadcast_in_dim3A_601 : i1 to vector<16xi1>
        %masked_cummax3A_603 = arith.constant -2147483648 : i32
        %masked_cummax3A_604 = vector.broadcast %masked_cummax3A_603 : i32 to vector<16xi32>
        %masked_cummax3A_605 = arith.xori %select_n3A_600, %masked_cummax3A_604 : vector<16xi32>
        %masked_cummax3A_606 = tpu.scan <max>, %masked_cummax3A_605 masked %broadcast_in_dim3A_602 : vector<16xi32>, vector<16xi1> -> vector<16xi32>
        %masked_cummax3A_607 = arith.xori %masked_cummax3A_606, %masked_cummax3A_604 : vector<16xi32>
        %sub3A_608 = arith.constant 15 : i32
        %sub3A_609 = vector.broadcast %sub3A_608 : i32 to vector<16xi32>
        %sub3A_610 = arith.subi %sub3A_609, %masked_cummax3A_607 : vector<16xi32>
        %broadcast_in_dim3A_611 = vector.shape_cast %sub3A_13 : vector<16xi32> to vector<16x1xi32>
        %gather3A_612 = vector.shape_cast %broadcast_in_dim3A_611 : vector<16x1xi32> to vector<16xi32>
        %gather3A_613 = tpu.dynamic_gather %sub3A_610[%gather3A_612] in [0] : vector<16xi32>, vector<16xi32> -> vector<16xi32>
        %shift_left3A_614 = arith.constant 19 : i32
        %shift_left3A_615 = vector.broadcast %shift_left3A_614 : i32 to vector<16xi32>
        %shift_left3A_616 = arith.shli %bitcast3A_547, %shift_left3A_615 : vector<16xi32>
        %bitcast3A_617 = vector.bitcast %get3A_542 : vector<16xf32> to vector<16xi32>
        %shift_right_logical3A_618 = arith.constant 12 : i32
        %shift_right_logical3A_619 = vector.broadcast %shift_right_logical3A_618 : i32 to vector<16xi32>
        %shift_right_logical3A_620 = arith.shrui %bitcast3A_617, %shift_right_logical3A_619 : vector<16xi32>
        %bitcast3A_621 = vector.bitcast %get3A_544 : vector<16xf32> to vector<16xi32>
        %shift_right_logical3A_622 = arith.constant 12 : i32
        %shift_right_logical3A_623 = vector.broadcast %shift_right_logical3A_622 : i32 to vector<16xi32>
        %shift_right_logical3A_624 = arith.shrui %bitcast3A_621, %shift_right_logical3A_623 : vector<16xi32>
        %mul3A_625 = arith.mulf %get3A_542, %get3A_1 : vector<16xf32>
        %mul3A_626 = arith.mulf %get3A_544, %get3A_1 : vector<16xf32>
        %sub3A_627 = arith.constant 524287 : i32
        %sub3A_628 = vector.broadcast %sub3A_627 : i32 to vector<16xi32>
        %sub3A_629 = arith.subi %sub3A_628, %shift_right_logical3A_620 : vector<16xi32>
        %sub3A_630 = arith.constant 524287 : i32
        %sub3A_631 = vector.broadcast %sub3A_630 : i32 to vector<16xi32>
        %sub3A_632 = arith.subi %sub3A_631, %shift_right_logical3A_624 : vector<16xi32>
        %or3A_633 = arith.ori %shift_left3A_616, %shift_right_logical3A_620 : vector<16xi32>
        %jit3A_634 = arith.constant 0 : i32
        %broadcast_in_dim3A_635 = vector.broadcast %jit3A_634 : i32 to vector<16xi32>
        %select_n3A_636 = arith.select %lt3A_550, %or3A_633, %broadcast_in_dim3A_635 : vector<16xi1>, vector<16xi32>
        %broadcast_in_dim3A_637 = arith.constant true
        %broadcast_in_dim3A_638 = vector.broadcast %broadcast_in_dim3A_637 : i1 to vector<16xi1>
        %masked_cummax3A_639 = tpu.scan <max>, %select_n3A_636 masked %broadcast_in_dim3A_638 : vector<16xi32>, vector<16xi1> -> vector<16xi32>
        %bitcast3A_640 = vector.bitcast %masked_cummax3A_639 : vector<16xi32> to vector<16xi32>
        %broadcast_in_dim3A_641 = vector.shape_cast %gather3A_613 : vector<16xi32> to vector<16x1xi32>
        %gather3A_642 = vector.shape_cast %broadcast_in_dim3A_641 : vector<16x1xi32> to vector<16xi32>
        %gather3A_643 = tpu.dynamic_gather %bitcast3A_640[%gather3A_642] in [0] : vector<16xi32>, vector<16xi32> -> vector<16xi32>
        %and3A_644 = arith.constant 524287 : i32
        %and3A_645 = vector.broadcast %and3A_644 : i32 to vector<16xi32>
        %and3A_646 = arith.andi %gather3A_643, %and3A_645 : vector<16xi32>
        %shift_left3A_647 = arith.constant 12 : i32
        %shift_left3A_648 = vector.broadcast %shift_left3A_647 : i32 to vector<16xi32>
        %shift_left3A_649 = arith.shli %and3A_646, %shift_left3A_648 : vector<16xi32>
        %bitcast3A_650 = vector.bitcast %shift_left3A_649 : vector<16xi32> to vector<16xf32>
        %mul3A_651 = arith.mulf %bitcast3A_650, %get3A_1 : vector<16xf32>
        %gather3A_652 = tpu.vector_load_idx %arg22[%bitcast3A_554] : memref<3200xf32, #tpu.memory_space<vmem>>[vector<16xi32>], vector<16xf32>,
        %max3A_653 = arith.maximumf %gather3A_652, %mul3A_651 : vector<16xf32>
        %sub3A_654 = arith.subf %mul3A_625, %max3A_653 : vector<16xf32>
        %exp3A_655 = math.exp %sub3A_654 : vector<16xf32>
        %jit3A_656 = arith.constant 0.000000e+00 : f32
        %broadcast_in_dim3A_657 = vector.broadcast %jit3A_656 : f32 to vector<16xf32>
        %select_n3A_658 = arith.select %lt3A_550, %exp3A_655, %broadcast_in_dim3A_657 : vector<16xi1>, vector<16xf32>
        %cumsum3A_659 = arith.constant true
        %cumsum3A_660 = vector.broadcast %cumsum3A_659 : i1 to vector<16xi1>
        %cumsum3A_661 = tpu.scan <sum>, %select_n3A_658 masked %cumsum3A_660 : vector<16xf32>, vector<16xi1> -> vector<16xf32>
        %broadcast_in_dim3A_662 = vector.shape_cast %max3A_583 : vector<16xi32> to vector<16x1xi32>
        %gather3A_663 = vector.shape_cast %broadcast_in_dim3A_662 : vector<16x1xi32> to vector<16xi32>
        %gather3A_664 = tpu.dynamic_gather %cumsum3A_661[%gather3A_663] in [0] : vector<16xf32>, vector<16xi32> -> vector<16xf32>
        %jit3A_665 = arith.constant 0.000000e+00 : f32
        %broadcast_in_dim3A_666 = vector.broadcast %jit3A_665 : f32 to vector<16xf32>
        %select_n3A_667 = arith.select %eq3A_586, %broadcast_in_dim3A_666, %gather3A_664 : vector<16xi1>, vector<16xf32>
        %gather3A_668 = tpu.vector_load_idx %arg30[%bitcast3A_554] : memref<3200xf32, #tpu.memory_space<vmem>>[vector<16xi32>], vector<16xf32>,
        %sub3A_669 = arith.subf %gather3A_652, %max3A_653 : vector<16xf32>
        %exp3A_670 = math.exp %sub3A_669 : vector<16xf32>
        %mul3A_671 = arith.mulf %gather3A_668, %exp3A_670 : vector<16xf32>
        %sub3A_672 = arith.subf %cumsum3A_661, %select_n3A_667 : vector<16xf32>
        %add3A_673 = arith.addf %mul3A_671, %sub3A_672 : vector<16xf32>
        tpu.vector_store_idx %arg30[%bitcast3A_554], %add3A_673 masked %and3A_567 : memref<3200xf32, #tpu.memory_space<vmem>>[vector<16xi32>], vector<16xf32>, vector<16xi1>
        tpu.vector_store_idx %arg22[%bitcast3A_554], %max3A_653 masked %and3A_567 : memref<3200xf32, #tpu.memory_space<vmem>>[vector<16xi32>], vector<16xf32>, vector<16xi1>
        %or3A_674 = arith.ori %shift_left3A_616, %sub3A_629 : vector<16xi32>
        %jit3A_675 = arith.constant 0 : i32
        %broadcast_in_dim3A_676 = vector.broadcast %jit3A_675 : i32 to vector<16xi32>
        %select_n3A_677 = arith.select %lt3A_550, %or3A_674, %broadcast_in_dim3A_676 : vector<16xi1>, vector<16xi32>
        %broadcast_in_dim3A_678 = arith.constant true
        %broadcast_in_dim3A_679 = vector.broadcast %broadcast_in_dim3A_678 : i1 to vector<16xi1>
        %masked_cummax3A_680 = tpu.scan <max>, %select_n3A_677 masked %broadcast_in_dim3A_679 : vector<16xi32>, vector<16xi1> -> vector<16xi32>
        %bitcast3A_681 = vector.bitcast %masked_cummax3A_680 : vector<16xi32> to vector<16xi32>
        %broadcast_in_dim3A_682 = vector.shape_cast %gather3A_613 : vector<16xi32> to vector<16x1xi32>
        %gather3A_683 = vector.shape_cast %broadcast_in_dim3A_682 : vector<16x1xi32> to vector<16xi32>
        %gather3A_684 = tpu.dynamic_gather %bitcast3A_681[%gather3A_683] in [0] : vector<16xi32>, vector<16xi32> -> vector<16xi32>
        %and3A_685 = arith.constant 524287 : i32
        %and3A_686 = vector.broadcast %and3A_685 : i32 to vector<16xi32>
        %and3A_687 = arith.andi %gather3A_684, %and3A_686 : vector<16xi32>
        %sub3A_688 = arith.constant 524287 : i32
        %sub3A_689 = vector.broadcast %sub3A_688 : i32 to vector<16xi32>
        %sub3A_690 = arith.subi %sub3A_689, %and3A_687 : vector<16xi32>
        %shift_left3A_691 = arith.constant 12 : i32
        %shift_left3A_692 = vector.broadcast %shift_left3A_691 : i32 to vector<16xi32>
        %shift_left3A_693 = arith.shli %sub3A_690, %shift_left3A_692 : vector<16xi32>
        %bitcast3A_694 = vector.bitcast %shift_left3A_693 : vector<16xi32> to vector<16xf32>
        %mul3A_695 = arith.mulf %bitcast3A_694, %get3A_1 : vector<16xf32>
        %gather3A_696 = tpu.vector_load_idx %arg23[%bitcast3A_554] : memref<3200xf32, #tpu.memory_space<vmem>>[vector<16xi32>], vector<16xf32>,
        %min3A_697 = arith.minimumf %gather3A_696, %mul3A_695 : vector<16xf32>
        %sub3A_698 = arith.subf %min3A_697, %mul3A_625 : vector<16xf32>
        %exp3A_699 = math.exp %sub3A_698 : vector<16xf32>
        %jit3A_700 = arith.constant 0.000000e+00 : f32
        %broadcast_in_dim3A_701 = vector.broadcast %jit3A_700 : f32 to vector<16xf32>
        %select_n3A_702 = arith.select %lt3A_550, %exp3A_699, %broadcast_in_dim3A_701 : vector<16xi1>, vector<16xf32>
        %cumsum3A_703 = arith.constant true
        %cumsum3A_704 = vector.broadcast %cumsum3A_703 : i1 to vector<16xi1>
        %cumsum3A_705 = tpu.scan <sum>, %select_n3A_702 masked %cumsum3A_704 : vector<16xf32>, vector<16xi1> -> vector<16xf32>
        %broadcast_in_dim3A_706 = vector.shape_cast %max3A_583 : vector<16xi32> to vector<16x1xi32>
        %gather3A_707 = vector.shape_cast %broadcast_in_dim3A_706 : vector<16x1xi32> to vector<16xi32>
        %gather3A_708 = tpu.dynamic_gather %cumsum3A_705[%gather3A_707] in [0] : vector<16xf32>, vector<16xi32> -> vector<16xf32>
        %jit3A_709 = arith.constant 0.000000e+00 : f32
        %broadcast_in_dim3A_710 = vector.broadcast %jit3A_709 : f32 to vector<16xf32>
        %select_n3A_711 = arith.select %eq3A_586, %broadcast_in_dim3A_710, %gather3A_708 : vector<16xi1>, vector<16xf32>
        %gather3A_712 = tpu.vector_load_idx %arg31[%bitcast3A_554] : memref<3200xf32, #tpu.memory_space<vmem>>[vector<16xi32>], vector<16xf32>,
        %sub3A_713 = arith.subf %min3A_697, %gather3A_696 : vector<16xf32>
        %exp3A_714 = math.exp %sub3A_713 : vector<16xf32>
        %mul3A_715 = arith.mulf %gather3A_712, %exp3A_714 : vector<16xf32>
        %sub3A_716 = arith.subf %cumsum3A_705, %select_n3A_711 : vector<16xf32>
        %add3A_717 = arith.addf %mul3A_715, %sub3A_716 : vector<16xf32>
        tpu.vector_store_idx %arg31[%bitcast3A_554], %add3A_717 masked %and3A_567 : memref<3200xf32, #tpu.memory_space<vmem>>[vector<16xi32>], vector<16xf32>, vector<16xi1>
        tpu.vector_store_idx %arg23[%bitcast3A_554], %min3A_697 masked %and3A_567 : memref<3200xf32, #tpu.memory_space<vmem>>[vector<16xi32>], vector<16xf32>, vector<16xi1>
        %or3A_718 = arith.ori %shift_left3A_616, %shift_right_logical3A_624 : vector<16xi32>
        %jit3A_719 = arith.constant 0 : i32
        %broadcast_in_dim3A_720 = vector.broadcast %jit3A_719 : i32 to vector<16xi32>
        %select_n3A_721 = arith.select %lt3A_550, %or3A_718, %broadcast_in_dim3A_720 : vector<16xi1>, vector<16xi32>
        %broadcast_in_dim3A_722 = arith.constant true
        %broadcast_in_dim3A_723 = vector.broadcast %broadcast_in_dim3A_722 : i1 to vector<16xi1>
        %masked_cummax3A_724 = tpu.scan <max>, %select_n3A_721 masked %broadcast_in_dim3A_723 : vector<16xi32>, vector<16xi1> -> vector<16xi32>
        %bitcast3A_725 = vector.bitcast %masked_cummax3A_724 : vector<16xi32> to vector<16xi32>
        %broadcast_in_dim3A_726 = vector.shape_cast %gather3A_613 : vector<16xi32> to vector<16x1xi32>
        %gather3A_727 = vector.shape_cast %broadcast_in_dim3A_726 : vector<16x1xi32> to vector<16xi32>
        %gather3A_728 = tpu.dynamic_gather %bitcast3A_725[%gather3A_727] in [0] : vector<16xi32>, vector<16xi32> -> vector<16xi32>
        %and3A_729 = arith.constant 524287 : i32
        %and3A_730 = vector.broadcast %and3A_729 : i32 to vector<16xi32>
        %and3A_731 = arith.andi %gather3A_728, %and3A_730 : vector<16xi32>
        %shift_left3A_732 = arith.constant 12 : i32
        %shift_left3A_733 = vector.broadcast %shift_left3A_732 : i32 to vector<16xi32>
        %shift_left3A_734 = arith.shli %and3A_731, %shift_left3A_733 : vector<16xi32>
        %bitcast3A_735 = vector.bitcast %shift_left3A_734 : vector<16xi32> to vector<16xf32>
        %mul3A_736 = arith.mulf %bitcast3A_735, %get3A_1 : vector<16xf32>
        %gather3A_737 = tpu.vector_load_idx %arg24[%bitcast3A_554] : memref<3200xf32, #tpu.memory_space<vmem>>[vector<16xi32>], vector<16xf32>,
        %max3A_738 = arith.maximumf %gather3A_737, %mul3A_736 : vector<16xf32>
        %sub3A_739 = arith.subf %mul3A_626, %max3A_738 : vector<16xf32>
        %exp3A_740 = math.exp %sub3A_739 : vector<16xf32>
        %jit3A_741 = arith.constant 0.000000e+00 : f32
        %broadcast_in_dim3A_742 = vector.broadcast %jit3A_741 : f32 to vector<16xf32>
        %select_n3A_743 = arith.select %lt3A_550, %exp3A_740, %broadcast_in_dim3A_742 : vector<16xi1>, vector<16xf32>
        %cumsum3A_744 = arith.constant true
        %cumsum3A_745 = vector.broadcast %cumsum3A_744 : i1 to vector<16xi1>
        %cumsum3A_746 = tpu.scan <sum>, %select_n3A_743 masked %cumsum3A_745 : vector<16xf32>, vector<16xi1> -> vector<16xf32>
        %broadcast_in_dim3A_747 = vector.shape_cast %max3A_583 : vector<16xi32> to vector<16x1xi32>
        %gather3A_748 = vector.shape_cast %broadcast_in_dim3A_747 : vector<16x1xi32> to vector<16xi32>
        %gather3A_749 = tpu.dynamic_gather %cumsum3A_746[%gather3A_748] in [0] : vector<16xf32>, vector<16xi32> -> vector<16xf32>
        %jit3A_750 = arith.constant 0.000000e+00 : f32
        %broadcast_in_dim3A_751 = vector.broadcast %jit3A_750 : f32 to vector<16xf32>
        %select_n3A_752 = arith.select %eq3A_586, %broadcast_in_dim3A_751, %gather3A_749 : vector<16xi1>, vector<16xf32>
        %gather3A_753 = tpu.vector_load_idx %arg32[%bitcast3A_554] : memref<3200xf32, #tpu.memory_space<vmem>>[vector<16xi32>], vector<16xf32>,
        %sub3A_754 = arith.subf %gather3A_737, %max3A_738 : vector<16xf32>
        %exp3A_755 = math.exp %sub3A_754 : vector<16xf32>
        %mul3A_756 = arith.mulf %gather3A_753, %exp3A_755 : vector<16xf32>
        %sub3A_757 = arith.subf %cumsum3A_746, %select_n3A_752 : vector<16xf32>
        %add3A_758 = arith.addf %mul3A_756, %sub3A_757 : vector<16xf32>
        tpu.vector_store_idx %arg32[%bitcast3A_554], %add3A_758 masked %and3A_567 : memref<3200xf32, #tpu.memory_space<vmem>>[vector<16xi32>], vector<16xf32>, vector<16xi1>
        tpu.vector_store_idx %arg24[%bitcast3A_554], %max3A_738 masked %and3A_567 : memref<3200xf32, #tpu.memory_space<vmem>>[vector<16xi32>], vector<16xf32>, vector<16xi1>
        %or3A_759 = arith.ori %shift_left3A_616, %sub3A_632 : vector<16xi32>
        %jit3A_760 = arith.constant 0 : i32
        %broadcast_in_dim3A_761 = vector.broadcast %jit3A_760 : i32 to vector<16xi32>
        %select_n3A_762 = arith.select %lt3A_550, %or3A_759, %broadcast_in_dim3A_761 : vector<16xi1>, vector<16xi32>
        %broadcast_in_dim3A_763 = arith.constant true
        %broadcast_in_dim3A_764 = vector.broadcast %broadcast_in_dim3A_763 : i1 to vector<16xi1>
        %masked_cummax3A_765 = tpu.scan <max>, %select_n3A_762 masked %broadcast_in_dim3A_764 : vector<16xi32>, vector<16xi1> -> vector<16xi32>
        %bitcast3A_766 = vector.bitcast %masked_cummax3A_765 : vector<16xi32> to vector<16xi32>
        %broadcast_in_dim3A_767 = vector.shape_cast %gather3A_613 : vector<16xi32> to vector<16x1xi32>
        %gather3A_768 = vector.shape_cast %broadcast_in_dim3A_767 : vector<16x1xi32> to vector<16xi32>
        %gather3A_769 = tpu.dynamic_gather %bitcast3A_766[%gather3A_768] in [0] : vector<16xi32>, vector<16xi32> -> vector<16xi32>
        %and3A_770 = arith.constant 524287 : i32
        %and3A_771 = vector.broadcast %and3A_770 : i32 to vector<16xi32>
        %and3A_772 = arith.andi %gather3A_769, %and3A_771 : vector<16xi32>
        %sub3A_773 = arith.constant 524287 : i32
        %sub3A_774 = vector.broadcast %sub3A_773 : i32 to vector<16xi32>
        %sub3A_775 = arith.subi %sub3A_774, %and3A_772 : vector<16xi32>
        %shift_left3A_776 = arith.constant 12 : i32
        %shift_left3A_777 = vector.broadcast %shift_left3A_776 : i32 to vector<16xi32>
        %shift_left3A_778 = arith.shli %sub3A_775, %shift_left3A_777 : vector<16xi32>
        %bitcast3A_779 = vector.bitcast %shift_left3A_778 : vector<16xi32> to vector<16xf32>
        %mul3A_780 = arith.mulf %bitcast3A_779, %get3A_1 : vector<16xf32>
        %gather3A_781 = tpu.vector_load_idx %arg25[%bitcast3A_554] : memref<3200xf32, #tpu.memory_space<vmem>>[vector<16xi32>], vector<16xf32>,
        %min3A_782 = arith.minimumf %gather3A_781, %mul3A_780 : vector<16xf32>
        %sub3A_783 = arith.subf %min3A_782, %mul3A_626 : vector<16xf32>
        %exp3A_784 = math.exp %sub3A_783 : vector<16xf32>
        %jit3A_785 = arith.constant 0.000000e+00 : f32
        %broadcast_in_dim3A_786 = vector.broadcast %jit3A_785 : f32 to vector<16xf32>
        %select_n3A_787 = arith.select %lt3A_550, %exp3A_784, %broadcast_in_dim3A_786 : vector<16xi1>, vector<16xf32>
        %cumsum3A_788 = arith.constant true
        %cumsum3A_789 = vector.broadcast %cumsum3A_788 : i1 to vector<16xi1>
        %cumsum3A_790 = tpu.scan <sum>, %select_n3A_787 masked %cumsum3A_789 : vector<16xf32>, vector<16xi1> -> vector<16xf32>
        %broadcast_in_dim3A_791 = vector.shape_cast %max3A_583 : vector<16xi32> to vector<16x1xi32>
        %gather3A_792 = vector.shape_cast %broadcast_in_dim3A_791 : vector<16x1xi32> to vector<16xi32>
        %gather3A_793 = tpu.dynamic_gather %cumsum3A_790[%gather3A_792] in [0] : vector<16xf32>, vector<16xi32> -> vector<16xf32>
        %jit3A_794 = arith.constant 0.000000e+00 : f32
        %broadcast_in_dim3A_795 = vector.broadcast %jit3A_794 : f32 to vector<16xf32>
        %select_n3A_796 = arith.select %eq3A_586, %broadcast_in_dim3A_795, %gather3A_793 : vector<16xi1>, vector<16xf32>
        %gather3A_797 = tpu.vector_load_idx %arg33[%bitcast3A_554] : memref<3200xf32, #tpu.memory_space<vmem>>[vector<16xi32>], vector<16xf32>,
        %sub3A_798 = arith.subf %min3A_782, %gather3A_781 : vector<16xf32>
        %exp3A_799 = math.exp %sub3A_798 : vector<16xf32>
        %mul3A_800 = arith.mulf %gather3A_797, %exp3A_799 : vector<16xf32>
        %sub3A_801 = arith.subf %cumsum3A_790, %select_n3A_796 : vector<16xf32>
        %add3A_802 = arith.addf %mul3A_800, %sub3A_801 : vector<16xf32>
        tpu.vector_store_idx %arg33[%bitcast3A_554], %add3A_802 masked %and3A_567 : memref<3200xf32, #tpu.memory_space<vmem>>[vector<16xi32>], vector<16xf32>, vector<16xi1>
        tpu.vector_store_idx %arg25[%bitcast3A_554], %min3A_782 masked %and3A_567 : memref<3200xf32, #tpu.memory_space<vmem>>[vector<16xi32>], vector<16xf32>, vector<16xi1>
      }
      %scan3A_242 = arith.constant 128 : i32
      %add3A_243 = arith.constant 2 : i32
      %add3A_244 = arith.addi %mul3A_212, %add3A_243 : i32
      %mul3A_245 = arith.constant 4096 : i32
      %mul3A_246 = arith.muli %add3A_244, %mul3A_245 : i32
      %add3A_247 = arith.addi %and3A_72, %mul3A_246 : i32
      %multiple_of3A_248 = tpu.assume_multiple %add3A_247, 8 : i32
      %dma_start3A_249 = tpu.memref_slice %arg2[%multiple_of3A_248] : memref<3212288xf32, #tpu.memory_space<hbm>> -> memref<4096xf32, #tpu.memory_space<hbm>>
      %dma_start3A_250 = tpu.memref_slice %arg2[%multiple_of3A_248] : memref<3212288xf32, #tpu.memory_space<hbm>> -> memref<4096xf32, #tpu.memory_space<hbm>>
      tpu.enqueue_dma source(%dma_start3A_250 : memref<4096xf32, #tpu.memory_space<hbm>>) target(%arg8 : memref<4096xf32, #tpu.memory_space<vmem>>) target_semaphore(%arg14 : memref<!tpu.dma_semaphore, #tpu.memory_space<semaphore_mem>>)
      %dma_start3A_251 = tpu.memref_slice %arg3[%multiple_of3A_248] : memref<3212288xf32, #tpu.memory_space<hbm>> -> memref<4096xf32, #tpu.memory_space<hbm>>
      %dma_start3A_252 = tpu.memref_slice %arg3[%multiple_of3A_248] : memref<3212288xf32, #tpu.memory_space<hbm>> -> memref<4096xf32, #tpu.memory_space<hbm>>
      tpu.enqueue_dma source(%dma_start3A_252 : memref<4096xf32, #tpu.memory_space<hbm>>) target(%arg10 : memref<4096xf32, #tpu.memory_space<vmem>>) target_semaphore(%arg14 : memref<!tpu.dma_semaphore, #tpu.memory_space<semaphore_mem>>)
      %dma_start3A_253 = tpu.memref_slice %arg4[%multiple_of3A_248] : memref<3212288xi32, #tpu.memory_space<hbm>> -> memref<4096xi32, #tpu.memory_space<hbm>>
      %dma_start3A_254 = tpu.memref_slice %arg4[%multiple_of3A_248] : memref<3212288xi32, #tpu.memory_space<hbm>> -> memref<4096xi32, #tpu.memory_space<hbm>>
      tpu.enqueue_dma source(%dma_start3A_254 : memref<4096xi32, #tpu.memory_space<hbm>>) target(%arg12 : memref<4096xi32, #tpu.memory_space<vmem>>) target_semaphore(%arg14 : memref<!tpu.dma_semaphore, #tpu.memory_space<semaphore_mem>>)
      %dma_wait3A_255 = arith.constant 0 : i32
      %dma_wait3A_256 = tpu.memref_slice %arg2[%dma_wait3A_255] : memref<3212288xf32, #tpu.memory_space<hbm>> -> memref<4096xf32, #tpu.memory_space<hbm>>
      %dma_wait3A_257 = arith.constant 0 : i32
      %dma_wait3A_258 = tpu.memref_slice %arg2[%dma_wait3A_257] : memref<3212288xf32, #tpu.memory_space<hbm>> -> memref<4096xf32, #tpu.memory_space<hbm>>
      tpu.wait_dma2 semaphore(%arg15 : memref<!tpu.dma_semaphore, #tpu.memory_space<semaphore_mem>>) src(%dma_wait3A_258 : memref<4096xf32, #tpu.memory_space<hbm>>) dst(%arg9 : memref<4096xf32, #tpu.memory_space<vmem>>)
      %dma_wait3A_259 = arith.constant 0 : i32
      %dma_wait3A_260 = tpu.memref_slice %arg3[%dma_wait3A_259] : memref<3212288xf32, #tpu.memory_space<hbm>> -> memref<4096xf32, #tpu.memory_space<hbm>>
      %dma_wait3A_261 = arith.constant 0 : i32
      %dma_wait3A_262 = tpu.memref_slice %arg3[%dma_wait3A_261] : memref<3212288xf32, #tpu.memory_space<hbm>> -> memref<4096xf32, #tpu.memory_space<hbm>>
      tpu.wait_dma2 semaphore(%arg15 : memref<!tpu.dma_semaphore, #tpu.memory_space<semaphore_mem>>) src(%dma_wait3A_262 : memref<4096xf32, #tpu.memory_space<hbm>>) dst(%arg11 : memref<4096xf32, #tpu.memory_space<vmem>>)
      %dma_wait3A_263 = arith.constant 0 : i32
      %dma_wait3A_264 = tpu.memref_slice %arg4[%dma_wait3A_263] : memref<3212288xi32, #tpu.memory_space<hbm>> -> memref<4096xi32, #tpu.memory_space<hbm>>
      %dma_wait3A_265 = arith.constant 0 : i32
      %dma_wait3A_266 = tpu.memref_slice %arg4[%dma_wait3A_265] : memref<3212288xi32, #tpu.memory_space<hbm>> -> memref<4096xi32, #tpu.memory_space<hbm>>
      tpu.wait_dma2 semaphore(%arg15 : memref<!tpu.dma_semaphore, #tpu.memory_space<semaphore_mem>>) src(%dma_wait3A_266 : memref<4096xi32, #tpu.memory_space<hbm>>) dst(%arg13 : memref<4096xi32, #tpu.memory_space<vmem>>)
      %scan3A_267 = arith.constant 0 : i32
      %scan3A_268 = arith.constant 0 : i32
      %scan3A_269 = arith.constant 128 : i32
      %scan3A_270 = arith.addi %scan3A_268, %scan3A_269 : i32
      %scan3A_271 = arith.constant 1 : i32
      scf.for %scan3A_273 = %scan3A_268 to %scan3A_270 step %scan3A_271  : i32 {
        %mul3A_274 = arith.constant 2 : i32
        %mul3A_275 = arith.muli %mul3A_274, %scan3A_273 : i32
        %mul3A_276 = arith.constant 16 : i32
        %mul3A_277 = arith.muli %mul3A_275, %mul3A_276 : i32
        %get3A_278 = arith.index_cast %mul3A_277 : i32 to index
        %get3A_279 = tpu.vector_load %arg13[%get3A_278] {strides = array<i32>} : memref<4096xi32, #tpu.memory_space<vmem>>, vector<16xi32>,
        %get3A_280 = arith.index_cast %mul3A_277 : i32 to index
        %get3A_281 = tpu.vector_load %arg9[%get3A_280] {strides = array<i32>} : memref<4096xf32, #tpu.memory_space<vmem>>, vector<16xf32>,
        %get3A_282 = arith.index_cast %mul3A_277 : i32 to index
        %get3A_283 = tpu.vector_load %arg11[%get3A_282] {strides = array<i32>} : memref<4096xf32, #tpu.memory_space<vmem>>, vector<16xf32>,
        %sub3A_284 = vector.broadcast %mul3A_71 : i32 to vector<16xi32>
        %sub3A_285 = arith.subi %get3A_279, %sub3A_284 : vector<16xi32>
        %bitcast3A = vector.bitcast %sub3A_285 : vector<16xi32> to vector<16xi32>
        %lt3A = arith.constant 3200 : i32
        %lt3A_286 = vector.broadcast %lt3A : i32 to vector<16xi32>
        %lt3A_287 = arith.cmpi ult, %bitcast3A, %lt3A_286 : vector<16xi32>
        %min3A_288 = arith.constant 3199 : i32
        %min3A_289 = vector.broadcast %min3A_288 : i32 to vector<16xi32>
        %min3A_290 = arith.minui %bitcast3A, %min3A_289 : vector<16xi32>
        %bitcast3A_291 = vector.bitcast %min3A_290 : vector<16xi32> to vector<16xi32>
        %eq3A_292 = arith.constant 15 : i32
        %eq3A_293 = vector.broadcast %eq3A_292 : i32 to vector<16xi32>
        %eq3A_294 = arith.cmpi eq, %iota3A, %eq3A_293 : vector<16xi32>
        %broadcast_in_dim3A_295 = vector.shape_cast %min3A_10 : vector<16xi32> to vector<16x1xi32>
        %gather3A = vector.shape_cast %broadcast_in_dim3A_295 : vector<16x1xi32> to vector<16xi32>
        %gather3A_296 = tpu.dynamic_gather %get3A_279[%gather3A] in [0] : vector<16xi32>, vector<16xi32> -> vector<16xi32>
        %ne3A_297 = arith.cmpi ne, %get3A_279, %gather3A_296 : vector<16xi32>
        %or3A = arith.ori %eq3A_294, %ne3A_297 : vector<16xi1>
        %broadcast_in_dim3A_298 = vector.shape_cast %max3A_5 : vector<16xi32> to vector<16x1xi32>
        %gather3A_299 = vector.shape_cast %broadcast_in_dim3A_298 : vector<16x1xi32> to vector<16xi32>
        %gather3A_300 = tpu.dynamic_gather %get3A_279[%gather3A_299] in [0] : vector<16xi32>, vector<16xi32> -> vector<16xi32>
        %ne3A_301 = arith.cmpi ne, %get3A_279, %gather3A_300 : vector<16xi32>
        %and3A_302 = arith.andi %or3A, %lt3A_287 : vector<16xi1>
        %jit3A_303 = arith.constant 0 : i32
        %broadcast_in_dim3A_304 = vector.broadcast %jit3A_303 : i32 to vector<16xi32>
        %select_n3A_305 = arith.select %ne3A_301, %iota3A, %broadcast_in_dim3A_304 : vector<16xi1>, vector<16xi32>
        %broadcast_in_dim3A_306 = arith.constant true
        %broadcast_in_dim3A_307 = vector.broadcast %broadcast_in_dim3A_306 : i1 to vector<16xi1>
        %masked_cummax3A = arith.constant -2147483648 : i32
        %masked_cummax3A_308 = vector.broadcast %masked_cummax3A : i32 to vector<16xi32>
        %masked_cummax3A_309 = arith.xori %select_n3A_305, %masked_cummax3A_308 : vector<16xi32>
        %masked_cummax3A_310 = tpu.scan <max>, %masked_cummax3A_309 masked %broadcast_in_dim3A_307 : vector<16xi32>, vector<16xi1> -> vector<16xi32>
        %masked_cummax3A_311 = arith.xori %masked_cummax3A_310, %masked_cummax3A_308 : vector<16xi32>
        %sub3A_312 = arith.constant 1 : i32
        %sub3A_313 = vector.broadcast %sub3A_312 : i32 to vector<16xi32>
        %sub3A_314 = arith.subi %masked_cummax3A_311, %sub3A_313 : vector<16xi32>
        %max3A_315 = arith.constant 0 : i32
        %max3A_316 = vector.broadcast %max3A_315 : i32 to vector<16xi32>
        %max3A_317 = arith.maxsi %sub3A_314, %max3A_316 : vector<16xi32>
        %eq3A_318 = arith.constant 0 : i32
        %eq3A_319 = vector.broadcast %eq3A_318 : i32 to vector<16xi32>
        %eq3A_320 = arith.cmpi eq, %masked_cummax3A_311, %eq3A_319 : vector<16xi32>
        %jit3A_321 = arith.constant 1 : i32
        %jit3A_322 = arith.constant 0 : i32
        %broadcast_in_dim3A_323 = vector.broadcast %jit3A_321 : i32 to vector<16xi32>
        %broadcast_in_dim3A_324 = vector.broadcast %jit3A_322 : i32 to vector<16xi32>
        %select_n3A_325 = arith.select %or3A, %broadcast_in_dim3A_323, %broadcast_in_dim3A_324 : vector<16xi1>, vector<16xi32>
        %broadcast_in_dim3A_326 = vector.shape_cast %sub3A_13 : vector<16xi32> to vector<16x1xi32>
        %gather3A_327 = vector.shape_cast %broadcast_in_dim3A_326 : vector<16x1xi32> to vector<16xi32>
        %gather3A_328 = tpu.dynamic_gather %select_n3A_325[%gather3A_327] in [0] : vector<16xi32>, vector<16xi32> -> vector<16xi32>
        %ne3A_329 = arith.constant 0 : i32
        %ne3A_330 = vector.broadcast %ne3A_329 : i32 to vector<16xi32>
        %ne3A_331 = arith.cmpi ne, %gather3A_328, %ne3A_330 : vector<16xi32>
        %jit3A_332 = arith.constant 0 : i32
        %broadcast_in_dim3A_333 = vector.broadcast %jit3A_332 : i32 to vector<16xi32>
        %select_n3A_334 = arith.select %ne3A_331, %iota3A, %broadcast_in_dim3A_333 : vector<16xi1>, vector<16xi32>
        %broadcast_in_dim3A_335 = arith.constant true
        %broadcast_in_dim3A_336 = vector.broadcast %broadcast_in_dim3A_335 : i1 to vector<16xi1>
        %masked_cummax3A_337 = arith.constant -2147483648 : i32
        %masked_cummax3A_338 = vector.broadcast %masked_cummax3A_337 : i32 to vector<16xi32>
        %masked_cummax3A_339 = arith.xori %select_n3A_334, %masked_cummax3A_338 : vector<16xi32>
        %masked_cummax3A_340 = tpu.scan <max>, %masked_cummax3A_339 masked %broadcast_in_dim3A_336 : vector<16xi32>, vector<16xi1> -> vector<16xi32>
        %masked_cummax3A_341 = arith.xori %masked_cummax3A_340, %masked_cummax3A_338 : vector<16xi32>
        %sub3A_342 = arith.constant 15 : i32
        %sub3A_343 = vector.broadcast %sub3A_342 : i32 to vector<16xi32>
        %sub3A_344 = arith.subi %sub3A_343, %masked_cummax3A_341 : vector<16xi32>
        %broadcast_in_dim3A_345 = vector.shape_cast %sub3A_13 : vector<16xi32> to vector<16x1xi32>
        %gather3A_346 = vector.shape_cast %broadcast_in_dim3A_345 : vector<16x1xi32> to vector<16xi32>
        %gather3A_347 = tpu.dynamic_gather %sub3A_344[%gather3A_346] in [0] : vector<16xi32>, vector<16xi32> -> vector<16xi32>
        %shift_left3A = arith.constant 19 : i32
        %shift_left3A_348 = vector.broadcast %shift_left3A : i32 to vector<16xi32>
        %shift_left3A_349 = arith.shli %bitcast3A, %shift_left3A_348 : vector<16xi32>
        %bitcast3A_350 = vector.bitcast %get3A_281 : vector<16xf32> to vector<16xi32>
        %shift_right_logical3A = arith.constant 12 : i32
        %shift_right_logical3A_351 = vector.broadcast %shift_right_logical3A : i32 to vector<16xi32>
        %shift_right_logical3A_352 = arith.shrui %bitcast3A_350, %shift_right_logical3A_351 : vector<16xi32>
        %bitcast3A_353 = vector.bitcast %get3A_283 : vector<16xf32> to vector<16xi32>
        %shift_right_logical3A_354 = arith.constant 12 : i32
        %shift_right_logical3A_355 = vector.broadcast %shift_right_logical3A_354 : i32 to vector<16xi32>
        %shift_right_logical3A_356 = arith.shrui %bitcast3A_353, %shift_right_logical3A_355 : vector<16xi32>
        %mul3A_357 = arith.mulf %get3A_281, %get3A_1 : vector<16xf32>
        %mul3A_358 = arith.mulf %get3A_283, %get3A_1 : vector<16xf32>
        %sub3A_359 = arith.constant 524287 : i32
        %sub3A_360 = vector.broadcast %sub3A_359 : i32 to vector<16xi32>
        %sub3A_361 = arith.subi %sub3A_360, %shift_right_logical3A_352 : vector<16xi32>
        %sub3A_362 = arith.constant 524287 : i32
        %sub3A_363 = vector.broadcast %sub3A_362 : i32 to vector<16xi32>
        %sub3A_364 = arith.subi %sub3A_363, %shift_right_logical3A_356 : vector<16xi32>
        %or3A_365 = arith.ori %shift_left3A_349, %shift_right_logical3A_352 : vector<16xi32>
        %jit3A_366 = arith.constant 0 : i32
        %broadcast_in_dim3A_367 = vector.broadcast %jit3A_366 : i32 to vector<16xi32>
        %select_n3A_368 = arith.select %lt3A_287, %or3A_365, %broadcast_in_dim3A_367 : vector<16xi1>, vector<16xi32>
        %broadcast_in_dim3A_369 = arith.constant true
        %broadcast_in_dim3A_370 = vector.broadcast %broadcast_in_dim3A_369 : i1 to vector<16xi1>
        %masked_cummax3A_371 = tpu.scan <max>, %select_n3A_368 masked %broadcast_in_dim3A_370 : vector<16xi32>, vector<16xi1> -> vector<16xi32>
        %bitcast3A_372 = vector.bitcast %masked_cummax3A_371 : vector<16xi32> to vector<16xi32>
        %broadcast_in_dim3A_373 = vector.shape_cast %gather3A_347 : vector<16xi32> to vector<16x1xi32>
        %gather3A_374 = vector.shape_cast %broadcast_in_dim3A_373 : vector<16x1xi32> to vector<16xi32>
        %gather3A_375 = tpu.dynamic_gather %bitcast3A_372[%gather3A_374] in [0] : vector<16xi32>, vector<16xi32> -> vector<16xi32>
        %and3A_376 = arith.constant 524287 : i32
        %and3A_377 = vector.broadcast %and3A_376 : i32 to vector<16xi32>
        %and3A_378 = arith.andi %gather3A_375, %and3A_377 : vector<16xi32>
        %shift_left3A_379 = arith.constant 12 : i32
        %shift_left3A_380 = vector.broadcast %shift_left3A_379 : i32 to vector<16xi32>
        %shift_left3A_381 = arith.shli %and3A_378, %shift_left3A_380 : vector<16xi32>
        %bitcast3A_382 = vector.bitcast %shift_left3A_381 : vector<16xi32> to vector<16xf32>
        %mul3A_383 = arith.mulf %bitcast3A_382, %get3A_1 : vector<16xf32>
        %gather3A_384 = tpu.vector_load_idx %arg18[%bitcast3A_291] : memref<3200xf32, #tpu.memory_space<vmem>>[vector<16xi32>], vector<16xf32>,
        %max3A_385 = arith.maximumf %gather3A_384, %mul3A_383 : vector<16xf32>
        %sub3A_386 = arith.subf %mul3A_357, %max3A_385 : vector<16xf32>
        %exp3A = math.exp %sub3A_386 : vector<16xf32>
        %jit3A_387 = arith.constant 0.000000e+00 : f32
        %broadcast_in_dim3A_388 = vector.broadcast %jit3A_387 : f32 to vector<16xf32>
        %select_n3A_389 = arith.select %lt3A_287, %exp3A, %broadcast_in_dim3A_388 : vector<16xi1>, vector<16xf32>
        %cumsum3A = arith.constant true
        %cumsum3A_390 = vector.broadcast %cumsum3A : i1 to vector<16xi1>
        %cumsum3A_391 = tpu.scan <sum>, %select_n3A_389 masked %cumsum3A_390 : vector<16xf32>, vector<16xi1> -> vector<16xf32>
        %broadcast_in_dim3A_392 = vector.shape_cast %max3A_317 : vector<16xi32> to vector<16x1xi32>
        %gather3A_393 = vector.shape_cast %broadcast_in_dim3A_392 : vector<16x1xi32> to vector<16xi32>
        %gather3A_394 = tpu.dynamic_gather %cumsum3A_391[%gather3A_393] in [0] : vector<16xf32>, vector<16xi32> -> vector<16xf32>
        %jit3A_395 = arith.constant 0.000000e+00 : f32
        %broadcast_in_dim3A_396 = vector.broadcast %jit3A_395 : f32 to vector<16xf32>
        %select_n3A_397 = arith.select %eq3A_320, %broadcast_in_dim3A_396, %gather3A_394 : vector<16xi1>, vector<16xf32>
        %gather3A_398 = tpu.vector_load_idx %arg26[%bitcast3A_291] : memref<3200xf32, #tpu.memory_space<vmem>>[vector<16xi32>], vector<16xf32>,
        %sub3A_399 = arith.subf %gather3A_384, %max3A_385 : vector<16xf32>
        %exp3A_400 = math.exp %sub3A_399 : vector<16xf32>
        %mul3A_401 = arith.mulf %gather3A_398, %exp3A_400 : vector<16xf32>
        %sub3A_402 = arith.subf %cumsum3A_391, %select_n3A_397 : vector<16xf32>
        %add3A_403 = arith.addf %mul3A_401, %sub3A_402 : vector<16xf32>
        tpu.vector_store_idx %arg26[%bitcast3A_291], %add3A_403 masked %and3A_302 : memref<3200xf32, #tpu.memory_space<vmem>>[vector<16xi32>], vector<16xf32>, vector<16xi1>
        tpu.vector_store_idx %arg18[%bitcast3A_291], %max3A_385 masked %and3A_302 : memref<3200xf32, #tpu.memory_space<vmem>>[vector<16xi32>], vector<16xf32>, vector<16xi1>
        %or3A_404 = arith.ori %shift_left3A_349, %sub3A_361 : vector<16xi32>
        %jit3A_405 = arith.constant 0 : i32
        %broadcast_in_dim3A_406 = vector.broadcast %jit3A_405 : i32 to vector<16xi32>
        %select_n3A_407 = arith.select %lt3A_287, %or3A_404, %broadcast_in_dim3A_406 : vector<16xi1>, vector<16xi32>
        %broadcast_in_dim3A_408 = arith.constant true
        %broadcast_in_dim3A_409 = vector.broadcast %broadcast_in_dim3A_408 : i1 to vector<16xi1>
        %masked_cummax3A_410 = tpu.scan <max>, %select_n3A_407 masked %broadcast_in_dim3A_409 : vector<16xi32>, vector<16xi1> -> vector<16xi32>
        %bitcast3A_411 = vector.bitcast %masked_cummax3A_410 : vector<16xi32> to vector<16xi32>
        %broadcast_in_dim3A_412 = vector.shape_cast %gather3A_347 : vector<16xi32> to vector<16x1xi32>
        %gather3A_413 = vector.shape_cast %broadcast_in_dim3A_412 : vector<16x1xi32> to vector<16xi32>
        %gather3A_414 = tpu.dynamic_gather %bitcast3A_411[%gather3A_413] in [0] : vector<16xi32>, vector<16xi32> -> vector<16xi32>
        %and3A_415 = arith.constant 524287 : i32
        %and3A_416 = vector.broadcast %and3A_415 : i32 to vector<16xi32>
        %and3A_417 = arith.andi %gather3A_414, %and3A_416 : vector<16xi32>
        %sub3A_418 = arith.constant 524287 : i32
        %sub3A_419 = vector.broadcast %sub3A_418 : i32 to vector<16xi32>
        %sub3A_420 = arith.subi %sub3A_419, %and3A_417 : vector<16xi32>
        %shift_left3A_421 = arith.constant 12 : i32
        %shift_left3A_422 = vector.broadcast %shift_left3A_421 : i32 to vector<16xi32>
        %shift_left3A_423 = arith.shli %sub3A_420, %shift_left3A_422 : vector<16xi32>
        %bitcast3A_424 = vector.bitcast %shift_left3A_423 : vector<16xi32> to vector<16xf32>
        %mul3A_425 = arith.mulf %bitcast3A_424, %get3A_1 : vector<16xf32>
        %gather3A_426 = tpu.vector_load_idx %arg19[%bitcast3A_291] : memref<3200xf32, #tpu.memory_space<vmem>>[vector<16xi32>], vector<16xf32>,
        %min3A_427 = arith.minimumf %gather3A_426, %mul3A_425 : vector<16xf32>
        %sub3A_428 = arith.subf %min3A_427, %mul3A_357 : vector<16xf32>
        %exp3A_429 = math.exp %sub3A_428 : vector<16xf32>
        %jit3A_430 = arith.constant 0.000000e+00 : f32
        %broadcast_in_dim3A_431 = vector.broadcast %jit3A_430 : f32 to vector<16xf32>
        %select_n3A_432 = arith.select %lt3A_287, %exp3A_429, %broadcast_in_dim3A_431 : vector<16xi1>, vector<16xf32>
        %cumsum3A_433 = arith.constant true
        %cumsum3A_434 = vector.broadcast %cumsum3A_433 : i1 to vector<16xi1>
        %cumsum3A_435 = tpu.scan <sum>, %select_n3A_432 masked %cumsum3A_434 : vector<16xf32>, vector<16xi1> -> vector<16xf32>
        %broadcast_in_dim3A_436 = vector.shape_cast %max3A_317 : vector<16xi32> to vector<16x1xi32>
        %gather3A_437 = vector.shape_cast %broadcast_in_dim3A_436 : vector<16x1xi32> to vector<16xi32>
        %gather3A_438 = tpu.dynamic_gather %cumsum3A_435[%gather3A_437] in [0] : vector<16xf32>, vector<16xi32> -> vector<16xf32>
        %jit3A_439 = arith.constant 0.000000e+00 : f32
        %broadcast_in_dim3A_440 = vector.broadcast %jit3A_439 : f32 to vector<16xf32>
        %select_n3A_441 = arith.select %eq3A_320, %broadcast_in_dim3A_440, %gather3A_438 : vector<16xi1>, vector<16xf32>
        %gather3A_442 = tpu.vector_load_idx %arg27[%bitcast3A_291] : memref<3200xf32, #tpu.memory_space<vmem>>[vector<16xi32>], vector<16xf32>,
        %sub3A_443 = arith.subf %min3A_427, %gather3A_426 : vector<16xf32>
        %exp3A_444 = math.exp %sub3A_443 : vector<16xf32>
        %mul3A_445 = arith.mulf %gather3A_442, %exp3A_444 : vector<16xf32>
        %sub3A_446 = arith.subf %cumsum3A_435, %select_n3A_441 : vector<16xf32>
        %add3A_447 = arith.addf %mul3A_445, %sub3A_446 : vector<16xf32>
        tpu.vector_store_idx %arg27[%bitcast3A_291], %add3A_447 masked %and3A_302 : memref<3200xf32, #tpu.memory_space<vmem>>[vector<16xi32>], vector<16xf32>, vector<16xi1>
        tpu.vector_store_idx %arg19[%bitcast3A_291], %min3A_427 masked %and3A_302 : memref<3200xf32, #tpu.memory_space<vmem>>[vector<16xi32>], vector<16xf32>, vector<16xi1>
        %or3A_448 = arith.ori %shift_left3A_349, %shift_right_logical3A_356 : vector<16xi32>
        %jit3A_449 = arith.constant 0 : i32
        %broadcast_in_dim3A_450 = vector.broadcast %jit3A_449 : i32 to vector<16xi32>
        %select_n3A_451 = arith.select %lt3A_287, %or3A_448, %broadcast_in_dim3A_450 : vector<16xi1>, vector<16xi32>
        %broadcast_in_dim3A_452 = arith.constant true
        %broadcast_in_dim3A_453 = vector.broadcast %broadcast_in_dim3A_452 : i1 to vector<16xi1>
        %masked_cummax3A_454 = tpu.scan <max>, %select_n3A_451 masked %broadcast_in_dim3A_453 : vector<16xi32>, vector<16xi1> -> vector<16xi32>
        %bitcast3A_455 = vector.bitcast %masked_cummax3A_454 : vector<16xi32> to vector<16xi32>
        %broadcast_in_dim3A_456 = vector.shape_cast %gather3A_347 : vector<16xi32> to vector<16x1xi32>
        %gather3A_457 = vector.shape_cast %broadcast_in_dim3A_456 : vector<16x1xi32> to vector<16xi32>
        %gather3A_458 = tpu.dynamic_gather %bitcast3A_455[%gather3A_457] in [0] : vector<16xi32>, vector<16xi32> -> vector<16xi32>
        %and3A_459 = arith.constant 524287 : i32
        %and3A_460 = vector.broadcast %and3A_459 : i32 to vector<16xi32>
        %and3A_461 = arith.andi %gather3A_458, %and3A_460 : vector<16xi32>
        %shift_left3A_462 = arith.constant 12 : i32
        %shift_left3A_463 = vector.broadcast %shift_left3A_462 : i32 to vector<16xi32>
        %shift_left3A_464 = arith.shli %and3A_461, %shift_left3A_463 : vector<16xi32>
        %bitcast3A_465 = vector.bitcast %shift_left3A_464 : vector<16xi32> to vector<16xf32>
        %mul3A_466 = arith.mulf %bitcast3A_465, %get3A_1 : vector<16xf32>
        %gather3A_467 = tpu.vector_load_idx %arg20[%bitcast3A_291] : memref<3200xf32, #tpu.memory_space<vmem>>[vector<16xi32>], vector<16xf32>,
        %max3A_468 = arith.maximumf %gather3A_467, %mul3A_466 : vector<16xf32>
        %sub3A_469 = arith.subf %mul3A_358, %max3A_468 : vector<16xf32>
        %exp3A_470 = math.exp %sub3A_469 : vector<16xf32>
        %jit3A_471 = arith.constant 0.000000e+00 : f32
        %broadcast_in_dim3A_472 = vector.broadcast %jit3A_471 : f32 to vector<16xf32>
        %select_n3A_473 = arith.select %lt3A_287, %exp3A_470, %broadcast_in_dim3A_472 : vector<16xi1>, vector<16xf32>
        %cumsum3A_474 = arith.constant true
        %cumsum3A_475 = vector.broadcast %cumsum3A_474 : i1 to vector<16xi1>
        %cumsum3A_476 = tpu.scan <sum>, %select_n3A_473 masked %cumsum3A_475 : vector<16xf32>, vector<16xi1> -> vector<16xf32>
        %broadcast_in_dim3A_477 = vector.shape_cast %max3A_317 : vector<16xi32> to vector<16x1xi32>
        %gather3A_478 = vector.shape_cast %broadcast_in_dim3A_477 : vector<16x1xi32> to vector<16xi32>
        %gather3A_479 = tpu.dynamic_gather %cumsum3A_476[%gather3A_478] in [0] : vector<16xf32>, vector<16xi32> -> vector<16xf32>
        %jit3A_480 = arith.constant 0.000000e+00 : f32
        %broadcast_in_dim3A_481 = vector.broadcast %jit3A_480 : f32 to vector<16xf32>
        %select_n3A_482 = arith.select %eq3A_320, %broadcast_in_dim3A_481, %gather3A_479 : vector<16xi1>, vector<16xf32>
        %gather3A_483 = tpu.vector_load_idx %arg28[%bitcast3A_291] : memref<3200xf32, #tpu.memory_space<vmem>>[vector<16xi32>], vector<16xf32>,
        %sub3A_484 = arith.subf %gather3A_467, %max3A_468 : vector<16xf32>
        %exp3A_485 = math.exp %sub3A_484 : vector<16xf32>
        %mul3A_486 = arith.mulf %gather3A_483, %exp3A_485 : vector<16xf32>
        %sub3A_487 = arith.subf %cumsum3A_476, %select_n3A_482 : vector<16xf32>
        %add3A_488 = arith.addf %mul3A_486, %sub3A_487 : vector<16xf32>
        tpu.vector_store_idx %arg28[%bitcast3A_291], %add3A_488 masked %and3A_302 : memref<3200xf32, #tpu.memory_space<vmem>>[vector<16xi32>], vector<16xf32>, vector<16xi1>
        tpu.vector_store_idx %arg20[%bitcast3A_291], %max3A_468 masked %and3A_302 : memref<3200xf32, #tpu.memory_space<vmem>>[vector<16xi32>], vector<16xf32>, vector<16xi1>
        %or3A_489 = arith.ori %shift_left3A_349, %sub3A_364 : vector<16xi32>
        %jit3A_490 = arith.constant 0 : i32
        %broadcast_in_dim3A_491 = vector.broadcast %jit3A_490 : i32 to vector<16xi32>
        %select_n3A_492 = arith.select %lt3A_287, %or3A_489, %broadcast_in_dim3A_491 : vector<16xi1>, vector<16xi32>
        %broadcast_in_dim3A_493 = arith.constant true
        %broadcast_in_dim3A_494 = vector.broadcast %broadcast_in_dim3A_493 : i1 to vector<16xi1>
        %masked_cummax3A_495 = tpu.scan <max>, %select_n3A_492 masked %broadcast_in_dim3A_494 : vector<16xi32>, vector<16xi1> -> vector<16xi32>
        %bitcast3A_496 = vector.bitcast %masked_cummax3A_495 : vector<16xi32> to vector<16xi32>
        %broadcast_in_dim3A_497 = vector.shape_cast %gather3A_347 : vector<16xi32> to vector<16x1xi32>
        %gather3A_498 = vector.shape_cast %broadcast_in_dim3A_497 : vector<16x1xi32> to vector<16xi32>
        %gather3A_499 = tpu.dynamic_gather %bitcast3A_496[%gather3A_498] in [0] : vector<16xi32>, vector<16xi32> -> vector<16xi32>
        %and3A_500 = arith.constant 524287 : i32
        %and3A_501 = vector.broadcast %and3A_500 : i32 to vector<16xi32>
        %and3A_502 = arith.andi %gather3A_499, %and3A_501 : vector<16xi32>
        %sub3A_503 = arith.constant 524287 : i32
        %sub3A_504 = vector.broadcast %sub3A_503 : i32 to vector<16xi32>
        %sub3A_505 = arith.subi %sub3A_504, %and3A_502 : vector<16xi32>
        %shift_left3A_506 = arith.constant 12 : i32
        %shift_left3A_507 = vector.broadcast %shift_left3A_506 : i32 to vector<16xi32>
        %shift_left3A_508 = arith.shli %sub3A_505, %shift_left3A_507 : vector<16xi32>
        %bitcast3A_509 = vector.bitcast %shift_left3A_508 : vector<16xi32> to vector<16xf32>
        %mul3A_510 = arith.mulf %bitcast3A_509, %get3A_1 : vector<16xf32>
        %gather3A_511 = tpu.vector_load_idx %arg21[%bitcast3A_291] : memref<3200xf32, #tpu.memory_space<vmem>>[vector<16xi32>], vector<16xf32>,
        %min3A_512 = arith.minimumf %gather3A_511, %mul3A_510 : vector<16xf32>
        %sub3A_513 = arith.subf %min3A_512, %mul3A_358 : vector<16xf32>
        %exp3A_514 = math.exp %sub3A_513 : vector<16xf32>
        %jit3A_515 = arith.constant 0.000000e+00 : f32
        %broadcast_in_dim3A_516 = vector.broadcast %jit3A_515 : f32 to vector<16xf32>
        %select_n3A_517 = arith.select %lt3A_287, %exp3A_514, %broadcast_in_dim3A_516 : vector<16xi1>, vector<16xf32>
        %cumsum3A_518 = arith.constant true
        %cumsum3A_519 = vector.broadcast %cumsum3A_518 : i1 to vector<16xi1>
        %cumsum3A_520 = tpu.scan <sum>, %select_n3A_517 masked %cumsum3A_519 : vector<16xf32>, vector<16xi1> -> vector<16xf32>
        %broadcast_in_dim3A_521 = vector.shape_cast %max3A_317 : vector<16xi32> to vector<16x1xi32>
        %gather3A_522 = vector.shape_cast %broadcast_in_dim3A_521 : vector<16x1xi32> to vector<16xi32>
        %gather3A_523 = tpu.dynamic_gather %cumsum3A_520[%gather3A_522] in [0] : vector<16xf32>, vector<16xi32> -> vector<16xf32>
        %jit3A_524 = arith.constant 0.000000e+00 : f32
        %broadcast_in_dim3A_525 = vector.broadcast %jit3A_524 : f32 to vector<16xf32>
        %select_n3A_526 = arith.select %eq3A_320, %broadcast_in_dim3A_525, %gather3A_523 : vector<16xi1>, vector<16xf32>
        %gather3A_527 = tpu.vector_load_idx %arg29[%bitcast3A_291] : memref<3200xf32, #tpu.memory_space<vmem>>[vector<16xi32>], vector<16xf32>,
        %sub3A_528 = arith.subf %min3A_512, %gather3A_511 : vector<16xf32>
        %exp3A_529 = math.exp %sub3A_528 : vector<16xf32>
        %mul3A_530 = arith.mulf %gather3A_527, %exp3A_529 : vector<16xf32>
        %sub3A_531 = arith.subf %cumsum3A_520, %select_n3A_526 : vector<16xf32>
        %add3A_532 = arith.addf %mul3A_530, %sub3A_531 : vector<16xf32>
        tpu.vector_store_idx %arg29[%bitcast3A_291], %add3A_532 masked %and3A_302 : memref<3200xf32, #tpu.memory_space<vmem>>[vector<16xi32>], vector<16xf32>, vector<16xi1>
        tpu.vector_store_idx %arg21[%bitcast3A_291], %min3A_512 masked %and3A_302 : memref<3200xf32, #tpu.memory_space<vmem>>[vector<16xi32>], vector<16xf32>, vector<16xi1>
        %mul3A_533 = arith.constant 2 : i32
        %mul3A_534 = arith.muli %mul3A_533, %scan3A_273 : i32
        %add3A_535 = arith.constant 1 : i32
        %add3A_536 = arith.addi %mul3A_534, %add3A_535 : i32
        %mul3A_537 = arith.constant 16 : i32
        %mul3A_538 = arith.muli %add3A_536, %mul3A_537 : i32
        %get3A_539 = arith.index_cast %mul3A_538 : i32 to index
        %get3A_540 = tpu.vector_load %arg13[%get3A_539] {strides = array<i32>} : memref<4096xi32, #tpu.memory_space<vmem>>, vector<16xi32>,
        %get3A_541 = arith.index_cast %mul3A_538 : i32 to index
        %get3A_542 = tpu.vector_load %arg9[%get3A_541] {strides = array<i32>} : memref<4096xf32, #tpu.memory_space<vmem>>, vector<16xf32>,
        %get3A_543 = arith.index_cast %mul3A_538 : i32 to index
        %get3A_544 = tpu.vector_load %arg11[%get3A_543] {strides = array<i32>} : memref<4096xf32, #tpu.memory_space<vmem>>, vector<16xf32>,
        %sub3A_545 = vector.broadcast %mul3A_71 : i32 to vector<16xi32>
        %sub3A_546 = arith.subi %get3A_540, %sub3A_545 : vector<16xi32>
        %bitcast3A_547 = vector.bitcast %sub3A_546 : vector<16xi32> to vector<16xi32>
        %lt3A_548 = arith.constant 3200 : i32
        %lt3A_549 = vector.broadcast %lt3A_548 : i32 to vector<16xi32>
        %lt3A_550 = arith.cmpi ult, %bitcast3A_547, %lt3A_549 : vector<16xi32>
        %min3A_551 = arith.constant 3199 : i32
        %min3A_552 = vector.broadcast %min3A_551 : i32 to vector<16xi32>
        %min3A_553 = arith.minui %bitcast3A_547, %min3A_552 : vector<16xi32>
        %bitcast3A_554 = vector.bitcast %min3A_553 : vector<16xi32> to vector<16xi32>
        %eq3A_555 = arith.constant 15 : i32
        %eq3A_556 = vector.broadcast %eq3A_555 : i32 to vector<16xi32>
        %eq3A_557 = arith.cmpi eq, %iota3A, %eq3A_556 : vector<16xi32>
        %broadcast_in_dim3A_558 = vector.shape_cast %min3A_10 : vector<16xi32> to vector<16x1xi32>
        %gather3A_559 = vector.shape_cast %broadcast_in_dim3A_558 : vector<16x1xi32> to vector<16xi32>
        %gather3A_560 = tpu.dynamic_gather %get3A_540[%gather3A_559] in [0] : vector<16xi32>, vector<16xi32> -> vector<16xi32>
        %ne3A_561 = arith.cmpi ne, %get3A_540, %gather3A_560 : vector<16xi32>
        %or3A_562 = arith.ori %eq3A_557, %ne3A_561 : vector<16xi1>
        %broadcast_in_dim3A_563 = vector.shape_cast %max3A_5 : vector<16xi32> to vector<16x1xi32>
        %gather3A_564 = vector.shape_cast %broadcast_in_dim3A_563 : vector<16x1xi32> to vector<16xi32>
        %gather3A_565 = tpu.dynamic_gather %get3A_540[%gather3A_564] in [0] : vector<16xi32>, vector<16xi32> -> vector<16xi32>
        %ne3A_566 = arith.cmpi ne, %get3A_540, %gather3A_565 : vector<16xi32>
        %and3A_567 = arith.andi %or3A_562, %lt3A_550 : vector<16xi1>
        %jit3A_568 = arith.constant 0 : i32
        %broadcast_in_dim3A_569 = vector.broadcast %jit3A_568 : i32 to vector<16xi32>
        %select_n3A_570 = arith.select %ne3A_566, %iota3A, %broadcast_in_dim3A_569 : vector<16xi1>, vector<16xi32>
        %broadcast_in_dim3A_571 = arith.constant true
        %broadcast_in_dim3A_572 = vector.broadcast %broadcast_in_dim3A_571 : i1 to vector<16xi1>
        %masked_cummax3A_573 = arith.constant -2147483648 : i32
        %masked_cummax3A_574 = vector.broadcast %masked_cummax3A_573 : i32 to vector<16xi32>
        %masked_cummax3A_575 = arith.xori %select_n3A_570, %masked_cummax3A_574 : vector<16xi32>
        %masked_cummax3A_576 = tpu.scan <max>, %masked_cummax3A_575 masked %broadcast_in_dim3A_572 : vector<16xi32>, vector<16xi1> -> vector<16xi32>
        %masked_cummax3A_577 = arith.xori %masked_cummax3A_576, %masked_cummax3A_574 : vector<16xi32>
        %sub3A_578 = arith.constant 1 : i32
        %sub3A_579 = vector.broadcast %sub3A_578 : i32 to vector<16xi32>
        %sub3A_580 = arith.subi %masked_cummax3A_577, %sub3A_579 : vector<16xi32>
        %max3A_581 = arith.constant 0 : i32
        %max3A_582 = vector.broadcast %max3A_581 : i32 to vector<16xi32>
        %max3A_583 = arith.maxsi %sub3A_580, %max3A_582 : vector<16xi32>
        %eq3A_584 = arith.constant 0 : i32
        %eq3A_585 = vector.broadcast %eq3A_584 : i32 to vector<16xi32>
        %eq3A_586 = arith.cmpi eq, %masked_cummax3A_577, %eq3A_585 : vector<16xi32>
        %jit3A_587 = arith.constant 1 : i32
        %jit3A_588 = arith.constant 0 : i32
        %broadcast_in_dim3A_589 = vector.broadcast %jit3A_587 : i32 to vector<16xi32>
        %broadcast_in_dim3A_590 = vector.broadcast %jit3A_588 : i32 to vector<16xi32>
        %select_n3A_591 = arith.select %or3A_562, %broadcast_in_dim3A_589, %broadcast_in_dim3A_590 : vector<16xi1>, vector<16xi32>
        %broadcast_in_dim3A_592 = vector.shape_cast %sub3A_13 : vector<16xi32> to vector<16x1xi32>
        %gather3A_593 = vector.shape_cast %broadcast_in_dim3A_592 : vector<16x1xi32> to vector<16xi32>
        %gather3A_594 = tpu.dynamic_gather %select_n3A_591[%gather3A_593] in [0] : vector<16xi32>, vector<16xi32> -> vector<16xi32>
        %ne3A_595 = arith.constant 0 : i32
        %ne3A_596 = vector.broadcast %ne3A_595 : i32 to vector<16xi32>
        %ne3A_597 = arith.cmpi ne, %gather3A_594, %ne3A_596 : vector<16xi32>
        %jit3A_598 = arith.constant 0 : i32
        %broadcast_in_dim3A_599 = vector.broadcast %jit3A_598 : i32 to vector<16xi32>
        %select_n3A_600 = arith.select %ne3A_597, %iota3A, %broadcast_in_dim3A_599 : vector<16xi1>, vector<16xi32>
        %broadcast_in_dim3A_601 = arith.constant true
        %broadcast_in_dim3A_602 = vector.broadcast %broadcast_in_dim3A_601 : i1 to vector<16xi1>
        %masked_cummax3A_603 = arith.constant -2147483648 : i32
        %masked_cummax3A_604 = vector.broadcast %masked_cummax3A_603 : i32 to vector<16xi32>
        %masked_cummax3A_605 = arith.xori %select_n3A_600, %masked_cummax3A_604 : vector<16xi32>
        %masked_cummax3A_606 = tpu.scan <max>, %masked_cummax3A_605 masked %broadcast_in_dim3A_602 : vector<16xi32>, vector<16xi1> -> vector<16xi32>
        %masked_cummax3A_607 = arith.xori %masked_cummax3A_606, %masked_cummax3A_604 : vector<16xi32>
        %sub3A_608 = arith.constant 15 : i32
        %sub3A_609 = vector.broadcast %sub3A_608 : i32 to vector<16xi32>
        %sub3A_610 = arith.subi %sub3A_609, %masked_cummax3A_607 : vector<16xi32>
        %broadcast_in_dim3A_611 = vector.shape_cast %sub3A_13 : vector<16xi32> to vector<16x1xi32>
        %gather3A_612 = vector.shape_cast %broadcast_in_dim3A_611 : vector<16x1xi32> to vector<16xi32>
        %gather3A_613 = tpu.dynamic_gather %sub3A_610[%gather3A_612] in [0] : vector<16xi32>, vector<16xi32> -> vector<16xi32>
        %shift_left3A_614 = arith.constant 19 : i32
        %shift_left3A_615 = vector.broadcast %shift_left3A_614 : i32 to vector<16xi32>
        %shift_left3A_616 = arith.shli %bitcast3A_547, %shift_left3A_615 : vector<16xi32>
        %bitcast3A_617 = vector.bitcast %get3A_542 : vector<16xf32> to vector<16xi32>
        %shift_right_logical3A_618 = arith.constant 12 : i32
        %shift_right_logical3A_619 = vector.broadcast %shift_right_logical3A_618 : i32 to vector<16xi32>
        %shift_right_logical3A_620 = arith.shrui %bitcast3A_617, %shift_right_logical3A_619 : vector<16xi32>
        %bitcast3A_621 = vector.bitcast %get3A_544 : vector<16xf32> to vector<16xi32>
        %shift_right_logical3A_622 = arith.constant 12 : i32
        %shift_right_logical3A_623 = vector.broadcast %shift_right_logical3A_622 : i32 to vector<16xi32>
        %shift_right_logical3A_624 = arith.shrui %bitcast3A_621, %shift_right_logical3A_623 : vector<16xi32>
        %mul3A_625 = arith.mulf %get3A_542, %get3A_1 : vector<16xf32>
        %mul3A_626 = arith.mulf %get3A_544, %get3A_1 : vector<16xf32>
        %sub3A_627 = arith.constant 524287 : i32
        %sub3A_628 = vector.broadcast %sub3A_627 : i32 to vector<16xi32>
        %sub3A_629 = arith.subi %sub3A_628, %shift_right_logical3A_620 : vector<16xi32>
        %sub3A_630 = arith.constant 524287 : i32
        %sub3A_631 = vector.broadcast %sub3A_630 : i32 to vector<16xi32>
        %sub3A_632 = arith.subi %sub3A_631, %shift_right_logical3A_624 : vector<16xi32>
        %or3A_633 = arith.ori %shift_left3A_616, %shift_right_logical3A_620 : vector<16xi32>
        %jit3A_634 = arith.constant 0 : i32
        %broadcast_in_dim3A_635 = vector.broadcast %jit3A_634 : i32 to vector<16xi32>
        %select_n3A_636 = arith.select %lt3A_550, %or3A_633, %broadcast_in_dim3A_635 : vector<16xi1>, vector<16xi32>
        %broadcast_in_dim3A_637 = arith.constant true
        %broadcast_in_dim3A_638 = vector.broadcast %broadcast_in_dim3A_637 : i1 to vector<16xi1>
        %masked_cummax3A_639 = tpu.scan <max>, %select_n3A_636 masked %broadcast_in_dim3A_638 : vector<16xi32>, vector<16xi1> -> vector<16xi32>
        %bitcast3A_640 = vector.bitcast %masked_cummax3A_639 : vector<16xi32> to vector<16xi32>
        %broadcast_in_dim3A_641 = vector.shape_cast %gather3A_613 : vector<16xi32> to vector<16x1xi32>
        %gather3A_642 = vector.shape_cast %broadcast_in_dim3A_641 : vector<16x1xi32> to vector<16xi32>
        %gather3A_643 = tpu.dynamic_gather %bitcast3A_640[%gather3A_642] in [0] : vector<16xi32>, vector<16xi32> -> vector<16xi32>
        %and3A_644 = arith.constant 524287 : i32
        %and3A_645 = vector.broadcast %and3A_644 : i32 to vector<16xi32>
        %and3A_646 = arith.andi %gather3A_643, %and3A_645 : vector<16xi32>
        %shift_left3A_647 = arith.constant 12 : i32
        %shift_left3A_648 = vector.broadcast %shift_left3A_647 : i32 to vector<16xi32>
        %shift_left3A_649 = arith.shli %and3A_646, %shift_left3A_648 : vector<16xi32>
        %bitcast3A_650 = vector.bitcast %shift_left3A_649 : vector<16xi32> to vector<16xf32>
        %mul3A_651 = arith.mulf %bitcast3A_650, %get3A_1 : vector<16xf32>
        %gather3A_652 = tpu.vector_load_idx %arg22[%bitcast3A_554] : memref<3200xf32, #tpu.memory_space<vmem>>[vector<16xi32>], vector<16xf32>,
        %max3A_653 = arith.maximumf %gather3A_652, %mul3A_651 : vector<16xf32>
        %sub3A_654 = arith.subf %mul3A_625, %max3A_653 : vector<16xf32>
        %exp3A_655 = math.exp %sub3A_654 : vector<16xf32>
        %jit3A_656 = arith.constant 0.000000e+00 : f32
        %broadcast_in_dim3A_657 = vector.broadcast %jit3A_656 : f32 to vector<16xf32>
        %select_n3A_658 = arith.select %lt3A_550, %exp3A_655, %broadcast_in_dim3A_657 : vector<16xi1>, vector<16xf32>
        %cumsum3A_659 = arith.constant true
        %cumsum3A_660 = vector.broadcast %cumsum3A_659 : i1 to vector<16xi1>
        %cumsum3A_661 = tpu.scan <sum>, %select_n3A_658 masked %cumsum3A_660 : vector<16xf32>, vector<16xi1> -> vector<16xf32>
        %broadcast_in_dim3A_662 = vector.shape_cast %max3A_583 : vector<16xi32> to vector<16x1xi32>
        %gather3A_663 = vector.shape_cast %broadcast_in_dim3A_662 : vector<16x1xi32> to vector<16xi32>
        %gather3A_664 = tpu.dynamic_gather %cumsum3A_661[%gather3A_663] in [0] : vector<16xf32>, vector<16xi32> -> vector<16xf32>
        %jit3A_665 = arith.constant 0.000000e+00 : f32
        %broadcast_in_dim3A_666 = vector.broadcast %jit3A_665 : f32 to vector<16xf32>
        %select_n3A_667 = arith.select %eq3A_586, %broadcast_in_dim3A_666, %gather3A_664 : vector<16xi1>, vector<16xf32>
        %gather3A_668 = tpu.vector_load_idx %arg30[%bitcast3A_554] : memref<3200xf32, #tpu.memory_space<vmem>>[vector<16xi32>], vector<16xf32>,
        %sub3A_669 = arith.subf %gather3A_652, %max3A_653 : vector<16xf32>
        %exp3A_670 = math.exp %sub3A_669 : vector<16xf32>
        %mul3A_671 = arith.mulf %gather3A_668, %exp3A_670 : vector<16xf32>
        %sub3A_672 = arith.subf %cumsum3A_661, %select_n3A_667 : vector<16xf32>
        %add3A_673 = arith.addf %mul3A_671, %sub3A_672 : vector<16xf32>
        tpu.vector_store_idx %arg30[%bitcast3A_554], %add3A_673 masked %and3A_567 : memref<3200xf32, #tpu.memory_space<vmem>>[vector<16xi32>], vector<16xf32>, vector<16xi1>
        tpu.vector_store_idx %arg22[%bitcast3A_554], %max3A_653 masked %and3A_567 : memref<3200xf32, #tpu.memory_space<vmem>>[vector<16xi32>], vector<16xf32>, vector<16xi1>
        %or3A_674 = arith.ori %shift_left3A_616, %sub3A_629 : vector<16xi32>
        %jit3A_675 = arith.constant 0 : i32
        %broadcast_in_dim3A_676 = vector.broadcast %jit3A_675 : i32 to vector<16xi32>
        %select_n3A_677 = arith.select %lt3A_550, %or3A_674, %broadcast_in_dim3A_676 : vector<16xi1>, vector<16xi32>
        %broadcast_in_dim3A_678 = arith.constant true
        %broadcast_in_dim3A_679 = vector.broadcast %broadcast_in_dim3A_678 : i1 to vector<16xi1>
        %masked_cummax3A_680 = tpu.scan <max>, %select_n3A_677 masked %broadcast_in_dim3A_679 : vector<16xi32>, vector<16xi1> -> vector<16xi32>
        %bitcast3A_681 = vector.bitcast %masked_cummax3A_680 : vector<16xi32> to vector<16xi32>
        %broadcast_in_dim3A_682 = vector.shape_cast %gather3A_613 : vector<16xi32> to vector<16x1xi32>
        %gather3A_683 = vector.shape_cast %broadcast_in_dim3A_682 : vector<16x1xi32> to vector<16xi32>
        %gather3A_684 = tpu.dynamic_gather %bitcast3A_681[%gather3A_683] in [0] : vector<16xi32>, vector<16xi32> -> vector<16xi32>
        %and3A_685 = arith.constant 524287 : i32
        %and3A_686 = vector.broadcast %and3A_685 : i32 to vector<16xi32>
        %and3A_687 = arith.andi %gather3A_684, %and3A_686 : vector<16xi32>
        %sub3A_688 = arith.constant 524287 : i32
        %sub3A_689 = vector.broadcast %sub3A_688 : i32 to vector<16xi32>
        %sub3A_690 = arith.subi %sub3A_689, %and3A_687 : vector<16xi32>
        %shift_left3A_691 = arith.constant 12 : i32
        %shift_left3A_692 = vector.broadcast %shift_left3A_691 : i32 to vector<16xi32>
        %shift_left3A_693 = arith.shli %sub3A_690, %shift_left3A_692 : vector<16xi32>
        %bitcast3A_694 = vector.bitcast %shift_left3A_693 : vector<16xi32> to vector<16xf32>
        %mul3A_695 = arith.mulf %bitcast3A_694, %get3A_1 : vector<16xf32>
        %gather3A_696 = tpu.vector_load_idx %arg23[%bitcast3A_554] : memref<3200xf32, #tpu.memory_space<vmem>>[vector<16xi32>], vector<16xf32>,
        %min3A_697 = arith.minimumf %gather3A_696, %mul3A_695 : vector<16xf32>
        %sub3A_698 = arith.subf %min3A_697, %mul3A_625 : vector<16xf32>
        %exp3A_699 = math.exp %sub3A_698 : vector<16xf32>
        %jit3A_700 = arith.constant 0.000000e+00 : f32
        %broadcast_in_dim3A_701 = vector.broadcast %jit3A_700 : f32 to vector<16xf32>
        %select_n3A_702 = arith.select %lt3A_550, %exp3A_699, %broadcast_in_dim3A_701 : vector<16xi1>, vector<16xf32>
        %cumsum3A_703 = arith.constant true
        %cumsum3A_704 = vector.broadcast %cumsum3A_703 : i1 to vector<16xi1>
        %cumsum3A_705 = tpu.scan <sum>, %select_n3A_702 masked %cumsum3A_704 : vector<16xf32>, vector<16xi1> -> vector<16xf32>
        %broadcast_in_dim3A_706 = vector.shape_cast %max3A_583 : vector<16xi32> to vector<16x1xi32>
        %gather3A_707 = vector.shape_cast %broadcast_in_dim3A_706 : vector<16x1xi32> to vector<16xi32>
        %gather3A_708 = tpu.dynamic_gather %cumsum3A_705[%gather3A_707] in [0] : vector<16xf32>, vector<16xi32> -> vector<16xf32>
        %jit3A_709 = arith.constant 0.000000e+00 : f32
        %broadcast_in_dim3A_710 = vector.broadcast %jit3A_709 : f32 to vector<16xf32>
        %select_n3A_711 = arith.select %eq3A_586, %broadcast_in_dim3A_710, %gather3A_708 : vector<16xi1>, vector<16xf32>
        %gather3A_712 = tpu.vector_load_idx %arg31[%bitcast3A_554] : memref<3200xf32, #tpu.memory_space<vmem>>[vector<16xi32>], vector<16xf32>,
        %sub3A_713 = arith.subf %min3A_697, %gather3A_696 : vector<16xf32>
        %exp3A_714 = math.exp %sub3A_713 : vector<16xf32>
        %mul3A_715 = arith.mulf %gather3A_712, %exp3A_714 : vector<16xf32>
        %sub3A_716 = arith.subf %cumsum3A_705, %select_n3A_711 : vector<16xf32>
        %add3A_717 = arith.addf %mul3A_715, %sub3A_716 : vector<16xf32>
        tpu.vector_store_idx %arg31[%bitcast3A_554], %add3A_717 masked %and3A_567 : memref<3200xf32, #tpu.memory_space<vmem>>[vector<16xi32>], vector<16xf32>, vector<16xi1>
        tpu.vector_store_idx %arg23[%bitcast3A_554], %min3A_697 masked %and3A_567 : memref<3200xf32, #tpu.memory_space<vmem>>[vector<16xi32>], vector<16xf32>, vector<16xi1>
        %or3A_718 = arith.ori %shift_left3A_616, %shift_right_logical3A_624 : vector<16xi32>
        %jit3A_719 = arith.constant 0 : i32
        %broadcast_in_dim3A_720 = vector.broadcast %jit3A_719 : i32 to vector<16xi32>
        %select_n3A_721 = arith.select %lt3A_550, %or3A_718, %broadcast_in_dim3A_720 : vector<16xi1>, vector<16xi32>
        %broadcast_in_dim3A_722 = arith.constant true
        %broadcast_in_dim3A_723 = vector.broadcast %broadcast_in_dim3A_722 : i1 to vector<16xi1>
        %masked_cummax3A_724 = tpu.scan <max>, %select_n3A_721 masked %broadcast_in_dim3A_723 : vector<16xi32>, vector<16xi1> -> vector<16xi32>
        %bitcast3A_725 = vector.bitcast %masked_cummax3A_724 : vector<16xi32> to vector<16xi32>
        %broadcast_in_dim3A_726 = vector.shape_cast %gather3A_613 : vector<16xi32> to vector<16x1xi32>
        %gather3A_727 = vector.shape_cast %broadcast_in_dim3A_726 : vector<16x1xi32> to vector<16xi32>
        %gather3A_728 = tpu.dynamic_gather %bitcast3A_725[%gather3A_727] in [0] : vector<16xi32>, vector<16xi32> -> vector<16xi32>
        %and3A_729 = arith.constant 524287 : i32
        %and3A_730 = vector.broadcast %and3A_729 : i32 to vector<16xi32>
        %and3A_731 = arith.andi %gather3A_728, %and3A_730 : vector<16xi32>
        %shift_left3A_732 = arith.constant 12 : i32
        %shift_left3A_733 = vector.broadcast %shift_left3A_732 : i32 to vector<16xi32>
        %shift_left3A_734 = arith.shli %and3A_731, %shift_left3A_733 : vector<16xi32>
        %bitcast3A_735 = vector.bitcast %shift_left3A_734 : vector<16xi32> to vector<16xf32>
        %mul3A_736 = arith.mulf %bitcast3A_735, %get3A_1 : vector<16xf32>
        %gather3A_737 = tpu.vector_load_idx %arg24[%bitcast3A_554] : memref<3200xf32, #tpu.memory_space<vmem>>[vector<16xi32>], vector<16xf32>,
        %max3A_738 = arith.maximumf %gather3A_737, %mul3A_736 : vector<16xf32>
        %sub3A_739 = arith.subf %mul3A_626, %max3A_738 : vector<16xf32>
        %exp3A_740 = math.exp %sub3A_739 : vector<16xf32>
        %jit3A_741 = arith.constant 0.000000e+00 : f32
        %broadcast_in_dim3A_742 = vector.broadcast %jit3A_741 : f32 to vector<16xf32>
        %select_n3A_743 = arith.select %lt3A_550, %exp3A_740, %broadcast_in_dim3A_742 : vector<16xi1>, vector<16xf32>
        %cumsum3A_744 = arith.constant true
        %cumsum3A_745 = vector.broadcast %cumsum3A_744 : i1 to vector<16xi1>
        %cumsum3A_746 = tpu.scan <sum>, %select_n3A_743 masked %cumsum3A_745 : vector<16xf32>, vector<16xi1> -> vector<16xf32>
        %broadcast_in_dim3A_747 = vector.shape_cast %max3A_583 : vector<16xi32> to vector<16x1xi32>
        %gather3A_748 = vector.shape_cast %broadcast_in_dim3A_747 : vector<16x1xi32> to vector<16xi32>
        %gather3A_749 = tpu.dynamic_gather %cumsum3A_746[%gather3A_748] in [0] : vector<16xf32>, vector<16xi32> -> vector<16xf32>
        %jit3A_750 = arith.constant 0.000000e+00 : f32
        %broadcast_in_dim3A_751 = vector.broadcast %jit3A_750 : f32 to vector<16xf32>
        %select_n3A_752 = arith.select %eq3A_586, %broadcast_in_dim3A_751, %gather3A_749 : vector<16xi1>, vector<16xf32>
        %gather3A_753 = tpu.vector_load_idx %arg32[%bitcast3A_554] : memref<3200xf32, #tpu.memory_space<vmem>>[vector<16xi32>], vector<16xf32>,
        %sub3A_754 = arith.subf %gather3A_737, %max3A_738 : vector<16xf32>
        %exp3A_755 = math.exp %sub3A_754 : vector<16xf32>
        %mul3A_756 = arith.mulf %gather3A_753, %exp3A_755 : vector<16xf32>
        %sub3A_757 = arith.subf %cumsum3A_746, %select_n3A_752 : vector<16xf32>
        %add3A_758 = arith.addf %mul3A_756, %sub3A_757 : vector<16xf32>
        tpu.vector_store_idx %arg32[%bitcast3A_554], %add3A_758 masked %and3A_567 : memref<3200xf32, #tpu.memory_space<vmem>>[vector<16xi32>], vector<16xf32>, vector<16xi1>
        tpu.vector_store_idx %arg24[%bitcast3A_554], %max3A_738 masked %and3A_567 : memref<3200xf32, #tpu.memory_space<vmem>>[vector<16xi32>], vector<16xf32>, vector<16xi1>
        %or3A_759 = arith.ori %shift_left3A_616, %sub3A_632 : vector<16xi32>
        %jit3A_760 = arith.constant 0 : i32
        %broadcast_in_dim3A_761 = vector.broadcast %jit3A_760 : i32 to vector<16xi32>
        %select_n3A_762 = arith.select %lt3A_550, %or3A_759, %broadcast_in_dim3A_761 : vector<16xi1>, vector<16xi32>
        %broadcast_in_dim3A_763 = arith.constant true
        %broadcast_in_dim3A_764 = vector.broadcast %broadcast_in_dim3A_763 : i1 to vector<16xi1>
        %masked_cummax3A_765 = tpu.scan <max>, %select_n3A_762 masked %broadcast_in_dim3A_764 : vector<16xi32>, vector<16xi1> -> vector<16xi32>
        %bitcast3A_766 = vector.bitcast %masked_cummax3A_765 : vector<16xi32> to vector<16xi32>
        %broadcast_in_dim3A_767 = vector.shape_cast %gather3A_613 : vector<16xi32> to vector<16x1xi32>
        %gather3A_768 = vector.shape_cast %broadcast_in_dim3A_767 : vector<16x1xi32> to vector<16xi32>
        %gather3A_769 = tpu.dynamic_gather %bitcast3A_766[%gather3A_768] in [0] : vector<16xi32>, vector<16xi32> -> vector<16xi32>
        %and3A_770 = arith.constant 524287 : i32
        %and3A_771 = vector.broadcast %and3A_770 : i32 to vector<16xi32>
        %and3A_772 = arith.andi %gather3A_769, %and3A_771 : vector<16xi32>
        %sub3A_773 = arith.constant 524287 : i32
        %sub3A_774 = vector.broadcast %sub3A_773 : i32 to vector<16xi32>
        %sub3A_775 = arith.subi %sub3A_774, %and3A_772 : vector<16xi32>
        %shift_left3A_776 = arith.constant 12 : i32
        %shift_left3A_777 = vector.broadcast %shift_left3A_776 : i32 to vector<16xi32>
        %shift_left3A_778 = arith.shli %sub3A_775, %shift_left3A_777 : vector<16xi32>
        %bitcast3A_779 = vector.bitcast %shift_left3A_778 : vector<16xi32> to vector<16xf32>
        %mul3A_780 = arith.mulf %bitcast3A_779, %get3A_1 : vector<16xf32>
        %gather3A_781 = tpu.vector_load_idx %arg25[%bitcast3A_554] : memref<3200xf32, #tpu.memory_space<vmem>>[vector<16xi32>], vector<16xf32>,
        %min3A_782 = arith.minimumf %gather3A_781, %mul3A_780 : vector<16xf32>
        %sub3A_783 = arith.subf %min3A_782, %mul3A_626 : vector<16xf32>
        %exp3A_784 = math.exp %sub3A_783 : vector<16xf32>
        %jit3A_785 = arith.constant 0.000000e+00 : f32
        %broadcast_in_dim3A_786 = vector.broadcast %jit3A_785 : f32 to vector<16xf32>
        %select_n3A_787 = arith.select %lt3A_550, %exp3A_784, %broadcast_in_dim3A_786 : vector<16xi1>, vector<16xf32>
        %cumsum3A_788 = arith.constant true
        %cumsum3A_789 = vector.broadcast %cumsum3A_788 : i1 to vector<16xi1>
        %cumsum3A_790 = tpu.scan <sum>, %select_n3A_787 masked %cumsum3A_789 : vector<16xf32>, vector<16xi1> -> vector<16xf32>
        %broadcast_in_dim3A_791 = vector.shape_cast %max3A_583 : vector<16xi32> to vector<16x1xi32>
        %gather3A_792 = vector.shape_cast %broadcast_in_dim3A_791 : vector<16x1xi32> to vector<16xi32>
        %gather3A_793 = tpu.dynamic_gather %cumsum3A_790[%gather3A_792] in [0] : vector<16xf32>, vector<16xi32> -> vector<16xf32>
        %jit3A_794 = arith.constant 0.000000e+00 : f32
        %broadcast_in_dim3A_795 = vector.broadcast %jit3A_794 : f32 to vector<16xf32>
        %select_n3A_796 = arith.select %eq3A_586, %broadcast_in_dim3A_795, %gather3A_793 : vector<16xi1>, vector<16xf32>
        %gather3A_797 = tpu.vector_load_idx %arg33[%bitcast3A_554] : memref<3200xf32, #tpu.memory_space<vmem>>[vector<16xi32>], vector<16xf32>,
        %sub3A_798 = arith.subf %min3A_782, %gather3A_781 : vector<16xf32>
        %exp3A_799 = math.exp %sub3A_798 : vector<16xf32>
        %mul3A_800 = arith.mulf %gather3A_797, %exp3A_799 : vector<16xf32>
        %sub3A_801 = arith.subf %cumsum3A_790, %select_n3A_796 : vector<16xf32>
        %add3A_802 = arith.addf %mul3A_800, %sub3A_801 : vector<16xf32>
        tpu.vector_store_idx %arg33[%bitcast3A_554], %add3A_802 masked %and3A_567 : memref<3200xf32, #tpu.memory_space<vmem>>[vector<16xi32>], vector<16xf32>, vector<16xi1>
        tpu.vector_store_idx %arg25[%bitcast3A_554], %min3A_782 masked %and3A_567 : memref<3200xf32, #tpu.memory_space<vmem>>[vector<16xi32>], vector<16xf32>, vector<16xi1>
      }
      %scan3A_272 = arith.constant 128 : i32
    }
    %while3A_148 = arith.constant 1 : i32
    scf.for %while3A_210 = %while3A_146 to %while3A_142 step %while3A_148  : i32 {
      %mul3A_211 = arith.constant 2 : i32
      %mul3A_212 = arith.muli %mul3A_211, %while3A_210 : i32
      %add3A_213 = arith.constant 1 : i32
      %add3A_214 = arith.addi %mul3A_212, %add3A_213 : i32
      %mul3A_215 = arith.constant 4096 : i32
      %mul3A_216 = arith.muli %add3A_214, %mul3A_215 : i32
      %add3A_217 = arith.addi %and3A_72, %mul3A_216 : i32
      %multiple_of3A_218 = tpu.assume_multiple %add3A_217, 8 : i32
      %dma_start3A_219 = tpu.memref_slice %arg2[%multiple_of3A_218] : memref<3212288xf32, #tpu.memory_space<hbm>> -> memref<4096xf32, #tpu.memory_space<hbm>>
      %dma_start3A_220 = tpu.memref_slice %arg2[%multiple_of3A_218] : memref<3212288xf32, #tpu.memory_space<hbm>> -> memref<4096xf32, #tpu.memory_space<hbm>>
      tpu.enqueue_dma source(%dma_start3A_220 : memref<4096xf32, #tpu.memory_space<hbm>>) target(%arg9 : memref<4096xf32, #tpu.memory_space<vmem>>) target_semaphore(%arg15 : memref<!tpu.dma_semaphore, #tpu.memory_space<semaphore_mem>>)
      %dma_start3A_221 = tpu.memref_slice %arg3[%multiple_of3A_218] : memref<3212288xf32, #tpu.memory_space<hbm>> -> memref<4096xf32, #tpu.memory_space<hbm>>
      %dma_start3A_222 = tpu.memref_slice %arg3[%multiple_of3A_218] : memref<3212288xf32, #tpu.memory_space<hbm>> -> memref<4096xf32, #tpu.memory_space<hbm>>
      tpu.enqueue_dma source(%dma_start3A_222 : memref<4096xf32, #tpu.memory_space<hbm>>) target(%arg11 : memref<4096xf32, #tpu.memory_space<vmem>>) target_semaphore(%arg15 : memref<!tpu.dma_semaphore, #tpu.memory_space<semaphore_mem>>)
      %dma_start3A_223 = tpu.memref_slice %arg4[%multiple_of3A_218] : memref<3212288xi32, #tpu.memory_space<hbm>> -> memref<4096xi32, #tpu.memory_space<hbm>>
      %dma_start3A_224 = tpu.memref_slice %arg4[%multiple_of3A_218] : memref<3212288xi32, #tpu.memory_space<hbm>> -> memref<4096xi32, #tpu.memory_space<hbm>>
      tpu.enqueue_dma source(%dma_start3A_224 : memref<4096xi32, #tpu.memory_space<hbm>>) target(%arg13 : memref<4096xi32, #tpu.memory_space<vmem>>) target_semaphore(%arg15 : memref<!tpu.dma_semaphore, #tpu.memory_space<semaphore_mem>>)
      %dma_wait3A_225 = arith.constant 0 : i32
      %dma_wait3A_226 = tpu.memref_slice %arg2[%dma_wait3A_225] : memref<3212288xf32, #tpu.memory_space<hbm>> -> memref<4096xf32, #tpu.memory_space<hbm>>
      %dma_wait3A_227 = arith.constant 0 : i32
      %dma_wait3A_228 = tpu.memref_slice %arg2[%dma_wait3A_227] : memref<3212288xf32, #tpu.memory_space<hbm>> -> memref<4096xf32, #tpu.memory_space<hbm>>
      tpu.wait_dma2 semaphore(%arg14 : memref<!tpu.dma_semaphore, #tpu.memory_space<semaphore_mem>>) src(%dma_wait3A_228 : memref<4096xf32, #tpu.memory_space<hbm>>) dst(%arg8 : memref<4096xf32, #tpu.memory_space<vmem>>)
      %dma_wait3A_229 = arith.constant 0 : i32
      %dma_wait3A_230 = tpu.memref_slice %arg3[%dma_wait3A_229] : memref<3212288xf32, #tpu.memory_space<hbm>> -> memref<4096xf32, #tpu.memory_space<hbm>>
      %dma_wait3A_231 = arith.constant 0 : i32
      %dma_wait3A_232 = tpu.memref_slice %arg3[%dma_wait3A_231] : memref<3212288xf32, #tpu.memory_space<hbm>> -> memref<4096xf32, #tpu.memory_space<hbm>>
      tpu.wait_dma2 semaphore(%arg14 : memref<!tpu.dma_semaphore, #tpu.memory_space<semaphore_mem>>) src(%dma_wait3A_232 : memref<4096xf32, #tpu.memory_space<hbm>>) dst(%arg10 : memref<4096xf32, #tpu.memory_space<vmem>>)
      %dma_wait3A_233 = arith.constant 0 : i32
      %dma_wait3A_234 = tpu.memref_slice %arg4[%dma_wait3A_233] : memref<3212288xi32, #tpu.memory_space<hbm>> -> memref<4096xi32, #tpu.memory_space<hbm>>
      %dma_wait3A_235 = arith.constant 0 : i32
      %dma_wait3A_236 = tpu.memref_slice %arg4[%dma_wait3A_235] : memref<3212288xi32, #tpu.memory_space<hbm>> -> memref<4096xi32, #tpu.memory_space<hbm>>
      tpu.wait_dma2 semaphore(%arg14 : memref<!tpu.dma_semaphore, #tpu.memory_space<semaphore_mem>>) src(%dma_wait3A_236 : memref<4096xi32, #tpu.memory_space<hbm>>) dst(%arg12 : memref<4096xi32, #tpu.memory_space<vmem>>)
      %scan3A_237 = arith.constant 0 : i32
      %scan3A_238 = arith.constant 0 : i32
      %scan3A_239 = arith.constant 128 : i32
      %scan3A_240 = arith.addi %scan3A_238, %scan3A_239 : i32
      %scan3A_241 = arith.constant 1 : i32
      scf.for %scan3A_273 = %scan3A_238 to %scan3A_240 step %scan3A_241  : i32 {
        %mul3A_274 = arith.constant 2 : i32
        %mul3A_275 = arith.muli %mul3A_274, %scan3A_273 : i32
        %mul3A_276 = arith.constant 16 : i32
        %mul3A_277 = arith.muli %mul3A_275, %mul3A_276 : i32
        %get3A_278 = arith.index_cast %mul3A_277 : i32 to index
        %get3A_279 = tpu.vector_load %arg12[%get3A_278] {strides = array<i32>} : memref<4096xi32, #tpu.memory_space<vmem>>, vector<16xi32>,
        %get3A_280 = arith.index_cast %mul3A_277 : i32 to index
        %get3A_281 = tpu.vector_load %arg8[%get3A_280] {strides = array<i32>} : memref<4096xf32, #tpu.memory_space<vmem>>, vector<16xf32>,
        %get3A_282 = arith.index_cast %mul3A_277 : i32 to index
        %get3A_283 = tpu.vector_load %arg10[%get3A_282] {strides = array<i32>} : memref<4096xf32, #tpu.memory_space<vmem>>, vector<16xf32>,
        %sub3A_284 = vector.broadcast %mul3A_71 : i32 to vector<16xi32>
        %sub3A_285 = arith.subi %get3A_279, %sub3A_284 : vector<16xi32>
        %bitcast3A = vector.bitcast %sub3A_285 : vector<16xi32> to vector<16xi32>
        %lt3A = arith.constant 3200 : i32
        %lt3A_286 = vector.broadcast %lt3A : i32 to vector<16xi32>
        %lt3A_287 = arith.cmpi ult, %bitcast3A, %lt3A_286 : vector<16xi32>
        %min3A_288 = arith.constant 3199 : i32
        %min3A_289 = vector.broadcast %min3A_288 : i32 to vector<16xi32>
        %min3A_290 = arith.minui %bitcast3A, %min3A_289 : vector<16xi32>
        %bitcast3A_291 = vector.bitcast %min3A_290 : vector<16xi32> to vector<16xi32>
        %eq3A_292 = arith.constant 15 : i32
        %eq3A_293 = vector.broadcast %eq3A_292 : i32 to vector<16xi32>
        %eq3A_294 = arith.cmpi eq, %iota3A, %eq3A_293 : vector<16xi32>
        %broadcast_in_dim3A_295 = vector.shape_cast %min3A_10 : vector<16xi32> to vector<16x1xi32>
        %gather3A = vector.shape_cast %broadcast_in_dim3A_295 : vector<16x1xi32> to vector<16xi32>
        %gather3A_296 = tpu.dynamic_gather %get3A_279[%gather3A] in [0] : vector<16xi32>, vector<16xi32> -> vector<16xi32>
        %ne3A_297 = arith.cmpi ne, %get3A_279, %gather3A_296 : vector<16xi32>
        %or3A = arith.ori %eq3A_294, %ne3A_297 : vector<16xi1>
        %broadcast_in_dim3A_298 = vector.shape_cast %max3A_5 : vector<16xi32> to vector<16x1xi32>
        %gather3A_299 = vector.shape_cast %broadcast_in_dim3A_298 : vector<16x1xi32> to vector<16xi32>
        %gather3A_300 = tpu.dynamic_gather %get3A_279[%gather3A_299] in [0] : vector<16xi32>, vector<16xi32> -> vector<16xi32>
        %ne3A_301 = arith.cmpi ne, %get3A_279, %gather3A_300 : vector<16xi32>
        %and3A_302 = arith.andi %or3A, %lt3A_287 : vector<16xi1>
        %jit3A_303 = arith.constant 0 : i32
        %broadcast_in_dim3A_304 = vector.broadcast %jit3A_303 : i32 to vector<16xi32>
        %select_n3A_305 = arith.select %ne3A_301, %iota3A, %broadcast_in_dim3A_304 : vector<16xi1>, vector<16xi32>
        %broadcast_in_dim3A_306 = arith.constant true
        %broadcast_in_dim3A_307 = vector.broadcast %broadcast_in_dim3A_306 : i1 to vector<16xi1>
        %masked_cummax3A = arith.constant -2147483648 : i32
        %masked_cummax3A_308 = vector.broadcast %masked_cummax3A : i32 to vector<16xi32>
        %masked_cummax3A_309 = arith.xori %select_n3A_305, %masked_cummax3A_308 : vector<16xi32>
        %masked_cummax3A_310 = tpu.scan <max>, %masked_cummax3A_309 masked %broadcast_in_dim3A_307 : vector<16xi32>, vector<16xi1> -> vector<16xi32>
        %masked_cummax3A_311 = arith.xori %masked_cummax3A_310, %masked_cummax3A_308 : vector<16xi32>
        %sub3A_312 = arith.constant 1 : i32
        %sub3A_313 = vector.broadcast %sub3A_312 : i32 to vector<16xi32>
        %sub3A_314 = arith.subi %masked_cummax3A_311, %sub3A_313 : vector<16xi32>
        %max3A_315 = arith.constant 0 : i32
        %max3A_316 = vector.broadcast %max3A_315 : i32 to vector<16xi32>
        %max3A_317 = arith.maxsi %sub3A_314, %max3A_316 : vector<16xi32>
        %eq3A_318 = arith.constant 0 : i32
        %eq3A_319 = vector.broadcast %eq3A_318 : i32 to vector<16xi32>
        %eq3A_320 = arith.cmpi eq, %masked_cummax3A_311, %eq3A_319 : vector<16xi32>
        %jit3A_321 = arith.constant 1 : i32
        %jit3A_322 = arith.constant 0 : i32
        %broadcast_in_dim3A_323 = vector.broadcast %jit3A_321 : i32 to vector<16xi32>
        %broadcast_in_dim3A_324 = vector.broadcast %jit3A_322 : i32 to vector<16xi32>
        %select_n3A_325 = arith.select %or3A, %broadcast_in_dim3A_323, %broadcast_in_dim3A_324 : vector<16xi1>, vector<16xi32>
        %broadcast_in_dim3A_326 = vector.shape_cast %sub3A_13 : vector<16xi32> to vector<16x1xi32>
        %gather3A_327 = vector.shape_cast %broadcast_in_dim3A_326 : vector<16x1xi32> to vector<16xi32>
        %gather3A_328 = tpu.dynamic_gather %select_n3A_325[%gather3A_327] in [0] : vector<16xi32>, vector<16xi32> -> vector<16xi32>
        %ne3A_329 = arith.constant 0 : i32
        %ne3A_330 = vector.broadcast %ne3A_329 : i32 to vector<16xi32>
        %ne3A_331 = arith.cmpi ne, %gather3A_328, %ne3A_330 : vector<16xi32>
        %jit3A_332 = arith.constant 0 : i32
        %broadcast_in_dim3A_333 = vector.broadcast %jit3A_332 : i32 to vector<16xi32>
        %select_n3A_334 = arith.select %ne3A_331, %iota3A, %broadcast_in_dim3A_333 : vector<16xi1>, vector<16xi32>
        %broadcast_in_dim3A_335 = arith.constant true
        %broadcast_in_dim3A_336 = vector.broadcast %broadcast_in_dim3A_335 : i1 to vector<16xi1>
        %masked_cummax3A_337 = arith.constant -2147483648 : i32
        %masked_cummax3A_338 = vector.broadcast %masked_cummax3A_337 : i32 to vector<16xi32>
        %masked_cummax3A_339 = arith.xori %select_n3A_334, %masked_cummax3A_338 : vector<16xi32>
        %masked_cummax3A_340 = tpu.scan <max>, %masked_cummax3A_339 masked %broadcast_in_dim3A_336 : vector<16xi32>, vector<16xi1> -> vector<16xi32>
        %masked_cummax3A_341 = arith.xori %masked_cummax3A_340, %masked_cummax3A_338 : vector<16xi32>
        %sub3A_342 = arith.constant 15 : i32
        %sub3A_343 = vector.broadcast %sub3A_342 : i32 to vector<16xi32>
        %sub3A_344 = arith.subi %sub3A_343, %masked_cummax3A_341 : vector<16xi32>
        %broadcast_in_dim3A_345 = vector.shape_cast %sub3A_13 : vector<16xi32> to vector<16x1xi32>
        %gather3A_346 = vector.shape_cast %broadcast_in_dim3A_345 : vector<16x1xi32> to vector<16xi32>
        %gather3A_347 = tpu.dynamic_gather %sub3A_344[%gather3A_346] in [0] : vector<16xi32>, vector<16xi32> -> vector<16xi32>
        %shift_left3A = arith.constant 19 : i32
        %shift_left3A_348 = vector.broadcast %shift_left3A : i32 to vector<16xi32>
        %shift_left3A_349 = arith.shli %bitcast3A, %shift_left3A_348 : vector<16xi32>
        %bitcast3A_350 = vector.bitcast %get3A_281 : vector<16xf32> to vector<16xi32>
        %shift_right_logical3A = arith.constant 12 : i32
        %shift_right_logical3A_351 = vector.broadcast %shift_right_logical3A : i32 to vector<16xi32>
        %shift_right_logical3A_352 = arith.shrui %bitcast3A_350, %shift_right_logical3A_351 : vector<16xi32>
        %bitcast3A_353 = vector.bitcast %get3A_283 : vector<16xf32> to vector<16xi32>
        %shift_right_logical3A_354 = arith.constant 12 : i32
        %shift_right_logical3A_355 = vector.broadcast %shift_right_logical3A_354 : i32 to vector<16xi32>
        %shift_right_logical3A_356 = arith.shrui %bitcast3A_353, %shift_right_logical3A_355 : vector<16xi32>
        %mul3A_357 = arith.mulf %get3A_281, %get3A_1 : vector<16xf32>
        %mul3A_358 = arith.mulf %get3A_283, %get3A_1 : vector<16xf32>
        %sub3A_359 = arith.constant 524287 : i32
        %sub3A_360 = vector.broadcast %sub3A_359 : i32 to vector<16xi32>
        %sub3A_361 = arith.subi %sub3A_360, %shift_right_logical3A_352 : vector<16xi32>
        %sub3A_362 = arith.constant 524287 : i32
        %sub3A_363 = vector.broadcast %sub3A_362 : i32 to vector<16xi32>
        %sub3A_364 = arith.subi %sub3A_363, %shift_right_logical3A_356 : vector<16xi32>
        %or3A_365 = arith.ori %shift_left3A_349, %shift_right_logical3A_352 : vector<16xi32>
        %jit3A_366 = arith.constant 0 : i32
        %broadcast_in_dim3A_367 = vector.broadcast %jit3A_366 : i32 to vector<16xi32>
        %select_n3A_368 = arith.select %lt3A_287, %or3A_365, %broadcast_in_dim3A_367 : vector<16xi1>, vector<16xi32>
        %broadcast_in_dim3A_369 = arith.constant true
        %broadcast_in_dim3A_370 = vector.broadcast %broadcast_in_dim3A_369 : i1 to vector<16xi1>
        %masked_cummax3A_371 = tpu.scan <max>, %select_n3A_368 masked %broadcast_in_dim3A_370 : vector<16xi32>, vector<16xi1> -> vector<16xi32>
        %bitcast3A_372 = vector.bitcast %masked_cummax3A_371 : vector<16xi32> to vector<16xi32>
        %broadcast_in_dim3A_373 = vector.shape_cast %gather3A_347 : vector<16xi32> to vector<16x1xi32>
        %gather3A_374 = vector.shape_cast %broadcast_in_dim3A_373 : vector<16x1xi32> to vector<16xi32>
        %gather3A_375 = tpu.dynamic_gather %bitcast3A_372[%gather3A_374] in [0] : vector<16xi32>, vector<16xi32> -> vector<16xi32>
        %and3A_376 = arith.constant 524287 : i32
        %and3A_377 = vector.broadcast %and3A_376 : i32 to vector<16xi32>
        %and3A_378 = arith.andi %gather3A_375, %and3A_377 : vector<16xi32>
        %shift_left3A_379 = arith.constant 12 : i32
        %shift_left3A_380 = vector.broadcast %shift_left3A_379 : i32 to vector<16xi32>
        %shift_left3A_381 = arith.shli %and3A_378, %shift_left3A_380 : vector<16xi32>
        %bitcast3A_382 = vector.bitcast %shift_left3A_381 : vector<16xi32> to vector<16xf32>
        %mul3A_383 = arith.mulf %bitcast3A_382, %get3A_1 : vector<16xf32>
        %gather3A_384 = tpu.vector_load_idx %arg18[%bitcast3A_291] : memref<3200xf32, #tpu.memory_space<vmem>>[vector<16xi32>], vector<16xf32>,
        %max3A_385 = arith.maximumf %gather3A_384, %mul3A_383 : vector<16xf32>
        %sub3A_386 = arith.subf %mul3A_357, %max3A_385 : vector<16xf32>
        %exp3A = math.exp %sub3A_386 : vector<16xf32>
        %jit3A_387 = arith.constant 0.000000e+00 : f32
        %broadcast_in_dim3A_388 = vector.broadcast %jit3A_387 : f32 to vector<16xf32>
        %select_n3A_389 = arith.select %lt3A_287, %exp3A, %broadcast_in_dim3A_388 : vector<16xi1>, vector<16xf32>
        %cumsum3A = arith.constant true
        %cumsum3A_390 = vector.broadcast %cumsum3A : i1 to vector<16xi1>
        %cumsum3A_391 = tpu.scan <sum>, %select_n3A_389 masked %cumsum3A_390 : vector<16xf32>, vector<16xi1> -> vector<16xf32>
        %broadcast_in_dim3A_392 = vector.shape_cast %max3A_317 : vector<16xi32> to vector<16x1xi32>
        %gather3A_393 = vector.shape_cast %broadcast_in_dim3A_392 : vector<16x1xi32> to vector<16xi32>
        %gather3A_394 = tpu.dynamic_gather %cumsum3A_391[%gather3A_393] in [0] : vector<16xf32>, vector<16xi32> -> vector<16xf32>
        %jit3A_395 = arith.constant 0.000000e+00 : f32
        %broadcast_in_dim3A_396 = vector.broadcast %jit3A_395 : f32 to vector<16xf32>
        %select_n3A_397 = arith.select %eq3A_320, %broadcast_in_dim3A_396, %gather3A_394 : vector<16xi1>, vector<16xf32>
        %gather3A_398 = tpu.vector_load_idx %arg26[%bitcast3A_291] : memref<3200xf32, #tpu.memory_space<vmem>>[vector<16xi32>], vector<16xf32>,
        %sub3A_399 = arith.subf %gather3A_384, %max3A_385 : vector<16xf32>
        %exp3A_400 = math.exp %sub3A_399 : vector<16xf32>
        %mul3A_401 = arith.mulf %gather3A_398, %exp3A_400 : vector<16xf32>
        %sub3A_402 = arith.subf %cumsum3A_391, %select_n3A_397 : vector<16xf32>
        %add3A_403 = arith.addf %mul3A_401, %sub3A_402 : vector<16xf32>
        tpu.vector_store_idx %arg26[%bitcast3A_291], %add3A_403 masked %and3A_302 : memref<3200xf32, #tpu.memory_space<vmem>>[vector<16xi32>], vector<16xf32>, vector<16xi1>
        tpu.vector_store_idx %arg18[%bitcast3A_291], %max3A_385 masked %and3A_302 : memref<3200xf32, #tpu.memory_space<vmem>>[vector<16xi32>], vector<16xf32>, vector<16xi1>
        %or3A_404 = arith.ori %shift_left3A_349, %sub3A_361 : vector<16xi32>
        %jit3A_405 = arith.constant 0 : i32
        %broadcast_in_dim3A_406 = vector.broadcast %jit3A_405 : i32 to vector<16xi32>
        %select_n3A_407 = arith.select %lt3A_287, %or3A_404, %broadcast_in_dim3A_406 : vector<16xi1>, vector<16xi32>
        %broadcast_in_dim3A_408 = arith.constant true
        %broadcast_in_dim3A_409 = vector.broadcast %broadcast_in_dim3A_408 : i1 to vector<16xi1>
        %masked_cummax3A_410 = tpu.scan <max>, %select_n3A_407 masked %broadcast_in_dim3A_409 : vector<16xi32>, vector<16xi1> -> vector<16xi32>
        %bitcast3A_411 = vector.bitcast %masked_cummax3A_410 : vector<16xi32> to vector<16xi32>
        %broadcast_in_dim3A_412 = vector.shape_cast %gather3A_347 : vector<16xi32> to vector<16x1xi32>
        %gather3A_413 = vector.shape_cast %broadcast_in_dim3A_412 : vector<16x1xi32> to vector<16xi32>
        %gather3A_414 = tpu.dynamic_gather %bitcast3A_411[%gather3A_413] in [0] : vector<16xi32>, vector<16xi32> -> vector<16xi32>
        %and3A_415 = arith.constant 524287 : i32
        %and3A_416 = vector.broadcast %and3A_415 : i32 to vector<16xi32>
        %and3A_417 = arith.andi %gather3A_414, %and3A_416 : vector<16xi32>
        %sub3A_418 = arith.constant 524287 : i32
        %sub3A_419 = vector.broadcast %sub3A_418 : i32 to vector<16xi32>
        %sub3A_420 = arith.subi %sub3A_419, %and3A_417 : vector<16xi32>
        %shift_left3A_421 = arith.constant 12 : i32
        %shift_left3A_422 = vector.broadcast %shift_left3A_421 : i32 to vector<16xi32>
        %shift_left3A_423 = arith.shli %sub3A_420, %shift_left3A_422 : vector<16xi32>
        %bitcast3A_424 = vector.bitcast %shift_left3A_423 : vector<16xi32> to vector<16xf32>
        %mul3A_425 = arith.mulf %bitcast3A_424, %get3A_1 : vector<16xf32>
        %gather3A_426 = tpu.vector_load_idx %arg19[%bitcast3A_291] : memref<3200xf32, #tpu.memory_space<vmem>>[vector<16xi32>], vector<16xf32>,
        %min3A_427 = arith.minimumf %gather3A_426, %mul3A_425 : vector<16xf32>
        %sub3A_428 = arith.subf %min3A_427, %mul3A_357 : vector<16xf32>
        %exp3A_429 = math.exp %sub3A_428 : vector<16xf32>
        %jit3A_430 = arith.constant 0.000000e+00 : f32
        %broadcast_in_dim3A_431 = vector.broadcast %jit3A_430 : f32 to vector<16xf32>
        %select_n3A_432 = arith.select %lt3A_287, %exp3A_429, %broadcast_in_dim3A_431 : vector<16xi1>, vector<16xf32>
        %cumsum3A_433 = arith.constant true
        %cumsum3A_434 = vector.broadcast %cumsum3A_433 : i1 to vector<16xi1>
        %cumsum3A_435 = tpu.scan <sum>, %select_n3A_432 masked %cumsum3A_434 : vector<16xf32>, vector<16xi1> -> vector<16xf32>
        %broadcast_in_dim3A_436 = vector.shape_cast %max3A_317 : vector<16xi32> to vector<16x1xi32>
        %gather3A_437 = vector.shape_cast %broadcast_in_dim3A_436 : vector<16x1xi32> to vector<16xi32>
        %gather3A_438 = tpu.dynamic_gather %cumsum3A_435[%gather3A_437] in [0] : vector<16xf32>, vector<16xi32> -> vector<16xf32>
        %jit3A_439 = arith.constant 0.000000e+00 : f32
        %broadcast_in_dim3A_440 = vector.broadcast %jit3A_439 : f32 to vector<16xf32>
        %select_n3A_441 = arith.select %eq3A_320, %broadcast_in_dim3A_440, %gather3A_438 : vector<16xi1>, vector<16xf32>
        %gather3A_442 = tpu.vector_load_idx %arg27[%bitcast3A_291] : memref<3200xf32, #tpu.memory_space<vmem>>[vector<16xi32>], vector<16xf32>,
        %sub3A_443 = arith.subf %min3A_427, %gather3A_426 : vector<16xf32>
        %exp3A_444 = math.exp %sub3A_443 : vector<16xf32>
        %mul3A_445 = arith.mulf %gather3A_442, %exp3A_444 : vector<16xf32>
        %sub3A_446 = arith.subf %cumsum3A_435, %select_n3A_441 : vector<16xf32>
        %add3A_447 = arith.addf %mul3A_445, %sub3A_446 : vector<16xf32>
        tpu.vector_store_idx %arg27[%bitcast3A_291], %add3A_447 masked %and3A_302 : memref<3200xf32, #tpu.memory_space<vmem>>[vector<16xi32>], vector<16xf32>, vector<16xi1>
        tpu.vector_store_idx %arg19[%bitcast3A_291], %min3A_427 masked %and3A_302 : memref<3200xf32, #tpu.memory_space<vmem>>[vector<16xi32>], vector<16xf32>, vector<16xi1>
        %or3A_448 = arith.ori %shift_left3A_349, %shift_right_logical3A_356 : vector<16xi32>
        %jit3A_449 = arith.constant 0 : i32
        %broadcast_in_dim3A_450 = vector.broadcast %jit3A_449 : i32 to vector<16xi32>
        %select_n3A_451 = arith.select %lt3A_287, %or3A_448, %broadcast_in_dim3A_450 : vector<16xi1>, vector<16xi32>
        %broadcast_in_dim3A_452 = arith.constant true
        %broadcast_in_dim3A_453 = vector.broadcast %broadcast_in_dim3A_452 : i1 to vector<16xi1>
        %masked_cummax3A_454 = tpu.scan <max>, %select_n3A_451 masked %broadcast_in_dim3A_453 : vector<16xi32>, vector<16xi1> -> vector<16xi32>
        %bitcast3A_455 = vector.bitcast %masked_cummax3A_454 : vector<16xi32> to vector<16xi32>
        %broadcast_in_dim3A_456 = vector.shape_cast %gather3A_347 : vector<16xi32> to vector<16x1xi32>
        %gather3A_457 = vector.shape_cast %broadcast_in_dim3A_456 : vector<16x1xi32> to vector<16xi32>
        %gather3A_458 = tpu.dynamic_gather %bitcast3A_455[%gather3A_457] in [0] : vector<16xi32>, vector<16xi32> -> vector<16xi32>
        %and3A_459 = arith.constant 524287 : i32
        %and3A_460 = vector.broadcast %and3A_459 : i32 to vector<16xi32>
        %and3A_461 = arith.andi %gather3A_458, %and3A_460 : vector<16xi32>
        %shift_left3A_462 = arith.constant 12 : i32
        %shift_left3A_463 = vector.broadcast %shift_left3A_462 : i32 to vector<16xi32>
        %shift_left3A_464 = arith.shli %and3A_461, %shift_left3A_463 : vector<16xi32>
        %bitcast3A_465 = vector.bitcast %shift_left3A_464 : vector<16xi32> to vector<16xf32>
        %mul3A_466 = arith.mulf %bitcast3A_465, %get3A_1 : vector<16xf32>
        %gather3A_467 = tpu.vector_load_idx %arg20[%bitcast3A_291] : memref<3200xf32, #tpu.memory_space<vmem>>[vector<16xi32>], vector<16xf32>,
        %max3A_468 = arith.maximumf %gather3A_467, %mul3A_466 : vector<16xf32>
        %sub3A_469 = arith.subf %mul3A_358, %max3A_468 : vector<16xf32>
        %exp3A_470 = math.exp %sub3A_469 : vector<16xf32>
        %jit3A_471 = arith.constant 0.000000e+00 : f32
        %broadcast_in_dim3A_472 = vector.broadcast %jit3A_471 : f32 to vector<16xf32>
        %select_n3A_473 = arith.select %lt3A_287, %exp3A_470, %broadcast_in_dim3A_472 : vector<16xi1>, vector<16xf32>
        %cumsum3A_474 = arith.constant true
        %cumsum3A_475 = vector.broadcast %cumsum3A_474 : i1 to vector<16xi1>
        %cumsum3A_476 = tpu.scan <sum>, %select_n3A_473 masked %cumsum3A_475 : vector<16xf32>, vector<16xi1> -> vector<16xf32>
        %broadcast_in_dim3A_477 = vector.shape_cast %max3A_317 : vector<16xi32> to vector<16x1xi32>
        %gather3A_478 = vector.shape_cast %broadcast_in_dim3A_477 : vector<16x1xi32> to vector<16xi32>
        %gather3A_479 = tpu.dynamic_gather %cumsum3A_476[%gather3A_478] in [0] : vector<16xf32>, vector<16xi32> -> vector<16xf32>
        %jit3A_480 = arith.constant 0.000000e+00 : f32
        %broadcast_in_dim3A_481 = vector.broadcast %jit3A_480 : f32 to vector<16xf32>
        %select_n3A_482 = arith.select %eq3A_320, %broadcast_in_dim3A_481, %gather3A_479 : vector<16xi1>, vector<16xf32>
        %gather3A_483 = tpu.vector_load_idx %arg28[%bitcast3A_291] : memref<3200xf32, #tpu.memory_space<vmem>>[vector<16xi32>], vector<16xf32>,
        %sub3A_484 = arith.subf %gather3A_467, %max3A_468 : vector<16xf32>
        %exp3A_485 = math.exp %sub3A_484 : vector<16xf32>
        %mul3A_486 = arith.mulf %gather3A_483, %exp3A_485 : vector<16xf32>
        %sub3A_487 = arith.subf %cumsum3A_476, %select_n3A_482 : vector<16xf32>
        %add3A_488 = arith.addf %mul3A_486, %sub3A_487 : vector<16xf32>
        tpu.vector_store_idx %arg28[%bitcast3A_291], %add3A_488 masked %and3A_302 : memref<3200xf32, #tpu.memory_space<vmem>>[vector<16xi32>], vector<16xf32>, vector<16xi1>
        tpu.vector_store_idx %arg20[%bitcast3A_291], %max3A_468 masked %and3A_302 : memref<3200xf32, #tpu.memory_space<vmem>>[vector<16xi32>], vector<16xf32>, vector<16xi1>
        %or3A_489 = arith.ori %shift_left3A_349, %sub3A_364 : vector<16xi32>
        %jit3A_490 = arith.constant 0 : i32
        %broadcast_in_dim3A_491 = vector.broadcast %jit3A_490 : i32 to vector<16xi32>
        %select_n3A_492 = arith.select %lt3A_287, %or3A_489, %broadcast_in_dim3A_491 : vector<16xi1>, vector<16xi32>
        %broadcast_in_dim3A_493 = arith.constant true
        %broadcast_in_dim3A_494 = vector.broadcast %broadcast_in_dim3A_493 : i1 to vector<16xi1>
        %masked_cummax3A_495 = tpu.scan <max>, %select_n3A_492 masked %broadcast_in_dim3A_494 : vector<16xi32>, vector<16xi1> -> vector<16xi32>
        %bitcast3A_496 = vector.bitcast %masked_cummax3A_495 : vector<16xi32> to vector<16xi32>
        %broadcast_in_dim3A_497 = vector.shape_cast %gather3A_347 : vector<16xi32> to vector<16x1xi32>
        %gather3A_498 = vector.shape_cast %broadcast_in_dim3A_497 : vector<16x1xi32> to vector<16xi32>
        %gather3A_499 = tpu.dynamic_gather %bitcast3A_496[%gather3A_498] in [0] : vector<16xi32>, vector<16xi32> -> vector<16xi32>
        %and3A_500 = arith.constant 524287 : i32
        %and3A_501 = vector.broadcast %and3A_500 : i32 to vector<16xi32>
        %and3A_502 = arith.andi %gather3A_499, %and3A_501 : vector<16xi32>
        %sub3A_503 = arith.constant 524287 : i32
        %sub3A_504 = vector.broadcast %sub3A_503 : i32 to vector<16xi32>
        %sub3A_505 = arith.subi %sub3A_504, %and3A_502 : vector<16xi32>
        %shift_left3A_506 = arith.constant 12 : i32
        %shift_left3A_507 = vector.broadcast %shift_left3A_506 : i32 to vector<16xi32>
        %shift_left3A_508 = arith.shli %sub3A_505, %shift_left3A_507 : vector<16xi32>
        %bitcast3A_509 = vector.bitcast %shift_left3A_508 : vector<16xi32> to vector<16xf32>
        %mul3A_510 = arith.mulf %bitcast3A_509, %get3A_1 : vector<16xf32>
        %gather3A_511 = tpu.vector_load_idx %arg21[%bitcast3A_291] : memref<3200xf32, #tpu.memory_space<vmem>>[vector<16xi32>], vector<16xf32>,
        %min3A_512 = arith.minimumf %gather3A_511, %mul3A_510 : vector<16xf32>
        %sub3A_513 = arith.subf %min3A_512, %mul3A_358 : vector<16xf32>
        %exp3A_514 = math.exp %sub3A_513 : vector<16xf32>
        %jit3A_515 = arith.constant 0.000000e+00 : f32
        %broadcast_in_dim3A_516 = vector.broadcast %jit3A_515 : f32 to vector<16xf32>
        %select_n3A_517 = arith.select %lt3A_287, %exp3A_514, %broadcast_in_dim3A_516 : vector<16xi1>, vector<16xf32>
        %cumsum3A_518 = arith.constant true
        %cumsum3A_519 = vector.broadcast %cumsum3A_518 : i1 to vector<16xi1>
        %cumsum3A_520 = tpu.scan <sum>, %select_n3A_517 masked %cumsum3A_519 : vector<16xf32>, vector<16xi1> -> vector<16xf32>
        %broadcast_in_dim3A_521 = vector.shape_cast %max3A_317 : vector<16xi32> to vector<16x1xi32>
        %gather3A_522 = vector.shape_cast %broadcast_in_dim3A_521 : vector<16x1xi32> to vector<16xi32>
        %gather3A_523 = tpu.dynamic_gather %cumsum3A_520[%gather3A_522] in [0] : vector<16xf32>, vector<16xi32> -> vector<16xf32>
        %jit3A_524 = arith.constant 0.000000e+00 : f32
        %broadcast_in_dim3A_525 = vector.broadcast %jit3A_524 : f32 to vector<16xf32>
        %select_n3A_526 = arith.select %eq3A_320, %broadcast_in_dim3A_525, %gather3A_523 : vector<16xi1>, vector<16xf32>
        %gather3A_527 = tpu.vector_load_idx %arg29[%bitcast3A_291] : memref<3200xf32, #tpu.memory_space<vmem>>[vector<16xi32>], vector<16xf32>,
        %sub3A_528 = arith.subf %min3A_512, %gather3A_511 : vector<16xf32>
        %exp3A_529 = math.exp %sub3A_528 : vector<16xf32>
        %mul3A_530 = arith.mulf %gather3A_527, %exp3A_529 : vector<16xf32>
        %sub3A_531 = arith.subf %cumsum3A_520, %select_n3A_526 : vector<16xf32>
        %add3A_532 = arith.addf %mul3A_530, %sub3A_531 : vector<16xf32>
        tpu.vector_store_idx %arg29[%bitcast3A_291], %add3A_532 masked %and3A_302 : memref<3200xf32, #tpu.memory_space<vmem>>[vector<16xi32>], vector<16xf32>, vector<16xi1>
        tpu.vector_store_idx %arg21[%bitcast3A_291], %min3A_512 masked %and3A_302 : memref<3200xf32, #tpu.memory_space<vmem>>[vector<16xi32>], vector<16xf32>, vector<16xi1>
        %mul3A_533 = arith.constant 2 : i32
        %mul3A_534 = arith.muli %mul3A_533, %scan3A_273 : i32
        %add3A_535 = arith.constant 1 : i32
        %add3A_536 = arith.addi %mul3A_534, %add3A_535 : i32
        %mul3A_537 = arith.constant 16 : i32
        %mul3A_538 = arith.muli %add3A_536, %mul3A_537 : i32
        %get3A_539 = arith.index_cast %mul3A_538 : i32 to index
        %get3A_540 = tpu.vector_load %arg12[%get3A_539] {strides = array<i32>} : memref<4096xi32, #tpu.memory_space<vmem>>, vector<16xi32>,
        %get3A_541 = arith.index_cast %mul3A_538 : i32 to index
        %get3A_542 = tpu.vector_load %arg8[%get3A_541] {strides = array<i32>} : memref<4096xf32, #tpu.memory_space<vmem>>, vector<16xf32>,
        %get3A_543 = arith.index_cast %mul3A_538 : i32 to index
        %get3A_544 = tpu.vector_load %arg10[%get3A_543] {strides = array<i32>} : memref<4096xf32, #tpu.memory_space<vmem>>, vector<16xf32>,
        %sub3A_545 = vector.broadcast %mul3A_71 : i32 to vector<16xi32>
        %sub3A_546 = arith.subi %get3A_540, %sub3A_545 : vector<16xi32>
        %bitcast3A_547 = vector.bitcast %sub3A_546 : vector<16xi32> to vector<16xi32>
        %lt3A_548 = arith.constant 3200 : i32
        %lt3A_549 = vector.broadcast %lt3A_548 : i32 to vector<16xi32>
        %lt3A_550 = arith.cmpi ult, %bitcast3A_547, %lt3A_549 : vector<16xi32>
        %min3A_551 = arith.constant 3199 : i32
        %min3A_552 = vector.broadcast %min3A_551 : i32 to vector<16xi32>
        %min3A_553 = arith.minui %bitcast3A_547, %min3A_552 : vector<16xi32>
        %bitcast3A_554 = vector.bitcast %min3A_553 : vector<16xi32> to vector<16xi32>
        %eq3A_555 = arith.constant 15 : i32
        %eq3A_556 = vector.broadcast %eq3A_555 : i32 to vector<16xi32>
        %eq3A_557 = arith.cmpi eq, %iota3A, %eq3A_556 : vector<16xi32>
        %broadcast_in_dim3A_558 = vector.shape_cast %min3A_10 : vector<16xi32> to vector<16x1xi32>
        %gather3A_559 = vector.shape_cast %broadcast_in_dim3A_558 : vector<16x1xi32> to vector<16xi32>
        %gather3A_560 = tpu.dynamic_gather %get3A_540[%gather3A_559] in [0] : vector<16xi32>, vector<16xi32> -> vector<16xi32>
        %ne3A_561 = arith.cmpi ne, %get3A_540, %gather3A_560 : vector<16xi32>
        %or3A_562 = arith.ori %eq3A_557, %ne3A_561 : vector<16xi1>
        %broadcast_in_dim3A_563 = vector.shape_cast %max3A_5 : vector<16xi32> to vector<16x1xi32>
        %gather3A_564 = vector.shape_cast %broadcast_in_dim3A_563 : vector<16x1xi32> to vector<16xi32>
        %gather3A_565 = tpu.dynamic_gather %get3A_540[%gather3A_564] in [0] : vector<16xi32>, vector<16xi32> -> vector<16xi32>
        %ne3A_566 = arith.cmpi ne, %get3A_540, %gather3A_565 : vector<16xi32>
        %and3A_567 = arith.andi %or3A_562, %lt3A_550 : vector<16xi1>
        %jit3A_568 = arith.constant 0 : i32
        %broadcast_in_dim3A_569 = vector.broadcast %jit3A_568 : i32 to vector<16xi32>
        %select_n3A_570 = arith.select %ne3A_566, %iota3A, %broadcast_in_dim3A_569 : vector<16xi1>, vector<16xi32>
        %broadcast_in_dim3A_571 = arith.constant true
        %broadcast_in_dim3A_572 = vector.broadcast %broadcast_in_dim3A_571 : i1 to vector<16xi1>
        %masked_cummax3A_573 = arith.constant -2147483648 : i32
        %masked_cummax3A_574 = vector.broadcast %masked_cummax3A_573 : i32 to vector<16xi32>
        %masked_cummax3A_575 = arith.xori %select_n3A_570, %masked_cummax3A_574 : vector<16xi32>
        %masked_cummax3A_576 = tpu.scan <max>, %masked_cummax3A_575 masked %broadcast_in_dim3A_572 : vector<16xi32>, vector<16xi1> -> vector<16xi32>
        %masked_cummax3A_577 = arith.xori %masked_cummax3A_576, %masked_cummax3A_574 : vector<16xi32>
        %sub3A_578 = arith.constant 1 : i32
        %sub3A_579 = vector.broadcast %sub3A_578 : i32 to vector<16xi32>
        %sub3A_580 = arith.subi %masked_cummax3A_577, %sub3A_579 : vector<16xi32>
        %max3A_581 = arith.constant 0 : i32
        %max3A_582 = vector.broadcast %max3A_581 : i32 to vector<16xi32>
        %max3A_583 = arith.maxsi %sub3A_580, %max3A_582 : vector<16xi32>
        %eq3A_584 = arith.constant 0 : i32
        %eq3A_585 = vector.broadcast %eq3A_584 : i32 to vector<16xi32>
        %eq3A_586 = arith.cmpi eq, %masked_cummax3A_577, %eq3A_585 : vector<16xi32>
        %jit3A_587 = arith.constant 1 : i32
        %jit3A_588 = arith.constant 0 : i32
        %broadcast_in_dim3A_589 = vector.broadcast %jit3A_587 : i32 to vector<16xi32>
        %broadcast_in_dim3A_590 = vector.broadcast %jit3A_588 : i32 to vector<16xi32>
        %select_n3A_591 = arith.select %or3A_562, %broadcast_in_dim3A_589, %broadcast_in_dim3A_590 : vector<16xi1>, vector<16xi32>
        %broadcast_in_dim3A_592 = vector.shape_cast %sub3A_13 : vector<16xi32> to vector<16x1xi32>
        %gather3A_593 = vector.shape_cast %broadcast_in_dim3A_592 : vector<16x1xi32> to vector<16xi32>
        %gather3A_594 = tpu.dynamic_gather %select_n3A_591[%gather3A_593] in [0] : vector<16xi32>, vector<16xi32> -> vector<16xi32>
        %ne3A_595 = arith.constant 0 : i32
        %ne3A_596 = vector.broadcast %ne3A_595 : i32 to vector<16xi32>
        %ne3A_597 = arith.cmpi ne, %gather3A_594, %ne3A_596 : vector<16xi32>
        %jit3A_598 = arith.constant 0 : i32
        %broadcast_in_dim3A_599 = vector.broadcast %jit3A_598 : i32 to vector<16xi32>
        %select_n3A_600 = arith.select %ne3A_597, %iota3A, %broadcast_in_dim3A_599 : vector<16xi1>, vector<16xi32>
        %broadcast_in_dim3A_601 = arith.constant true
        %broadcast_in_dim3A_602 = vector.broadcast %broadcast_in_dim3A_601 : i1 to vector<16xi1>
        %masked_cummax3A_603 = arith.constant -2147483648 : i32
        %masked_cummax3A_604 = vector.broadcast %masked_cummax3A_603 : i32 to vector<16xi32>
        %masked_cummax3A_605 = arith.xori %select_n3A_600, %masked_cummax3A_604 : vector<16xi32>
        %masked_cummax3A_606 = tpu.scan <max>, %masked_cummax3A_605 masked %broadcast_in_dim3A_602 : vector<16xi32>, vector<16xi1> -> vector<16xi32>
        %masked_cummax3A_607 = arith.xori %masked_cummax3A_606, %masked_cummax3A_604 : vector<16xi32>
        %sub3A_608 = arith.constant 15 : i32
        %sub3A_609 = vector.broadcast %sub3A_608 : i32 to vector<16xi32>
        %sub3A_610 = arith.subi %sub3A_609, %masked_cummax3A_607 : vector<16xi32>
        %broadcast_in_dim3A_611 = vector.shape_cast %sub3A_13 : vector<16xi32> to vector<16x1xi32>
        %gather3A_612 = vector.shape_cast %broadcast_in_dim3A_611 : vector<16x1xi32> to vector<16xi32>
        %gather3A_613 = tpu.dynamic_gather %sub3A_610[%gather3A_612] in [0] : vector<16xi32>, vector<16xi32> -> vector<16xi32>
        %shift_left3A_614 = arith.constant 19 : i32
        %shift_left3A_615 = vector.broadcast %shift_left3A_614 : i32 to vector<16xi32>
        %shift_left3A_616 = arith.shli %bitcast3A_547, %shift_left3A_615 : vector<16xi32>
        %bitcast3A_617 = vector.bitcast %get3A_542 : vector<16xf32> to vector<16xi32>
        %shift_right_logical3A_618 = arith.constant 12 : i32
        %shift_right_logical3A_619 = vector.broadcast %shift_right_logical3A_618 : i32 to vector<16xi32>
        %shift_right_logical3A_620 = arith.shrui %bitcast3A_617, %shift_right_logical3A_619 : vector<16xi32>
        %bitcast3A_621 = vector.bitcast %get3A_544 : vector<16xf32> to vector<16xi32>
        %shift_right_logical3A_622 = arith.constant 12 : i32
        %shift_right_logical3A_623 = vector.broadcast %shift_right_logical3A_622 : i32 to vector<16xi32>
        %shift_right_logical3A_624 = arith.shrui %bitcast3A_621, %shift_right_logical3A_623 : vector<16xi32>
        %mul3A_625 = arith.mulf %get3A_542, %get3A_1 : vector<16xf32>
        %mul3A_626 = arith.mulf %get3A_544, %get3A_1 : vector<16xf32>
        %sub3A_627 = arith.constant 524287 : i32
        %sub3A_628 = vector.broadcast %sub3A_627 : i32 to vector<16xi32>
        %sub3A_629 = arith.subi %sub3A_628, %shift_right_logical3A_620 : vector<16xi32>
        %sub3A_630 = arith.constant 524287 : i32
        %sub3A_631 = vector.broadcast %sub3A_630 : i32 to vector<16xi32>
        %sub3A_632 = arith.subi %sub3A_631, %shift_right_logical3A_624 : vector<16xi32>
        %or3A_633 = arith.ori %shift_left3A_616, %shift_right_logical3A_620 : vector<16xi32>
        %jit3A_634 = arith.constant 0 : i32
        %broadcast_in_dim3A_635 = vector.broadcast %jit3A_634 : i32 to vector<16xi32>
        %select_n3A_636 = arith.select %lt3A_550, %or3A_633, %broadcast_in_dim3A_635 : vector<16xi1>, vector<16xi32>
        %broadcast_in_dim3A_637 = arith.constant true
        %broadcast_in_dim3A_638 = vector.broadcast %broadcast_in_dim3A_637 : i1 to vector<16xi1>
        %masked_cummax3A_639 = tpu.scan <max>, %select_n3A_636 masked %broadcast_in_dim3A_638 : vector<16xi32>, vector<16xi1> -> vector<16xi32>
        %bitcast3A_640 = vector.bitcast %masked_cummax3A_639 : vector<16xi32> to vector<16xi32>
        %broadcast_in_dim3A_641 = vector.shape_cast %gather3A_613 : vector<16xi32> to vector<16x1xi32>
        %gather3A_642 = vector.shape_cast %broadcast_in_dim3A_641 : vector<16x1xi32> to vector<16xi32>
        %gather3A_643 = tpu.dynamic_gather %bitcast3A_640[%gather3A_642] in [0] : vector<16xi32>, vector<16xi32> -> vector<16xi32>
        %and3A_644 = arith.constant 524287 : i32
        %and3A_645 = vector.broadcast %and3A_644 : i32 to vector<16xi32>
        %and3A_646 = arith.andi %gather3A_643, %and3A_645 : vector<16xi32>
        %shift_left3A_647 = arith.constant 12 : i32
        %shift_left3A_648 = vector.broadcast %shift_left3A_647 : i32 to vector<16xi32>
        %shift_left3A_649 = arith.shli %and3A_646, %shift_left3A_648 : vector<16xi32>
        %bitcast3A_650 = vector.bitcast %shift_left3A_649 : vector<16xi32> to vector<16xf32>
        %mul3A_651 = arith.mulf %bitcast3A_650, %get3A_1 : vector<16xf32>
        %gather3A_652 = tpu.vector_load_idx %arg22[%bitcast3A_554] : memref<3200xf32, #tpu.memory_space<vmem>>[vector<16xi32>], vector<16xf32>,
        %max3A_653 = arith.maximumf %gather3A_652, %mul3A_651 : vector<16xf32>
        %sub3A_654 = arith.subf %mul3A_625, %max3A_653 : vector<16xf32>
        %exp3A_655 = math.exp %sub3A_654 : vector<16xf32>
        %jit3A_656 = arith.constant 0.000000e+00 : f32
        %broadcast_in_dim3A_657 = vector.broadcast %jit3A_656 : f32 to vector<16xf32>
        %select_n3A_658 = arith.select %lt3A_550, %exp3A_655, %broadcast_in_dim3A_657 : vector<16xi1>, vector<16xf32>
        %cumsum3A_659 = arith.constant true
        %cumsum3A_660 = vector.broadcast %cumsum3A_659 : i1 to vector<16xi1>
        %cumsum3A_661 = tpu.scan <sum>, %select_n3A_658 masked %cumsum3A_660 : vector<16xf32>, vector<16xi1> -> vector<16xf32>
        %broadcast_in_dim3A_662 = vector.shape_cast %max3A_583 : vector<16xi32> to vector<16x1xi32>
        %gather3A_663 = vector.shape_cast %broadcast_in_dim3A_662 : vector<16x1xi32> to vector<16xi32>
        %gather3A_664 = tpu.dynamic_gather %cumsum3A_661[%gather3A_663] in [0] : vector<16xf32>, vector<16xi32> -> vector<16xf32>
        %jit3A_665 = arith.constant 0.000000e+00 : f32
        %broadcast_in_dim3A_666 = vector.broadcast %jit3A_665 : f32 to vector<16xf32>
        %select_n3A_667 = arith.select %eq3A_586, %broadcast_in_dim3A_666, %gather3A_664 : vector<16xi1>, vector<16xf32>
        %gather3A_668 = tpu.vector_load_idx %arg30[%bitcast3A_554] : memref<3200xf32, #tpu.memory_space<vmem>>[vector<16xi32>], vector<16xf32>,
        %sub3A_669 = arith.subf %gather3A_652, %max3A_653 : vector<16xf32>
        %exp3A_670 = math.exp %sub3A_669 : vector<16xf32>
        %mul3A_671 = arith.mulf %gather3A_668, %exp3A_670 : vector<16xf32>
        %sub3A_672 = arith.subf %cumsum3A_661, %select_n3A_667 : vector<16xf32>
        %add3A_673 = arith.addf %mul3A_671, %sub3A_672 : vector<16xf32>
        tpu.vector_store_idx %arg30[%bitcast3A_554], %add3A_673 masked %and3A_567 : memref<3200xf32, #tpu.memory_space<vmem>>[vector<16xi32>], vector<16xf32>, vector<16xi1>
        tpu.vector_store_idx %arg22[%bitcast3A_554], %max3A_653 masked %and3A_567 : memref<3200xf32, #tpu.memory_space<vmem>>[vector<16xi32>], vector<16xf32>, vector<16xi1>
        %or3A_674 = arith.ori %shift_left3A_616, %sub3A_629 : vector<16xi32>
        %jit3A_675 = arith.constant 0 : i32
        %broadcast_in_dim3A_676 = vector.broadcast %jit3A_675 : i32 to vector<16xi32>
        %select_n3A_677 = arith.select %lt3A_550, %or3A_674, %broadcast_in_dim3A_676 : vector<16xi1>, vector<16xi32>
        %broadcast_in_dim3A_678 = arith.constant true
        %broadcast_in_dim3A_679 = vector.broadcast %broadcast_in_dim3A_678 : i1 to vector<16xi1>
        %masked_cummax3A_680 = tpu.scan <max>, %select_n3A_677 masked %broadcast_in_dim3A_679 : vector<16xi32>, vector<16xi1> -> vector<16xi32>
        %bitcast3A_681 = vector.bitcast %masked_cummax3A_680 : vector<16xi32> to vector<16xi32>
        %broadcast_in_dim3A_682 = vector.shape_cast %gather3A_613 : vector<16xi32> to vector<16x1xi32>
        %gather3A_683 = vector.shape_cast %broadcast_in_dim3A_682 : vector<16x1xi32> to vector<16xi32>
        %gather3A_684 = tpu.dynamic_gather %bitcast3A_681[%gather3A_683] in [0] : vector<16xi32>, vector<16xi32> -> vector<16xi32>
        %and3A_685 = arith.constant 524287 : i32
        %and3A_686 = vector.broadcast %and3A_685 : i32 to vector<16xi32>
        %and3A_687 = arith.andi %gather3A_684, %and3A_686 : vector<16xi32>
        %sub3A_688 = arith.constant 524287 : i32
        %sub3A_689 = vector.broadcast %sub3A_688 : i32 to vector<16xi32>
        %sub3A_690 = arith.subi %sub3A_689, %and3A_687 : vector<16xi32>
        %shift_left3A_691 = arith.constant 12 : i32
        %shift_left3A_692 = vector.broadcast %shift_left3A_691 : i32 to vector<16xi32>
        %shift_left3A_693 = arith.shli %sub3A_690, %shift_left3A_692 : vector<16xi32>
        %bitcast3A_694 = vector.bitcast %shift_left3A_693 : vector<16xi32> to vector<16xf32>
        %mul3A_695 = arith.mulf %bitcast3A_694, %get3A_1 : vector<16xf32>
        %gather3A_696 = tpu.vector_load_idx %arg23[%bitcast3A_554] : memref<3200xf32, #tpu.memory_space<vmem>>[vector<16xi32>], vector<16xf32>,
        %min3A_697 = arith.minimumf %gather3A_696, %mul3A_695 : vector<16xf32>
        %sub3A_698 = arith.subf %min3A_697, %mul3A_625 : vector<16xf32>
        %exp3A_699 = math.exp %sub3A_698 : vector<16xf32>
        %jit3A_700 = arith.constant 0.000000e+00 : f32
        %broadcast_in_dim3A_701 = vector.broadcast %jit3A_700 : f32 to vector<16xf32>
        %select_n3A_702 = arith.select %lt3A_550, %exp3A_699, %broadcast_in_dim3A_701 : vector<16xi1>, vector<16xf32>
        %cumsum3A_703 = arith.constant true
        %cumsum3A_704 = vector.broadcast %cumsum3A_703 : i1 to vector<16xi1>
        %cumsum3A_705 = tpu.scan <sum>, %select_n3A_702 masked %cumsum3A_704 : vector<16xf32>, vector<16xi1> -> vector<16xf32>
        %broadcast_in_dim3A_706 = vector.shape_cast %max3A_583 : vector<16xi32> to vector<16x1xi32>
        %gather3A_707 = vector.shape_cast %broadcast_in_dim3A_706 : vector<16x1xi32> to vector<16xi32>
        %gather3A_708 = tpu.dynamic_gather %cumsum3A_705[%gather3A_707] in [0] : vector<16xf32>, vector<16xi32> -> vector<16xf32>
        %jit3A_709 = arith.constant 0.000000e+00 : f32
        %broadcast_in_dim3A_710 = vector.broadcast %jit3A_709 : f32 to vector<16xf32>
        %select_n3A_711 = arith.select %eq3A_586, %broadcast_in_dim3A_710, %gather3A_708 : vector<16xi1>, vector<16xf32>
        %gather3A_712 = tpu.vector_load_idx %arg31[%bitcast3A_554] : memref<3200xf32, #tpu.memory_space<vmem>>[vector<16xi32>], vector<16xf32>,
        %sub3A_713 = arith.subf %min3A_697, %gather3A_696 : vector<16xf32>
        %exp3A_714 = math.exp %sub3A_713 : vector<16xf32>
        %mul3A_715 = arith.mulf %gather3A_712, %exp3A_714 : vector<16xf32>
        %sub3A_716 = arith.subf %cumsum3A_705, %select_n3A_711 : vector<16xf32>
        %add3A_717 = arith.addf %mul3A_715, %sub3A_716 : vector<16xf32>
        tpu.vector_store_idx %arg31[%bitcast3A_554], %add3A_717 masked %and3A_567 : memref<3200xf32, #tpu.memory_space<vmem>>[vector<16xi32>], vector<16xf32>, vector<16xi1>
        tpu.vector_store_idx %arg23[%bitcast3A_554], %min3A_697 masked %and3A_567 : memref<3200xf32, #tpu.memory_space<vmem>>[vector<16xi32>], vector<16xf32>, vector<16xi1>
        %or3A_718 = arith.ori %shift_left3A_616, %shift_right_logical3A_624 : vector<16xi32>
        %jit3A_719 = arith.constant 0 : i32
        %broadcast_in_dim3A_720 = vector.broadcast %jit3A_719 : i32 to vector<16xi32>
        %select_n3A_721 = arith.select %lt3A_550, %or3A_718, %broadcast_in_dim3A_720 : vector<16xi1>, vector<16xi32>
        %broadcast_in_dim3A_722 = arith.constant true
        %broadcast_in_dim3A_723 = vector.broadcast %broadcast_in_dim3A_722 : i1 to vector<16xi1>
        %masked_cummax3A_724 = tpu.scan <max>, %select_n3A_721 masked %broadcast_in_dim3A_723 : vector<16xi32>, vector<16xi1> -> vector<16xi32>
        %bitcast3A_725 = vector.bitcast %masked_cummax3A_724 : vector<16xi32> to vector<16xi32>
        %broadcast_in_dim3A_726 = vector.shape_cast %gather3A_613 : vector<16xi32> to vector<16x1xi32>
        %gather3A_727 = vector.shape_cast %broadcast_in_dim3A_726 : vector<16x1xi32> to vector<16xi32>
        %gather3A_728 = tpu.dynamic_gather %bitcast3A_725[%gather3A_727] in [0] : vector<16xi32>, vector<16xi32> -> vector<16xi32>
        %and3A_729 = arith.constant 524287 : i32
        %and3A_730 = vector.broadcast %and3A_729 : i32 to vector<16xi32>
        %and3A_731 = arith.andi %gather3A_728, %and3A_730 : vector<16xi32>
        %shift_left3A_732 = arith.constant 12 : i32
        %shift_left3A_733 = vector.broadcast %shift_left3A_732 : i32 to vector<16xi32>
        %shift_left3A_734 = arith.shli %and3A_731, %shift_left3A_733 : vector<16xi32>
        %bitcast3A_735 = vector.bitcast %shift_left3A_734 : vector<16xi32> to vector<16xf32>
        %mul3A_736 = arith.mulf %bitcast3A_735, %get3A_1 : vector<16xf32>
        %gather3A_737 = tpu.vector_load_idx %arg24[%bitcast3A_554] : memref<3200xf32, #tpu.memory_space<vmem>>[vector<16xi32>], vector<16xf32>,
        %max3A_738 = arith.maximumf %gather3A_737, %mul3A_736 : vector<16xf32>
        %sub3A_739 = arith.subf %mul3A_626, %max3A_738 : vector<16xf32>
        %exp3A_740 = math.exp %sub3A_739 : vector<16xf32>
        %jit3A_741 = arith.constant 0.000000e+00 : f32
        %broadcast_in_dim3A_742 = vector.broadcast %jit3A_741 : f32 to vector<16xf32>
        %select_n3A_743 = arith.select %lt3A_550, %exp3A_740, %broadcast_in_dim3A_742 : vector<16xi1>, vector<16xf32>
        %cumsum3A_744 = arith.constant true
        %cumsum3A_745 = vector.broadcast %cumsum3A_744 : i1 to vector<16xi1>
        %cumsum3A_746 = tpu.scan <sum>, %select_n3A_743 masked %cumsum3A_745 : vector<16xf32>, vector<16xi1> -> vector<16xf32>
        %broadcast_in_dim3A_747 = vector.shape_cast %max3A_583 : vector<16xi32> to vector<16x1xi32>
        %gather3A_748 = vector.shape_cast %broadcast_in_dim3A_747 : vector<16x1xi32> to vector<16xi32>
        %gather3A_749 = tpu.dynamic_gather %cumsum3A_746[%gather3A_748] in [0] : vector<16xf32>, vector<16xi32> -> vector<16xf32>
        %jit3A_750 = arith.constant 0.000000e+00 : f32
        %broadcast_in_dim3A_751 = vector.broadcast %jit3A_750 : f32 to vector<16xf32>
        %select_n3A_752 = arith.select %eq3A_586, %broadcast_in_dim3A_751, %gather3A_749 : vector<16xi1>, vector<16xf32>
        %gather3A_753 = tpu.vector_load_idx %arg32[%bitcast3A_554] : memref<3200xf32, #tpu.memory_space<vmem>>[vector<16xi32>], vector<16xf32>,
        %sub3A_754 = arith.subf %gather3A_737, %max3A_738 : vector<16xf32>
        %exp3A_755 = math.exp %sub3A_754 : vector<16xf32>
        %mul3A_756 = arith.mulf %gather3A_753, %exp3A_755 : vector<16xf32>
        %sub3A_757 = arith.subf %cumsum3A_746, %select_n3A_752 : vector<16xf32>
        %add3A_758 = arith.addf %mul3A_756, %sub3A_757 : vector<16xf32>
        tpu.vector_store_idx %arg32[%bitcast3A_554], %add3A_758 masked %and3A_567 : memref<3200xf32, #tpu.memory_space<vmem>>[vector<16xi32>], vector<16xf32>, vector<16xi1>
        tpu.vector_store_idx %arg24[%bitcast3A_554], %max3A_738 masked %and3A_567 : memref<3200xf32, #tpu.memory_space<vmem>>[vector<16xi32>], vector<16xf32>, vector<16xi1>
        %or3A_759 = arith.ori %shift_left3A_616, %sub3A_632 : vector<16xi32>
        %jit3A_760 = arith.constant 0 : i32
        %broadcast_in_dim3A_761 = vector.broadcast %jit3A_760 : i32 to vector<16xi32>
        %select_n3A_762 = arith.select %lt3A_550, %or3A_759, %broadcast_in_dim3A_761 : vector<16xi1>, vector<16xi32>
        %broadcast_in_dim3A_763 = arith.constant true
        %broadcast_in_dim3A_764 = vector.broadcast %broadcast_in_dim3A_763 : i1 to vector<16xi1>
        %masked_cummax3A_765 = tpu.scan <max>, %select_n3A_762 masked %broadcast_in_dim3A_764 : vector<16xi32>, vector<16xi1> -> vector<16xi32>
        %bitcast3A_766 = vector.bitcast %masked_cummax3A_765 : vector<16xi32> to vector<16xi32>
        %broadcast_in_dim3A_767 = vector.shape_cast %gather3A_613 : vector<16xi32> to vector<16x1xi32>
        %gather3A_768 = vector.shape_cast %broadcast_in_dim3A_767 : vector<16x1xi32> to vector<16xi32>
        %gather3A_769 = tpu.dynamic_gather %bitcast3A_766[%gather3A_768] in [0] : vector<16xi32>, vector<16xi32> -> vector<16xi32>
        %and3A_770 = arith.constant 524287 : i32
        %and3A_771 = vector.broadcast %and3A_770 : i32 to vector<16xi32>
        %and3A_772 = arith.andi %gather3A_769, %and3A_771 : vector<16xi32>
        %sub3A_773 = arith.constant 524287 : i32
        %sub3A_774 = vector.broadcast %sub3A_773 : i32 to vector<16xi32>
        %sub3A_775 = arith.subi %sub3A_774, %and3A_772 : vector<16xi32>
        %shift_left3A_776 = arith.constant 12 : i32
        %shift_left3A_777 = vector.broadcast %shift_left3A_776 : i32 to vector<16xi32>
        %shift_left3A_778 = arith.shli %sub3A_775, %shift_left3A_777 : vector<16xi32>
        %bitcast3A_779 = vector.bitcast %shift_left3A_778 : vector<16xi32> to vector<16xf32>
        %mul3A_780 = arith.mulf %bitcast3A_779, %get3A_1 : vector<16xf32>
        %gather3A_781 = tpu.vector_load_idx %arg25[%bitcast3A_554] : memref<3200xf32, #tpu.memory_space<vmem>>[vector<16xi32>], vector<16xf32>,
        %min3A_782 = arith.minimumf %gather3A_781, %mul3A_780 : vector<16xf32>
        %sub3A_783 = arith.subf %min3A_782, %mul3A_626 : vector<16xf32>
        %exp3A_784 = math.exp %sub3A_783 : vector<16xf32>
        %jit3A_785 = arith.constant 0.000000e+00 : f32
        %broadcast_in_dim3A_786 = vector.broadcast %jit3A_785 : f32 to vector<16xf32>
        %select_n3A_787 = arith.select %lt3A_550, %exp3A_784, %broadcast_in_dim3A_786 : vector<16xi1>, vector<16xf32>
        %cumsum3A_788 = arith.constant true
        %cumsum3A_789 = vector.broadcast %cumsum3A_788 : i1 to vector<16xi1>
        %cumsum3A_790 = tpu.scan <sum>, %select_n3A_787 masked %cumsum3A_789 : vector<16xf32>, vector<16xi1> -> vector<16xf32>
        %broadcast_in_dim3A_791 = vector.shape_cast %max3A_583 : vector<16xi32> to vector<16x1xi32>
        %gather3A_792 = vector.shape_cast %broadcast_in_dim3A_791 : vector<16x1xi32> to vector<16xi32>
        %gather3A_793 = tpu.dynamic_gather %cumsum3A_790[%gather3A_792] in [0] : vector<16xf32>, vector<16xi32> -> vector<16xf32>
        %jit3A_794 = arith.constant 0.000000e+00 : f32
        %broadcast_in_dim3A_795 = vector.broadcast %jit3A_794 : f32 to vector<16xf32>
        %select_n3A_796 = arith.select %eq3A_586, %broadcast_in_dim3A_795, %gather3A_793 : vector<16xi1>, vector<16xf32>
        %gather3A_797 = tpu.vector_load_idx %arg33[%bitcast3A_554] : memref<3200xf32, #tpu.memory_space<vmem>>[vector<16xi32>], vector<16xf32>,
        %sub3A_798 = arith.subf %min3A_782, %gather3A_781 : vector<16xf32>
        %exp3A_799 = math.exp %sub3A_798 : vector<16xf32>
        %mul3A_800 = arith.mulf %gather3A_797, %exp3A_799 : vector<16xf32>
        %sub3A_801 = arith.subf %cumsum3A_790, %select_n3A_796 : vector<16xf32>
        %add3A_802 = arith.addf %mul3A_800, %sub3A_801 : vector<16xf32>
        tpu.vector_store_idx %arg33[%bitcast3A_554], %add3A_802 masked %and3A_567 : memref<3200xf32, #tpu.memory_space<vmem>>[vector<16xi32>], vector<16xf32>, vector<16xi1>
        tpu.vector_store_idx %arg25[%bitcast3A_554], %min3A_782 masked %and3A_567 : memref<3200xf32, #tpu.memory_space<vmem>>[vector<16xi32>], vector<16xf32>, vector<16xi1>
      }
      %scan3A_242 = arith.constant 128 : i32
      %add3A_243 = arith.constant 2 : i32
      %add3A_244 = arith.addi %mul3A_212, %add3A_243 : i32
      %mul3A_245 = arith.constant 4096 : i32
      %mul3A_246 = arith.muli %add3A_244, %mul3A_245 : i32
      %add3A_247 = arith.addi %and3A_72, %mul3A_246 : i32
      %multiple_of3A_248 = tpu.assume_multiple %add3A_247, 8 : i32
      %dma_start3A_249 = tpu.memref_slice %arg2[%multiple_of3A_248] : memref<3212288xf32, #tpu.memory_space<hbm>> -> memref<4096xf32, #tpu.memory_space<hbm>>
      %dma_start3A_250 = tpu.memref_slice %arg2[%multiple_of3A_248] : memref<3212288xf32, #tpu.memory_space<hbm>> -> memref<4096xf32, #tpu.memory_space<hbm>>
      tpu.enqueue_dma source(%dma_start3A_250 : memref<4096xf32, #tpu.memory_space<hbm>>) target(%arg8 : memref<4096xf32, #tpu.memory_space<vmem>>) target_semaphore(%arg14 : memref<!tpu.dma_semaphore, #tpu.memory_space<semaphore_mem>>)
      %dma_start3A_251 = tpu.memref_slice %arg3[%multiple_of3A_248] : memref<3212288xf32, #tpu.memory_space<hbm>> -> memref<4096xf32, #tpu.memory_space<hbm>>
      %dma_start3A_252 = tpu.memref_slice %arg3[%multiple_of3A_248] : memref<3212288xf32, #tpu.memory_space<hbm>> -> memref<4096xf32, #tpu.memory_space<hbm>>
      tpu.enqueue_dma source(%dma_start3A_252 : memref<4096xf32, #tpu.memory_space<hbm>>) target(%arg10 : memref<4096xf32, #tpu.memory_space<vmem>>) target_semaphore(%arg14 : memref<!tpu.dma_semaphore, #tpu.memory_space<semaphore_mem>>)
      %dma_start3A_253 = tpu.memref_slice %arg4[%multiple_of3A_248] : memref<3212288xi32, #tpu.memory_space<hbm>> -> memref<4096xi32, #tpu.memory_space<hbm>>
      %dma_start3A_254 = tpu.memref_slice %arg4[%multiple_of3A_248] : memref<3212288xi32, #tpu.memory_space<hbm>> -> memref<4096xi32, #tpu.memory_space<hbm>>
      tpu.enqueue_dma source(%dma_start3A_254 : memref<4096xi32, #tpu.memory_space<hbm>>) target(%arg12 : memref<4096xi32, #tpu.memory_space<vmem>>) target_semaphore(%arg14 : memref<!tpu.dma_semaphore, #tpu.memory_space<semaphore_mem>>)
      %dma_wait3A_255 = arith.constant 0 : i32
      %dma_wait3A_256 = tpu.memref_slice %arg2[%dma_wait3A_255] : memref<3212288xf32, #tpu.memory_space<hbm>> -> memref<4096xf32, #tpu.memory_space<hbm>>
      %dma_wait3A_257 = arith.constant 0 : i32
      %dma_wait3A_258 = tpu.memref_slice %arg2[%dma_wait3A_257] : memref<3212288xf32, #tpu.memory_space<hbm>> -> memref<4096xf32, #tpu.memory_space<hbm>>
      tpu.wait_dma2 semaphore(%arg15 : memref<!tpu.dma_semaphore, #tpu.memory_space<semaphore_mem>>) src(%dma_wait3A_258 : memref<4096xf32, #tpu.memory_space<hbm>>) dst(%arg9 : memref<4096xf32, #tpu.memory_space<vmem>>)
      %dma_wait3A_259 = arith.constant 0 : i32
      %dma_wait3A_260 = tpu.memref_slice %arg3[%dma_wait3A_259] : memref<3212288xf32, #tpu.memory_space<hbm>> -> memref<4096xf32, #tpu.memory_space<hbm>>
      %dma_wait3A_261 = arith.constant 0 : i32
      %dma_wait3A_262 = tpu.memref_slice %arg3[%dma_wait3A_261] : memref<3212288xf32, #tpu.memory_space<hbm>> -> memref<4096xf32, #tpu.memory_space<hbm>>
      tpu.wait_dma2 semaphore(%arg15 : memref<!tpu.dma_semaphore, #tpu.memory_space<semaphore_mem>>) src(%dma_wait3A_262 : memref<4096xf32, #tpu.memory_space<hbm>>) dst(%arg11 : memref<4096xf32, #tpu.memory_space<vmem>>)
      %dma_wait3A_263 = arith.constant 0 : i32
      %dma_wait3A_264 = tpu.memref_slice %arg4[%dma_wait3A_263] : memref<3212288xi32, #tpu.memory_space<hbm>> -> memref<4096xi32, #tpu.memory_space<hbm>>
      %dma_wait3A_265 = arith.constant 0 : i32
      %dma_wait3A_266 = tpu.memref_slice %arg4[%dma_wait3A_265] : memref<3212288xi32, #tpu.memory_space<hbm>> -> memref<4096xi32, #tpu.memory_space<hbm>>
      tpu.wait_dma2 semaphore(%arg15 : memref<!tpu.dma_semaphore, #tpu.memory_space<semaphore_mem>>) src(%dma_wait3A_266 : memref<4096xi32, #tpu.memory_space<hbm>>) dst(%arg13 : memref<4096xi32, #tpu.memory_space<vmem>>)
      %scan3A_267 = arith.constant 0 : i32
      %scan3A_268 = arith.constant 0 : i32
      %scan3A_269 = arith.constant 128 : i32
      %scan3A_270 = arith.addi %scan3A_268, %scan3A_269 : i32
      %scan3A_271 = arith.constant 1 : i32
      scf.for %scan3A_273 = %scan3A_268 to %scan3A_270 step %scan3A_271  : i32 {
        %mul3A_274 = arith.constant 2 : i32
        %mul3A_275 = arith.muli %mul3A_274, %scan3A_273 : i32
        %mul3A_276 = arith.constant 16 : i32
        %mul3A_277 = arith.muli %mul3A_275, %mul3A_276 : i32
        %get3A_278 = arith.index_cast %mul3A_277 : i32 to index
        %get3A_279 = tpu.vector_load %arg13[%get3A_278] {strides = array<i32>} : memref<4096xi32, #tpu.memory_space<vmem>>, vector<16xi32>,
        %get3A_280 = arith.index_cast %mul3A_277 : i32 to index
        %get3A_281 = tpu.vector_load %arg9[%get3A_280] {strides = array<i32>} : memref<4096xf32, #tpu.memory_space<vmem>>, vector<16xf32>,
        %get3A_282 = arith.index_cast %mul3A_277 : i32 to index
        %get3A_283 = tpu.vector_load %arg11[%get3A_282] {strides = array<i32>} : memref<4096xf32, #tpu.memory_space<vmem>>, vector<16xf32>,
        %sub3A_284 = vector.broadcast %mul3A_71 : i32 to vector<16xi32>
        %sub3A_285 = arith.subi %get3A_279, %sub3A_284 : vector<16xi32>
        %bitcast3A = vector.bitcast %sub3A_285 : vector<16xi32> to vector<16xi32>
        %lt3A = arith.constant 3200 : i32
        %lt3A_286 = vector.broadcast %lt3A : i32 to vector<16xi32>
        %lt3A_287 = arith.cmpi ult, %bitcast3A, %lt3A_286 : vector<16xi32>
        %min3A_288 = arith.constant 3199 : i32
        %min3A_289 = vector.broadcast %min3A_288 : i32 to vector<16xi32>
        %min3A_290 = arith.minui %bitcast3A, %min3A_289 : vector<16xi32>
        %bitcast3A_291 = vector.bitcast %min3A_290 : vector<16xi32> to vector<16xi32>
        %eq3A_292 = arith.constant 15 : i32
        %eq3A_293 = vector.broadcast %eq3A_292 : i32 to vector<16xi32>
        %eq3A_294 = arith.cmpi eq, %iota3A, %eq3A_293 : vector<16xi32>
        %broadcast_in_dim3A_295 = vector.shape_cast %min3A_10 : vector<16xi32> to vector<16x1xi32>
        %gather3A = vector.shape_cast %broadcast_in_dim3A_295 : vector<16x1xi32> to vector<16xi32>
        %gather3A_296 = tpu.dynamic_gather %get3A_279[%gather3A] in [0] : vector<16xi32>, vector<16xi32> -> vector<16xi32>
        %ne3A_297 = arith.cmpi ne, %get3A_279, %gather3A_296 : vector<16xi32>
        %or3A = arith.ori %eq3A_294, %ne3A_297 : vector<16xi1>
        %broadcast_in_dim3A_298 = vector.shape_cast %max3A_5 : vector<16xi32> to vector<16x1xi32>
        %gather3A_299 = vector.shape_cast %broadcast_in_dim3A_298 : vector<16x1xi32> to vector<16xi32>
        %gather3A_300 = tpu.dynamic_gather %get3A_279[%gather3A_299] in [0] : vector<16xi32>, vector<16xi32> -> vector<16xi32>
        %ne3A_301 = arith.cmpi ne, %get3A_279, %gather3A_300 : vector<16xi32>
        %and3A_302 = arith.andi %or3A, %lt3A_287 : vector<16xi1>
        %jit3A_303 = arith.constant 0 : i32
        %broadcast_in_dim3A_304 = vector.broadcast %jit3A_303 : i32 to vector<16xi32>
        %select_n3A_305 = arith.select %ne3A_301, %iota3A, %broadcast_in_dim3A_304 : vector<16xi1>, vector<16xi32>
        %broadcast_in_dim3A_306 = arith.constant true
        %broadcast_in_dim3A_307 = vector.broadcast %broadcast_in_dim3A_306 : i1 to vector<16xi1>
        %masked_cummax3A = arith.constant -2147483648 : i32
        %masked_cummax3A_308 = vector.broadcast %masked_cummax3A : i32 to vector<16xi32>
        %masked_cummax3A_309 = arith.xori %select_n3A_305, %masked_cummax3A_308 : vector<16xi32>
        %masked_cummax3A_310 = tpu.scan <max>, %masked_cummax3A_309 masked %broadcast_in_dim3A_307 : vector<16xi32>, vector<16xi1> -> vector<16xi32>
        %masked_cummax3A_311 = arith.xori %masked_cummax3A_310, %masked_cummax3A_308 : vector<16xi32>
        %sub3A_312 = arith.constant 1 : i32
        %sub3A_313 = vector.broadcast %sub3A_312 : i32 to vector<16xi32>
        %sub3A_314 = arith.subi %masked_cummax3A_311, %sub3A_313 : vector<16xi32>
        %max3A_315 = arith.constant 0 : i32
        %max3A_316 = vector.broadcast %max3A_315 : i32 to vector<16xi32>
        %max3A_317 = arith.maxsi %sub3A_314, %max3A_316 : vector<16xi32>
        %eq3A_318 = arith.constant 0 : i32
        %eq3A_319 = vector.broadcast %eq3A_318 : i32 to vector<16xi32>
        %eq3A_320 = arith.cmpi eq, %masked_cummax3A_311, %eq3A_319 : vector<16xi32>
        %jit3A_321 = arith.constant 1 : i32
        %jit3A_322 = arith.constant 0 : i32
        %broadcast_in_dim3A_323 = vector.broadcast %jit3A_321 : i32 to vector<16xi32>
        %broadcast_in_dim3A_324 = vector.broadcast %jit3A_322 : i32 to vector<16xi32>
        %select_n3A_325 = arith.select %or3A, %broadcast_in_dim3A_323, %broadcast_in_dim3A_324 : vector<16xi1>, vector<16xi32>
        %broadcast_in_dim3A_326 = vector.shape_cast %sub3A_13 : vector<16xi32> to vector<16x1xi32>
        %gather3A_327 = vector.shape_cast %broadcast_in_dim3A_326 : vector<16x1xi32> to vector<16xi32>
        %gather3A_328 = tpu.dynamic_gather %select_n3A_325[%gather3A_327] in [0] : vector<16xi32>, vector<16xi32> -> vector<16xi32>
        %ne3A_329 = arith.constant 0 : i32
        %ne3A_330 = vector.broadcast %ne3A_329 : i32 to vector<16xi32>
        %ne3A_331 = arith.cmpi ne, %gather3A_328, %ne3A_330 : vector<16xi32>
        %jit3A_332 = arith.constant 0 : i32
        %broadcast_in_dim3A_333 = vector.broadcast %jit3A_332 : i32 to vector<16xi32>
        %select_n3A_334 = arith.select %ne3A_331, %iota3A, %broadcast_in_dim3A_333 : vector<16xi1>, vector<16xi32>
        %broadcast_in_dim3A_335 = arith.constant true
        %broadcast_in_dim3A_336 = vector.broadcast %broadcast_in_dim3A_335 : i1 to vector<16xi1>
        %masked_cummax3A_337 = arith.constant -2147483648 : i32
        %masked_cummax3A_338 = vector.broadcast %masked_cummax3A_337 : i32 to vector<16xi32>
        %masked_cummax3A_339 = arith.xori %select_n3A_334, %masked_cummax3A_338 : vector<16xi32>
        %masked_cummax3A_340 = tpu.scan <max>, %masked_cummax3A_339 masked %broadcast_in_dim3A_336 : vector<16xi32>, vector<16xi1> -> vector<16xi32>
        %masked_cummax3A_341 = arith.xori %masked_cummax3A_340, %masked_cummax3A_338 : vector<16xi32>
        %sub3A_342 = arith.constant 15 : i32
        %sub3A_343 = vector.broadcast %sub3A_342 : i32 to vector<16xi32>
        %sub3A_344 = arith.subi %sub3A_343, %masked_cummax3A_341 : vector<16xi32>
        %broadcast_in_dim3A_345 = vector.shape_cast %sub3A_13 : vector<16xi32> to vector<16x1xi32>
        %gather3A_346 = vector.shape_cast %broadcast_in_dim3A_345 : vector<16x1xi32> to vector<16xi32>
        %gather3A_347 = tpu.dynamic_gather %sub3A_344[%gather3A_346] in [0] : vector<16xi32>, vector<16xi32> -> vector<16xi32>
        %shift_left3A = arith.constant 19 : i32
        %shift_left3A_348 = vector.broadcast %shift_left3A : i32 to vector<16xi32>
        %shift_left3A_349 = arith.shli %bitcast3A, %shift_left3A_348 : vector<16xi32>
        %bitcast3A_350 = vector.bitcast %get3A_281 : vector<16xf32> to vector<16xi32>
        %shift_right_logical3A = arith.constant 12 : i32
        %shift_right_logical3A_351 = vector.broadcast %shift_right_logical3A : i32 to vector<16xi32>
        %shift_right_logical3A_352 = arith.shrui %bitcast3A_350, %shift_right_logical3A_351 : vector<16xi32>
        %bitcast3A_353 = vector.bitcast %get3A_283 : vector<16xf32> to vector<16xi32>
        %shift_right_logical3A_354 = arith.constant 12 : i32
        %shift_right_logical3A_355 = vector.broadcast %shift_right_logical3A_354 : i32 to vector<16xi32>
        %shift_right_logical3A_356 = arith.shrui %bitcast3A_353, %shift_right_logical3A_355 : vector<16xi32>
        %mul3A_357 = arith.mulf %get3A_281, %get3A_1 : vector<16xf32>
        %mul3A_358 = arith.mulf %get3A_283, %get3A_1 : vector<16xf32>
        %sub3A_359 = arith.constant 524287 : i32
        %sub3A_360 = vector.broadcast %sub3A_359 : i32 to vector<16xi32>
        %sub3A_361 = arith.subi %sub3A_360, %shift_right_logical3A_352 : vector<16xi32>
        %sub3A_362 = arith.constant 524287 : i32
        %sub3A_363 = vector.broadcast %sub3A_362 : i32 to vector<16xi32>
        %sub3A_364 = arith.subi %sub3A_363, %shift_right_logical3A_356 : vector<16xi32>
        %or3A_365 = arith.ori %shift_left3A_349, %shift_right_logical3A_352 : vector<16xi32>
        %jit3A_366 = arith.constant 0 : i32
        %broadcast_in_dim3A_367 = vector.broadcast %jit3A_366 : i32 to vector<16xi32>
        %select_n3A_368 = arith.select %lt3A_287, %or3A_365, %broadcast_in_dim3A_367 : vector<16xi1>, vector<16xi32>
        %broadcast_in_dim3A_369 = arith.constant true
        %broadcast_in_dim3A_370 = vector.broadcast %broadcast_in_dim3A_369 : i1 to vector<16xi1>
        %masked_cummax3A_371 = tpu.scan <max>, %select_n3A_368 masked %broadcast_in_dim3A_370 : vector<16xi32>, vector<16xi1> -> vector<16xi32>
        %bitcast3A_372 = vector.bitcast %masked_cummax3A_371 : vector<16xi32> to vector<16xi32>
        %broadcast_in_dim3A_373 = vector.shape_cast %gather3A_347 : vector<16xi32> to vector<16x1xi32>
        %gather3A_374 = vector.shape_cast %broadcast_in_dim3A_373 : vector<16x1xi32> to vector<16xi32>
        %gather3A_375 = tpu.dynamic_gather %bitcast3A_372[%gather3A_374] in [0] : vector<16xi32>, vector<16xi32> -> vector<16xi32>
        %and3A_376 = arith.constant 524287 : i32
        %and3A_377 = vector.broadcast %and3A_376 : i32 to vector<16xi32>
        %and3A_378 = arith.andi %gather3A_375, %and3A_377 : vector<16xi32>
        %shift_left3A_379 = arith.constant 12 : i32
        %shift_left3A_380 = vector.broadcast %shift_left3A_379 : i32 to vector<16xi32>
        %shift_left3A_381 = arith.shli %and3A_378, %shift_left3A_380 : vector<16xi32>
        %bitcast3A_382 = vector.bitcast %shift_left3A_381 : vector<16xi32> to vector<16xf32>
        %mul3A_383 = arith.mulf %bitcast3A_382, %get3A_1 : vector<16xf32>
        %gather3A_384 = tpu.vector_load_idx %arg18[%bitcast3A_291] : memref<3200xf32, #tpu.memory_space<vmem>>[vector<16xi32>], vector<16xf32>,
        %max3A_385 = arith.maximumf %gather3A_384, %mul3A_383 : vector<16xf32>
        %sub3A_386 = arith.subf %mul3A_357, %max3A_385 : vector<16xf32>
        %exp3A = math.exp %sub3A_386 : vector<16xf32>
        %jit3A_387 = arith.constant 0.000000e+00 : f32
        %broadcast_in_dim3A_388 = vector.broadcast %jit3A_387 : f32 to vector<16xf32>
        %select_n3A_389 = arith.select %lt3A_287, %exp3A, %broadcast_in_dim3A_388 : vector<16xi1>, vector<16xf32>
        %cumsum3A = arith.constant true
        %cumsum3A_390 = vector.broadcast %cumsum3A : i1 to vector<16xi1>
        %cumsum3A_391 = tpu.scan <sum>, %select_n3A_389 masked %cumsum3A_390 : vector<16xf32>, vector<16xi1> -> vector<16xf32>
        %broadcast_in_dim3A_392 = vector.shape_cast %max3A_317 : vector<16xi32> to vector<16x1xi32>
        %gather3A_393 = vector.shape_cast %broadcast_in_dim3A_392 : vector<16x1xi32> to vector<16xi32>
        %gather3A_394 = tpu.dynamic_gather %cumsum3A_391[%gather3A_393] in [0] : vector<16xf32>, vector<16xi32> -> vector<16xf32>
        %jit3A_395 = arith.constant 0.000000e+00 : f32
        %broadcast_in_dim3A_396 = vector.broadcast %jit3A_395 : f32 to vector<16xf32>
        %select_n3A_397 = arith.select %eq3A_320, %broadcast_in_dim3A_396, %gather3A_394 : vector<16xi1>, vector<16xf32>
        %gather3A_398 = tpu.vector_load_idx %arg26[%bitcast3A_291] : memref<3200xf32, #tpu.memory_space<vmem>>[vector<16xi32>], vector<16xf32>,
        %sub3A_399 = arith.subf %gather3A_384, %max3A_385 : vector<16xf32>
        %exp3A_400 = math.exp %sub3A_399 : vector<16xf32>
        %mul3A_401 = arith.mulf %gather3A_398, %exp3A_400 : vector<16xf32>
        %sub3A_402 = arith.subf %cumsum3A_391, %select_n3A_397 : vector<16xf32>
        %add3A_403 = arith.addf %mul3A_401, %sub3A_402 : vector<16xf32>
        tpu.vector_store_idx %arg26[%bitcast3A_291], %add3A_403 masked %and3A_302 : memref<3200xf32, #tpu.memory_space<vmem>>[vector<16xi32>], vector<16xf32>, vector<16xi1>
        tpu.vector_store_idx %arg18[%bitcast3A_291], %max3A_385 masked %and3A_302 : memref<3200xf32, #tpu.memory_space<vmem>>[vector<16xi32>], vector<16xf32>, vector<16xi1>
        %or3A_404 = arith.ori %shift_left3A_349, %sub3A_361 : vector<16xi32>
        %jit3A_405 = arith.constant 0 : i32
        %broadcast_in_dim3A_406 = vector.broadcast %jit3A_405 : i32 to vector<16xi32>
        %select_n3A_407 = arith.select %lt3A_287, %or3A_404, %broadcast_in_dim3A_406 : vector<16xi1>, vector<16xi32>
        %broadcast_in_dim3A_408 = arith.constant true
        %broadcast_in_dim3A_409 = vector.broadcast %broadcast_in_dim3A_408 : i1 to vector<16xi1>
        %masked_cummax3A_410 = tpu.scan <max>, %select_n3A_407 masked %broadcast_in_dim3A_409 : vector<16xi32>, vector<16xi1> -> vector<16xi32>
        %bitcast3A_411 = vector.bitcast %masked_cummax3A_410 : vector<16xi32> to vector<16xi32>
        %broadcast_in_dim3A_412 = vector.shape_cast %gather3A_347 : vector<16xi32> to vector<16x1xi32>
        %gather3A_413 = vector.shape_cast %broadcast_in_dim3A_412 : vector<16x1xi32> to vector<16xi32>
        %gather3A_414 = tpu.dynamic_gather %bitcast3A_411[%gather3A_413] in [0] : vector<16xi32>, vector<16xi32> -> vector<16xi32>
        %and3A_415 = arith.constant 524287 : i32
        %and3A_416 = vector.broadcast %and3A_415 : i32 to vector<16xi32>
        %and3A_417 = arith.andi %gather3A_414, %and3A_416 : vector<16xi32>
        %sub3A_418 = arith.constant 524287 : i32
        %sub3A_419 = vector.broadcast %sub3A_418 : i32 to vector<16xi32>
        %sub3A_420 = arith.subi %sub3A_419, %and3A_417 : vector<16xi32>
        %shift_left3A_421 = arith.constant 12 : i32
        %shift_left3A_422 = vector.broadcast %shift_left3A_421 : i32 to vector<16xi32>
        %shift_left3A_423 = arith.shli %sub3A_420, %shift_left3A_422 : vector<16xi32>
        %bitcast3A_424 = vector.bitcast %shift_left3A_423 : vector<16xi32> to vector<16xf32>
        %mul3A_425 = arith.mulf %bitcast3A_424, %get3A_1 : vector<16xf32>
        %gather3A_426 = tpu.vector_load_idx %arg19[%bitcast3A_291] : memref<3200xf32, #tpu.memory_space<vmem>>[vector<16xi32>], vector<16xf32>,
        %min3A_427 = arith.minimumf %gather3A_426, %mul3A_425 : vector<16xf32>
        %sub3A_428 = arith.subf %min3A_427, %mul3A_357 : vector<16xf32>
        %exp3A_429 = math.exp %sub3A_428 : vector<16xf32>
        %jit3A_430 = arith.constant 0.000000e+00 : f32
        %broadcast_in_dim3A_431 = vector.broadcast %jit3A_430 : f32 to vector<16xf32>
        %select_n3A_432 = arith.select %lt3A_287, %exp3A_429, %broadcast_in_dim3A_431 : vector<16xi1>, vector<16xf32>
        %cumsum3A_433 = arith.constant true
        %cumsum3A_434 = vector.broadcast %cumsum3A_433 : i1 to vector<16xi1>
        %cumsum3A_435 = tpu.scan <sum>, %select_n3A_432 masked %cumsum3A_434 : vector<16xf32>, vector<16xi1> -> vector<16xf32>
        %broadcast_in_dim3A_436 = vector.shape_cast %max3A_317 : vector<16xi32> to vector<16x1xi32>
        %gather3A_437 = vector.shape_cast %broadcast_in_dim3A_436 : vector<16x1xi32> to vector<16xi32>
        %gather3A_438 = tpu.dynamic_gather %cumsum3A_435[%gather3A_437] in [0] : vector<16xf32>, vector<16xi32> -> vector<16xf32>
        %jit3A_439 = arith.constant 0.000000e+00 : f32
        %broadcast_in_dim3A_440 = vector.broadcast %jit3A_439 : f32 to vector<16xf32>
        %select_n3A_441 = arith.select %eq3A_320, %broadcast_in_dim3A_440, %gather3A_438 : vector<16xi1>, vector<16xf32>
        %gather3A_442 = tpu.vector_load_idx %arg27[%bitcast3A_291] : memref<3200xf32, #tpu.memory_space<vmem>>[vector<16xi32>], vector<16xf32>,
        %sub3A_443 = arith.subf %min3A_427, %gather3A_426 : vector<16xf32>
        %exp3A_444 = math.exp %sub3A_443 : vector<16xf32>
        %mul3A_445 = arith.mulf %gather3A_442, %exp3A_444 : vector<16xf32>
        %sub3A_446 = arith.subf %cumsum3A_435, %select_n3A_441 : vector<16xf32>
        %add3A_447 = arith.addf %mul3A_445, %sub3A_446 : vector<16xf32>
        tpu.vector_store_idx %arg27[%bitcast3A_291], %add3A_447 masked %and3A_302 : memref<3200xf32, #tpu.memory_space<vmem>>[vector<16xi32>], vector<16xf32>, vector<16xi1>
        tpu.vector_store_idx %arg19[%bitcast3A_291], %min3A_427 masked %and3A_302 : memref<3200xf32, #tpu.memory_space<vmem>>[vector<16xi32>], vector<16xf32>, vector<16xi1>
        %or3A_448 = arith.ori %shift_left3A_349, %shift_right_logical3A_356 : vector<16xi32>
        %jit3A_449 = arith.constant 0 : i32
        %broadcast_in_dim3A_450 = vector.broadcast %jit3A_449 : i32 to vector<16xi32>
        %select_n3A_451 = arith.select %lt3A_287, %or3A_448, %broadcast_in_dim3A_450 : vector<16xi1>, vector<16xi32>
        %broadcast_in_dim3A_452 = arith.constant true
        %broadcast_in_dim3A_453 = vector.broadcast %broadcast_in_dim3A_452 : i1 to vector<16xi1>
        %masked_cummax3A_454 = tpu.scan <max>, %select_n3A_451 masked %broadcast_in_dim3A_453 : vector<16xi32>, vector<16xi1> -> vector<16xi32>
        %bitcast3A_455 = vector.bitcast %masked_cummax3A_454 : vector<16xi32> to vector<16xi32>
        %broadcast_in_dim3A_456 = vector.shape_cast %gather3A_347 : vector<16xi32> to vector<16x1xi32>
        %gather3A_457 = vector.shape_cast %broadcast_in_dim3A_456 : vector<16x1xi32> to vector<16xi32>
        %gather3A_458 = tpu.dynamic_gather %bitcast3A_455[%gather3A_457] in [0] : vector<16xi32>, vector<16xi32> -> vector<16xi32>
        %and3A_459 = arith.constant 524287 : i32
        %and3A_460 = vector.broadcast %and3A_459 : i32 to vector<16xi32>
        %and3A_461 = arith.andi %gather3A_458, %and3A_460 : vector<16xi32>
        %shift_left3A_462 = arith.constant 12 : i32
        %shift_left3A_463 = vector.broadcast %shift_left3A_462 : i32 to vector<16xi32>
        %shift_left3A_464 = arith.shli %and3A_461, %shift_left3A_463 : vector<16xi32>
        %bitcast3A_465 = vector.bitcast %shift_left3A_464 : vector<16xi32> to vector<16xf32>
        %mul3A_466 = arith.mulf %bitcast3A_465, %get3A_1 : vector<16xf32>
        %gather3A_467 = tpu.vector_load_idx %arg20[%bitcast3A_291] : memref<3200xf32, #tpu.memory_space<vmem>>[vector<16xi32>], vector<16xf32>,
        %max3A_468 = arith.maximumf %gather3A_467, %mul3A_466 : vector<16xf32>
        %sub3A_469 = arith.subf %mul3A_358, %max3A_468 : vector<16xf32>
        %exp3A_470 = math.exp %sub3A_469 : vector<16xf32>
        %jit3A_471 = arith.constant 0.000000e+00 : f32
        %broadcast_in_dim3A_472 = vector.broadcast %jit3A_471 : f32 to vector<16xf32>
        %select_n3A_473 = arith.select %lt3A_287, %exp3A_470, %broadcast_in_dim3A_472 : vector<16xi1>, vector<16xf32>
        %cumsum3A_474 = arith.constant true
        %cumsum3A_475 = vector.broadcast %cumsum3A_474 : i1 to vector<16xi1>
        %cumsum3A_476 = tpu.scan <sum>, %select_n3A_473 masked %cumsum3A_475 : vector<16xf32>, vector<16xi1> -> vector<16xf32>
        %broadcast_in_dim3A_477 = vector.shape_cast %max3A_317 : vector<16xi32> to vector<16x1xi32>
        %gather3A_478 = vector.shape_cast %broadcast_in_dim3A_477 : vector<16x1xi32> to vector<16xi32>
        %gather3A_479 = tpu.dynamic_gather %cumsum3A_476[%gather3A_478] in [0] : vector<16xf32>, vector<16xi32> -> vector<16xf32>
        %jit3A_480 = arith.constant 0.000000e+00 : f32
        %broadcast_in_dim3A_481 = vector.broadcast %jit3A_480 : f32 to vector<16xf32>
        %select_n3A_482 = arith.select %eq3A_320, %broadcast_in_dim3A_481, %gather3A_479 : vector<16xi1>, vector<16xf32>
        %gather3A_483 = tpu.vector_load_idx %arg28[%bitcast3A_291] : memref<3200xf32, #tpu.memory_space<vmem>>[vector<16xi32>], vector<16xf32>,
        %sub3A_484 = arith.subf %gather3A_467, %max3A_468 : vector<16xf32>
        %exp3A_485 = math.exp %sub3A_484 : vector<16xf32>
        %mul3A_486 = arith.mulf %gather3A_483, %exp3A_485 : vector<16xf32>
        %sub3A_487 = arith.subf %cumsum3A_476, %select_n3A_482 : vector<16xf32>
        %add3A_488 = arith.addf %mul3A_486, %sub3A_487 : vector<16xf32>
        tpu.vector_store_idx %arg28[%bitcast3A_291], %add3A_488 masked %and3A_302 : memref<3200xf32, #tpu.memory_space<vmem>>[vector<16xi32>], vector<16xf32>, vector<16xi1>
        tpu.vector_store_idx %arg20[%bitcast3A_291], %max3A_468 masked %and3A_302 : memref<3200xf32, #tpu.memory_space<vmem>>[vector<16xi32>], vector<16xf32>, vector<16xi1>
        %or3A_489 = arith.ori %shift_left3A_349, %sub3A_364 : vector<16xi32>
        %jit3A_490 = arith.constant 0 : i32
        %broadcast_in_dim3A_491 = vector.broadcast %jit3A_490 : i32 to vector<16xi32>
        %select_n3A_492 = arith.select %lt3A_287, %or3A_489, %broadcast_in_dim3A_491 : vector<16xi1>, vector<16xi32>
        %broadcast_in_dim3A_493 = arith.constant true
        %broadcast_in_dim3A_494 = vector.broadcast %broadcast_in_dim3A_493 : i1 to vector<16xi1>
        %masked_cummax3A_495 = tpu.scan <max>, %select_n3A_492 masked %broadcast_in_dim3A_494 : vector<16xi32>, vector<16xi1> -> vector<16xi32>
        %bitcast3A_496 = vector.bitcast %masked_cummax3A_495 : vector<16xi32> to vector<16xi32>
        %broadcast_in_dim3A_497 = vector.shape_cast %gather3A_347 : vector<16xi32> to vector<16x1xi32>
        %gather3A_498 = vector.shape_cast %broadcast_in_dim3A_497 : vector<16x1xi32> to vector<16xi32>
        %gather3A_499 = tpu.dynamic_gather %bitcast3A_496[%gather3A_498] in [0] : vector<16xi32>, vector<16xi32> -> vector<16xi32>
        %and3A_500 = arith.constant 524287 : i32
        %and3A_501 = vector.broadcast %and3A_500 : i32 to vector<16xi32>
        %and3A_502 = arith.andi %gather3A_499, %and3A_501 : vector<16xi32>
        %sub3A_503 = arith.constant 524287 : i32
        %sub3A_504 = vector.broadcast %sub3A_503 : i32 to vector<16xi32>
        %sub3A_505 = arith.subi %sub3A_504, %and3A_502 : vector<16xi32>
        %shift_left3A_506 = arith.constant 12 : i32
        %shift_left3A_507 = vector.broadcast %shift_left3A_506 : i32 to vector<16xi32>
        %shift_left3A_508 = arith.shli %sub3A_505, %shift_left3A_507 : vector<16xi32>
        %bitcast3A_509 = vector.bitcast %shift_left3A_508 : vector<16xi32> to vector<16xf32>
        %mul3A_510 = arith.mulf %bitcast3A_509, %get3A_1 : vector<16xf32>
        %gather3A_511 = tpu.vector_load_idx %arg21[%bitcast3A_291] : memref<3200xf32, #tpu.memory_space<vmem>>[vector<16xi32>], vector<16xf32>,
        %min3A_512 = arith.minimumf %gather3A_511, %mul3A_510 : vector<16xf32>
        %sub3A_513 = arith.subf %min3A_512, %mul3A_358 : vector<16xf32>
        %exp3A_514 = math.exp %sub3A_513 : vector<16xf32>
        %jit3A_515 = arith.constant 0.000000e+00 : f32
        %broadcast_in_dim3A_516 = vector.broadcast %jit3A_515 : f32 to vector<16xf32>
        %select_n3A_517 = arith.select %lt3A_287, %exp3A_514, %broadcast_in_dim3A_516 : vector<16xi1>, vector<16xf32>
        %cumsum3A_518 = arith.constant true
        %cumsum3A_519 = vector.broadcast %cumsum3A_518 : i1 to vector<16xi1>
        %cumsum3A_520 = tpu.scan <sum>, %select_n3A_517 masked %cumsum3A_519 : vector<16xf32>, vector<16xi1> -> vector<16xf32>
        %broadcast_in_dim3A_521 = vector.shape_cast %max3A_317 : vector<16xi32> to vector<16x1xi32>
        %gather3A_522 = vector.shape_cast %broadcast_in_dim3A_521 : vector<16x1xi32> to vector<16xi32>
        %gather3A_523 = tpu.dynamic_gather %cumsum3A_520[%gather3A_522] in [0] : vector<16xf32>, vector<16xi32> -> vector<16xf32>
        %jit3A_524 = arith.constant 0.000000e+00 : f32
        %broadcast_in_dim3A_525 = vector.broadcast %jit3A_524 : f32 to vector<16xf32>
        %select_n3A_526 = arith.select %eq3A_320, %broadcast_in_dim3A_525, %gather3A_523 : vector<16xi1>, vector<16xf32>
        %gather3A_527 = tpu.vector_load_idx %arg29[%bitcast3A_291] : memref<3200xf32, #tpu.memory_space<vmem>>[vector<16xi32>], vector<16xf32>,
        %sub3A_528 = arith.subf %min3A_512, %gather3A_511 : vector<16xf32>
        %exp3A_529 = math.exp %sub3A_528 : vector<16xf32>
        %mul3A_530 = arith.mulf %gather3A_527, %exp3A_529 : vector<16xf32>
        %sub3A_531 = arith.subf %cumsum3A_520, %select_n3A_526 : vector<16xf32>
        %add3A_532 = arith.addf %mul3A_530, %sub3A_531 : vector<16xf32>
        tpu.vector_store_idx %arg29[%bitcast3A_291], %add3A_532 masked %and3A_302 : memref<3200xf32, #tpu.memory_space<vmem>>[vector<16xi32>], vector<16xf32>, vector<16xi1>
        tpu.vector_store_idx %arg21[%bitcast3A_291], %min3A_512 masked %and3A_302 : memref<3200xf32, #tpu.memory_space<vmem>>[vector<16xi32>], vector<16xf32>, vector<16xi1>
        %mul3A_533 = arith.constant 2 : i32
        %mul3A_534 = arith.muli %mul3A_533, %scan3A_273 : i32
        %add3A_535 = arith.constant 1 : i32
        %add3A_536 = arith.addi %mul3A_534, %add3A_535 : i32
        %mul3A_537 = arith.constant 16 : i32
        %mul3A_538 = arith.muli %add3A_536, %mul3A_537 : i32
        %get3A_539 = arith.index_cast %mul3A_538 : i32 to index
        %get3A_540 = tpu.vector_load %arg13[%get3A_539] {strides = array<i32>} : memref<4096xi32, #tpu.memory_space<vmem>>, vector<16xi32>,
        %get3A_541 = arith.index_cast %mul3A_538 : i32 to index
        %get3A_542 = tpu.vector_load %arg9[%get3A_541] {strides = array<i32>} : memref<4096xf32, #tpu.memory_space<vmem>>, vector<16xf32>,
        %get3A_543 = arith.index_cast %mul3A_538 : i32 to index
        %get3A_544 = tpu.vector_load %arg11[%get3A_543] {strides = array<i32>} : memref<4096xf32, #tpu.memory_space<vmem>>, vector<16xf32>,
        %sub3A_545 = vector.broadcast %mul3A_71 : i32 to vector<16xi32>
        %sub3A_546 = arith.subi %get3A_540, %sub3A_545 : vector<16xi32>
        %bitcast3A_547 = vector.bitcast %sub3A_546 : vector<16xi32> to vector<16xi32>
        %lt3A_548 = arith.constant 3200 : i32
        %lt3A_549 = vector.broadcast %lt3A_548 : i32 to vector<16xi32>
        %lt3A_550 = arith.cmpi ult, %bitcast3A_547, %lt3A_549 : vector<16xi32>
        %min3A_551 = arith.constant 3199 : i32
        %min3A_552 = vector.broadcast %min3A_551 : i32 to vector<16xi32>
        %min3A_553 = arith.minui %bitcast3A_547, %min3A_552 : vector<16xi32>
        %bitcast3A_554 = vector.bitcast %min3A_553 : vector<16xi32> to vector<16xi32>
        %eq3A_555 = arith.constant 15 : i32
        %eq3A_556 = vector.broadcast %eq3A_555 : i32 to vector<16xi32>
        %eq3A_557 = arith.cmpi eq, %iota3A, %eq3A_556 : vector<16xi32>
        %broadcast_in_dim3A_558 = vector.shape_cast %min3A_10 : vector<16xi32> to vector<16x1xi32>
        %gather3A_559 = vector.shape_cast %broadcast_in_dim3A_558 : vector<16x1xi32> to vector<16xi32>
        %gather3A_560 = tpu.dynamic_gather %get3A_540[%gather3A_559] in [0] : vector<16xi32>, vector<16xi32> -> vector<16xi32>
        %ne3A_561 = arith.cmpi ne, %get3A_540, %gather3A_560 : vector<16xi32>
        %or3A_562 = arith.ori %eq3A_557, %ne3A_561 : vector<16xi1>
        %broadcast_in_dim3A_563 = vector.shape_cast %max3A_5 : vector<16xi32> to vector<16x1xi32>
        %gather3A_564 = vector.shape_cast %broadcast_in_dim3A_563 : vector<16x1xi32> to vector<16xi32>
        %gather3A_565 = tpu.dynamic_gather %get3A_540[%gather3A_564] in [0] : vector<16xi32>, vector<16xi32> -> vector<16xi32>
        %ne3A_566 = arith.cmpi ne, %get3A_540, %gather3A_565 : vector<16xi32>
        %and3A_567 = arith.andi %or3A_562, %lt3A_550 : vector<16xi1>
        %jit3A_568 = arith.constant 0 : i32
        %broadcast_in_dim3A_569 = vector.broadcast %jit3A_568 : i32 to vector<16xi32>
        %select_n3A_570 = arith.select %ne3A_566, %iota3A, %broadcast_in_dim3A_569 : vector<16xi1>, vector<16xi32>
        %broadcast_in_dim3A_571 = arith.constant true
        %broadcast_in_dim3A_572 = vector.broadcast %broadcast_in_dim3A_571 : i1 to vector<16xi1>
        %masked_cummax3A_573 = arith.constant -2147483648 : i32
        %masked_cummax3A_574 = vector.broadcast %masked_cummax3A_573 : i32 to vector<16xi32>
        %masked_cummax3A_575 = arith.xori %select_n3A_570, %masked_cummax3A_574 : vector<16xi32>
        %masked_cummax3A_576 = tpu.scan <max>, %masked_cummax3A_575 masked %broadcast_in_dim3A_572 : vector<16xi32>, vector<16xi1> -> vector<16xi32>
        %masked_cummax3A_577 = arith.xori %masked_cummax3A_576, %masked_cummax3A_574 : vector<16xi32>
        %sub3A_578 = arith.constant 1 : i32
        %sub3A_579 = vector.broadcast %sub3A_578 : i32 to vector<16xi32>
        %sub3A_580 = arith.subi %masked_cummax3A_577, %sub3A_579 : vector<16xi32>
        %max3A_581 = arith.constant 0 : i32
        %max3A_582 = vector.broadcast %max3A_581 : i32 to vector<16xi32>
        %max3A_583 = arith.maxsi %sub3A_580, %max3A_582 : vector<16xi32>
        %eq3A_584 = arith.constant 0 : i32
        %eq3A_585 = vector.broadcast %eq3A_584 : i32 to vector<16xi32>
        %eq3A_586 = arith.cmpi eq, %masked_cummax3A_577, %eq3A_585 : vector<16xi32>
        %jit3A_587 = arith.constant 1 : i32
        %jit3A_588 = arith.constant 0 : i32
        %broadcast_in_dim3A_589 = vector.broadcast %jit3A_587 : i32 to vector<16xi32>
        %broadcast_in_dim3A_590 = vector.broadcast %jit3A_588 : i32 to vector<16xi32>
        %select_n3A_591 = arith.select %or3A_562, %broadcast_in_dim3A_589, %broadcast_in_dim3A_590 : vector<16xi1>, vector<16xi32>
        %broadcast_in_dim3A_592 = vector.shape_cast %sub3A_13 : vector<16xi32> to vector<16x1xi32>
        %gather3A_593 = vector.shape_cast %broadcast_in_dim3A_592 : vector<16x1xi32> to vector<16xi32>
        %gather3A_594 = tpu.dynamic_gather %select_n3A_591[%gather3A_593] in [0] : vector<16xi32>, vector<16xi32> -> vector<16xi32>
        %ne3A_595 = arith.constant 0 : i32
        %ne3A_596 = vector.broadcast %ne3A_595 : i32 to vector<16xi32>
        %ne3A_597 = arith.cmpi ne, %gather3A_594, %ne3A_596 : vector<16xi32>
        %jit3A_598 = arith.constant 0 : i32
        %broadcast_in_dim3A_599 = vector.broadcast %jit3A_598 : i32 to vector<16xi32>
        %select_n3A_600 = arith.select %ne3A_597, %iota3A, %broadcast_in_dim3A_599 : vector<16xi1>, vector<16xi32>
        %broadcast_in_dim3A_601 = arith.constant true
        %broadcast_in_dim3A_602 = vector.broadcast %broadcast_in_dim3A_601 : i1 to vector<16xi1>
        %masked_cummax3A_603 = arith.constant -2147483648 : i32
        %masked_cummax3A_604 = vector.broadcast %masked_cummax3A_603 : i32 to vector<16xi32>
        %masked_cummax3A_605 = arith.xori %select_n3A_600, %masked_cummax3A_604 : vector<16xi32>
        %masked_cummax3A_606 = tpu.scan <max>, %masked_cummax3A_605 masked %broadcast_in_dim3A_602 : vector<16xi32>, vector<16xi1> -> vector<16xi32>
        %masked_cummax3A_607 = arith.xori %masked_cummax3A_606, %masked_cummax3A_604 : vector<16xi32>
        %sub3A_608 = arith.constant 15 : i32
        %sub3A_609 = vector.broadcast %sub3A_608 : i32 to vector<16xi32>
        %sub3A_610 = arith.subi %sub3A_609, %masked_cummax3A_607 : vector<16xi32>
        %broadcast_in_dim3A_611 = vector.shape_cast %sub3A_13 : vector<16xi32> to vector<16x1xi32>
        %gather3A_612 = vector.shape_cast %broadcast_in_dim3A_611 : vector<16x1xi32> to vector<16xi32>
        %gather3A_613 = tpu.dynamic_gather %sub3A_610[%gather3A_612] in [0] : vector<16xi32>, vector<16xi32> -> vector<16xi32>
        %shift_left3A_614 = arith.constant 19 : i32
        %shift_left3A_615 = vector.broadcast %shift_left3A_614 : i32 to vector<16xi32>
        %shift_left3A_616 = arith.shli %bitcast3A_547, %shift_left3A_615 : vector<16xi32>
        %bitcast3A_617 = vector.bitcast %get3A_542 : vector<16xf32> to vector<16xi32>
        %shift_right_logical3A_618 = arith.constant 12 : i32
        %shift_right_logical3A_619 = vector.broadcast %shift_right_logical3A_618 : i32 to vector<16xi32>
        %shift_right_logical3A_620 = arith.shrui %bitcast3A_617, %shift_right_logical3A_619 : vector<16xi32>
        %bitcast3A_621 = vector.bitcast %get3A_544 : vector<16xf32> to vector<16xi32>
        %shift_right_logical3A_622 = arith.constant 12 : i32
        %shift_right_logical3A_623 = vector.broadcast %shift_right_logical3A_622 : i32 to vector<16xi32>
        %shift_right_logical3A_624 = arith.shrui %bitcast3A_621, %shift_right_logical3A_623 : vector<16xi32>
        %mul3A_625 = arith.mulf %get3A_542, %get3A_1 : vector<16xf32>
        %mul3A_626 = arith.mulf %get3A_544, %get3A_1 : vector<16xf32>
        %sub3A_627 = arith.constant 524287 : i32
        %sub3A_628 = vector.broadcast %sub3A_627 : i32 to vector<16xi32>
        %sub3A_629 = arith.subi %sub3A_628, %shift_right_logical3A_620 : vector<16xi32>
        %sub3A_630 = arith.constant 524287 : i32
        %sub3A_631 = vector.broadcast %sub3A_630 : i32 to vector<16xi32>
        %sub3A_632 = arith.subi %sub3A_631, %shift_right_logical3A_624 : vector<16xi32>
        %or3A_633 = arith.ori %shift_left3A_616, %shift_right_logical3A_620 : vector<16xi32>
        %jit3A_634 = arith.constant 0 : i32
        %broadcast_in_dim3A_635 = vector.broadcast %jit3A_634 : i32 to vector<16xi32>
        %select_n3A_636 = arith.select %lt3A_550, %or3A_633, %broadcast_in_dim3A_635 : vector<16xi1>, vector<16xi32>
        %broadcast_in_dim3A_637 = arith.constant true
        %broadcast_in_dim3A_638 = vector.broadcast %broadcast_in_dim3A_637 : i1 to vector<16xi1>
        %masked_cummax3A_639 = tpu.scan <max>, %select_n3A_636 masked %broadcast_in_dim3A_638 : vector<16xi32>, vector<16xi1> -> vector<16xi32>
        %bitcast3A_640 = vector.bitcast %masked_cummax3A_639 : vector<16xi32> to vector<16xi32>
        %broadcast_in_dim3A_641 = vector.shape_cast %gather3A_613 : vector<16xi32> to vector<16x1xi32>
        %gather3A_642 = vector.shape_cast %broadcast_in_dim3A_641 : vector<16x1xi32> to vector<16xi32>
        %gather3A_643 = tpu.dynamic_gather %bitcast3A_640[%gather3A_642] in [0] : vector<16xi32>, vector<16xi32> -> vector<16xi32>
        %and3A_644 = arith.constant 524287 : i32
        %and3A_645 = vector.broadcast %and3A_644 : i32 to vector<16xi32>
        %and3A_646 = arith.andi %gather3A_643, %and3A_645 : vector<16xi32>
        %shift_left3A_647 = arith.constant 12 : i32
        %shift_left3A_648 = vector.broadcast %shift_left3A_647 : i32 to vector<16xi32>
        %shift_left3A_649 = arith.shli %and3A_646, %shift_left3A_648 : vector<16xi32>
        %bitcast3A_650 = vector.bitcast %shift_left3A_649 : vector<16xi32> to vector<16xf32>
        %mul3A_651 = arith.mulf %bitcast3A_650, %get3A_1 : vector<16xf32>
        %gather3A_652 = tpu.vector_load_idx %arg22[%bitcast3A_554] : memref<3200xf32, #tpu.memory_space<vmem>>[vector<16xi32>], vector<16xf32>,
        %max3A_653 = arith.maximumf %gather3A_652, %mul3A_651 : vector<16xf32>
        %sub3A_654 = arith.subf %mul3A_625, %max3A_653 : vector<16xf32>
        %exp3A_655 = math.exp %sub3A_654 : vector<16xf32>
        %jit3A_656 = arith.constant 0.000000e+00 : f32
        %broadcast_in_dim3A_657 = vector.broadcast %jit3A_656 : f32 to vector<16xf32>
        %select_n3A_658 = arith.select %lt3A_550, %exp3A_655, %broadcast_in_dim3A_657 : vector<16xi1>, vector<16xf32>
        %cumsum3A_659 = arith.constant true
        %cumsum3A_660 = vector.broadcast %cumsum3A_659 : i1 to vector<16xi1>
        %cumsum3A_661 = tpu.scan <sum>, %select_n3A_658 masked %cumsum3A_660 : vector<16xf32>, vector<16xi1> -> vector<16xf32>
        %broadcast_in_dim3A_662 = vector.shape_cast %max3A_583 : vector<16xi32> to vector<16x1xi32>
        %gather3A_663 = vector.shape_cast %broadcast_in_dim3A_662 : vector<16x1xi32> to vector<16xi32>
        %gather3A_664 = tpu.dynamic_gather %cumsum3A_661[%gather3A_663] in [0] : vector<16xf32>, vector<16xi32> -> vector<16xf32>
        %jit3A_665 = arith.constant 0.000000e+00 : f32
        %broadcast_in_dim3A_666 = vector.broadcast %jit3A_665 : f32 to vector<16xf32>
        %select_n3A_667 = arith.select %eq3A_586, %broadcast_in_dim3A_666, %gather3A_664 : vector<16xi1>, vector<16xf32>
        %gather3A_668 = tpu.vector_load_idx %arg30[%bitcast3A_554] : memref<3200xf32, #tpu.memory_space<vmem>>[vector<16xi32>], vector<16xf32>,
        %sub3A_669 = arith.subf %gather3A_652, %max3A_653 : vector<16xf32>
        %exp3A_670 = math.exp %sub3A_669 : vector<16xf32>
        %mul3A_671 = arith.mulf %gather3A_668, %exp3A_670 : vector<16xf32>
        %sub3A_672 = arith.subf %cumsum3A_661, %select_n3A_667 : vector<16xf32>
        %add3A_673 = arith.addf %mul3A_671, %sub3A_672 : vector<16xf32>
        tpu.vector_store_idx %arg30[%bitcast3A_554], %add3A_673 masked %and3A_567 : memref<3200xf32, #tpu.memory_space<vmem>>[vector<16xi32>], vector<16xf32>, vector<16xi1>
        tpu.vector_store_idx %arg22[%bitcast3A_554], %max3A_653 masked %and3A_567 : memref<3200xf32, #tpu.memory_space<vmem>>[vector<16xi32>], vector<16xf32>, vector<16xi1>
        %or3A_674 = arith.ori %shift_left3A_616, %sub3A_629 : vector<16xi32>
        %jit3A_675 = arith.constant 0 : i32
        %broadcast_in_dim3A_676 = vector.broadcast %jit3A_675 : i32 to vector<16xi32>
        %select_n3A_677 = arith.select %lt3A_550, %or3A_674, %broadcast_in_dim3A_676 : vector<16xi1>, vector<16xi32>
        %broadcast_in_dim3A_678 = arith.constant true
        %broadcast_in_dim3A_679 = vector.broadcast %broadcast_in_dim3A_678 : i1 to vector<16xi1>
        %masked_cummax3A_680 = tpu.scan <max>, %select_n3A_677 masked %broadcast_in_dim3A_679 : vector<16xi32>, vector<16xi1> -> vector<16xi32>
        %bitcast3A_681 = vector.bitcast %masked_cummax3A_680 : vector<16xi32> to vector<16xi32>
        %broadcast_in_dim3A_682 = vector.shape_cast %gather3A_613 : vector<16xi32> to vector<16x1xi32>
        %gather3A_683 = vector.shape_cast %broadcast_in_dim3A_682 : vector<16x1xi32> to vector<16xi32>
        %gather3A_684 = tpu.dynamic_gather %bitcast3A_681[%gather3A_683] in [0] : vector<16xi32>, vector<16xi32> -> vector<16xi32>
        %and3A_685 = arith.constant 524287 : i32
        %and3A_686 = vector.broadcast %and3A_685 : i32 to vector<16xi32>
        %and3A_687 = arith.andi %gather3A_684, %and3A_686 : vector<16xi32>
        %sub3A_688 = arith.constant 524287 : i32
        %sub3A_689 = vector.broadcast %sub3A_688 : i32 to vector<16xi32>
        %sub3A_690 = arith.subi %sub3A_689, %and3A_687 : vector<16xi32>
        %shift_left3A_691 = arith.constant 12 : i32
        %shift_left3A_692 = vector.broadcast %shift_left3A_691 : i32 to vector<16xi32>
        %shift_left3A_693 = arith.shli %sub3A_690, %shift_left3A_692 : vector<16xi32>
        %bitcast3A_694 = vector.bitcast %shift_left3A_693 : vector<16xi32> to vector<16xf32>
        %mul3A_695 = arith.mulf %bitcast3A_694, %get3A_1 : vector<16xf32>
        %gather3A_696 = tpu.vector_load_idx %arg23[%bitcast3A_554] : memref<3200xf32, #tpu.memory_space<vmem>>[vector<16xi32>], vector<16xf32>,
        %min3A_697 = arith.minimumf %gather3A_696, %mul3A_695 : vector<16xf32>
        %sub3A_698 = arith.subf %min3A_697, %mul3A_625 : vector<16xf32>
        %exp3A_699 = math.exp %sub3A_698 : vector<16xf32>
        %jit3A_700 = arith.constant 0.000000e+00 : f32
        %broadcast_in_dim3A_701 = vector.broadcast %jit3A_700 : f32 to vector<16xf32>
        %select_n3A_702 = arith.select %lt3A_550, %exp3A_699, %broadcast_in_dim3A_701 : vector<16xi1>, vector<16xf32>
        %cumsum3A_703 = arith.constant true
        %cumsum3A_704 = vector.broadcast %cumsum3A_703 : i1 to vector<16xi1>
        %cumsum3A_705 = tpu.scan <sum>, %select_n3A_702 masked %cumsum3A_704 : vector<16xf32>, vector<16xi1> -> vector<16xf32>
        %broadcast_in_dim3A_706 = vector.shape_cast %max3A_583 : vector<16xi32> to vector<16x1xi32>
        %gather3A_707 = vector.shape_cast %broadcast_in_dim3A_706 : vector<16x1xi32> to vector<16xi32>
        %gather3A_708 = tpu.dynamic_gather %cumsum3A_705[%gather3A_707] in [0] : vector<16xf32>, vector<16xi32> -> vector<16xf32>
        %jit3A_709 = arith.constant 0.000000e+00 : f32
        %broadcast_in_dim3A_710 = vector.broadcast %jit3A_709 : f32 to vector<16xf32>
        %select_n3A_711 = arith.select %eq3A_586, %broadcast_in_dim3A_710, %gather3A_708 : vector<16xi1>, vector<16xf32>
        %gather3A_712 = tpu.vector_load_idx %arg31[%bitcast3A_554] : memref<3200xf32, #tpu.memory_space<vmem>>[vector<16xi32>], vector<16xf32>,
        %sub3A_713 = arith.subf %min3A_697, %gather3A_696 : vector<16xf32>
        %exp3A_714 = math.exp %sub3A_713 : vector<16xf32>
        %mul3A_715 = arith.mulf %gather3A_712, %exp3A_714 : vector<16xf32>
        %sub3A_716 = arith.subf %cumsum3A_705, %select_n3A_711 : vector<16xf32>
        %add3A_717 = arith.addf %mul3A_715, %sub3A_716 : vector<16xf32>
        tpu.vector_store_idx %arg31[%bitcast3A_554], %add3A_717 masked %and3A_567 : memref<3200xf32, #tpu.memory_space<vmem>>[vector<16xi32>], vector<16xf32>, vector<16xi1>
        tpu.vector_store_idx %arg23[%bitcast3A_554], %min3A_697 masked %and3A_567 : memref<3200xf32, #tpu.memory_space<vmem>>[vector<16xi32>], vector<16xf32>, vector<16xi1>
        %or3A_718 = arith.ori %shift_left3A_616, %shift_right_logical3A_624 : vector<16xi32>
        %jit3A_719 = arith.constant 0 : i32
        %broadcast_in_dim3A_720 = vector.broadcast %jit3A_719 : i32 to vector<16xi32>
        %select_n3A_721 = arith.select %lt3A_550, %or3A_718, %broadcast_in_dim3A_720 : vector<16xi1>, vector<16xi32>
        %broadcast_in_dim3A_722 = arith.constant true
        %broadcast_in_dim3A_723 = vector.broadcast %broadcast_in_dim3A_722 : i1 to vector<16xi1>
        %masked_cummax3A_724 = tpu.scan <max>, %select_n3A_721 masked %broadcast_in_dim3A_723 : vector<16xi32>, vector<16xi1> -> vector<16xi32>
        %bitcast3A_725 = vector.bitcast %masked_cummax3A_724 : vector<16xi32> to vector<16xi32>
        %broadcast_in_dim3A_726 = vector.shape_cast %gather3A_613 : vector<16xi32> to vector<16x1xi32>
        %gather3A_727 = vector.shape_cast %broadcast_in_dim3A_726 : vector<16x1xi32> to vector<16xi32>
        %gather3A_728 = tpu.dynamic_gather %bitcast3A_725[%gather3A_727] in [0] : vector<16xi32>, vector<16xi32> -> vector<16xi32>
        %and3A_729 = arith.constant 524287 : i32
        %and3A_730 = vector.broadcast %and3A_729 : i32 to vector<16xi32>
        %and3A_731 = arith.andi %gather3A_728, %and3A_730 : vector<16xi32>
        %shift_left3A_732 = arith.constant 12 : i32
        %shift_left3A_733 = vector.broadcast %shift_left3A_732 : i32 to vector<16xi32>
        %shift_left3A_734 = arith.shli %and3A_731, %shift_left3A_733 : vector<16xi32>
        %bitcast3A_735 = vector.bitcast %shift_left3A_734 : vector<16xi32> to vector<16xf32>
        %mul3A_736 = arith.mulf %bitcast3A_735, %get3A_1 : vector<16xf32>
        %gather3A_737 = tpu.vector_load_idx %arg24[%bitcast3A_554] : memref<3200xf32, #tpu.memory_space<vmem>>[vector<16xi32>], vector<16xf32>,
        %max3A_738 = arith.maximumf %gather3A_737, %mul3A_736 : vector<16xf32>
        %sub3A_739 = arith.subf %mul3A_626, %max3A_738 : vector<16xf32>
        %exp3A_740 = math.exp %sub3A_739 : vector<16xf32>
        %jit3A_741 = arith.constant 0.000000e+00 : f32
        %broadcast_in_dim3A_742 = vector.broadcast %jit3A_741 : f32 to vector<16xf32>
        %select_n3A_743 = arith.select %lt3A_550, %exp3A_740, %broadcast_in_dim3A_742 : vector<16xi1>, vector<16xf32>
        %cumsum3A_744 = arith.constant true
        %cumsum3A_745 = vector.broadcast %cumsum3A_744 : i1 to vector<16xi1>
        %cumsum3A_746 = tpu.scan <sum>, %select_n3A_743 masked %cumsum3A_745 : vector<16xf32>, vector<16xi1> -> vector<16xf32>
        %broadcast_in_dim3A_747 = vector.shape_cast %max3A_583 : vector<16xi32> to vector<16x1xi32>
        %gather3A_748 = vector.shape_cast %broadcast_in_dim3A_747 : vector<16x1xi32> to vector<16xi32>
        %gather3A_749 = tpu.dynamic_gather %cumsum3A_746[%gather3A_748] in [0] : vector<16xf32>, vector<16xi32> -> vector<16xf32>
        %jit3A_750 = arith.constant 0.000000e+00 : f32
        %broadcast_in_dim3A_751 = vector.broadcast %jit3A_750 : f32 to vector<16xf32>
        %select_n3A_752 = arith.select %eq3A_586, %broadcast_in_dim3A_751, %gather3A_749 : vector<16xi1>, vector<16xf32>
        %gather3A_753 = tpu.vector_load_idx %arg32[%bitcast3A_554] : memref<3200xf32, #tpu.memory_space<vmem>>[vector<16xi32>], vector<16xf32>,
        %sub3A_754 = arith.subf %gather3A_737, %max3A_738 : vector<16xf32>
        %exp3A_755 = math.exp %sub3A_754 : vector<16xf32>
        %mul3A_756 = arith.mulf %gather3A_753, %exp3A_755 : vector<16xf32>
        %sub3A_757 = arith.subf %cumsum3A_746, %select_n3A_752 : vector<16xf32>
        %add3A_758 = arith.addf %mul3A_756, %sub3A_757 : vector<16xf32>
        tpu.vector_store_idx %arg32[%bitcast3A_554], %add3A_758 masked %and3A_567 : memref<3200xf32, #tpu.memory_space<vmem>>[vector<16xi32>], vector<16xf32>, vector<16xi1>
        tpu.vector_store_idx %arg24[%bitcast3A_554], %max3A_738 masked %and3A_567 : memref<3200xf32, #tpu.memory_space<vmem>>[vector<16xi32>], vector<16xf32>, vector<16xi1>
        %or3A_759 = arith.ori %shift_left3A_616, %sub3A_632 : vector<16xi32>
        %jit3A_760 = arith.constant 0 : i32
        %broadcast_in_dim3A_761 = vector.broadcast %jit3A_760 : i32 to vector<16xi32>
        %select_n3A_762 = arith.select %lt3A_550, %or3A_759, %broadcast_in_dim3A_761 : vector<16xi1>, vector<16xi32>
        %broadcast_in_dim3A_763 = arith.constant true
        %broadcast_in_dim3A_764 = vector.broadcast %broadcast_in_dim3A_763 : i1 to vector<16xi1>
        %masked_cummax3A_765 = tpu.scan <max>, %select_n3A_762 masked %broadcast_in_dim3A_764 : vector<16xi32>, vector<16xi1> -> vector<16xi32>
        %bitcast3A_766 = vector.bitcast %masked_cummax3A_765 : vector<16xi32> to vector<16xi32>
        %broadcast_in_dim3A_767 = vector.shape_cast %gather3A_613 : vector<16xi32> to vector<16x1xi32>
        %gather3A_768 = vector.shape_cast %broadcast_in_dim3A_767 : vector<16x1xi32> to vector<16xi32>
        %gather3A_769 = tpu.dynamic_gather %bitcast3A_766[%gather3A_768] in [0] : vector<16xi32>, vector<16xi32> -> vector<16xi32>
        %and3A_770 = arith.constant 524287 : i32
        %and3A_771 = vector.broadcast %and3A_770 : i32 to vector<16xi32>
        %and3A_772 = arith.andi %gather3A_769, %and3A_771 : vector<16xi32>
        %sub3A_773 = arith.constant 524287 : i32
        %sub3A_774 = vector.broadcast %sub3A_773 : i32 to vector<16xi32>
        %sub3A_775 = arith.subi %sub3A_774, %and3A_772 : vector<16xi32>
        %shift_left3A_776 = arith.constant 12 : i32
        %shift_left3A_777 = vector.broadcast %shift_left3A_776 : i32 to vector<16xi32>
        %shift_left3A_778 = arith.shli %sub3A_775, %shift_left3A_777 : vector<16xi32>
        %bitcast3A_779 = vector.bitcast %shift_left3A_778 : vector<16xi32> to vector<16xf32>
        %mul3A_780 = arith.mulf %bitcast3A_779, %get3A_1 : vector<16xf32>
        %gather3A_781 = tpu.vector_load_idx %arg25[%bitcast3A_554] : memref<3200xf32, #tpu.memory_space<vmem>>[vector<16xi32>], vector<16xf32>,
        %min3A_782 = arith.minimumf %gather3A_781, %mul3A_780 : vector<16xf32>
        %sub3A_783 = arith.subf %min3A_782, %mul3A_626 : vector<16xf32>
        %exp3A_784 = math.exp %sub3A_783 : vector<16xf32>
        %jit3A_785 = arith.constant 0.000000e+00 : f32
        %broadcast_in_dim3A_786 = vector.broadcast %jit3A_785 : f32 to vector<16xf32>
        %select_n3A_787 = arith.select %lt3A_550, %exp3A_784, %broadcast_in_dim3A_786 : vector<16xi1>, vector<16xf32>
        %cumsum3A_788 = arith.constant true
        %cumsum3A_789 = vector.broadcast %cumsum3A_788 : i1 to vector<16xi1>
        %cumsum3A_790 = tpu.scan <sum>, %select_n3A_787 masked %cumsum3A_789 : vector<16xf32>, vector<16xi1> -> vector<16xf32>
        %broadcast_in_dim3A_791 = vector.shape_cast %max3A_583 : vector<16xi32> to vector<16x1xi32>
        %gather3A_792 = vector.shape_cast %broadcast_in_dim3A_791 : vector<16x1xi32> to vector<16xi32>
        %gather3A_793 = tpu.dynamic_gather %cumsum3A_790[%gather3A_792] in [0] : vector<16xf32>, vector<16xi32> -> vector<16xf32>
        %jit3A_794 = arith.constant 0.000000e+00 : f32
        %broadcast_in_dim3A_795 = vector.broadcast %jit3A_794 : f32 to vector<16xf32>
        %select_n3A_796 = arith.select %eq3A_586, %broadcast_in_dim3A_795, %gather3A_793 : vector<16xi1>, vector<16xf32>
        %gather3A_797 = tpu.vector_load_idx %arg33[%bitcast3A_554] : memref<3200xf32, #tpu.memory_space<vmem>>[vector<16xi32>], vector<16xf32>,
        %sub3A_798 = arith.subf %min3A_782, %gather3A_781 : vector<16xf32>
        %exp3A_799 = math.exp %sub3A_798 : vector<16xf32>
        %mul3A_800 = arith.mulf %gather3A_797, %exp3A_799 : vector<16xf32>
        %sub3A_801 = arith.subf %cumsum3A_790, %select_n3A_796 : vector<16xf32>
        %add3A_802 = arith.addf %mul3A_800, %sub3A_801 : vector<16xf32>
        tpu.vector_store_idx %arg33[%bitcast3A_554], %add3A_802 masked %and3A_567 : memref<3200xf32, #tpu.memory_space<vmem>>[vector<16xi32>], vector<16xf32>, vector<16xi1>
        tpu.vector_store_idx %arg25[%bitcast3A_554], %min3A_782 masked %and3A_567 : memref<3200xf32, #tpu.memory_space<vmem>>[vector<16xi32>], vector<16xf32>, vector<16xi1>
      }
      %scan3A_272 = arith.constant 128 : i32
    }
    %dma_wait3A = arith.constant 0 : i32
    %dma_wait3A_149 = tpu.memref_slice %arg2[%dma_wait3A] : memref<3212288xf32, #tpu.memory_space<hbm>> -> memref<4096xf32, #tpu.memory_space<hbm>>
    %dma_wait3A_150 = arith.constant 0 : i32
    %dma_wait3A_151 = tpu.memref_slice %arg2[%dma_wait3A_150] : memref<3212288xf32, #tpu.memory_space<hbm>> -> memref<4096xf32, #tpu.memory_space<hbm>>
    tpu.wait_dma2 semaphore(%arg14 : memref<!tpu.dma_semaphore, #tpu.memory_space<semaphore_mem>>) src(%dma_wait3A_151 : memref<4096xf32, #tpu.memory_space<hbm>>) dst(%arg8 : memref<4096xf32, #tpu.memory_space<vmem>>)
    %dma_wait3A_152 = arith.constant 0 : i32
    %dma_wait3A_153 = tpu.memref_slice %arg3[%dma_wait3A_152] : memref<3212288xf32, #tpu.memory_space<hbm>> -> memref<4096xf32, #tpu.memory_space<hbm>>
    %dma_wait3A_154 = arith.constant 0 : i32
    %dma_wait3A_155 = tpu.memref_slice %arg3[%dma_wait3A_154] : memref<3212288xf32, #tpu.memory_space<hbm>> -> memref<4096xf32, #tpu.memory_space<hbm>>
    tpu.wait_dma2 semaphore(%arg14 : memref<!tpu.dma_semaphore, #tpu.memory_space<semaphore_mem>>) src(%dma_wait3A_155 : memref<4096xf32, #tpu.memory_space<hbm>>) dst(%arg10 : memref<4096xf32, #tpu.memory_space<vmem>>)
    %dma_wait3A_156 = arith.constant 0 : i32
    %dma_wait3A_157 = tpu.memref_slice %arg4[%dma_wait3A_156] : memref<3212288xi32, #tpu.memory_space<hbm>> -> memref<4096xi32, #tpu.memory_space<hbm>>
    %dma_wait3A_158 = arith.constant 0 : i32
    %dma_wait3A_159 = tpu.memref_slice %arg4[%dma_wait3A_158] : memref<3212288xi32, #tpu.memory_space<hbm>> -> memref<4096xi32, #tpu.memory_space<hbm>>
    tpu.wait_dma2 semaphore(%arg14 : memref<!tpu.dma_semaphore, #tpu.memory_space<semaphore_mem>>) src(%dma_wait3A_159 : memref<4096xi32, #tpu.memory_space<hbm>>) dst(%arg12 : memref<4096xi32, #tpu.memory_space<vmem>>)
    %mul3A_160 = arith.constant 3200 : i32
    %mul3A_161 = arith.muli %add3A, %mul3A_160 : i32
    %add3A_162 = arith.constant 0 : i32
    %add3A_163 = arith.addi %add3A_162, %mul3A_161 : i32
    %multiple_of3A_164 = tpu.assume_multiple %add3A_163, 8 : i32
    "tpu.region"() ({
      %run_scoped3A = tpu.sem_alloc : memref<!tpu.dma_semaphore, #tpu.memory_space<semaphore_mem>>
      %dma_start3A_210 = tpu.memref_slice %arg7[%multiple_of3A_164] : memref<1638400xf32, #tpu.memory_space<hbm>> -> memref<3200xf32, #tpu.memory_space<hbm>>
      %dma_start3A_211 = tpu.memref_slice %arg7[%multiple_of3A_164] : memref<1638400xf32, #tpu.memory_space<hbm>> -> memref<3200xf32, #tpu.memory_space<hbm>>
      tpu.enqueue_dma source(%arg26 : memref<3200xf32, #tpu.memory_space<vmem>>) target(%dma_start3A_211 : memref<3200xf32, #tpu.memory_space<hbm>>) target_semaphore(%run_scoped3A : memref<!tpu.dma_semaphore, #tpu.memory_space<semaphore_mem>>)
      %dma_wait3A_212 = tpu.memref_slice %arg7[%multiple_of3A_164] : memref<1638400xf32, #tpu.memory_space<hbm>> -> memref<3200xf32, #tpu.memory_space<hbm>>
      %dma_wait3A_213 = tpu.memref_slice %arg7[%multiple_of3A_164] : memref<1638400xf32, #tpu.memory_space<hbm>> -> memref<3200xf32, #tpu.memory_space<hbm>>
      tpu.wait_dma2 semaphore(%run_scoped3A : memref<!tpu.dma_semaphore, #tpu.memory_space<semaphore_mem>>) src(%arg26 : memref<3200xf32, #tpu.memory_space<vmem>>) dst(%dma_wait3A_213 : memref<3200xf32, #tpu.memory_space<hbm>>)
      tpu.yield
    }) : () -> ()
    %add3A_165 = arith.constant 102400 : i32
    %add3A_166 = arith.addi %add3A_165, %mul3A_161 : i32
    %multiple_of3A_167 = tpu.assume_multiple %add3A_166, 8 : i32
    "tpu.region"() ({
      %run_scoped3A = tpu.sem_alloc : memref<!tpu.dma_semaphore, #tpu.memory_space<semaphore_mem>>
      %dma_start3A_210 = tpu.memref_slice %arg7[%multiple_of3A_167] : memref<1638400xf32, #tpu.memory_space<hbm>> -> memref<3200xf32, #tpu.memory_space<hbm>>
      %dma_start3A_211 = tpu.memref_slice %arg7[%multiple_of3A_167] : memref<1638400xf32, #tpu.memory_space<hbm>> -> memref<3200xf32, #tpu.memory_space<hbm>>
      tpu.enqueue_dma source(%arg27 : memref<3200xf32, #tpu.memory_space<vmem>>) target(%dma_start3A_211 : memref<3200xf32, #tpu.memory_space<hbm>>) target_semaphore(%run_scoped3A : memref<!tpu.dma_semaphore, #tpu.memory_space<semaphore_mem>>)
      %dma_wait3A_212 = tpu.memref_slice %arg7[%multiple_of3A_167] : memref<1638400xf32, #tpu.memory_space<hbm>> -> memref<3200xf32, #tpu.memory_space<hbm>>
      %dma_wait3A_213 = tpu.memref_slice %arg7[%multiple_of3A_167] : memref<1638400xf32, #tpu.memory_space<hbm>> -> memref<3200xf32, #tpu.memory_space<hbm>>
      tpu.wait_dma2 semaphore(%run_scoped3A : memref<!tpu.dma_semaphore, #tpu.memory_space<semaphore_mem>>) src(%arg27 : memref<3200xf32, #tpu.memory_space<vmem>>) dst(%dma_wait3A_213 : memref<3200xf32, #tpu.memory_space<hbm>>)
      tpu.yield
    }) : () -> ()
    %add3A_168 = arith.constant 204800 : i32
    %add3A_169 = arith.addi %add3A_168, %mul3A_161 : i32
    %multiple_of3A_170 = tpu.assume_multiple %add3A_169, 8 : i32
    "tpu.region"() ({
      %run_scoped3A = tpu.sem_alloc : memref<!tpu.dma_semaphore, #tpu.memory_space<semaphore_mem>>
      %dma_start3A_210 = tpu.memref_slice %arg7[%multiple_of3A_170] : memref<1638400xf32, #tpu.memory_space<hbm>> -> memref<3200xf32, #tpu.memory_space<hbm>>
      %dma_start3A_211 = tpu.memref_slice %arg7[%multiple_of3A_170] : memref<1638400xf32, #tpu.memory_space<hbm>> -> memref<3200xf32, #tpu.memory_space<hbm>>
      tpu.enqueue_dma source(%arg28 : memref<3200xf32, #tpu.memory_space<vmem>>) target(%dma_start3A_211 : memref<3200xf32, #tpu.memory_space<hbm>>) target_semaphore(%run_scoped3A : memref<!tpu.dma_semaphore, #tpu.memory_space<semaphore_mem>>)
      %dma_wait3A_212 = tpu.memref_slice %arg7[%multiple_of3A_170] : memref<1638400xf32, #tpu.memory_space<hbm>> -> memref<3200xf32, #tpu.memory_space<hbm>>
      %dma_wait3A_213 = tpu.memref_slice %arg7[%multiple_of3A_170] : memref<1638400xf32, #tpu.memory_space<hbm>> -> memref<3200xf32, #tpu.memory_space<hbm>>
      tpu.wait_dma2 semaphore(%run_scoped3A : memref<!tpu.dma_semaphore, #tpu.memory_space<semaphore_mem>>) src(%arg28 : memref<3200xf32, #tpu.memory_space<vmem>>) dst(%dma_wait3A_213 : memref<3200xf32, #tpu.memory_space<hbm>>)
      tpu.yield
    }) : () -> ()
    %add3A_171 = arith.constant 307200 : i32
    %add3A_172 = arith.addi %add3A_171, %mul3A_161 : i32
    %multiple_of3A_173 = tpu.assume_multiple %add3A_172, 8 : i32
    "tpu.region"() ({
      %run_scoped3A = tpu.sem_alloc : memref<!tpu.dma_semaphore, #tpu.memory_space<semaphore_mem>>
      %dma_start3A_210 = tpu.memref_slice %arg7[%multiple_of3A_173] : memref<1638400xf32, #tpu.memory_space<hbm>> -> memref<3200xf32, #tpu.memory_space<hbm>>
      %dma_start3A_211 = tpu.memref_slice %arg7[%multiple_of3A_173] : memref<1638400xf32, #tpu.memory_space<hbm>> -> memref<3200xf32, #tpu.memory_space<hbm>>
      tpu.enqueue_dma source(%arg29 : memref<3200xf32, #tpu.memory_space<vmem>>) target(%dma_start3A_211 : memref<3200xf32, #tpu.memory_space<hbm>>) target_semaphore(%run_scoped3A : memref<!tpu.dma_semaphore, #tpu.memory_space<semaphore_mem>>)
      %dma_wait3A_212 = tpu.memref_slice %arg7[%multiple_of3A_173] : memref<1638400xf32, #tpu.memory_space<hbm>> -> memref<3200xf32, #tpu.memory_space<hbm>>
      %dma_wait3A_213 = tpu.memref_slice %arg7[%multiple_of3A_173] : memref<1638400xf32, #tpu.memory_space<hbm>> -> memref<3200xf32, #tpu.memory_space<hbm>>
      tpu.wait_dma2 semaphore(%run_scoped3A : memref<!tpu.dma_semaphore, #tpu.memory_space<semaphore_mem>>) src(%arg29 : memref<3200xf32, #tpu.memory_space<vmem>>) dst(%dma_wait3A_213 : memref<3200xf32, #tpu.memory_space<hbm>>)
      tpu.yield
    }) : () -> ()
    %add3A_174 = arith.constant 409600 : i32
    %add3A_175 = arith.addi %add3A_174, %mul3A_161 : i32
    %multiple_of3A_176 = tpu.assume_multiple %add3A_175, 8 : i32
    "tpu.region"() ({
      %run_scoped3A = tpu.sem_alloc : memref<!tpu.dma_semaphore, #tpu.memory_space<semaphore_mem>>
      %dma_start3A_210 = tpu.memref_slice %arg7[%multiple_of3A_176] : memref<1638400xf32, #tpu.memory_space<hbm>> -> memref<3200xf32, #tpu.memory_space<hbm>>
      %dma_start3A_211 = tpu.memref_slice %arg7[%multiple_of3A_176] : memref<1638400xf32, #tpu.memory_space<hbm>> -> memref<3200xf32, #tpu.memory_space<hbm>>
      tpu.enqueue_dma source(%arg30 : memref<3200xf32, #tpu.memory_space<vmem>>) target(%dma_start3A_211 : memref<3200xf32, #tpu.memory_space<hbm>>) target_semaphore(%run_scoped3A : memref<!tpu.dma_semaphore, #tpu.memory_space<semaphore_mem>>)
      %dma_wait3A_212 = tpu.memref_slice %arg7[%multiple_of3A_176] : memref<1638400xf32, #tpu.memory_space<hbm>> -> memref<3200xf32, #tpu.memory_space<hbm>>
      %dma_wait3A_213 = tpu.memref_slice %arg7[%multiple_of3A_176] : memref<1638400xf32, #tpu.memory_space<hbm>> -> memref<3200xf32, #tpu.memory_space<hbm>>
      tpu.wait_dma2 semaphore(%run_scoped3A : memref<!tpu.dma_semaphore, #tpu.memory_space<semaphore_mem>>) src(%arg30 : memref<3200xf32, #tpu.memory_space<vmem>>) dst(%dma_wait3A_213 : memref<3200xf32, #tpu.memory_space<hbm>>)
      tpu.yield
    }) : () -> ()
    %add3A_177 = arith.constant 512000 : i32
    %add3A_178 = arith.addi %add3A_177, %mul3A_161 : i32
    %multiple_of3A_179 = tpu.assume_multiple %add3A_178, 8 : i32
    "tpu.region"() ({
      %run_scoped3A = tpu.sem_alloc : memref<!tpu.dma_semaphore, #tpu.memory_space<semaphore_mem>>
      %dma_start3A_210 = tpu.memref_slice %arg7[%multiple_of3A_179] : memref<1638400xf32, #tpu.memory_space<hbm>> -> memref<3200xf32, #tpu.memory_space<hbm>>
      %dma_start3A_211 = tpu.memref_slice %arg7[%multiple_of3A_179] : memref<1638400xf32, #tpu.memory_space<hbm>> -> memref<3200xf32, #tpu.memory_space<hbm>>
      tpu.enqueue_dma source(%arg31 : memref<3200xf32, #tpu.memory_space<vmem>>) target(%dma_start3A_211 : memref<3200xf32, #tpu.memory_space<hbm>>) target_semaphore(%run_scoped3A : memref<!tpu.dma_semaphore, #tpu.memory_space<semaphore_mem>>)
      %dma_wait3A_212 = tpu.memref_slice %arg7[%multiple_of3A_179] : memref<1638400xf32, #tpu.memory_space<hbm>> -> memref<3200xf32, #tpu.memory_space<hbm>>
      %dma_wait3A_213 = tpu.memref_slice %arg7[%multiple_of3A_179] : memref<1638400xf32, #tpu.memory_space<hbm>> -> memref<3200xf32, #tpu.memory_space<hbm>>
      tpu.wait_dma2 semaphore(%run_scoped3A : memref<!tpu.dma_semaphore, #tpu.memory_space<semaphore_mem>>) src(%arg31 : memref<3200xf32, #tpu.memory_space<vmem>>) dst(%dma_wait3A_213 : memref<3200xf32, #tpu.memory_space<hbm>>)
      tpu.yield
    }) : () -> ()
    %add3A_180 = arith.constant 614400 : i32
    %add3A_181 = arith.addi %add3A_180, %mul3A_161 : i32
    %multiple_of3A_182 = tpu.assume_multiple %add3A_181, 8 : i32
    "tpu.region"() ({
      %run_scoped3A = tpu.sem_alloc : memref<!tpu.dma_semaphore, #tpu.memory_space<semaphore_mem>>
      %dma_start3A_210 = tpu.memref_slice %arg7[%multiple_of3A_182] : memref<1638400xf32, #tpu.memory_space<hbm>> -> memref<3200xf32, #tpu.memory_space<hbm>>
      %dma_start3A_211 = tpu.memref_slice %arg7[%multiple_of3A_182] : memref<1638400xf32, #tpu.memory_space<hbm>> -> memref<3200xf32, #tpu.memory_space<hbm>>
      tpu.enqueue_dma source(%arg32 : memref<3200xf32, #tpu.memory_space<vmem>>) target(%dma_start3A_211 : memref<3200xf32, #tpu.memory_space<hbm>>) target_semaphore(%run_scoped3A : memref<!tpu.dma_semaphore, #tpu.memory_space<semaphore_mem>>)
      %dma_wait3A_212 = tpu.memref_slice %arg7[%multiple_of3A_182] : memref<1638400xf32, #tpu.memory_space<hbm>> -> memref<3200xf32, #tpu.memory_space<hbm>>
      %dma_wait3A_213 = tpu.memref_slice %arg7[%multiple_of3A_182] : memref<1638400xf32, #tpu.memory_space<hbm>> -> memref<3200xf32, #tpu.memory_space<hbm>>
      tpu.wait_dma2 semaphore(%run_scoped3A : memref<!tpu.dma_semaphore, #tpu.memory_space<semaphore_mem>>) src(%arg32 : memref<3200xf32, #tpu.memory_space<vmem>>) dst(%dma_wait3A_213 : memref<3200xf32, #tpu.memory_space<hbm>>)
      tpu.yield
    }) : () -> ()
    %add3A_183 = arith.constant 716800 : i32
    %add3A_184 = arith.addi %add3A_183, %mul3A_161 : i32
    %multiple_of3A_185 = tpu.assume_multiple %add3A_184, 8 : i32
    "tpu.region"() ({
      %run_scoped3A = tpu.sem_alloc : memref<!tpu.dma_semaphore, #tpu.memory_space<semaphore_mem>>
      %dma_start3A_210 = tpu.memref_slice %arg7[%multiple_of3A_185] : memref<1638400xf32, #tpu.memory_space<hbm>> -> memref<3200xf32, #tpu.memory_space<hbm>>
      %dma_start3A_211 = tpu.memref_slice %arg7[%multiple_of3A_185] : memref<1638400xf32, #tpu.memory_space<hbm>> -> memref<3200xf32, #tpu.memory_space<hbm>>
      tpu.enqueue_dma source(%arg33 : memref<3200xf32, #tpu.memory_space<vmem>>) target(%dma_start3A_211 : memref<3200xf32, #tpu.memory_space<hbm>>) target_semaphore(%run_scoped3A : memref<!tpu.dma_semaphore, #tpu.memory_space<semaphore_mem>>)
      %dma_wait3A_212 = tpu.memref_slice %arg7[%multiple_of3A_185] : memref<1638400xf32, #tpu.memory_space<hbm>> -> memref<3200xf32, #tpu.memory_space<hbm>>
      %dma_wait3A_213 = tpu.memref_slice %arg7[%multiple_of3A_185] : memref<1638400xf32, #tpu.memory_space<hbm>> -> memref<3200xf32, #tpu.memory_space<hbm>>
      tpu.wait_dma2 semaphore(%run_scoped3A : memref<!tpu.dma_semaphore, #tpu.memory_space<semaphore_mem>>) src(%arg33 : memref<3200xf32, #tpu.memory_space<vmem>>) dst(%dma_wait3A_213 : memref<3200xf32, #tpu.memory_space<hbm>>)
      tpu.yield
    }) : () -> ()
    %add3A_186 = arith.constant 819200 : i32
    %add3A_187 = arith.addi %add3A_186, %mul3A_161 : i32
    %multiple_of3A_188 = tpu.assume_multiple %add3A_187, 8 : i32
    "tpu.region"() ({
      %run_scoped3A = tpu.sem_alloc : memref<!tpu.dma_semaphore, #tpu.memory_space<semaphore_mem>>
      %dma_start3A_210 = tpu.memref_slice %arg7[%multiple_of3A_188] : memref<1638400xf32, #tpu.memory_space<hbm>> -> memref<3200xf32, #tpu.memory_space<hbm>>
      %dma_start3A_211 = tpu.memref_slice %arg7[%multiple_of3A_188] : memref<1638400xf32, #tpu.memory_space<hbm>> -> memref<3200xf32, #tpu.memory_space<hbm>>
      tpu.enqueue_dma source(%arg18 : memref<3200xf32, #tpu.memory_space<vmem>>) target(%dma_start3A_211 : memref<3200xf32, #tpu.memory_space<hbm>>) target_semaphore(%run_scoped3A : memref<!tpu.dma_semaphore, #tpu.memory_space<semaphore_mem>>)
      %dma_wait3A_212 = tpu.memref_slice %arg7[%multiple_of3A_188] : memref<1638400xf32, #tpu.memory_space<hbm>> -> memref<3200xf32, #tpu.memory_space<hbm>>
      %dma_wait3A_213 = tpu.memref_slice %arg7[%multiple_of3A_188] : memref<1638400xf32, #tpu.memory_space<hbm>> -> memref<3200xf32, #tpu.memory_space<hbm>>
      tpu.wait_dma2 semaphore(%run_scoped3A : memref<!tpu.dma_semaphore, #tpu.memory_space<semaphore_mem>>) src(%arg18 : memref<3200xf32, #tpu.memory_space<vmem>>) dst(%dma_wait3A_213 : memref<3200xf32, #tpu.memory_space<hbm>>)
      tpu.yield
    }) : () -> ()
    %add3A_189 = arith.constant 921600 : i32
    %add3A_190 = arith.addi %add3A_189, %mul3A_161 : i32
    %multiple_of3A_191 = tpu.assume_multiple %add3A_190, 8 : i32
    "tpu.region"() ({
      %run_scoped3A = tpu.sem_alloc : memref<!tpu.dma_semaphore, #tpu.memory_space<semaphore_mem>>
      %dma_start3A_210 = tpu.memref_slice %arg7[%multiple_of3A_191] : memref<1638400xf32, #tpu.memory_space<hbm>> -> memref<3200xf32, #tpu.memory_space<hbm>>
      %dma_start3A_211 = tpu.memref_slice %arg7[%multiple_of3A_191] : memref<1638400xf32, #tpu.memory_space<hbm>> -> memref<3200xf32, #tpu.memory_space<hbm>>
      tpu.enqueue_dma source(%arg19 : memref<3200xf32, #tpu.memory_space<vmem>>) target(%dma_start3A_211 : memref<3200xf32, #tpu.memory_space<hbm>>) target_semaphore(%run_scoped3A : memref<!tpu.dma_semaphore, #tpu.memory_space<semaphore_mem>>)
      %dma_wait3A_212 = tpu.memref_slice %arg7[%multiple_of3A_191] : memref<1638400xf32, #tpu.memory_space<hbm>> -> memref<3200xf32, #tpu.memory_space<hbm>>
      %dma_wait3A_213 = tpu.memref_slice %arg7[%multiple_of3A_191] : memref<1638400xf32, #tpu.memory_space<hbm>> -> memref<3200xf32, #tpu.memory_space<hbm>>
      tpu.wait_dma2 semaphore(%run_scoped3A : memref<!tpu.dma_semaphore, #tpu.memory_space<semaphore_mem>>) src(%arg19 : memref<3200xf32, #tpu.memory_space<vmem>>) dst(%dma_wait3A_213 : memref<3200xf32, #tpu.memory_space<hbm>>)
      tpu.yield
    }) : () -> ()
    %add3A_192 = arith.constant 1024000 : i32
    %add3A_193 = arith.addi %add3A_192, %mul3A_161 : i32
    %multiple_of3A_194 = tpu.assume_multiple %add3A_193, 8 : i32
    "tpu.region"() ({
      %run_scoped3A = tpu.sem_alloc : memref<!tpu.dma_semaphore, #tpu.memory_space<semaphore_mem>>
      %dma_start3A_210 = tpu.memref_slice %arg7[%multiple_of3A_194] : memref<1638400xf32, #tpu.memory_space<hbm>> -> memref<3200xf32, #tpu.memory_space<hbm>>
      %dma_start3A_211 = tpu.memref_slice %arg7[%multiple_of3A_194] : memref<1638400xf32, #tpu.memory_space<hbm>> -> memref<3200xf32, #tpu.memory_space<hbm>>
      tpu.enqueue_dma source(%arg20 : memref<3200xf32, #tpu.memory_space<vmem>>) target(%dma_start3A_211 : memref<3200xf32, #tpu.memory_space<hbm>>) target_semaphore(%run_scoped3A : memref<!tpu.dma_semaphore, #tpu.memory_space<semaphore_mem>>)
      %dma_wait3A_212 = tpu.memref_slice %arg7[%multiple_of3A_194] : memref<1638400xf32, #tpu.memory_space<hbm>> -> memref<3200xf32, #tpu.memory_space<hbm>>
      %dma_wait3A_213 = tpu.memref_slice %arg7[%multiple_of3A_194] : memref<1638400xf32, #tpu.memory_space<hbm>> -> memref<3200xf32, #tpu.memory_space<hbm>>
      tpu.wait_dma2 semaphore(%run_scoped3A : memref<!tpu.dma_semaphore, #tpu.memory_space<semaphore_mem>>) src(%arg20 : memref<3200xf32, #tpu.memory_space<vmem>>) dst(%dma_wait3A_213 : memref<3200xf32, #tpu.memory_space<hbm>>)
      tpu.yield
    }) : () -> ()
    %add3A_195 = arith.constant 1126400 : i32
    %add3A_196 = arith.addi %add3A_195, %mul3A_161 : i32
    %multiple_of3A_197 = tpu.assume_multiple %add3A_196, 8 : i32
    "tpu.region"() ({
      %run_scoped3A = tpu.sem_alloc : memref<!tpu.dma_semaphore, #tpu.memory_space<semaphore_mem>>
      %dma_start3A_210 = tpu.memref_slice %arg7[%multiple_of3A_197] : memref<1638400xf32, #tpu.memory_space<hbm>> -> memref<3200xf32, #tpu.memory_space<hbm>>
      %dma_start3A_211 = tpu.memref_slice %arg7[%multiple_of3A_197] : memref<1638400xf32, #tpu.memory_space<hbm>> -> memref<3200xf32, #tpu.memory_space<hbm>>
      tpu.enqueue_dma source(%arg21 : memref<3200xf32, #tpu.memory_space<vmem>>) target(%dma_start3A_211 : memref<3200xf32, #tpu.memory_space<hbm>>) target_semaphore(%run_scoped3A : memref<!tpu.dma_semaphore, #tpu.memory_space<semaphore_mem>>)
      %dma_wait3A_212 = tpu.memref_slice %arg7[%multiple_of3A_197] : memref<1638400xf32, #tpu.memory_space<hbm>> -> memref<3200xf32, #tpu.memory_space<hbm>>
      %dma_wait3A_213 = tpu.memref_slice %arg7[%multiple_of3A_197] : memref<1638400xf32, #tpu.memory_space<hbm>> -> memref<3200xf32, #tpu.memory_space<hbm>>
      tpu.wait_dma2 semaphore(%run_scoped3A : memref<!tpu.dma_semaphore, #tpu.memory_space<semaphore_mem>>) src(%arg21 : memref<3200xf32, #tpu.memory_space<vmem>>) dst(%dma_wait3A_213 : memref<3200xf32, #tpu.memory_space<hbm>>)
      tpu.yield
    }) : () -> ()
    %add3A_198 = arith.constant 1228800 : i32
    %add3A_199 = arith.addi %add3A_198, %mul3A_161 : i32
    %multiple_of3A_200 = tpu.assume_multiple %add3A_199, 8 : i32
    "tpu.region"() ({
      %run_scoped3A = tpu.sem_alloc : memref<!tpu.dma_semaphore, #tpu.memory_space<semaphore_mem>>
      %dma_start3A_210 = tpu.memref_slice %arg7[%multiple_of3A_200] : memref<1638400xf32, #tpu.memory_space<hbm>> -> memref<3200xf32, #tpu.memory_space<hbm>>
      %dma_start3A_211 = tpu.memref_slice %arg7[%multiple_of3A_200] : memref<1638400xf32, #tpu.memory_space<hbm>> -> memref<3200xf32, #tpu.memory_space<hbm>>
      tpu.enqueue_dma source(%arg22 : memref<3200xf32, #tpu.memory_space<vmem>>) target(%dma_start3A_211 : memref<3200xf32, #tpu.memory_space<hbm>>) target_semaphore(%run_scoped3A : memref<!tpu.dma_semaphore, #tpu.memory_space<semaphore_mem>>)
      %dma_wait3A_212 = tpu.memref_slice %arg7[%multiple_of3A_200] : memref<1638400xf32, #tpu.memory_space<hbm>> -> memref<3200xf32, #tpu.memory_space<hbm>>
      %dma_wait3A_213 = tpu.memref_slice %arg7[%multiple_of3A_200] : memref<1638400xf32, #tpu.memory_space<hbm>> -> memref<3200xf32, #tpu.memory_space<hbm>>
      tpu.wait_dma2 semaphore(%run_scoped3A : memref<!tpu.dma_semaphore, #tpu.memory_space<semaphore_mem>>) src(%arg22 : memref<3200xf32, #tpu.memory_space<vmem>>) dst(%dma_wait3A_213 : memref<3200xf32, #tpu.memory_space<hbm>>)
      tpu.yield
    }) : () -> ()
    %add3A_201 = arith.constant 1331200 : i32
    %add3A_202 = arith.addi %add3A_201, %mul3A_161 : i32
    %multiple_of3A_203 = tpu.assume_multiple %add3A_202, 8 : i32
    "tpu.region"() ({
      %run_scoped3A = tpu.sem_alloc : memref<!tpu.dma_semaphore, #tpu.memory_space<semaphore_mem>>
      %dma_start3A_210 = tpu.memref_slice %arg7[%multiple_of3A_203] : memref<1638400xf32, #tpu.memory_space<hbm>> -> memref<3200xf32, #tpu.memory_space<hbm>>
      %dma_start3A_211 = tpu.memref_slice %arg7[%multiple_of3A_203] : memref<1638400xf32, #tpu.memory_space<hbm>> -> memref<3200xf32, #tpu.memory_space<hbm>>
      tpu.enqueue_dma source(%arg23 : memref<3200xf32, #tpu.memory_space<vmem>>) target(%dma_start3A_211 : memref<3200xf32, #tpu.memory_space<hbm>>) target_semaphore(%run_scoped3A : memref<!tpu.dma_semaphore, #tpu.memory_space<semaphore_mem>>)
      %dma_wait3A_212 = tpu.memref_slice %arg7[%multiple_of3A_203] : memref<1638400xf32, #tpu.memory_space<hbm>> -> memref<3200xf32, #tpu.memory_space<hbm>>
      %dma_wait3A_213 = tpu.memref_slice %arg7[%multiple_of3A_203] : memref<1638400xf32, #tpu.memory_space<hbm>> -> memref<3200xf32, #tpu.memory_space<hbm>>
      tpu.wait_dma2 semaphore(%run_scoped3A : memref<!tpu.dma_semaphore, #tpu.memory_space<semaphore_mem>>) src(%arg23 : memref<3200xf32, #tpu.memory_space<vmem>>) dst(%dma_wait3A_213 : memref<3200xf32, #tpu.memory_space<hbm>>)
      tpu.yield
    }) : () -> ()
    %add3A_204 = arith.constant 1433600 : i32
    %add3A_205 = arith.addi %add3A_204, %mul3A_161 : i32
    %multiple_of3A_206 = tpu.assume_multiple %add3A_205, 8 : i32
    "tpu.region"() ({
      %run_scoped3A = tpu.sem_alloc : memref<!tpu.dma_semaphore, #tpu.memory_space<semaphore_mem>>
      %dma_start3A_210 = tpu.memref_slice %arg7[%multiple_of3A_206] : memref<1638400xf32, #tpu.memory_space<hbm>> -> memref<3200xf32, #tpu.memory_space<hbm>>
      %dma_start3A_211 = tpu.memref_slice %arg7[%multiple_of3A_206] : memref<1638400xf32, #tpu.memory_space<hbm>> -> memref<3200xf32, #tpu.memory_space<hbm>>
      tpu.enqueue_dma source(%arg24 : memref<3200xf32, #tpu.memory_space<vmem>>) target(%dma_start3A_211 : memref<3200xf32, #tpu.memory_space<hbm>>) target_semaphore(%run_scoped3A : memref<!tpu.dma_semaphore, #tpu.memory_space<semaphore_mem>>)
      %dma_wait3A_212 = tpu.memref_slice %arg7[%multiple_of3A_206] : memref<1638400xf32, #tpu.memory_space<hbm>> -> memref<3200xf32, #tpu.memory_space<hbm>>
      %dma_wait3A_213 = tpu.memref_slice %arg7[%multiple_of3A_206] : memref<1638400xf32, #tpu.memory_space<hbm>> -> memref<3200xf32, #tpu.memory_space<hbm>>
      tpu.wait_dma2 semaphore(%run_scoped3A : memref<!tpu.dma_semaphore, #tpu.memory_space<semaphore_mem>>) src(%arg24 : memref<3200xf32, #tpu.memory_space<vmem>>) dst(%dma_wait3A_213 : memref<3200xf32, #tpu.memory_space<hbm>>)
      tpu.yield
    }) : () -> ()
    %add3A_207 = arith.constant 1536000 : i32
    %add3A_208 = arith.addi %add3A_207, %mul3A_161 : i32
    %multiple_of3A_209 = tpu.assume_multiple %add3A_208, 8 : i32
    "tpu.region"() ({
      %run_scoped3A = tpu.sem_alloc : memref<!tpu.dma_semaphore, #tpu.memory_space<semaphore_mem>>
      %dma_start3A_210 = tpu.memref_slice %arg7[%multiple_of3A_209] : memref<1638400xf32, #tpu.memory_space<hbm>> -> memref<3200xf32, #tpu.memory_space<hbm>>
      %dma_start3A_211 = tpu.memref_slice %arg7[%multiple_of3A_209] : memref<1638400xf32, #tpu.memory_space<hbm>> -> memref<3200xf32, #tpu.memory_space<hbm>>
      tpu.enqueue_dma source(%arg25 : memref<3200xf32, #tpu.memory_space<vmem>>) target(%dma_start3A_211 : memref<3200xf32, #tpu.memory_space<hbm>>) target_semaphore(%run_scoped3A : memref<!tpu.dma_semaphore, #tpu.memory_space<semaphore_mem>>)
      %dma_wait3A_212 = tpu.memref_slice %arg7[%multiple_of3A_209] : memref<1638400xf32, #tpu.memory_space<hbm>> -> memref<3200xf32, #tpu.memory_space<hbm>>
      %dma_wait3A_213 = tpu.memref_slice %arg7[%multiple_of3A_209] : memref<1638400xf32, #tpu.memory_space<hbm>> -> memref<3200xf32, #tpu.memory_space<hbm>>
      tpu.wait_dma2 semaphore(%run_scoped3A : memref<!tpu.dma_semaphore, #tpu.memory_space<semaphore_mem>>) src(%arg25 : memref<3200xf32, #tpu.memory_space<vmem>>) dst(%dma_wait3A_213 : memref<3200xf32, #tpu.memory_space<hbm>>)
      tpu.yield
    }) : () -> ()
    return
  }
}

module attributes {stable_mosaic.version = 14 : i64} {
  func.func @_tc_final(%arg0: memref<16x800x128xf32, #tpu.memory_space<vmem>>, %arg1: memref<800x128xf32, #tpu.memory_space<vmem>>, %arg2: memref<1x1xf32, #tpu.memory_space<smem>>, %arg3: memref<1x1xf32, #tpu.memory_space<smem>>) attributes {dimension_semantics = [], scalar_prefetch = 0 : i64, scratch_operands = 0 : i64, tpu.core_type = #tpu.core_type<tc>} {
    %get3A = arith.constant 0 : index
    %get3A_0 = arith.constant 0 : index
    %get3A_1 = memref.load %arg2[%get3A, %get3A_0] : memref<1x1xf32, #tpu.memory_space<smem>>
    %get3A_2 = arith.constant 0 : index
    %get3A_3 = arith.constant 0 : index
    %get3A_4 = vector.load %arg1[%get3A_2, %get3A_3] : memref<800x128xf32, #tpu.memory_space<vmem>>, vector<800x128xf32>
    %get3A_5 = arith.constant 0 : index
    %get3A_6 = arith.constant 0 : index
    %get3A_7 = arith.constant 0 : index
    %get3A_8 = vector.load %arg0[%get3A_5, %get3A_6, %get3A_7] : memref<16x800x128xf32, #tpu.memory_space<vmem>>, vector<1x800x128xf32>
    %get3A_9 = vector.shape_cast %get3A_8 : vector<1x800x128xf32> to vector<800x128xf32>
    %get3A_10 = arith.constant 4 : index
    %get3A_11 = arith.constant 0 : index
    %get3A_12 = arith.constant 0 : index
    %get3A_13 = vector.load %arg0[%get3A_10, %get3A_11, %get3A_12] : memref<16x800x128xf32, #tpu.memory_space<vmem>>, vector<1x800x128xf32>
    %get3A_14 = vector.shape_cast %get3A_13 : vector<1x800x128xf32> to vector<800x128xf32>
    %get3A_15 = arith.constant 8 : index
    %get3A_16 = arith.constant 0 : index
    %get3A_17 = arith.constant 0 : index
    %get3A_18 = vector.load %arg0[%get3A_15, %get3A_16, %get3A_17] : memref<16x800x128xf32, #tpu.memory_space<vmem>>, vector<1x800x128xf32>
    %get3A_19 = vector.shape_cast %get3A_18 : vector<1x800x128xf32> to vector<800x128xf32>
    %get3A_20 = arith.constant 12 : index
    %get3A_21 = arith.constant 0 : index
    %get3A_22 = arith.constant 0 : index
    %get3A_23 = vector.load %arg0[%get3A_20, %get3A_21, %get3A_22] : memref<16x800x128xf32, #tpu.memory_space<vmem>>, vector<1x800x128xf32>
    %get3A_24 = vector.shape_cast %get3A_23 : vector<1x800x128xf32> to vector<800x128xf32>
    %max3A = arith.maximumf %get3A_19, %get3A_24 : vector<800x128xf32>
    %sub3A = arith.subf %get3A_19, %max3A : vector<800x128xf32>
    %sub3A_25 = arith.subf %get3A_24, %max3A : vector<800x128xf32>
    %exp3A = math.exp %sub3A : vector<800x128xf32>
    %mul3A = arith.mulf %get3A_9, %exp3A : vector<800x128xf32>
    %exp3A_26 = math.exp %sub3A_25 : vector<800x128xf32>
    %mul3A_27 = arith.mulf %get3A_14, %exp3A_26 : vector<800x128xf32>
    %add3A = arith.addf %mul3A, %mul3A_27 : vector<800x128xf32>
    %get3A_28 = arith.constant 1 : index
    %get3A_29 = arith.constant 0 : index
    %get3A_30 = arith.constant 0 : index
    %get3A_31 = vector.load %arg0[%get3A_28, %get3A_29, %get3A_30] : memref<16x800x128xf32, #tpu.memory_space<vmem>>, vector<1x800x128xf32>
    %get3A_32 = vector.shape_cast %get3A_31 : vector<1x800x128xf32> to vector<800x128xf32>
    %get3A_33 = arith.constant 5 : index
    %get3A_34 = arith.constant 0 : index
    %get3A_35 = arith.constant 0 : index
    %get3A_36 = vector.load %arg0[%get3A_33, %get3A_34, %get3A_35] : memref<16x800x128xf32, #tpu.memory_space<vmem>>, vector<1x800x128xf32>
    %get3A_37 = vector.shape_cast %get3A_36 : vector<1x800x128xf32> to vector<800x128xf32>
    %get3A_38 = arith.constant 9 : index
    %get3A_39 = arith.constant 0 : index
    %get3A_40 = arith.constant 0 : index
    %get3A_41 = vector.load %arg0[%get3A_38, %get3A_39, %get3A_40] : memref<16x800x128xf32, #tpu.memory_space<vmem>>, vector<1x800x128xf32>
    %get3A_42 = vector.shape_cast %get3A_41 : vector<1x800x128xf32> to vector<800x128xf32>
    %get3A_43 = arith.constant 13 : index
    %get3A_44 = arith.constant 0 : index
    %get3A_45 = arith.constant 0 : index
    %get3A_46 = vector.load %arg0[%get3A_43, %get3A_44, %get3A_45] : memref<16x800x128xf32, #tpu.memory_space<vmem>>, vector<1x800x128xf32>
    %get3A_47 = vector.shape_cast %get3A_46 : vector<1x800x128xf32> to vector<800x128xf32>
    %min3A = arith.minimumf %get3A_42, %get3A_47 : vector<800x128xf32>
    %sub3A_48 = arith.subf %min3A, %get3A_42 : vector<800x128xf32>
    %sub3A_49 = arith.subf %min3A, %get3A_47 : vector<800x128xf32>
    %exp3A_50 = math.exp %sub3A_48 : vector<800x128xf32>
    %mul3A_51 = arith.mulf %get3A_32, %exp3A_50 : vector<800x128xf32>
    %exp3A_52 = math.exp %sub3A_49 : vector<800x128xf32>
    %mul3A_53 = arith.mulf %get3A_37, %exp3A_52 : vector<800x128xf32>
    %add3A_54 = arith.addf %mul3A_51, %mul3A_53 : vector<800x128xf32>
    %get3A_55 = arith.constant 2 : index
    %get3A_56 = arith.constant 0 : index
    %get3A_57 = arith.constant 0 : index
    %get3A_58 = vector.load %arg0[%get3A_55, %get3A_56, %get3A_57] : memref<16x800x128xf32, #tpu.memory_space<vmem>>, vector<1x800x128xf32>
    %get3A_59 = vector.shape_cast %get3A_58 : vector<1x800x128xf32> to vector<800x128xf32>
    %get3A_60 = arith.constant 6 : index
    %get3A_61 = arith.constant 0 : index
    %get3A_62 = arith.constant 0 : index
    %get3A_63 = vector.load %arg0[%get3A_60, %get3A_61, %get3A_62] : memref<16x800x128xf32, #tpu.memory_space<vmem>>, vector<1x800x128xf32>
    %get3A_64 = vector.shape_cast %get3A_63 : vector<1x800x128xf32> to vector<800x128xf32>
    %get3A_65 = arith.constant 10 : index
    %get3A_66 = arith.constant 0 : index
    %get3A_67 = arith.constant 0 : index
    %get3A_68 = vector.load %arg0[%get3A_65, %get3A_66, %get3A_67] : memref<16x800x128xf32, #tpu.memory_space<vmem>>, vector<1x800x128xf32>
    %get3A_69 = vector.shape_cast %get3A_68 : vector<1x800x128xf32> to vector<800x128xf32>
    %get3A_70 = arith.constant 14 : index
    %get3A_71 = arith.constant 0 : index
    %get3A_72 = arith.constant 0 : index
    %get3A_73 = vector.load %arg0[%get3A_70, %get3A_71, %get3A_72] : memref<16x800x128xf32, #tpu.memory_space<vmem>>, vector<1x800x128xf32>
    %get3A_74 = vector.shape_cast %get3A_73 : vector<1x800x128xf32> to vector<800x128xf32>
    %max3A_75 = arith.maximumf %get3A_69, %get3A_74 : vector<800x128xf32>
    %sub3A_76 = arith.subf %get3A_69, %max3A_75 : vector<800x128xf32>
    %sub3A_77 = arith.subf %get3A_74, %max3A_75 : vector<800x128xf32>
    %exp3A_78 = math.exp %sub3A_76 : vector<800x128xf32>
    %mul3A_79 = arith.mulf %get3A_59, %exp3A_78 : vector<800x128xf32>
    %exp3A_80 = math.exp %sub3A_77 : vector<800x128xf32>
    %mul3A_81 = arith.mulf %get3A_64, %exp3A_80 : vector<800x128xf32>
    %add3A_82 = arith.addf %mul3A_79, %mul3A_81 : vector<800x128xf32>
    %get3A_83 = arith.constant 3 : index
    %get3A_84 = arith.constant 0 : index
    %get3A_85 = arith.constant 0 : index
    %get3A_86 = vector.load %arg0[%get3A_83, %get3A_84, %get3A_85] : memref<16x800x128xf32, #tpu.memory_space<vmem>>, vector<1x800x128xf32>
    %get3A_87 = vector.shape_cast %get3A_86 : vector<1x800x128xf32> to vector<800x128xf32>
    %get3A_88 = arith.constant 7 : index
    %get3A_89 = arith.constant 0 : index
    %get3A_90 = arith.constant 0 : index
    %get3A_91 = vector.load %arg0[%get3A_88, %get3A_89, %get3A_90] : memref<16x800x128xf32, #tpu.memory_space<vmem>>, vector<1x800x128xf32>
    %get3A_92 = vector.shape_cast %get3A_91 : vector<1x800x128xf32> to vector<800x128xf32>
    %get3A_93 = arith.constant 11 : index
    %get3A_94 = arith.constant 0 : index
    %get3A_95 = arith.constant 0 : index
    %get3A_96 = vector.load %arg0[%get3A_93, %get3A_94, %get3A_95] : memref<16x800x128xf32, #tpu.memory_space<vmem>>, vector<1x800x128xf32>
    %get3A_97 = vector.shape_cast %get3A_96 : vector<1x800x128xf32> to vector<800x128xf32>
    %get3A_98 = arith.constant 15 : index
    %get3A_99 = arith.constant 0 : index
    %get3A_100 = arith.constant 0 : index
    %get3A_101 = vector.load %arg0[%get3A_98, %get3A_99, %get3A_100] : memref<16x800x128xf32, #tpu.memory_space<vmem>>, vector<1x800x128xf32>
    %get3A_102 = vector.shape_cast %get3A_101 : vector<1x800x128xf32> to vector<800x128xf32>
    %min3A_103 = arith.minimumf %get3A_97, %get3A_102 : vector<800x128xf32>
    %sub3A_104 = arith.subf %min3A_103, %get3A_97 : vector<800x128xf32>
    %sub3A_105 = arith.subf %min3A_103, %get3A_102 : vector<800x128xf32>
    %exp3A_106 = math.exp %sub3A_104 : vector<800x128xf32>
    %mul3A_107 = arith.mulf %get3A_87, %exp3A_106 : vector<800x128xf32>
    %exp3A_108 = math.exp %sub3A_105 : vector<800x128xf32>
    %mul3A_109 = arith.mulf %get3A_92, %exp3A_108 : vector<800x128xf32>
    %add3A_110 = arith.addf %mul3A_107, %mul3A_109 : vector<800x128xf32>
    %gt3A = arith.constant 0.000000e+00 : f32
    %gt3A_111 = vector.broadcast %gt3A : f32 to vector<800x128xf32>
    %gt3A_112 = arith.cmpf ogt, %add3A, %gt3A_111 : vector<800x128xf32>
    %gt3A_113 = arith.constant 0.000000e+00 : f32
    %gt3A_114 = vector.broadcast %gt3A_113 : f32 to vector<800x128xf32>
    %gt3A_115 = arith.cmpf ogt, %get3A_4, %gt3A_114 : vector<800x128xf32>
    %and3A = arith.andi %gt3A_112, %gt3A_115 : vector<800x128xi1>
    %sub3A_116 = arith.subf %max3A, %min3A : vector<800x128xf32>
    %sub3A_117 = arith.subf %max3A_75, %min3A_103 : vector<800x128xf32>
    %add3A_118 = arith.addf %sub3A_116, %sub3A_117 : vector<800x128xf32>
    %jit3A = arith.constant 1.000000e+00 : f32
    %broadcast_in_dim3A = vector.broadcast %jit3A : f32 to vector<800x128xf32>
    %select_n3A = arith.select %and3A, %add3A, %broadcast_in_dim3A : vector<800x128xi1>, vector<800x128xf32>
    %log3A = math.log %select_n3A : vector<800x128xf32>
    %add3A_119 = arith.addf %add3A_118, %log3A : vector<800x128xf32>
    %jit3A_120 = arith.constant 1.000000e+00 : f32
    %broadcast_in_dim3A_121 = vector.broadcast %jit3A_120 : f32 to vector<800x128xf32>
    %select_n3A_122 = arith.select %and3A, %add3A_54, %broadcast_in_dim3A_121 : vector<800x128xi1>, vector<800x128xf32>
    %log3A_123 = math.log %select_n3A_122 : vector<800x128xf32>
    %add3A_124 = arith.addf %add3A_119, %log3A_123 : vector<800x128xf32>
    %jit3A_125 = arith.constant 1.000000e+00 : f32
    %broadcast_in_dim3A_126 = vector.broadcast %jit3A_125 : f32 to vector<800x128xf32>
    %select_n3A_127 = arith.select %and3A, %add3A_82, %broadcast_in_dim3A_126 : vector<800x128xi1>, vector<800x128xf32>
    %log3A_128 = math.log %select_n3A_127 : vector<800x128xf32>
    %add3A_129 = arith.addf %add3A_124, %log3A_128 : vector<800x128xf32>
    %jit3A_130 = arith.constant 1.000000e+00 : f32
    %broadcast_in_dim3A_131 = vector.broadcast %jit3A_130 : f32 to vector<800x128xf32>
    %select_n3A_132 = arith.select %and3A, %add3A_110, %broadcast_in_dim3A_131 : vector<800x128xi1>, vector<800x128xf32>
    %log3A_133 = math.log %select_n3A_132 : vector<800x128xf32>
    %add3A_134 = arith.addf %add3A_129, %log3A_133 : vector<800x128xf32>
    %jit3A_135 = arith.constant 0.000000e+00 : f32
    %broadcast_in_dim3A_136 = vector.broadcast %jit3A_135 : f32 to vector<800x128xf32>
    %select_n3A_137 = arith.select %and3A, %add3A_134, %broadcast_in_dim3A_136 : vector<800x128xi1>, vector<800x128xf32>
    %reduce_sum3A = vector.shape_cast %select_n3A_137 : vector<800x128xf32> to vector<1x800x128xf32>
    %reduce_sum3A_138 = arith.constant dense<0.000000e+00> : vector<1xf32>
    %reduce_sum3A_139 = vector.multi_reduction <add>, %reduce_sum3A, %reduce_sum3A_138 [1, 2] : vector<1x800x128xf32> to vector<1xf32>
    %reduce_sum3A_140 = vector.shape_cast %reduce_sum3A_139 : vector<1xf32> to vector<1x1x1xf32>
    %reduce_sum3A_141 = vector.extract %reduce_sum3A_140[0, 0, 0] : f32 from vector<1x1x1xf32>
    %mul3A_142 = arith.mulf %get3A_1, %reduce_sum3A_141 : f32
    %swap3A = arith.constant 0 : index
    %swap3A_143 = arith.constant 0 : index
    %swap3A_144 = memref.load %arg3[%swap3A, %swap3A_143] : memref<1x1xf32, #tpu.memory_space<smem>>
    memref.store %mul3A_142, %arg3[%swap3A, %swap3A_143] : memref<1x1xf32, #tpu.memory_space<smem>>
    return
  }
}

</mosaic_0001>

<sc_bundles>
// kernel: kernel.4.cloned.1.call-start
scs
__scs_entry_jumppad:
0x0: {  	(pc) =	sbr.rel $0x88, $3  }
0x1: {  	(tag) =	ssettag $0x0;
	lr =	simm.s32 $0x1  }
0x2: {  	[smem:$0x3F9D] =	sst lr;
	_ =	strace $0xD0000000  }
0x3: {  	_ = 	snop  }
0x4: {  	_ = 	snop  }
0x5: {  	_ = 	snop  }
0x6: {  	_ = 	snop  }
0x7: {  	_ = 	snop  }
__scs_overlays_trampoline_lowered:
0x8: {  	[smem:$0x3FAC] =	sst s0  }
0x9: {  	[smem:$0x3FAD] =	sst s1  }
0xa: {  	[smem:$0x3FAE] =	sst s2  }
0xb: {  	[smem:$0x3FAF] =	sst s3  }
0xc: {  	[smem:$0x3FB0] =	sst s4  }
0xd: {  	[smem:$0x3FB1] =	sst s5  }
0xe: {  	[smem:$0x3FB2] =	sst s6  }
0xf: {  	[smem:$0x3FB3] =	sst s7  }
0x10: {  	[smem:$0x3FB4] =	sst s8  }
0x11: {  	[smem:$0x3FB5] =	sst s9;
	s0 =	simm.s32 @!p0 $0x0  }
0x12: {  	s1 =	sld [smem:$0x3F9B];
	s0 =	simm.s32 @p0 $0x1  }
0x13: {  	[smem:$0x3FB6] =	sst s0;
	s0 =	simm.s32 @!p1 $0x0  }
0x14: {  	s2 =	sld [smem:$0x3F9A];
	s0 =	simm.s32 @p1 $0x1  }
0x15: {  	[smem:$0x3FB7] =	sst s0;
	s0 =	simm.s32 @!p2 $0x0  }
0x16: {  	s3 =	sld [smem:$0x3FDB];
	s0 =	simm.s32 @p2 $0x1  }
0x17: {  	s4 =	simm.s32 $0x1BF5;
	[smem:$0x3FB9] =	sst s0  }
0x18: {  	s0 =	sld [smem:$0x3F9C];
	_ =	swait.ge [sflag:s4], $0x0  }
0x19: {  	s7 =	sld [smem:$0x3F9D]  }
0x1a: {  	s8 =	sadd.s32 $0xFFFFE003, lr  }
0x1b: {  	s9 =	sadd.s32 $0xFFFFFEF7, lr;
	s5 =	simm.s32 $0xFFFFFFFF;
	p2 =	slt.u32 s8, $0xFFFFF086  }
0x1c: {  	p1 =	slt.u32 s9, $0xF7A;
	s5 =	simm.s32 @!p2 $0x0  }
0x1d: {  	s5 =	simm.s32 @p1 $0x1;
	p0 =	seq.s32 s7, s2  }
0x1e: {  	s7 =	smul.u32 @!p0 $0xF7A, s2;
	p2 =	seq.s32 @!p0 s5, $0x0  }
0x1f: {  	s9 =	smul.u32 $0xF7A, s1;
	s8 =	simm.s32 @!p0 $0x1BF5;
	p2 =	por !p2, p0  }
0x20: {  	[sflag:s8] =	ssyncset.s32 @!p0 $0xFFFFF086;
	s6 =	sadd.s32 @!p0 s3, s7;
	s7 =	simm.s32 @!p0 $0x108  }
0x21: {  	s3 =	sadd.s32 s3, s9;
	s6 =	sadd.s32 @!p0 $0x88, s6;
	s7 =	simm.s32 @p2 $0x1082  }
0x22: {  	[simem:s7], [sflag:s8] =	dma.local @!p0 [hbm:s6], $0xF7A  }
0x23: {  	s9 =	sor.u32 $0xD0000000, s2;
	s6 =	simm.s32 $0x108;
	_ =	swait.ge @!p0 [sflag:s8], $0x0  }
0x24: {  	s3 =	sadd.s32 $0x88, s3;
	s6 =	simm.s32 @!p1 $0x1082;
	[sflag:s4] =	ssyncset.s32 $0xFFFFF086  }
0x25: {  	[simem:s6], [sflag:s4] =	dma.local [hbm:s3], $0xF7A  }
0x26: {  	[smem:$0x3F9D] =	sst s1;
	(tag) =	ssettag s2;
	_ =	strace s9  }
0x27: {  	s1 =	sld [smem:$0x3FAD]  }
0x28: {  	s2 =	sld [smem:$0x3FAE]  }
0x29: {  	s4 =	sld [smem:$0x3FB0]  }
0x2a: {  	p0 =	seq.s32 s5, $0x0;
	s5 =	sld [smem:$0x3FB1]  }
0x2b: {  	s6 =	sld [smem:$0x3FB2]  }
0x2c: {  	s7 =	sld [smem:$0x3FB3]  }
0x2d: {  	s3 =	simm.s32 $0x108;
	s8 =	sld [smem:$0x3FB4]  }
0x2e: {  	s3 =	simm.s32 @!p0 $0x1082;
	s9 =	sld [smem:$0x3FB5]  }
0x2f: {  	lr =	sadd.s32 s0, s3;
	s0 =	sld [smem:$0x3FAC]  }
0x30: {  	s3 =	sld [smem:$0x3FAF]  }
0x31: {  	[smem:$0x3FB8] =	sst s10  }
0x32: {  	s10 =	sld [smem:$0x3FB6];
	_ =	sdelay $0x3  }
0x33: {  	p0 =	seq.s32 s10, $0x1;
	s10 =	sld [smem:$0x3FB8];
	_ =	sdelay $0x3  }
0x34: {  	[smem:$0x3FB8] =	sst s10  }
0x35: {  	s10 =	sld [smem:$0x3FB7];
	_ =	sdelay $0x3  }
0x36: {  	p1 =	seq.s32 s10, $0x1;
	s10 =	sld [smem:$0x3FB8];
	_ =	sdelay $0x3  }
0x37: {  	[smem:$0x3FB8] =	sst s10  }
0x38: {  	s10 =	sld [smem:$0x3FB9]  }
0x39: {  	_ = 	snop;
	(pc) =	sbr.ind lr, $3  }
0x3a: {  	_ = 	snop  }
0x3b: {  	_ = 	snop  }
0x3c: {  	p2 =	seq.s32 s10, $0x1;
	s10 =	sld [smem:$0x3FB8]  }
0x3d: {  	_ =	shalt  }
0x3e: {  	_ =	shalt  }
0x3f: {  	_ =	shalt  }
0x40: {  	_ =	shalt  }
0x41: {  	_ =	shalt  }
0x42: {  	_ =	shalt  }
0x43: {  	_ =	shalt  }
0x44: {  	_ =	shalt  }
0x45: {  	_ =	shalt  }
0x46: {  	_ =	shalt  }
0x47: {  	_ =	shalt  }
0x48: {  	_ =	shalt  }
0x49: {  	_ =	shalt  }
0x4a: {  	_ =	shalt  }
0x4b: {  	_ =	shalt  }
0x4c: {  	_ =	shalt  }
0x4d: {  	_ =	shalt  }
0x4e: {  	_ =	shalt  }
0x4f: {  	_ =	shalt  }
0x50: {  	_ =	shalt  }
0x51: {  	_ =	shalt  }
0x52: {  	_ =	shalt  }
0x53: {  	_ =	shalt  }
0x54: {  	_ =	shalt  }
0x55: {  	_ =	shalt  }
0x56: {  	_ =	shalt  }
0x57: {  	_ =	shalt  }
0x58: {  	_ =	shalt  }
0x59: {  	_ =	shalt  }
0x5a: {  	_ =	shalt  }
0x5b: {  	_ =	shalt  }
0x5c: {  	_ =	shalt  }
0x5d: {  	_ =	shalt  }
0x5e: {  	_ =	shalt  }
0x5f: {  	_ =	shalt  }
0x60: {  	_ =	shalt  }
0x61: {  	_ =	shalt  }
0x62: {  	_ =	shalt  }
0x63: {  	_ =	shalt  }
0x64: {  	_ =	shalt  }
0x65: {  	_ =	shalt  }
0x66: {  	_ =	shalt  }
0x67: {  	_ =	shalt  }
0x68: {  	_ =	shalt  }
0x69: {  	_ =	shalt  }
0x6a: {  	_ =	shalt  }
0x6b: {  	_ =	shalt  }
0x6c: {  	_ =	shalt  }
0x6d: {  	_ =	shalt  }
0x6e: {  	_ =	shalt  }
0x6f: {  	_ =	shalt  }
0x70: {  	_ =	shalt  }
0x71: {  	_ =	shalt  }
0x72: {  	_ =	shalt  }
0x73: {  	_ =	shalt  }
0x74: {  	_ =	shalt  }
0x75: {  	_ =	shalt  }
0x76: {  	_ =	shalt  }
0x77: {  	_ =	shalt  }
0x78: {  	_ =	shalt  }
0x79: {  	_ =	shalt  }
0x7a: {  	_ =	shalt  }
0x7b: {  	_ =	shalt  }
0x7c: {  	_ =	shalt  }
0x7d: {  	_ =	shalt  }
0x7e: {  	_ =	shalt  }
0x7f: {  	_ =	shalt  }
0x80: {  	_ =	shalt  }
0x81: {  	_ =	shalt  }
0x82: {  	_ =	shalt  }
0x83: {  	_ =	shalt  }
0x84: {  	_ =	shalt  }
0x85: {  	_ =	shalt  }
0x86: {  	_ =	shalt  }
0x87: {  	_ =	shalt  }
.Lfunc_end0:
.L_simem_size_0:
called_computation_lowered:
.L_overlay_start_0:
0x88: {  	s2 =	sld [smem:$0x3FD9]  }
0x89: {  	s3 =	sld [smem:$0x3FFE];
	_ =	sdelay $0x1  }
0x8a: {  	s1 =	srdreg.scid  }
0x8b: {  	s0 =	sand.u32 $0x1, s1  }
0x8c: {  	s17 =	sshll.u32 s0, $0xA;
	s2 =	sadd.s32 s3, s2  }
0x8d: {  	s2 =	sadd.s32 s2, s17  }
0x8e: {  	[smem:$0x3FC4] =	sst s2  }
0x8f: {  	_ = 	snop  }
0x90: {  	s2 =	sld [smem:$0x3FD0];
	(tm) =	ssettm $0x1  }
0x91: {  	s18 =	sld [smem:$0x3FFB];
	_ =	sdelay $0x3  }
0x92: {  	_ =	strace s18  }
0x93: {  	s3 =	sld [smem:$0x3FFC];
	_ =	sdelay $0x3  }
0x94: {  	_ =	strace s3  }
0x95: {  	s3 =	sld [smem:$0x3FFD];
	_ =	sdelay $0x3  }
0x96: {  	_ =	strace s3  }
0x97: {  	_ =	strace $0x8FFFFFFF  }
0x98: {  	s19 =	sld [smem:$0x3FDB];
	_ =	sdelay $0x1  }
0x99: {  	s4 =	simm.s32 $_scs_section_size  }
0x9a: {  	s5 =	simm.s32 $_size__tile_overlayer_lowered;
	s6 =	simm.s32 $_tile_overlayer_lowered  }
0x9b: {  	s22 =	simm.s32 $0x1BFF;
	s21 =	sshll.u32 s6, $0x1;
	s3 =	sadd.s32 s4, s19  }
0x9c: {  	s7 =	simm.s32 $0x0;
	s20 =	sshll.u32 s5, $0x1;
	s5 =	sadd.s32 s21, s3  }
0x9d: {  	[timem:s7], [sflag:s22] =	dma.local [hbm:s5], s20  }
0x9e: {  	_ =	swait.ge [sflag:s22], s20  }
0x9f: {  	s4 =	ssub.s32 $0x0, s20;
	[sflag:s22] =	ssyncset.done $0x0  }
0xa0: {  	[sflag:s22] =	ssyncadd.s32 s4;
	_ =	sdelay $0x1  }
0xa1: {  	s23 =	simm.s32 $0x1B8B  }
0xa2: {  	_ =	swait.ge [sflag:s23], $0x1  }
0xa3: {  	[sflag:s23] =	ssyncset.done $0x0  }
0xa4: {  	s25 =	simm.s32 $0x1B8E;
	s24 =	sld [smem:$0x3FFE];
	[sflag:s23] =	ssyncadd.s32 $0xFFFFFFFF  }
0xa5: {  	s26 =	simm.s32 $execute0_lowered;
	[smem:$0x3FD2] =	sst s25  }
0xa6: {  	s5 =	sshll.u32 s26, $0x1;
	_ =	strace $0x80000046;
	[dreg:$0x1] =	wrdreg $0xFFFFFFFF  }
0xa7: {  	s28 =	simm.s32 $_size_execute0_lowered;
	s3 =	sadd.s32 s3, s5;
	[dreg:$0x0] =	wrdreg $0x0  }
0xa8: {  	s5 =	sshll.u32 s28, $0x1;
	[dreg:$0x2] =	wrdreg s3  }
0xa9: {  	[dreg:$0x3] =	wrdreg s5  }
0xaa: {  	[dreg:$0x4] =	wrdreg $0xC0  }
0xab: {  	_ =	task [dreg:s7], $0x5FFFF  }
0xac: {  	[dreg:$0x1] =	wrdreg $0xFFFFFFFF  }
0xad: {  	[dreg:$0x0] =	wrdreg $0x60  }
0xae: {  	[dreg:$0x2] =	wrdreg s24  }
0xaf: {  	[dreg:$0x3] =	wrdreg s2  }
0xb0: {  	[dreg:$0x4] =	wrdreg $0x9  }
0xb1: {  	_ =	task.clear_ibuf [dreg:s7], $0x5FFFF;
	_ =	strace $0x90000046  }
0xb2: {  	s29 =	simm.s32 $0x9;
	_ =	strace $0x80000048  }
0xb3: {  	_ =	swait.ge [sflag:s29], $0x1  }
0xb4: {  	[sflag:s29] =	ssyncadd.s32 $0xFFFFFFFF  }
0xb5: {  	_ =	strace $0x90000048  }
0xb6: {  	_ =	sfence  }
0xb7: {  	s30 =	sld [smem:$0x0];
	_ =	sdelay $0x2  }
0xb8: {  	s31 =	sshll.u32 s1, $0xD;
	s1 =	sshrl.u32 s1, $0x2  }
0xb9: {  	s3 =	sand.u32 $0x4000, s31;
	s1 =	sadd.s32 s1, s30  }
0xba: {  	s0 =	sor.u32 s3, s0;
	s1 =	sshll.u32 s1, $0x11  }
0xbb: {  	s0 =	sor.u32 s1, s0  }
0xbc: {  	s0 =	sadd.s32 $0x8F2B, s0  }
0xbd: {  	[sflag:s0] =	ssyncadd.remote.s32 $0x1  }
0xbe: {  	_ =	sfence.sel $0xFFFF  }
0xbf: {  	[dreg:$0x0] =	wrdreg $0xFFFFFFFF;
	(pc) =	sbr.abs _section_cstart, $3  }
0xc0: {  	[dreg:$0x1] =	wrdreg $0xFFFFFFFF  }
0xc1: {  	_ =	task.clear_ibuf [dreg:s7], $0x2FFFF;
	_ =	strace $0x9FFFFFFF  }
0xc2: {  	(tm) =	ssettm $0x7FFFFFFF  }
0xc3: {  	_ =	shalt  }
tec
execute0_lowered:
.L_overlay_start_1:
0x0: {  	(tag) =	ssettag $0x1  }
0x1: {  	s0 =	rddreg [dreg:$0x0]  }
0x2: {  	s1 =	srdreg.scid;
	s2 =	stileid.u32;
	s23 =	simm.s32 $0x0  }
0x3: {  	s1 =	sand.u32 $0x1, s1;
	s2 =	sshll.u32 s2, $0x1;
	[smem:$0x7FF] =	sst s23  }
0x4: {  	s4 =	sadd.s32 $0x1400, s0;
	s5 =	sadd.s32 $0xC5800, s0;
	s2 =	sor.u32 s1, s2  }
0x5: {  	s6 =	sadd.s32 $0x63600, s0;
	s1 =	ssub.s32 $0x2, s1;
	s3 =	smul.u32 $0xC80, s2  }
0x6: {  	s8 =	sadd.s32 $0x127A00, s0;
	_ =	strace $0x80000047;
	s17 =	sshrl.u32 s1, $0x1  }
0x7: {  	s31 =	sadd.s32 $0xFFFFFFF1, s2;
	s1 =	ssub.s32 s1, s17;
	s7 =	sshrl.u32 s3, $0x3  }
0x8: {  	[dreg:$0x3] =	wrdreg s8;
	v5 =	vmov s31;
	s31 =	smax.u32 s1, $0x1;
	s0 =	sadd.s32 s7, s0  }
0x9: {  	[dreg:$0x14] =	wrdreg s31;
	s10 =	sadd.s32 $0x127C00, s0  }
0xa: {  	s13 =	sadd.s32 $0x12AE00, s0;
	[dreg:$0x4] =	wrdreg s10  }
0xb: {  	s14 =	sadd.s32 $0x131200, s0;
	[dreg:$0x5] =	wrdreg s13  }
0xc: {  	s15 =	sadd.s32 $0x134400, s0;
	[dreg:$0x6] =	wrdreg s14  }
0xd: {  	s16 =	sadd.s32 $0x137600, s0;
	[dreg:$0x7] =	wrdreg s15  }
0xe: {  	s11 =	sadd.s32 $0x13A800, s0;
	[dreg:$0x8] =	wrdreg s16  }
0xf: {  	s29 =	simm.s32 $0x1;
	s18 =	sadd.s32 $0x13DA00, s0;
	[dreg:$0x9] =	wrdreg s11  }
0x10: {  	s28 =	simm.s32 $0xC500;
	s12 =	sadd.s32 $0x140C00, s0;
	[dreg:$0xa] =	wrdreg s18  }
0x11: {  	s8 =	simm.s32 $0xD180;
	s20 =	sadd.s32 $0x143E00, s0;
	[dreg:$0xb] =	wrdreg s12  }
0x12: {  	v7 =	vlaneseq.u32;
	v1 =	vimm.f32 $-3.399999950e+38;
	s9 =	sadd.s32 $0xFFFFFFE1, s2;
	s21 =	sadd.s32 $0x12E000, s0;
	[dreg:$0xc] =	wrdreg s20  }
0x13: {  	v8 =	vimm.s32 $0xEDCBA987;
	vm5 =	vcmask $0x3F3C;
	s30 =	sadd.s32 $0xFFFFFFF0, s2;
	v6 =	vmov s9;
	s22 =	sadd.s32 $0x147000, s0;
	[dreg:$0xd] =	wrdreg s21  }
0x14: {  	v8 =	vunpack.c.l.s4.s8 v8;
	v4 =	vmov s2;
	s9 =	simm.s32 $0x7A00;
	vm0 =	veq.s32 v6, v7;
	s24 =	sadd.s32 $0x14A200, s0;
	[dreg:$0xe] =	wrdreg s22  }
0x15: {  	s19 =	sadd.s32 $0x1, s2;
	vm1 =	veq.s32 v5, v7;
	v5 =	vimm.s32 $0xFFEDCBA9;
	v6 =	vimm.s32 $0x87654321;
	s25 =	sadd.s32 $0x14D400, s0;
	[dreg:$0xf] =	wrdreg s24  }
0x16: {  	v2 =	vmov s19;
	s17 =	simm.s32 $0xAC00;
	v5 =	vunpack.c.l.s4.s8 v5;
	v6 =	vunpack.c.l.s4.s8 v6;
	s26 =	sadd.s32 $0x150600, s0;
	[dreg:$0x10] =	wrdreg s25  }
0x17: {  	v3 =	vmov s30;
	s19 =	simm.s32 $0xB880;
	vm2 =	veq.s32 v2, v7;
	v2 =	vimm.s32 $0x65432100;
	s30 =	sadd.s32 $0x153800, s0;
	[dreg:$0x11] =	wrdreg s26  }
0x18: {  	s1 =	simm.s32 $0x0;
	v9 =	vunpack.c.l.s4.s8 v2;
	s0 =	sadd.s32 $0x156A00, s0;
	[dreg:$0x12] =	wrdreg s30;
	v5 =	vunpack.c.0.s8.s32 v5;
	v6 =	vunpack.c.0.s8.s32 v6  }
.Ltmp0:
0x19: {  	v8 =	vunpack.c.0.s8.s32 v8;
	vm4 =	veq.s32 v4, v7;
	v0 =	vmov s3;
	s7 =	simm.s32 $0x6D80;
	[dreg:$0x13] =	wrdreg s0;
	(pc) =	sbr.rel .LBB2_1-.Ltmp0, $4  }
0x1a: {  	vm3 =	veq.s32 v3, v7;
	s26 =	simm.s32 $0x3;
	s25 =	simm.s32 $0x6100;
	s10 =	simm.s32 $0xDE00;
	v5 =	vcombine.low v6, v5;
	v6 =	vunpack.c.0.s8.s32 v9  }
0x1b: {  	v8 =	vand.u32 $0xF, v8;
	v2 =	vimm.f32 $3.399999950e+38;
	s11 =	simm.s32 $0x8680;
	s12 =	simm.s32 $0xEA80;
	s13 =	simm.s32 $0x9300;
	v9 =	vmul.u32 $0xFFFFFFFF, v7  }
0x1c: {  	v3 =	vimm.f32 $0.0e+00;
	s14 =	simm.s32 $0xF700;
	s15 =	simm.s32 $0x9F80;
	s16 =	simm.s32 $0x10380;
	v4 =	vand.u32 $0xF, v5;
	v5 =	vcombine.low v6, v8  }
0x1d: {  	s18 =	simm.s32 $0x11000;
	s20 =	simm.s32 $0x11C80;
	s21 =	simm.s32 $0x2;
	v6 =	vor.u32 $0x80000000, v7;
	v7 =	vimm.s32 $0x0;
	v8 =	vadd.s32 $0xF, v9  }
.LBB2_10:
0x1e: {  	_ =	swait.ge [sflag:s29], $0x1000  }
0x1f: {  	[sflag:s29] =	ssyncset.done $0x0  }
0x20: {  	[sflag:s29] =	ssyncadd.s32 $0xFFFFF000  }
0x21: {  	_ =	swait.ge [sflag:s29], $0x1000  }
0x22: {  	[sflag:s29] =	ssyncset.done $0x0  }
0x23: {  	[sflag:s29] =	ssyncadd.s32 $0xFFFFF000  }
0x24: {  	_ =	swait.ge [sflag:s29], $0x1000  }
0x25: {  	[sflag:s29] =	ssyncset.done $0x0  }
0x26: {  	s23 =	simm.s32 $0x0;
	s0 =	rddreg [dreg:$0x4];
	[sflag:s29] =	ssyncadd.s32 $0xFFFFF000  }
0x27: {  	[hbm4b:s0+s23] =	stream.linear.scatter [tilespmem:s28], [sflag:$0x3], $0xC80, $0x38;
	[tilespmem:$0x12900] =	vst v63  }
0x28: {  	_ =	swait.ge [sflag:s26], $0xC80  }
0x29: {  	[sflag:s26] =	ssyncset.done $0x0  }
0x2a: {  	s30 =	rddreg [dreg:$0x5];
	[sflag:s26] =	ssyncadd.s32 $0xFFFFF380  }
0x2b: {  	[hbm4b:s30+s23] =	stream.linear.scatter [tilespmem:s8], [sflag:$0x3], $0xC80, $0x38;
	[tilespmem:$0x12900] =	vst v63  }
0x2c: {  	_ =	swait.ge [sflag:s26], $0xC80  }
0x2d: {  	[sflag:s26] =	ssyncset.done $0x0  }
0x2e: {  	s31 =	rddreg [dreg:$0xd];
	[sflag:s26] =	ssyncadd.s32 $0xFFFFF380  }
0x2f: {  	[hbm4b:s31+s23] =	stream.linear.scatter [tilespmem:s10], [sflag:$0x3], $0xC80, $0x38;
	[tilespmem:$0x12900] =	vst v63  }
0x30: {  	_ =	swait.ge [sflag:s26], $0xC80  }
0x31: {  	[sflag:s26] =	ssyncset.done $0x0  }
0x32: {  	s1 =	rddreg [dreg:$0x6];
	[sflag:s26] =	ssyncadd.s32 $0xFFFFF380  }
0x33: {  	[hbm4b:s1+s23] =	stream.linear.scatter [tilespmem:s12], [sflag:$0x3], $0xC80, $0x38;
	[tilespmem:$0x12900] =	vst v63  }
0x34: {  	_ =	swait.ge [sflag:s26], $0xC80  }
0x35: {  	[sflag:s26] =	ssyncset.done $0x0  }
0x36: {  	s2 =	rddreg [dreg:$0x7];
	[sflag:s26] =	ssyncadd.s32 $0xFFFFF380  }
0x37: {  	[hbm4b:s2+s23] =	stream.linear.scatter [tilespmem:s14], [sflag:$0x3], $0xC80, $0x38;
	[tilespmem:$0x12900] =	vst v63  }
0x38: {  	_ =	swait.ge [sflag:s26], $0xC80  }
0x39: {  	[sflag:s26] =	ssyncset.done $0x0  }
0x3a: {  	s3 =	rddreg [dreg:$0x8];
	[sflag:s26] =	ssyncadd.s32 $0xFFFFF380  }
0x3b: {  	[hbm4b:s3+s23] =	stream.linear.scatter [tilespmem:s16], [sflag:$0x3], $0xC80, $0x38;
	[tilespmem:$0x12900] =	vst v63  }
0x3c: {  	_ =	swait.ge [sflag:s26], $0xC80  }
0x3d: {  	[sflag:s26] =	ssyncset.done $0x0  }
0x3e: {  	s22 =	rddreg [dreg:$0x9];
	[sflag:s26] =	ssyncadd.s32 $0xFFFFF380  }
0x3f: {  	[hbm4b:s22+s23] =	stream.linear.scatter [tilespmem:s18], [sflag:$0x3], $0xC80, $0x38;
	[tilespmem:$0x12900] =	vst v63  }
0x40: {  	_ =	swait.ge [sflag:s26], $0xC80  }
0x41: {  	[sflag:s26] =	ssyncset.done $0x0  }
0x42: {  	s24 =	rddreg [dreg:$0xa];
	[sflag:s26] =	ssyncadd.s32 $0xFFFFF380  }
0x43: {  	[hbm4b:s24+s23] =	stream.linear.scatter [tilespmem:s20], [sflag:$0x3], $0xC80, $0x38;
	[tilespmem:$0x12900] =	vst v63  }
0x44: {  	_ =	swait.ge [sflag:s26], $0xC80  }
0x45: {  	[sflag:s26] =	ssyncset.done $0x0  }
0x46: {  	s30 =	rddreg [dreg:$0xb];
	[sflag:s26] =	ssyncadd.s32 $0xFFFFF380  }
0x47: {  	[hbm4b:s30+s23] =	stream.linear.scatter [tilespmem:s25], [sflag:$0x3], $0xC80, $0x38;
	[tilespmem:$0x12900] =	vst v63  }
0x48: {  	_ =	swait.ge [sflag:s26], $0xC80  }
0x49: {  	[sflag:s26] =	ssyncset.done $0x0  }
0x4a: {  	s31 =	rddreg [dreg:$0xc];
	[sflag:s26] =	ssyncadd.s32 $0xFFFFF380  }
0x4b: {  	[hbm4b:s31+s23] =	stream.linear.scatter [tilespmem:s7], [sflag:$0x3], $0xC80, $0x38;
	[tilespmem:$0x12900] =	vst v63  }
0x4c: {  	_ =	swait.ge [sflag:s26], $0xC80  }
0x4d: {  	[sflag:s26] =	ssyncset.done $0x0  }
0x4e: {  	s1 =	rddreg [dreg:$0xe];
	[sflag:s26] =	ssyncadd.s32 $0xFFFFF380  }
0x4f: {  	[hbm4b:s1+s23] =	stream.linear.scatter [tilespmem:s9], [sflag:$0x3], $0xC80, $0x38;
	[tilespmem:$0x12900] =	vst v63  }
0x50: {  	_ =	swait.ge [sflag:s26], $0xC80  }
0x51: {  	[sflag:s26] =	ssyncset.done $0x0  }
0x52: {  	s2 =	rddreg [dreg:$0xf];
	[sflag:s26] =	ssyncadd.s32 $0xFFFFF380  }
0x53: {  	[hbm4b:s2+s23] =	stream.linear.scatter [tilespmem:s11], [sflag:$0x3], $0xC80, $0x38;
	[tilespmem:$0x12900] =	vst v63  }
0x54: {  	_ =	swait.ge [sflag:s26], $0xC80  }
0x55: {  	[sflag:s26] =	ssyncset.done $0x0  }
0x56: {  	s3 =	rddreg [dreg:$0x10];
	[sflag:s26] =	ssyncadd.s32 $0xFFFFF380  }
0x57: {  	[hbm4b:s3+s23] =	stream.linear.scatter [tilespmem:s13], [sflag:$0x3], $0xC80, $0x38;
	[tilespmem:$0x12900] =	vst v63  }
0x58: {  	_ =	swait.ge [sflag:s26], $0xC80  }
0x59: {  	[sflag:s26] =	ssyncset.done $0x0  }
0x5a: {  	s22 =	rddreg [dreg:$0x11];
	[sflag:s26] =	ssyncadd.s32 $0xFFFFF380  }
0x5b: {  	[hbm4b:s22+s23] =	stream.linear.scatter [tilespmem:s15], [sflag:$0x3], $0xC80, $0x38;
	[tilespmem:$0x12900] =	vst v63  }
0x5c: {  	_ =	swait.ge [sflag:s26], $0xC80  }
0x5d: {  	[sflag:s26] =	ssyncset.done $0x0  }
0x5e: {  	s24 =	rddreg [dreg:$0x12];
	[sflag:s26] =	ssyncadd.s32 $0xFFFFF380  }
0x5f: {  	[hbm4b:s24+s23] =	stream.linear.scatter [tilespmem:s17], [sflag:$0x3], $0xC80, $0x38;
	[tilespmem:$0x12900] =	vst v63  }
0x60: {  	_ =	swait.ge [sflag:s26], $0xC80  }
0x61: {  	[sflag:s26] =	ssyncset.done $0x0  }
0x62: {  	s30 =	rddreg [dreg:$0x13];
	[sflag:s26] =	ssyncadd.s32 $0xFFFFF380  }
0x63: {  	[hbm4b:s30+s23] =	stream.linear.scatter [tilespmem:s19], [sflag:$0x3], $0xC80, $0x38;
	[tilespmem:$0x12900] =	vst v63  }
0x64: {  	_ =	swait.ge [sflag:s26], $0xC80  }
0x65: {  	s1 =	rddreg [dreg:$0x15]  }
0x66: {  	s31 =	rddreg [dreg:$0x14];
	s1 =	sadd.s32 $0x1, s1  }
0x67: {  	p0 =	sne.s32 s1, s31  }
.Ltmp1:
0x68: {  	_ = 	snop;
	(pc) =	sbr.rel @!p0 .LBB2_11-.Ltmp1, $3  }
0x69: {  	_ =	sdelay $0x1  }
0x6a: {  	[sflag:s26] =	ssyncset.done $0x0  }
0x6b: {  	[sflag:s26] =	ssyncadd.s32 $0xFFFFF380  }
.LBB2_1:
0x6c: {  	[dreg:$0x15] =	wrdreg s1  }
0x6d: {  	s0 =	rddreg [dreg:$0x1];
	s24 =	simm.s32 $0x6000  }
0x6e: {  	[tilespmem:s24], [sflag:$0x3] =	stream.linear.gather [hbm4b:s0+s23], $0x80, $0x38;
	[tilespmem:$0x12900] =	vst v63  }
0x6f: {  	_ =	swait.ge [sflag:s26], $0x80  }
0x70: {  	[sflag:s26] =	ssyncset.done $0x0  }
0x71: {  	s31 =	simm.s32 $0x6080;
	s30 =	rddreg [dreg:$0x3];
	[sflag:s26] =	ssyncadd.s32 $0xFFFFFF80  }
0x72: {  	[tilespmem:s31], [sflag:$0x3] =	stream.linear.gather [hbm4b:s30+s23], $0x80, $0x38;
	[tilespmem:$0x12900] =	vst v63  }
0x73: {  	_ =	swait.ge [sflag:s26], $0x80  }
0x74: {  	[sflag:s26] =	ssyncset.done $0x0  }
0x75: {  	[sflag:s26] =	ssyncadd.s32 $0xFFFFFF80  }
0x76: {  	v9 =	vld [tilespmem:$0x6080]  }
0x77: {  	v11 =	vld [tilespmem:$0x6000]  }
0x78: {  	v12 =	vld [tilespmem:$0x6010]  }
0x79: {  	s1 =	simm.s32 $0x40;
	s0 =	simm.s32 $0x0;
	v10 =	vld [tilespmem:$0x6020]  }
.LBB2_2:
0x7a: {  	p0 =	sne.s32 s1, $0x31C0;
	[tilespmem:s0+$0x11C80] =	vst v3  }
0x7b: {  	[tilespmem:s0+$0x6100] =	vst v1  }
0x7c: {  	[tilespmem:s0+$0x7A00] =	vst v1  }
0x7d: {  	[tilespmem:s0+$0x9300] =	vst v1  }
0x7e: {  	[tilespmem:s0+$0xAC00] =	vst v1  }
0x7f: {  	[tilespmem:s0+$0x6D80] =	vst v2  }
0x80: {  	[tilespmem:s0+$0x8680] =	vst v2  }
0x81: {  	[tilespmem:s0+$0x9F80] =	vst v2  }
0x82: {  	[tilespmem:s0+$0xB880] =	vst v2  }
0x83: {  	[tilespmem:s0+$0xC500] =	vst v3  }
0x84: {  	[tilespmem:s0+$0xD180] =	vst v3  }
.Ltmp2:
0x85: {  	[tilespmem:s0+$0xDE00] =	vst v3;
	(pc) =	sbr.rel @p0 .LBB2_2-.Ltmp2, $4  }
0x86: {  	[tilespmem:s0+$0xEA80] =	vst v3  }
0x87: {  	[tilespmem:s0+$0xF700] =	vst v3  }
0x88: {  	[tilespmem:s0+$0x10380] =	vst v3  }
0x89: {  	[tilespmem:s0+$0x11000] =	vst v3;
	s0 =	sshra.s32 s1, $0x2;
	s1 =	sadd.s32 $0x40, s1  }
0x8a: {  	v13 =	vnsel vm4, $0x0, v11  }
0x8b: {  	v14 =	vnsel vm3, $0x0, v12;
	v11 =	vnsel vm2, $0x0, v11;
	v62 =	vnsel vm1, $0x0, v12  }
0x8c: {  	v10 =	vnsel vm0, $0x0, v10;
	v13 =	vadd.s32 v13, v14;
	v11 =	vadd.s32 v11, v62  }
0x8d: {  	v63 =	vcvt.s32.f32 v13;
	v10 =	vadd.s32 v10, v11  }
0x8e: {  	v10 =	vcvt.s32.f32 v10  }
0x8f: {  	(xrf2) =	vadd.scan.msk.f32 $0xffff, v63  }
0x90: {  	(xrf2) =	vadd.scan.msk.f32 $0xffff, v10;
	_ =	sdelay $0x8  }
0x91: {  	v10, _, _ =	vpop (xrf2)  }
0x92: {  	(v2sf) =	vpush v10, $0xF;
	v10, _, _ =	vpop (xrf2)  }
0x93: {  	(v2sf) =	vpush v10, $0xF;
	_ =	sdelay $0x2  }
0x94: {  	[tilespmem:s0+$0x11C80] =	vst v3  }
0x95: {  	[tilespmem:s0+$0x6100] =	vst v1  }
0x96: {  	[tilespmem:s0+$0x7A00] =	vst v1  }
0x97: {  	[tilespmem:s0+$0x9300] =	vst v1  }
0x98: {  	[tilespmem:s0+$0xAC00] =	vst v1  }
0x99: {  	[tilespmem:s0+$0x6D80] =	vst v2  }
0x9a: {  	[tilespmem:s0+$0x8680] =	vst v2  }
0x9b: {  	[tilespmem:s0+$0x9F80] =	vst v2  }
0x9c: {  	[tilespmem:s0+$0xB880] =	vst v2  }
0x9d: {  	[tilespmem:s0+$0xC500] =	vst v3  }
0x9e: {  	[tilespmem:s0+$0xD180] =	vst v3  }
0x9f: {  	[tilespmem:s0+$0xDE00] =	vst v3;
	s1 =	spop (v2sf)  }
0xa0: {  	[tilespmem:s0+$0xEA80] =	vst v3;
	s1 =	scvt.f32.s32 s1;
	s2 =	spop (v2sf)  }
0xa1: {  	[tilespmem:s0+$0xF700] =	vst v3;
	s2 =	scvt.f32.s32 s2  }
0xa2: {  	[tilespmem:s0+$0x10380] =	vst v3;
	s3 =	sand.u32 $0xFFFFFFF8, s1;
	s22 =	sshrl.u32 s1, $0x3  }
0xa3: {  	[tilespmem:s0+$0x11000] =	vst v3;
	s30 =	ssub.s32 s2, s3;
	s31 =	sadd.s32 s4, s22  }
0xa4: {  	[tilespmem:s23], [sflag:$0x1] =	stream.linear.gather [hbm4b:s31+s23], $0x1000, $0x38;
	[tilespmem:$0x12900] =	vst v63  }
0xa5: {  	s24 =	simm.s32 $0x2000;
	s0 =	sadd.s32 $0xFFF, s30  }
0xa6: {  	s3 =	sadd.s32 s5, s22;
	s30 =	sand.u32 $0xFFF, s0;
	s31 =	sshra.s32 s0, $0x1F  }
0xa7: {  	[tilespmem:s24], [sflag:$0x1] =	stream.linear.gather [hbm4b:s3+s23], $0x1000, $0x38;
	[tilespmem:$0x12900] =	vst v63  }
0xa8: {  	p1 =	slt.s32 s0, $0x1;
	p0 =	sne.s32 s30, $0x0;
	s2 =	sshrl.u32 s31, $0x14  }
0xa9: {  	s3 =	sadd.s32 s6, s22;
	s22 =	simm.s32 $0x4000;
	p0 =	por !p1, !p0  }
0xaa: {  	s0 =	sadd.s32 s2, s0;
	s2 =	simm.s32 $0x1;
	p0 =	por !p0, !p0  }
0xab: {  	[tilespmem:s22], [sflag:$0x1] =	stream.linear.gather [hbm4b:s3+s23], $0x1000, $0x38;
	[tilespmem:$0x12900] =	vst v63  }
0xac: {  	s0 =	sshra.s32 s0, $0xC;
	s2 =	simm.s32 @!p0 $0x0  }
0xad: {  	s0 =	ssub.s32 s0, s2  }
0xae: {  	s24 =	sadd.s32 $0x1, s0  }
0xaf: {  	s30 =	sand.u32 $0x1, s24  }
0xb0: {  	p5 =	slt.s32 s0, $0x0;
	p6 =	seq.s32 s30, $0x1  }
0xb1: {  	s31 =	sshrl.u32 s24, $0x1F;
	p0 =	por !p5, !p6  }
0xb2: {  	s2 =	simm.s32 $0x1;
	s0 =	sadd.s32 s31, s24;
	p0 =	por !p0, !p0  }
0xb3: {  	s0 =	sshra.s32 s0, $0x1;
	s2 =	simm.s32 @!p0 $0x0  }
0xb4: {  	s23 =	ssub.s32 s0, s2  }
0xb5: {  	p0 =	slt.s32 s23, $0x1  }
.Ltmp3:
0xb6: {  	_ = 	snop;
	(pc) =	sbr.rel @p0 .LBB2_10-.Ltmp3, $1  }
0xb7: {  	_ =	sdelay $0x3  }
0xb8: {  	s24 =	sadd.s32 $0x1000, s1  }
0xb9: {  	s22 =	sadd.s32 $0x2000, s1;
	s3 =	simm.s32 $0x0;
	s1 =	simm.s32 $0x0  }
.LBB2_5:
0xba: {  	s0 =	sshll.u32 s1, $0xD  }
0xbb: {  	s2 =	sadd.s32 s0, s24  }
0xbc: {  	s2 =	sshrl.u32 s2, $0x3  }
0xbd: {  	s31 =	simm.s32 $0x1000;
	s30 =	sadd.s32 s4, s2  }
0xbe: {  	[tilespmem:s31], [sflag:$0x2] =	stream.linear.gather [hbm4b:s30+s3], $0x1000, $0x38;
	[tilespmem:$0x12900] =	vst v63  }
0xbf: {  	s30 =	sadd.s32 s5, s2;
	s31 =	simm.s32 $0x3000  }
0xc0: {  	[tilespmem:s31], [sflag:$0x2] =	stream.linear.gather [hbm4b:s30+s3], $0x1000, $0x38;
	[tilespmem:$0x12900] =	vst v63  }
0xc1: {  	s2 =	sadd.s32 s6, s2;
	s31 =	simm.s32 $0x5000  }
0xc2: {  	[tilespmem:s31], [sflag:$0x2] =	stream.linear.gather [hbm4b:s2+s3], $0x1000, $0x38;
	[tilespmem:$0x12900] =	vst v63  }
0xc3: {  	_ =	swait.ge [sflag:s29], $0x1000  }
0xc4: {  	[sflag:s29] =	ssyncset.done $0x0  }
0xc5: {  	[sflag:s29] =	ssyncadd.s32 $0xFFFFF000  }
0xc6: {  	_ =	swait.ge [sflag:s29], $0x1000  }
0xc7: {  	[sflag:s29] =	ssyncset.done $0x0  }
0xc8: {  	[sflag:s29] =	ssyncadd.s32 $0xFFFFF000  }
0xc9: {  	_ =	swait.ge [sflag:s29], $0x1000  }
0xca: {  	[sflag:s29] =	ssyncset.done $0x0  }
0xcb: {  	s2 =	simm.s32 $0x0;
	[sflag:s29] =	ssyncadd.s32 $0xFFFFF000  }
.LBB2_6:
0xcc: {  	s30 =	sshra.s32 s2, $0x2  }
0xcd: {  	v10 =	vld [tilespmem:s30+$0x4000];
	_ =	sdelay $0x4  }
0xce: {  	v11 =	vperm.xlane v10, v4;
	_ =	sdelay $0x1  }
0xcf: {  	vm6 =	vne.s32 v10, v11  }
0xd0: {  	vm7 =	vmor vm6, vm5  }
0xd1: {  	v11 =	vperm.xlane v10, v5;
	v12 =	vsel vm7, $0x1, v7  }
0xd2: {  	v13 =	vld [tilespmem:s30+$0x0];
	v12 =	vperm.xlane v12, v8  }
0xd3: {  	vm6 =	veq.s32 v10, v11  }
0xd4: {  	v11 =	vsel vm6, $0x80000000, v6;
	vm6 =	veq.s32 v12, $0x0  }
0xd5: {  	(xrf0) =	vmax.scan.msk.u32 $0xffff, v11;
	v11 =	vsel vm6, $0x80000000, v6  }
0xd6: {  	v10 =	vsub.s32 v10, v0;
	(xrf0) =	vmax.scan.msk.u32 $0xffff, v11  }
0xd7: {  	v39 =	vshrl.u32 v13, $0xC;
	v11 =	vshll.u32 v10, $0x13  }
0xd8: {  	vm6 =	vlt.u32 v10, $0xC80;
	v14 =	vor.u32 v11, v39  }
0xd9: {  	v14 =	vnsel vm6, $0x0, v14  }
0xda: {  	(xrf0) =	vmax.scan.msk.u32 $0xffff, v14  }
0xdb: {  	v40, _, _ =	vpop (xrf0)  }
0xdc: {  	v15, _, _ =	vpop (xrf0)  }
0xdd: {  	v10 =	vmin.u32 v10, $0xC7F;
	v15 =	vxor.u32 $0x80000000, v15  }
0xde: {  	v15 =	vsub.s32 $0xF, v15  }
0xdf: {  	v15 =	vperm.xlane v15, v8  }
0xe0: {  	v16, _, _ =	vpop (xrf0)  }
0xe1: {  	v16 =	vperm.xlane v16, v15  }
0xe2: {  	v17 =	vld.idx.msk [tilespmem:v10+s25+$0x0], $0xffff  }
0xe3: {  	v16 =	vshll.u32 v16, $0xC  }
0xe4: {  	v16 =	vand.u32 $0x7FFFF000, v16  }
0xe5: {  	v16 =	vmul.f32 v16, v9  }
0xe6: {  	v13 =	vmul.f32 v13, v9  }
0xe7: {  	v16 =	vmax.f32 v17, v16  }
0xe8: {  	v18 =	vsub.f32 v13, v16;
	_ =	sdelay $0x1  }
0xe9: {  	v18 =	vmul.f32 $1.442695020e+00, v18;
	_ =	sdelay $0x1  }
0xea: {  	(erf) = vpow2.f32 v18;
	_ =	sdelay $0x8  }
0xeb: {  	v18 =	vpop (erf)  }
0xec: {  	v18 =	vnsel vm6, $0x0, v18  }
0xed: {  	v17 =	vsub.f32 v17, v16;
	(xrf2) =	vadd.scan.msk.f32 $0xffff, v18;
	_ =	sdelay $0x1  }
0xee: {  	v17 =	vmul.f32 $1.442695020e+00, v17;
	_ =	sdelay $0x1  }
0xef: {  	(erf) = vpow2.f32 v17;
	_ =	sdelay $0x3  }
0xf0: {  	v12 =	vsub.s32 $0x7FFFF, v39;
	v41 =	vadd.s32 $0x7FFFFFFF, v40  }
0xf1: {  	v12 =	vor.u32 v11, v12;
	vm8 =	vgt.s32 v41, $0x0;
	v42 =	vld.idx.msk [tilespmem:v10+s28+$0x0], $0xffff  }
0xf2: {  	v12 =	vnsel vm6, $0x0, v12;
	v17 =	vnsel vm8, $0x0, v41;
	v19, _, _ =	vpop (xrf2)  }
0xf3: {  	(xrf0) =	vmax.scan.msk.u32 $0xffff, v12;
	v20 =	vperm.xlane v19, v17  }
0xf4: {  	vm7 =	vmand vm6, vm7;
	vm13 =	veq.s32 v40, $0x80000000  }
0xf5: {  	v44 =	vpop (erf);
	v43 =	vsel vm13, $0x0, v20  }
0xf6: {  	v14 =	vmul.f32 v44, v42;
	v12 =	vsub.f32 v19, v43;
	_ =	sdelay $0x1  }
0xf7: {  	v12 =	vadd.f32 v12, v14  }
0xf8: {  	v46, _, _ =	vpop (xrf0)  }
0xf9: {  	v45 =	vld [tilespmem:s30+$0x2000];
	v47 =	vperm.xlane v46, v15;
	[tilespmem:v10+s28+$0x0] =	vst.idx.msk vm7, v12  }
0xfa: {  	[tilespmem:v10+s25+$0x0] =	vst.idx.msk vm7, v16  }
0xfb: {  	v12 =	vxor.u32 $0xFFFFFFFF, v47;
	v16 =	vld.idx.msk [tilespmem:v10+s7+$0x0], $0xffff  }
0xfc: {  	v12 =	vshll.u32 v12, $0xC  }
0xfd: {  	v12 =	vand.u32 $0x7FFFF000, v12  }
0xfe: {  	v12 =	vmul.f32 v12, v9;
	_ =	sdelay $0x1  }
0xff: {  	v12 =	vmin.f32 v16, v12  }
0x100: {  	v13 =	vsub.f32 v12, v13;
	_ =	sdelay $0x1  }
0x101: {  	v13 =	vmul.f32 $1.442695020e+00, v13;
	_ =	sdelay $0x1  }
0x102: {  	(erf) = vpow2.f32 v13;
	_ =	sdelay $0x8  }
0x103: {  	v13 =	vpop (erf)  }
0x104: {  	v13 =	vnsel vm6, $0x0, v13  }
0x105: {  	v48 =	vsub.f32 v12, v16;
	(xrf2) =	vadd.scan.msk.f32 $0xffff, v13;
	_ =	sdelay $0x1  }
0x106: {  	v13 =	vmul.f32 $1.442695020e+00, v48;
	_ =	sdelay $0x1  }
0x107: {  	(erf) = vpow2.f32 v13;
	_ =	sdelay $0x4  }
0x108: {  	v49 =	vshrl.u32 v45, $0xC;
	v50 =	vld.idx.msk [tilespmem:v10+s8+$0x0], $0xffff  }
0x109: {  	v52 =	vor.u32 v11, v49;
	v51, _, _ =	vpop (xrf2)  }
0x10a: {  	v19 =	vnsel vm6, $0x0, v52;
	v53 =	vperm.xlane v51, v17  }
0x10b: {  	(xrf0) =	vmax.scan.msk.u32 $0xffff, v19  }
0x10c: {  	v55 =	vpop (erf);
	v54 =	vsel vm13, $0x0, v53  }
0x10d: {  	v16 =	vmul.f32 v55, v50;
	v18 =	vsub.f32 v51, v54;
	_ =	sdelay $0x1  }
0x10e: {  	v16 =	vadd.f32 v18, v16;
	_ =	sdelay $0x1  }
0x10f: {  	v56, _, _ =	vpop (xrf0);
	[tilespmem:v10+s8+$0x0] =	vst.idx.msk vm7, v16  }
0x110: {  	v57 =	vperm.xlane v56, v15;
	[tilespmem:v10+s7+$0x0] =	vst.idx.msk vm7, v12  }
0x111: {  	v58 =	vld.idx.msk [tilespmem:v10+s9+$0x0], $0xffff  }
0x112: {  	v12 =	vshll.u32 v57, $0xC  }
0x113: {  	v12 =	vand.u32 $0x7FFFF000, v12  }
0x114: {  	v12 =	vmul.f32 v12, v9  }
0x115: {  	v14 =	vmul.f32 v45, v9  }
0x116: {  	v12 =	vmax.f32 v58, v12  }
0x117: {  	v59 =	vsub.f32 v14, v12;
	_ =	sdelay $0x1  }
0x118: {  	v18 =	vmul.f32 $1.442695020e+00, v59;
	_ =	sdelay $0x1  }
0x119: {  	(erf) = vpow2.f32 v18;
	_ =	sdelay $0x8  }
0x11a: {  	v18 =	vpop (erf)  }
0x11b: {  	v18 =	vnsel vm6, $0x0, v18  }
0x11c: {  	v16 =	vsub.f32 v58, v12;
	(xrf2) =	vadd.scan.msk.f32 $0xffff, v18;
	_ =	sdelay $0x1  }
0x11d: {  	v16 =	vmul.f32 $1.442695020e+00, v16;
	_ =	sdelay $0x1  }
0x11e: {  	(erf) = vpow2.f32 v16;
	_ =	sdelay $0x3  }
0x11f: {  	v13 =	vsub.s32 $0x7FFFF, v49  }
0x120: {  	v11 =	vor.u32 v11, v13;
	v60 =	vld.idx.msk [tilespmem:v10+s10+$0x0], $0xffff  }
0x121: {  	v11 =	vnsel vm6, $0x0, v11;
	v61, _, _ =	vpop (xrf2)  }
0x122: {  	(xrf0) =	vmax.scan.msk.u32 $0xffff, v11;
	v62 =	vperm.xlane v61, v17;
	_ =	sdelay $0x1  }
0x123: {  	v63 =	vpop (erf);
	v11 =	vsel vm13, $0x0, v62  }
0x124: {  	v16 =	vmul.f32 v63, v60;
	v11 =	vsub.f32 v61, v11;
	_ =	sdelay $0x1  }
0x125: {  	v11 =	vadd.f32 v11, v16  }
0x126: {  	v20, _, _ =	vpop (xrf0)  }
0x127: {  	[tilespmem:v10+s10+$0x0] =	vst.idx.msk vm7, v11;
	v11 =	vperm.xlane v20, v15  }
0x128: {  	[tilespmem:v10+s9+$0x0] =	vst.idx.msk vm7, v12  }
0x129: {  	v11 =	vxor.u32 $0xFFFFFFFF, v11;
	v12 =	vld.idx.msk [tilespmem:v10+s11+$0x0], $0xffff  }
0x12a: {  	v11 =	vshll.u32 v11, $0xC  }
0x12b: {  	v11 =	vand.u32 $0x7FFFF000, v11  }
0x12c: {  	v11 =	vmul.f32 v11, v9;
	_ =	sdelay $0x1  }
0x12d: {  	v11 =	vmin.f32 v12, v11  }
0x12e: {  	v21 =	vsub.f32 v11, v14;
	_ =	sdelay $0x1  }
0x12f: {  	v13 =	vmul.f32 $1.442695020e+00, v21;
	_ =	sdelay $0x1  }
0x130: {  	(erf) = vpow2.f32 v13;
	_ =	sdelay $0x8  }
0x131: {  	v13 =	vpop (erf)  }
0x132: {  	v13 =	vnsel vm6, $0x0, v13  }
0x133: {  	v12 =	vsub.f32 v11, v12;
	(xrf2) =	vadd.scan.msk.f32 $0xffff, v13;
	_ =	sdelay $0x1  }
0x134: {  	v12 =	vmul.f32 $1.442695020e+00, v12;
	_ =	sdelay $0x1  }
0x135: {  	(erf) = vpow2.f32 v12;
	_ =	sdelay $0x4  }
0x136: {  	v22 =	vld.idx.msk [tilespmem:v10+s12+$0x0], $0xffff  }
0x137: {  	v13, _, _ =	vpop (xrf2)  }
0x138: {  	v23 =	vperm.xlane v13, v17;
	_ =	sdelay $0x1  }
0x139: {  	v24 =	vpop (erf);
	v14 =	vsel vm13, $0x0, v23  }
0x13a: {  	v12 =	vmul.f32 v24, v22;
	v13 =	vsub.f32 v13, v14;
	_ =	sdelay $0x1  }
0x13b: {  	v12 =	vadd.f32 v13, v12;
	_ =	sdelay $0x1  }
0x13c: {  	[tilespmem:v10+s12+$0x0] =	vst.idx.msk vm7, v12  }
0x13d: {  	[tilespmem:v10+s11+$0x0] =	vst.idx.msk vm7, v11  }
0x13e: {  	v10 =	vld [tilespmem:s30+$0x4010];
	_ =	sdelay $0x4  }
0x13f: {  	v11 =	vperm.xlane v10, v4;
	_ =	sdelay $0x1  }
0x140: {  	vm6 =	vne.s32 v10, v11  }
0x141: {  	vm7 =	vmor vm6, vm5  }
0x142: {  	v11 =	vperm.xlane v10, v5;
	v25 =	vsel vm7, $0x1, v7  }
0x143: {  	v26 =	vld [tilespmem:s30+$0x10];
	v12 =	vperm.xlane v25, v8  }
0x144: {  	vm6 =	veq.s32 v10, v11  }
0x145: {  	v11 =	vsel vm6, $0x80000000, v6;
	vm6 =	veq.s32 v12, $0x0  }
0x146: {  	(xrf0) =	vmax.scan.msk.u32 $0xffff, v11;
	v11 =	vsel vm6, $0x80000000, v6  }
0x147: {  	v10 =	vsub.s32 v10, v0;
	(xrf0) =	vmax.scan.msk.u32 $0xffff, v11  }
0x148: {  	v27 =	vshrl.u32 v26, $0xC;
	v11 =	vshll.u32 v10, $0x13  }
0x149: {  	vm6 =	vlt.u32 v10, $0xC80;
	v28 =	vor.u32 v11, v27  }
0x14a: {  	v14 =	vnsel vm6, $0x0, v28  }
0x14b: {  	(xrf0) =	vmax.scan.msk.u32 $0xffff, v14  }
0x14c: {  	v29, _, _ =	vpop (xrf0)  }
0x14d: {  	v30, _, _ =	vpop (xrf0)  }
0x14e: {  	v10 =	vmin.u32 v10, $0xC7F;
	v15 =	vxor.u32 $0x80000000, v30  }
0x14f: {  	v15 =	vsub.s32 $0xF, v15  }
0x150: {  	v15 =	vperm.xlane v15, v8  }
0x151: {  	v31, _, _ =	vpop (xrf0)  }
0x152: {  	v16 =	vperm.xlane v31, v15  }
0x153: {  	v32 =	vld.idx.msk [tilespmem:v10+s13+$0x0], $0xffff  }
0x154: {  	v16 =	vshll.u32 v16, $0xC  }
0x155: {  	v16 =	vand.u32 $0x7FFFF000, v16  }
0x156: {  	v16 =	vmul.f32 v16, v9  }
0x157: {  	v13 =	vmul.f32 v26, v9  }
0x158: {  	v16 =	vmax.f32 v32, v16  }
0x159: {  	v33 =	vsub.f32 v13, v16;
	_ =	sdelay $0x1  }
0x15a: {  	v18 =	vmul.f32 $1.442695020e+00, v33;
	_ =	sdelay $0x1  }
0x15b: {  	(erf) = vpow2.f32 v18;
	_ =	sdelay $0x8  }
0x15c: {  	v18 =	vpop (erf)  }
0x15d: {  	v18 =	vnsel vm6, $0x0, v18  }
0x15e: {  	v17 =	vsub.f32 v32, v16;
	(xrf2) =	vadd.scan.msk.f32 $0xffff, v18;
	_ =	sdelay $0x1  }
0x15f: {  	v17 =	vmul.f32 $1.442695020e+00, v17;
	_ =	sdelay $0x1  }
0x160: {  	(erf) = vpow2.f32 v17;
	_ =	sdelay $0x3  }
0x161: {  	v12 =	vsub.s32 $0x7FFFF, v27;
	v34 =	vadd.s32 $0x7FFFFFFF, v29  }
0x162: {  	v12 =	vor.u32 v11, v12;
	vm14 =	vgt.s32 v34, $0x0;
	v35 =	vld.idx.msk [tilespmem:v10+s14+$0x0], $0xffff  }
0x163: {  	v12 =	vnsel vm6, $0x0, v12;
	v17 =	vnsel vm14, $0x0, v34;
	v36, _, _ =	vpop (xrf2)  }
0x164: {  	(xrf0) =	vmax.scan.msk.u32 $0xffff, v12;
	v37 =	vperm.xlane v36, v17  }
0x165: {  	vm7 =	vmand vm6, vm7;
	vm15 =	veq.s32 v29, $0x80000000  }
0x166: {  	v39 =	vpop (erf);
	v38 =	vsel vm15, $0x0, v37  }
0x167: {  	v14 =	vmul.f32 v39, v35;
	v12 =	vsub.f32 v36, v38;
	_ =	sdelay $0x1  }
0x168: {  	v12 =	vadd.f32 v12, v14  }
0x169: {  	v41, _, _ =	vpop (xrf0)  }
0x16a: {  	v40 =	vld [tilespmem:s30+$0x2010];
	v42 =	vperm.xlane v41, v15;
	[tilespmem:v10+s14+$0x0] =	vst.idx.msk vm7, v12  }
0x16b: {  	[tilespmem:v10+s13+$0x0] =	vst.idx.msk vm7, v16  }
0x16c: {  	v12 =	vxor.u32 $0xFFFFFFFF, v42;
	v16 =	vld.idx.msk [tilespmem:v10+s15+$0x0], $0xffff  }
0x16d: {  	v12 =	vshll.u32 v12, $0xC  }
0x16e: {  	v12 =	vand.u32 $0x7FFFF000, v12  }
0x16f: {  	v12 =	vmul.f32 v12, v9;
	_ =	sdelay $0x1  }
0x170: {  	v12 =	vmin.f32 v16, v12  }
0x171: {  	v13 =	vsub.f32 v12, v13;
	_ =	sdelay $0x1  }
0x172: {  	v13 =	vmul.f32 $1.442695020e+00, v13;
	_ =	sdelay $0x1  }
0x173: {  	(erf) = vpow2.f32 v13;
	_ =	sdelay $0x8  }
0x174: {  	v13 =	vpop (erf)  }
0x175: {  	v13 =	vnsel vm6, $0x0, v13  }
0x176: {  	v43 =	vsub.f32 v12, v16;
	(xrf2) =	vadd.scan.msk.f32 $0xffff, v13;
	_ =	sdelay $0x1  }
0x177: {  	v13 =	vmul.f32 $1.442695020e+00, v43;
	_ =	sdelay $0x1  }
0x178: {  	(erf) = vpow2.f32 v13;
	_ =	sdelay $0x4  }
0x179: {  	v44 =	vshrl.u32 v40, $0xC;
	v45 =	vld.idx.msk [tilespmem:v10+s16+$0x0], $0xffff  }
0x17a: {  	v47 =	vor.u32 v11, v44;
	v46, _, _ =	vpop (xrf2)  }
0x17b: {  	v19 =	vnsel vm6, $0x0, v47;
	v48 =	vperm.xlane v46, v17  }
0x17c: {  	(xrf0) =	vmax.scan.msk.u32 $0xffff, v19  }
0x17d: {  	v50 =	vpop (erf);
	v49 =	vsel vm15, $0x0, v48  }
0x17e: {  	v16 =	vmul.f32 v50, v45;
	v18 =	vsub.f32 v46, v49;
	_ =	sdelay $0x1  }
0x17f: {  	v16 =	vadd.f32 v18, v16;
	_ =	sdelay $0x1  }
0x180: {  	v51, _, _ =	vpop (xrf0);
	[tilespmem:v10+s16+$0x0] =	vst.idx.msk vm7, v16  }
0x181: {  	v52 =	vperm.xlane v51, v15;
	[tilespmem:v10+s15+$0x0] =	vst.idx.msk vm7, v12  }
0x182: {  	v53 =	vld.idx.msk [tilespmem:v10+s17+$0x0], $0xffff  }
0x183: {  	v12 =	vshll.u32 v52, $0xC  }
0x184: {  	v12 =	vand.u32 $0x7FFFF000, v12  }
0x185: {  	v12 =	vmul.f32 v12, v9  }
0x186: {  	v14 =	vmul.f32 v40, v9  }
0x187: {  	v12 =	vmax.f32 v53, v12  }
0x188: {  	v54 =	vsub.f32 v14, v12;
	_ =	sdelay $0x1  }
0x189: {  	v18 =	vmul.f32 $1.442695020e+00, v54;
	_ =	sdelay $0x1  }
0x18a: {  	(erf) = vpow2.f32 v18;
	_ =	sdelay $0x8  }
0x18b: {  	v18 =	vpop (erf)  }
0x18c: {  	v18 =	vnsel vm6, $0x0, v18  }
0x18d: {  	v16 =	vsub.f32 v53, v12;
	(xrf2) =	vadd.scan.msk.f32 $0xffff, v18;
	_ =	sdelay $0x1  }
0x18e: {  	v16 =	vmul.f32 $1.442695020e+00, v16;
	_ =	sdelay $0x1  }
0x18f: {  	(erf) = vpow2.f32 v16;
	_ =	sdelay $0x3  }
0x190: {  	v13 =	vsub.s32 $0x7FFFF, v44  }
0x191: {  	v11 =	vor.u32 v11, v13;
	v55 =	vld.idx.msk [tilespmem:v10+s18+$0x0], $0xffff  }
0x192: {  	v11 =	vnsel vm6, $0x0, v11;
	v56, _, _ =	vpop (xrf2)  }
0x193: {  	(xrf0) =	vmax.scan.msk.u32 $0xffff, v11;
	v57 =	vperm.xlane v56, v17;
	_ =	sdelay $0x1  }
0x194: {  	v58 =	vpop (erf);
	v11 =	vsel vm15, $0x0, v57  }
0x195: {  	v16 =	vmul.f32 v58, v55;
	v11 =	vsub.f32 v56, v11;
	_ =	sdelay $0x1  }
0x196: {  	v11 =	vadd.f32 v11, v16  }
0x197: {  	v59, _, _ =	vpop (xrf0)  }
0x198: {  	[tilespmem:v10+s18+$0x0] =	vst.idx.msk vm7, v11;
	v11 =	vperm.xlane v59, v15  }
0x199: {  	[tilespmem:v10+s17+$0x0] =	vst.idx.msk vm7, v12  }
0x19a: {  	v11 =	vxor.u32 $0xFFFFFFFF, v11;
	v12 =	vld.idx.msk [tilespmem:v10+s19+$0x0], $0xffff  }
0x19b: {  	v11 =	vshll.u32 v11, $0xC  }
0x19c: {  	v11 =	vand.u32 $0x7FFFF000, v11  }
0x19d: {  	v11 =	vmul.f32 v11, v9;
	_ =	sdelay $0x1  }
0x19e: {  	v11 =	vmin.f32 v12, v11  }
0x19f: {  	v60 =	vsub.f32 v11, v14;
	_ =	sdelay $0x1  }
0x1a0: {  	v13 =	vmul.f32 $1.442695020e+00, v60;
	_ =	sdelay $0x1  }
0x1a1: {  	(erf) = vpow2.f32 v13;
	_ =	sdelay $0x8  }
0x1a2: {  	v13 =	vpop (erf)  }
0x1a3: {  	v13 =	vnsel vm6, $0x0, v13  }
0x1a4: {  	v12 =	vsub.f32 v11, v12;
	(xrf2) =	vadd.scan.msk.f32 $0xffff, v13;
	_ =	sdelay $0x1  }
0x1a5: {  	v12 =	vmul.f32 $1.442695020e+00, v12;
	_ =	sdelay $0x1  }
0x1a6: {  	(erf) = vpow2.f32 v12;
	_ =	sdelay $0x4  }
0x1a7: {  	v61 =	vld.idx.msk [tilespmem:v10+s20+$0x0], $0xffff  }
0x1a8: {  	v13, _, _ =	vpop (xrf2)  }
0x1a9: {  	v62 =	vperm.xlane v13, v17;
	_ =	sdelay $0x1  }
0x1aa: {  	v63 =	vpop (erf);
	v14 =	vsel vm15, $0x0, v62  }
0x1ab: {  	p0 =	sne.s32 s2, $0x3F80;
	v12 =	vmul.f32 v63, v61;
	v13 =	vsub.f32 v13, v14  }
.Ltmp4:
0x1ac: {  	_ = 	snop;
	(pc) =	sbr.rel @p0 .LBB2_6-.Ltmp4, $3  }
0x1ad: {  	v12 =	vadd.f32 v13, v12;
	_ =	sdelay $0x1  }
0x1ae: {  	[tilespmem:v10+s20+$0x0] =	vst.idx.msk vm7, v12  }
0x1af: {  	s2 =	sadd.s32 $0x80, s2;
	[tilespmem:v10+s19+$0x0] =	vst.idx.msk vm7, v11  }
0x1b0: {  	s0 =	sadd.s32 s0, s22  }
0x1b1: {  	s2 =	sshrl.u32 s0, $0x3  }
0x1b2: {  	s0 =	simm.s32 $0x0;
	s30 =	sadd.s32 s4, s2  }
0x1b3: {  	[tilespmem:s0], [sflag:$0x1] =	stream.linear.gather [hbm4b:s30+s0], $0x1000, $0x38;
	[tilespmem:$0x12900] =	vst v63  }
0x1b4: {  	s31 =	simm.s32 $0x2000;
	s30 =	sadd.s32 s5, s2  }
0x1b5: {  	[tilespmem:s31], [sflag:$0x1] =	stream.linear.gather [hbm4b:s30+s0], $0x1000, $0x38;
	[tilespmem:$0x12900] =	vst v63  }
0x1b6: {  	s2 =	sadd.s32 s6, s2;
	s31 =	simm.s32 $0x4000  }
0x1b7: {  	[tilespmem:s31], [sflag:$0x1] =	stream.linear.gather [hbm4b:s2+s0], $0x1000, $0x38;
	[tilespmem:$0x12900] =	vst v63  }
0x1b8: {  	_ =	swait.ge [sflag:s21], $0x1000  }
0x1b9: {  	[sflag:s21] =	ssyncset.done $0x0  }
0x1ba: {  	[sflag:s21] =	ssyncadd.s32 $0xFFFFF000  }
0x1bb: {  	_ =	swait.ge [sflag:s21], $0x1000  }
0x1bc: {  	[sflag:s21] =	ssyncset.done $0x0  }
0x1bd: {  	[sflag:s21] =	ssyncadd.s32 $0xFFFFF000  }
0x1be: {  	_ =	swait.ge [sflag:s21], $0x1000  }
0x1bf: {  	[sflag:s21] =	ssyncset.done $0x0  }
0x1c0: {  	[sflag:s21] =	ssyncadd.s32 $0xFFFFF000  }
.LBB2_8:
0x1c1: {  	s2 =	sshra.s32 s0, $0x2  }
0x1c2: {  	v10 =	vld [tilespmem:s2+$0x5000];
	_ =	sdelay $0x4  }
0x1c3: {  	v11 =	vperm.xlane v10, v4;
	_ =	sdelay $0x1  }
0x1c4: {  	vm6 =	vne.s32 v10, v11  }
0x1c5: {  	vm7 =	vmor vm6, vm5  }
0x1c6: {  	v11 =	vperm.xlane v10, v5;
	v12 =	vsel vm7, $0x1, v7  }
0x1c7: {  	v13 =	vld [tilespmem:s2+$0x1000];
	v12 =	vperm.xlane v12, v8  }
0x1c8: {  	vm6 =	veq.s32 v10, v11  }
0x1c9: {  	v11 =	vsel vm6, $0x80000000, v6;
	vm6 =	veq.s32 v12, $0x0  }
0x1ca: {  	(xrf0) =	vmax.scan.msk.u32 $0xffff, v11;
	v11 =	vsel vm6, $0x80000000, v6  }
0x1cb: {  	v10 =	vsub.s32 v10, v0;
	(xrf0) =	vmax.scan.msk.u32 $0xffff, v11  }
0x1cc: {  	v39 =	vshrl.u32 v13, $0xC;
	v11 =	vshll.u32 v10, $0x13  }
0x1cd: {  	vm6 =	vlt.u32 v10, $0xC80;
	v14 =	vor.u32 v11, v39  }
0x1ce: {  	v14 =	vnsel vm6, $0x0, v14  }
0x1cf: {  	(xrf0) =	vmax.scan.msk.u32 $0xffff, v14  }
0x1d0: {  	v40, _, _ =	vpop (xrf0)  }
0x1d1: {  	v15, _, _ =	vpop (xrf0)  }
0x1d2: {  	v10 =	vmin.u32 v10, $0xC7F;
	v15 =	vxor.u32 $0x80000000, v15  }
0x1d3: {  	v15 =	vsub.s32 $0xF, v15  }
0x1d4: {  	v15 =	vperm.xlane v15, v8  }
0x1d5: {  	v16, _, _ =	vpop (xrf0)  }
0x1d6: {  	v16 =	vperm.xlane v16, v15  }
0x1d7: {  	v17 =	vld.idx.msk [tilespmem:v10+s25+$0x0], $0xffff  }
0x1d8: {  	v16 =	vshll.u32 v16, $0xC  }
0x1d9: {  	v16 =	vand.u32 $0x7FFFF000, v16  }
0x1da: {  	v16 =	vmul.f32 v16, v9  }
0x1db: {  	v13 =	vmul.f32 v13, v9  }
0x1dc: {  	v16 =	vmax.f32 v17, v16  }
0x1dd: {  	v18 =	vsub.f32 v13, v16;
	_ =	sdelay $0x1  }
0x1de: {  	v18 =	vmul.f32 $1.442695020e+00, v18;
	_ =	sdelay $0x1  }
0x1df: {  	(erf) = vpow2.f32 v18;
	_ =	sdelay $0x8  }
0x1e0: {  	v18 =	vpop (erf)  }
0x1e1: {  	v18 =	vnsel vm6, $0x0, v18  }
0x1e2: {  	v17 =	vsub.f32 v17, v16;
	(xrf2) =	vadd.scan.msk.f32 $0xffff, v18;
	_ =	sdelay $0x1  }
0x1e3: {  	v17 =	vmul.f32 $1.442695020e+00, v17;
	_ =	sdelay $0x1  }
0x1e4: {  	(erf) = vpow2.f32 v17;
	_ =	sdelay $0x3  }
0x1e5: {  	v12 =	vsub.s32 $0x7FFFF, v39;
	v41 =	vadd.s32 $0x7FFFFFFF, v40  }
0x1e6: {  	v12 =	vor.u32 v11, v12;
	vm8 =	vgt.s32 v41, $0x0;
	v42 =	vld.idx.msk [tilespmem:v10+s28+$0x0], $0xffff  }
0x1e7: {  	v12 =	vnsel vm6, $0x0, v12;
	v17 =	vnsel vm8, $0x0, v41;
	v19, _, _ =	vpop (xrf2)  }
0x1e8: {  	(xrf0) =	vmax.scan.msk.u32 $0xffff, v12;
	v20 =	vperm.xlane v19, v17  }
0x1e9: {  	vm7 =	vmand vm6, vm7;
	vm13 =	veq.s32 v40, $0x80000000  }
0x1ea: {  	v44 =	vpop (erf);
	v43 =	vsel vm13, $0x0, v20  }
0x1eb: {  	v14 =	vmul.f32 v44, v42;
	v12 =	vsub.f32 v19, v43;
	_ =	sdelay $0x1  }
0x1ec: {  	v12 =	vadd.f32 v12, v14  }
0x1ed: {  	v46, _, _ =	vpop (xrf0)  }
0x1ee: {  	v45 =	vld [tilespmem:s2+$0x3000];
	v47 =	vperm.xlane v46, v15;
	[tilespmem:v10+s28+$0x0] =	vst.idx.msk vm7, v12  }
0x1ef: {  	[tilespmem:v10+s25+$0x0] =	vst.idx.msk vm7, v16  }
0x1f0: {  	v12 =	vxor.u32 $0xFFFFFFFF, v47;
	v16 =	vld.idx.msk [tilespmem:v10+s7+$0x0], $0xffff  }
0x1f1: {  	v12 =	vshll.u32 v12, $0xC  }
0x1f2: {  	v12 =	vand.u32 $0x7FFFF000, v12  }
0x1f3: {  	v12 =	vmul.f32 v12, v9;
	_ =	sdelay $0x1  }
0x1f4: {  	v12 =	vmin.f32 v16, v12  }
0x1f5: {  	v13 =	vsub.f32 v12, v13;
	_ =	sdelay $0x1  }
0x1f6: {  	v13 =	vmul.f32 $1.442695020e+00, v13;
	_ =	sdelay $0x1  }
0x1f7: {  	(erf) = vpow2.f32 v13;
	_ =	sdelay $0x8  }
0x1f8: {  	v13 =	vpop (erf)  }
0x1f9: {  	v13 =	vnsel vm6, $0x0, v13  }
0x1fa: {  	v48 =	vsub.f32 v12, v16;
	(xrf2) =	vadd.scan.msk.f32 $0xffff, v13;
	_ =	sdelay $0x1  }
0x1fb: {  	v13 =	vmul.f32 $1.442695020e+00, v48;
	_ =	sdelay $0x1  }
0x1fc: {  	(erf) = vpow2.f32 v13;
	_ =	sdelay $0x4  }
0x1fd: {  	v49 =	vshrl.u32 v45, $0xC;
	v50 =	vld.idx.msk [tilespmem:v10+s8+$0x0], $0xffff  }
0x1fe: {  	v52 =	vor.u32 v11, v49;
	v51, _, _ =	vpop (xrf2)  }
0x1ff: {  	v19 =	vnsel vm6, $0x0, v52;
	v53 =	vperm.xlane v51, v17  }
0x200: {  	(xrf0) =	vmax.scan.msk.u32 $0xffff, v19  }
0x201: {  	v55 =	vpop (erf);
	v54 =	vsel vm13, $0x0, v53  }
0x202: {  	v16 =	vmul.f32 v55, v50;
	v18 =	vsub.f32 v51, v54;
	_ =	sdelay $0x1  }
0x203: {  	v16 =	vadd.f32 v18, v16;
	_ =	sdelay $0x1  }
0x204: {  	v56, _, _ =	vpop (xrf0);
	[tilespmem:v10+s8+$0x0] =	vst.idx.msk vm7, v16  }
0x205: {  	v57 =	vperm.xlane v56, v15;
	[tilespmem:v10+s7+$0x0] =	vst.idx.msk vm7, v12  }
0x206: {  	v58 =	vld.idx.msk [tilespmem:v10+s9+$0x0], $0xffff  }
0x207: {  	v12 =	vshll.u32 v57, $0xC  }
0x208: {  	v12 =	vand.u32 $0x7FFFF000, v12  }
0x209: {  	v12 =	vmul.f32 v12, v9  }
0x20a: {  	v14 =	vmul.f32 v45, v9  }
0x20b: {  	v12 =	vmax.f32 v58, v12  }
0x20c: {  	v59 =	vsub.f32 v14, v12;
	_ =	sdelay $0x1  }
0x20d: {  	v18 =	vmul.f32 $1.442695020e+00, v59;
	_ =	sdelay $0x1  }
0x20e: {  	(erf) = vpow2.f32 v18;
	_ =	sdelay $0x8  }
0x20f: {  	v18 =	vpop (erf)  }
0x210: {  	v18 =	vnsel vm6, $0x0, v18  }
0x211: {  	v16 =	vsub.f32 v58, v12;
	(xrf2) =	vadd.scan.msk.f32 $0xffff, v18;
	_ =	sdelay $0x1  }
0x212: {  	v16 =	vmul.f32 $1.442695020e+00, v16;
	_ =	sdelay $0x1  }
0x213: {  	(erf) = vpow2.f32 v16;
	_ =	sdelay $0x3  }
0x214: {  	v13 =	vsub.s32 $0x7FFFF, v49  }
0x215: {  	v11 =	vor.u32 v11, v13;
	v60 =	vld.idx.msk [tilespmem:v10+s10+$0x0], $0xffff  }
0x216: {  	v11 =	vnsel vm6, $0x0, v11;
	v61, _, _ =	vpop (xrf2)  }
0x217: {  	(xrf0) =	vmax.scan.msk.u32 $0xffff, v11;
	v62 =	vperm.xlane v61, v17;
	_ =	sdelay $0x1  }
0x218: {  	v63 =	vpop (erf);
	v11 =	vsel vm13, $0x0, v62  }
0x219: {  	v16 =	vmul.f32 v63, v60;
	v11 =	vsub.f32 v61, v11;
	_ =	sdelay $0x1  }
0x21a: {  	v11 =	vadd.f32 v11, v16  }
0x21b: {  	v20, _, _ =	vpop (xrf0)  }
0x21c: {  	[tilespmem:v10+s10+$0x0] =	vst.idx.msk vm7, v11;
	v11 =	vperm.xlane v20, v15  }
0x21d: {  	[tilespmem:v10+s9+$0x0] =	vst.idx.msk vm7, v12  }
0x21e: {  	v11 =	vxor.u32 $0xFFFFFFFF, v11;
	v12 =	vld.idx.msk [tilespmem:v10+s11+$0x0], $0xffff  }
0x21f: {  	v11 =	vshll.u32 v11, $0xC  }
0x220: {  	v11 =	vand.u32 $0x7FFFF000, v11  }
0x221: {  	v11 =	vmul.f32 v11, v9;
	_ =	sdelay $0x1  }
0x222: {  	v11 =	vmin.f32 v12, v11  }
0x223: {  	v21 =	vsub.f32 v11, v14;
	_ =	sdelay $0x1  }
0x224: {  	v13 =	vmul.f32 $1.442695020e+00, v21;
	_ =	sdelay $0x1  }
0x225: {  	(erf) = vpow2.f32 v13;
	_ =	sdelay $0x8  }
0x226: {  	v13 =	vpop (erf)  }
0x227: {  	v13 =	vnsel vm6, $0x0, v13  }
0x228: {  	v12 =	vsub.f32 v11, v12;
	(xrf2) =	vadd.scan.msk.f32 $0xffff, v13;
	_ =	sdelay $0x1  }
0x229: {  	v12 =	vmul.f32 $1.442695020e+00, v12;
	_ =	sdelay $0x1  }
0x22a: {  	(erf) = vpow2.f32 v12;
	_ =	sdelay $0x4  }
0x22b: {  	v22 =	vld.idx.msk [tilespmem:v10+s12+$0x0], $0xffff  }
0x22c: {  	v13, _, _ =	vpop (xrf2)  }
0x22d: {  	v23 =	vperm.xlane v13, v17;
	_ =	sdelay $0x1  }
0x22e: {  	v24 =	vpop (erf);
	v14 =	vsel vm13, $0x0, v23  }
0x22f: {  	v12 =	vmul.f32 v24, v22;
	v13 =	vsub.f32 v13, v14;
	_ =	sdelay $0x1  }
0x230: {  	v12 =	vadd.f32 v13, v12;
	_ =	sdelay $0x1  }
0x231: {  	[tilespmem:v10+s12+$0x0] =	vst.idx.msk vm7, v12  }
0x232: {  	[tilespmem:v10+s11+$0x0] =	vst.idx.msk vm7, v11  }
0x233: {  	v10 =	vld [tilespmem:s2+$0x5010];
	_ =	sdelay $0x4  }
0x234: {  	v11 =	vperm.xlane v10, v4;
	_ =	sdelay $0x1  }
0x235: {  	vm6 =	vne.s32 v10, v11  }
0x236: {  	vm7 =	vmor vm6, vm5  }
0x237: {  	v11 =	vperm.xlane v10, v5;
	v25 =	vsel vm7, $0x1, v7  }
0x238: {  	v26 =	vld [tilespmem:s2+$0x1010];
	v12 =	vperm.xlane v25, v8  }
0x239: {  	vm6 =	veq.s32 v10, v11  }
0x23a: {  	v11 =	vsel vm6, $0x80000000, v6;
	vm6 =	veq.s32 v12, $0x0  }
0x23b: {  	(xrf0) =	vmax.scan.msk.u32 $0xffff, v11;
	v11 =	vsel vm6, $0x80000000, v6  }
0x23c: {  	v10 =	vsub.s32 v10, v0;
	(xrf0) =	vmax.scan.msk.u32 $0xffff, v11  }
0x23d: {  	v27 =	vshrl.u32 v26, $0xC;
	v11 =	vshll.u32 v10, $0x13  }
0x23e: {  	vm6 =	vlt.u32 v10, $0xC80;
	v28 =	vor.u32 v11, v27  }
0x23f: {  	v14 =	vnsel vm6, $0x0, v28  }
0x240: {  	(xrf0) =	vmax.scan.msk.u32 $0xffff, v14  }
0x241: {  	v29, _, _ =	vpop (xrf0)  }
0x242: {  	v30, _, _ =	vpop (xrf0)  }
0x243: {  	v10 =	vmin.u32 v10, $0xC7F;
	v15 =	vxor.u32 $0x80000000, v30  }
0x244: {  	v15 =	vsub.s32 $0xF, v15  }
0x245: {  	v15 =	vperm.xlane v15, v8  }
0x246: {  	v31, _, _ =	vpop (xrf0)  }
0x247: {  	v16 =	vperm.xlane v31, v15  }
0x248: {  	v32 =	vld.idx.msk [tilespmem:v10+s13+$0x0], $0xffff  }
0x249: {  	v16 =	vshll.u32 v16, $0xC  }
0x24a: {  	v16 =	vand.u32 $0x7FFFF000, v16  }
0x24b: {  	v16 =	vmul.f32 v16, v9  }
0x24c: {  	v13 =	vmul.f32 v26, v9  }
0x24d: {  	v16 =	vmax.f32 v32, v16  }
0x24e: {  	v33 =	vsub.f32 v13, v16;
	_ =	sdelay $0x1  }
0x24f: {  	v18 =	vmul.f32 $1.442695020e+00, v33;
	_ =	sdelay $0x1  }
0x250: {  	(erf) = vpow2.f32 v18;
	_ =	sdelay $0x8  }
0x251: {  	v18 =	vpop (erf)  }
0x252: {  	v18 =	vnsel vm6, $0x0, v18  }
0x253: {  	v17 =	vsub.f32 v32, v16;
	(xrf2) =	vadd.scan.msk.f32 $0xffff, v18;
	_ =	sdelay $0x1  }
0x254: {  	v17 =	vmul.f32 $1.442695020e+00, v17;
	_ =	sdelay $0x1  }
0x255: {  	(erf) = vpow2.f32 v17;
	_ =	sdelay $0x3  }
0x256: {  	v12 =	vsub.s32 $0x7FFFF, v27;
	v34 =	vadd.s32 $0x7FFFFFFF, v29  }
0x257: {  	v12 =	vor.u32 v11, v12;
	vm14 =	vgt.s32 v34, $0x0;
	v35 =	vld.idx.msk [tilespmem:v10+s14+$0x0], $0xffff  }
0x258: {  	v12 =	vnsel vm6, $0x0, v12;
	v17 =	vnsel vm14, $0x0, v34;
	v36, _, _ =	vpop (xrf2)  }
0x259: {  	(xrf0) =	vmax.scan.msk.u32 $0xffff, v12;
	v37 =	vperm.xlane v36, v17  }
0x25a: {  	vm7 =	vmand vm6, vm7;
	vm15 =	veq.s32 v29, $0x80000000  }
0x25b: {  	v39 =	vpop (erf);
	v38 =	vsel vm15, $0x0, v37  }
0x25c: {  	v14 =	vmul.f32 v39, v35;
	v12 =	vsub.f32 v36, v38;
	_ =	sdelay $0x1  }
0x25d: {  	v12 =	vadd.f32 v12, v14  }
0x25e: {  	v41, _, _ =	vpop (xrf0)  }
0x25f: {  	v40 =	vld [tilespmem:s2+$0x3010];
	v42 =	vperm.xlane v41, v15;
	[tilespmem:v10+s14+$0x0] =	vst.idx.msk vm7, v12  }
0x260: {  	[tilespmem:v10+s13+$0x0] =	vst.idx.msk vm7, v16  }
0x261: {  	v12 =	vxor.u32 $0xFFFFFFFF, v42;
	v16 =	vld.idx.msk [tilespmem:v10+s15+$0x0], $0xffff  }
0x262: {  	v12 =	vshll.u32 v12, $0xC  }
0x263: {  	v12 =	vand.u32 $0x7FFFF000, v12  }
0x264: {  	v12 =	vmul.f32 v12, v9;
	_ =	sdelay $0x1  }
0x265: {  	v12 =	vmin.f32 v16, v12  }
0x266: {  	v13 =	vsub.f32 v12, v13;
	_ =	sdelay $0x1  }
0x267: {  	v13 =	vmul.f32 $1.442695020e+00, v13;
	_ =	sdelay $0x1  }
0x268: {  	(erf) = vpow2.f32 v13;
	_ =	sdelay $0x8  }
0x269: {  	v13 =	vpop (erf)  }
0x26a: {  	v13 =	vnsel vm6, $0x0, v13  }
0x26b: {  	v43 =	vsub.f32 v12, v16;
	(xrf2) =	vadd.scan.msk.f32 $0xffff, v13;
	_ =	sdelay $0x1  }
0x26c: {  	v13 =	vmul.f32 $1.442695020e+00, v43;
	_ =	sdelay $0x1  }
0x26d: {  	(erf) = vpow2.f32 v13;
	_ =	sdelay $0x4  }
0x26e: {  	v44 =	vshrl.u32 v40, $0xC;
	v45 =	vld.idx.msk [tilespmem:v10+s16+$0x0], $0xffff  }
0x26f: {  	v47 =	vor.u32 v11, v44;
	v46, _, _ =	vpop (xrf2)  }
0x270: {  	v19 =	vnsel vm6, $0x0, v47;
	v48 =	vperm.xlane v46, v17  }
0x271: {  	(xrf0) =	vmax.scan.msk.u32 $0xffff, v19  }
0x272: {  	v50 =	vpop (erf);
	v49 =	vsel vm15, $0x0, v48  }
0x273: {  	v16 =	vmul.f32 v50, v45;
	v18 =	vsub.f32 v46, v49;
	_ =	sdelay $0x1  }
0x274: {  	v16 =	vadd.f32 v18, v16;
	_ =	sdelay $0x1  }
0x275: {  	v51, _, _ =	vpop (xrf0);
	[tilespmem:v10+s16+$0x0] =	vst.idx.msk vm7, v16  }
0x276: {  	v52 =	vperm.xlane v51, v15;
	[tilespmem:v10+s15+$0x0] =	vst.idx.msk vm7, v12  }
0x277: {  	v53 =	vld.idx.msk [tilespmem:v10+s17+$0x0], $0xffff  }
0x278: {  	v12 =	vshll.u32 v52, $0xC  }
0x279: {  	v12 =	vand.u32 $0x7FFFF000, v12  }
0x27a: {  	v12 =	vmul.f32 v12, v9  }
0x27b: {  	v14 =	vmul.f32 v40, v9  }
0x27c: {  	v12 =	vmax.f32 v53, v12  }
0x27d: {  	v54 =	vsub.f32 v14, v12;
	_ =	sdelay $0x1  }
0x27e: {  	v18 =	vmul.f32 $1.442695020e+00, v54;
	_ =	sdelay $0x1  }
0x27f: {  	(erf) = vpow2.f32 v18;
	_ =	sdelay $0x8  }
0x280: {  	v18 =	vpop (erf)  }
0x281: {  	v18 =	vnsel vm6, $0x0, v18  }
0x282: {  	v16 =	vsub.f32 v53, v12;
	(xrf2) =	vadd.scan.msk.f32 $0xffff, v18;
	_ =	sdelay $0x1  }
0x283: {  	v16 =	vmul.f32 $1.442695020e+00, v16;
	_ =	sdelay $0x1  }
0x284: {  	(erf) = vpow2.f32 v16;
	_ =	sdelay $0x3  }
0x285: {  	v13 =	vsub.s32 $0x7FFFF, v44  }
0x286: {  	v11 =	vor.u32 v11, v13;
	v55 =	vld.idx.msk [tilespmem:v10+s18+$0x0], $0xffff  }
0x287: {  	v11 =	vnsel vm6, $0x0, v11;
	v56, _, _ =	vpop (xrf2)  }
0x288: {  	(xrf0) =	vmax.scan.msk.u32 $0xffff, v11;
	v57 =	vperm.xlane v56, v17;
	_ =	sdelay $0x1  }
0x289: {  	v58 =	vpop (erf);
	v11 =	vsel vm15, $0x0, v57  }
0x28a: {  	v16 =	vmul.f32 v58, v55;
	v11 =	vsub.f32 v56, v11;
	_ =	sdelay $0x1  }
0x28b: {  	v11 =	vadd.f32 v11, v16  }
0x28c: {  	v59, _, _ =	vpop (xrf0)  }
0x28d: {  	[tilespmem:v10+s18+$0x0] =	vst.idx.msk vm7, v11;
	v11 =	vperm.xlane v59, v15  }
0x28e: {  	[tilespmem:v10+s17+$0x0] =	vst.idx.msk vm7, v12  }
0x28f: {  	v11 =	vxor.u32 $0xFFFFFFFF, v11;
	v12 =	vld.idx.msk [tilespmem:v10+s19+$0x0], $0xffff  }
0x290: {  	v11 =	vshll.u32 v11, $0xC  }
0x291: {  	v11 =	vand.u32 $0x7FFFF000, v11  }
0x292: {  	v11 =	vmul.f32 v11, v9;
	_ =	sdelay $0x1  }
0x293: {  	v11 =	vmin.f32 v12, v11  }
0x294: {  	v60 =	vsub.f32 v11, v14;
	_ =	sdelay $0x1  }
0x295: {  	v13 =	vmul.f32 $1.442695020e+00, v60;
	_ =	sdelay $0x1  }
0x296: {  	(erf) = vpow2.f32 v13;
	_ =	sdelay $0x8  }
0x297: {  	v13 =	vpop (erf)  }
0x298: {  	v13 =	vnsel vm6, $0x0, v13  }
0x299: {  	v12 =	vsub.f32 v11, v12;
	(xrf2) =	vadd.scan.msk.f32 $0xffff, v13;
	_ =	sdelay $0x1  }
0x29a: {  	v12 =	vmul.f32 $1.442695020e+00, v12;
	_ =	sdelay $0x1  }
0x29b: {  	(erf) = vpow2.f32 v12;
	_ =	sdelay $0x4  }
0x29c: {  	v61 =	vld.idx.msk [tilespmem:v10+s20+$0x0], $0xffff  }
0x29d: {  	v13, _, _ =	vpop (xrf2)  }
0x29e: {  	v62 =	vperm.xlane v13, v17;
	_ =	sdelay $0x1  }
0x29f: {  	v63 =	vpop (erf);
	v14 =	vsel vm15, $0x0, v62  }
0x2a0: {  	p0 =	sne.s32 s0, $0x3F80;
	v12 =	vmul.f32 v63, v61;
	v13 =	vsub.f32 v13, v14  }
.Ltmp5:
0x2a1: {  	_ = 	snop;
	(pc) =	sbr.rel @p0 .LBB2_8-.Ltmp5, $3  }
0x2a2: {  	v12 =	vadd.f32 v13, v12;
	_ =	sdelay $0x1  }
0x2a3: {  	[tilespmem:v10+s20+$0x0] =	vst.idx.msk vm7, v12  }
0x2a4: {  	s0 =	sadd.s32 $0x80, s0;
	[tilespmem:v10+s19+$0x0] =	vst.idx.msk vm7, v11  }
0x2a5: {  	s1 =	sadd.s32 $0x1, s1  }
0x2a6: {  	p0 =	sne.s32 s1, s23  }
.Ltmp6:
0x2a7: {  	_ = 	snop;
	(pc) =	sbr.rel @p0 .LBB2_5-.Ltmp6, $4  }
.Ltmp7:
0x2a8: {  	_ = 	snop;
	(pc) =	sbr.rel @!p0 .LBB2_10-.Ltmp7, $4  }
0x2a9: {  	_ = 	snop  }
0x2aa: {  	_ = 	snop  }
0x2ab: {  	_ = 	snop  }
0x2ac: {  	_ = 	snop  }
.LBB2_11:
0x2ad: {  	_ =	sfence.sel $0x180000  }
0x2ae: {  	[bflag:$0x0] =	sbarrier.arrive $0xFFFF  }
0x2af: {  	_ =	strace $0x90000047  }
0x2b0: {  	s0 =	stileid.u32;
	[bflag:$0x2] =	sbarrier.arrive $0xFFFF  }
0x2b1: {  	p0 =	sne.s32 s0, $0x0;
	s0 =	rddreg [dreg:$0x2]  }
0x2b2: {  	s0 =	sadd.s32 @!p0 $0x100000, s0  }
0x2b3: {  	[sflag:s0] =	ssyncadd.tile.s32 @!p0 $0x1;
	_ =	shalt  }
.Lfunc_end2:
_tile_overlayer_lowered:
.L_overlay_start_2:
0x2b4: {  	(tag) =	ssettag $0x2  }
0x2b5: {  	s0 =	rddreg [dreg:$0x0];
	s2 =	stileid.u32  }
0x2b6: {  	s1 =	rddreg [dreg:$0x1];
	p0 =	sne.s32 s2, $0x0  }
0x2b7: {  	s3 =	rddreg [dreg:$0x2];
	[bflag:$0x3] =	sbarrier.arrive $0xFFFF;
	s2 =	simm.s32 @!p0 $0x1C03  }
0x2b8: {  	[timem:s3], [sflag:s2] =	dma.local @!p0 [hbm:s0], s1  }
0x2b9: {  	s0 =	simm.s32 @!p0 $0x3  }
0x2ba: {  	_ =	swait.ge @!p0 [sflag:s0], s1  }
0x2bb: {  	s1 =	ssub.s32 @!p0 $0x0, s1;
	[sflag:s0] =	ssyncset.done @!p0 $0x0  }
0x2bc: {  	[sflag:s0] =	ssyncadd.s32 @!p0 s1  }
0x2bd: {  	[bflag:$0x3] =	sbarrier.arrive $0xFFFF  }
0x2be: {  	_ =	shalt  }

</sc_bundles>
